<compile_context>
chip_gen: v7x
topology: tpu7x:2x2x1
jax: 0.10.2.dev20260603
libtpu: 0.0.44.dev20260713+nightly
codegen_flags: <defaults>
</compile_context>

<pallas_src>
import functools

import jax
import jax.numpy as jnp
from jax import lax
from jax.experimental import pallas as pl
from jax.experimental.pallas import tpu as pltpu
from jax.experimental.pallas import tpu_sc as plsc

N = 10000
E = 320000
D_IN = 128
H = 64
F32 = jnp.float32

NC = 2
NS = 16
NW = NC * NS
NP = 10240
NPT = NP // NS
EP = 327680
ER = EP // 128
RW = ER // NW

K_AGG = 4
K_CLS = 2


def _mesh():
    return plsc.VectorSubcoreMesh(
        core_axis_name="c", subcore_axis_name="s", num_cores=NC, num_subcores=NS
    )


def _worker_id():
    return lax.axis_index("s") * NC + lax.axis_index("c"), lax.axis_index("c"), \
        lax.axis_index("s")



RW_FAST = 120
RW_SLOW = 40
FAST_CID = 0


def _edge_rows(cid, sid, blk, k):
    rw = jnp.where(cid == FAST_CID, RW_FAST, RW_SLOW)
    base = jnp.where(cid == FAST_CID, sid * RW_FAST,
                     NS * RW_FAST + sid * RW_SLOW)
    return base + blk * k, rw // k


DW = 16


@functools.partial(
    pl.kernel,
    out_type=jax.ShapeDtypeStruct((NC, NP, DW), F32),
    mesh=_mesh(),
    compiler_params=pltpu.CompilerParams(use_tc_tiling_on_sc=False),
    scratch_types=[
        pltpu.VMEM((K_AGG, 128), jnp.int32),
        pltpu.VMEM((128, DW), F32),
        pltpu.VMEM((NPT, DW), F32),
        pltpu.VMEM_SHARED((NP, DW), F32),
    ],
)
def _deg_kernel(dst_hbm, ones_hbm, zeros_hbm, out_hbm, idx_v, ones_v, stage_v,
                acc_sh):
    wid, cid, sid = _worker_id()
    pltpu.sync_copy(zeros_hbm, stage_v)
    pltpu.sync_copy(stage_v, acc_sh.at[pl.ds(sid * NPT, NPT)])
    pltpu.sync_copy(ones_hbm, ones_v)
    plsc.subcore_barrier()

    def body(b, carry):
        rowbase = wid * RW + b * K_AGG
        pltpu.sync_copy(dst_hbm.at[pl.ds(rowbase, K_AGG)], idx_v)
        for j in range(K_AGG):
            pltpu.sync_copy(ones_v, acc_sh.at[idx_v.at[j]], add=True)
        return carry

    lax.fori_loop(0, RW // K_AGG, body, 0)
    plsc.subcore_barrier()
    pltpu.sync_copy(acc_sh.at[pl.ds(sid * NPT, NPT)], stage_v)
    pltpu.sync_copy(stage_v, out_hbm.at[cid, pl.ds(sid * NPT, NPT)])


@functools.partial(
    pl.kernel,
    out_type=jax.ShapeDtypeStruct((NC, NP, H), F32),
    mesh=_mesh(),
    compiler_params=pltpu.CompilerParams(use_tc_tiling_on_sc=False),
    scratch_types=[
        pltpu.VMEM((K_AGG, 128), jnp.int32),
        pltpu.VMEM((K_AGG, 128), jnp.int32),
        pltpu.VMEM((K_AGG, 128), jnp.int32),
        pltpu.VMEM((K_AGG, 128), jnp.int32),
        pltpu.VMEM((K_AGG * 128, H), F32),
        pltpu.VMEM((K_AGG * 128, H), F32),
        pltpu.SemaphoreType.DMA,
        pltpu.SemaphoreType.DMA,
        pltpu.VMEM_SHARED((NP, H), F32),
    ],
)
def _agg_kernel(q_hbm, src_hbm, dst_hbm, zeros_hbm, out_hbm, sidx0, sidx1,
                didx0, didx1, rows0, rows1, sem0, sem1, acc_sh):
    wid, cid, sid = _worker_id()
    sidx = (sidx0, sidx1)
    didx = (didx0, didx1)
    rows = (rows0, rows1)
    sems = (sem0, sem1)
    _r0 = K_AGG * 128
    _r1 = NPT - _r0
    pltpu.sync_copy(zeros_hbm.at[pl.ds(0, _r0)], rows0)
    pltpu.sync_copy(zeros_hbm.at[pl.ds(_r0, _r1)], rows1.at[pl.ds(0, _r1)])
    pltpu.sync_copy(rows0, acc_sh.at[pl.ds(sid * NPT, _r0)])
    pltpu.sync_copy(rows1.at[pl.ds(0, _r1)],
                    acc_sh.at[pl.ds(sid * NPT + _r0, _r1)])
    plsc.subcore_barrier()
    _, nblk = _edge_rows(cid, sid, 0, K_AGG)

    def fire(b, s):
        rowbase, _ = _edge_rows(cid, sid, b, K_AGG)
        pltpu.sync_copy(src_hbm.at[pl.ds(rowbase, K_AGG)], sidx[s])
        pltpu.sync_copy(dst_hbm.at[pl.ds(rowbase, K_AGG)], didx[s])
        return [
            pltpu.async_copy(q_hbm.at[sidx[s].at[j]],
                             rows[s].at[pl.ds(j * 128, 128)], sems[s])
            for j in range(K_AGG)
        ]

    def drain_consume(descs, s):
        for d in descs:
            d.wait()
        for j in range(K_AGG):
            pltpu.sync_copy(rows[s].at[pl.ds(j * 128, 128)],
                            acc_sh.at[didx[s].at[j]], add=True)

    d0 = fire(0, 0)

    def body(b2, carry):
        b = b2 * 2
        d1 = fire(b + 1, 1)
        drain_consume(d0, 0)

        @pl.when(b + 2 < nblk)
        def _():
            fire(b + 2, 0)

        drain_consume(d1, 1)
        return carry

    lax.fori_loop(0, nblk // 2, body, 0)
    plsc.subcore_barrier()
    pltpu.sync_copy(acc_sh.at[pl.ds(sid * NPT, _r0)], rows0)
    pltpu.sync_copy(acc_sh.at[pl.ds(sid * NPT + _r0, _r1)],
                    rows1.at[pl.ds(0, _r1)])
    pltpu.sync_copy(rows0, out_hbm.at[cid, pl.ds(sid * NPT, _r0)])
    pltpu.sync_copy(rows1.at[pl.ds(0, _r1)],
                    out_hbm.at[cid, pl.ds(sid * NPT + _r0, _r1)])


@functools.partial(
    pl.kernel,
    out_type=jax.ShapeDtypeStruct((EP, 2 * H), F32),
    mesh=_mesh(),
    compiler_params=pltpu.CompilerParams(use_tc_tiling_on_sc=False),
    scratch_types=[
        pltpu.VMEM((K_CLS, 128), jnp.int32),
        pltpu.VMEM((K_CLS, 128), jnp.int32),
        pltpu.VMEM((K_CLS, 128), jnp.int32),
        pltpu.VMEM((K_CLS, 128), jnp.int32),
        pltpu.VMEM((K_CLS * 128, H), F32),
        pltpu.VMEM((K_CLS * 128, H), F32),
        pltpu.VMEM((K_CLS * 128, H), F32),
        pltpu.VMEM((K_CLS * 128, H), F32),
        pltpu.SemaphoreType.DMA,
        pltpu.SemaphoreType.DMA,
    ],
)
def _edge_gather_kernel(a_hbm, b_hbm, src_hbm, dst_hbm, o_hbm, sidx0, sidx1,
                        didx0, didx1, bufa0, bufa1, bufb0, bufb1, sem0, sem1):
    wid, cid, sid = _worker_id()
    sidx = (sidx0, sidx1)
    didx = (didx0, didx1)
    bufa = (bufa0, bufa1)
    bufb = (bufb0, bufb1)
    sems = (sem0, sem1)
    _, nblk = _edge_rows(cid, sid, 0, K_CLS)

    def fire(b, s):
        rowbase, _ = _edge_rows(cid, sid, b, K_CLS)
        pltpu.sync_copy(src_hbm.at[pl.ds(rowbase, K_CLS)], sidx[s])
        pltpu.sync_copy(dst_hbm.at[pl.ds(rowbase, K_CLS)], didx[s])
        return [
            pltpu.async_copy(a_hbm.at[sidx[s].at[j]],
                             bufa[s].at[pl.ds(j * 128, 128)], sems[s])
            for j in range(K_CLS)
        ] + [
            pltpu.async_copy(b_hbm.at[didx[s].at[j]],
                             bufb[s].at[pl.ds(j * 128, 128)], sems[s])
            for j in range(K_CLS)
        ]

    def drain_consume(descs, s, b):
        rowbase, _ = _edge_rows(cid, sid, b, K_CLS)
        ebase = rowbase * 128
        for d in descs:
            d.wait()
        pltpu.sync_copy(bufa[s],
                        o_hbm.at[pl.ds(ebase, K_CLS * 128), pl.ds(0, H)])
        pltpu.sync_copy(bufb[s],
                        o_hbm.at[pl.ds(ebase, K_CLS * 128), pl.ds(H, H)])

    d0 = fire(0, 0)

    def body(b2, carry):
        b = b2 * 2
        d1 = fire(b + 1, 1)
        drain_consume(d0, 0, b)

        @pl.when(b + 2 < nblk)
        def _():
            fire(b + 2, 0)

        drain_consume(d1, 1, b + 1)
        return carry

    lax.fori_loop(0, nblk // 2, body, 0)



def _tc1_body(deg0_ref, deg1_ref, x_ref, w_ref, dinv_ref, q_ref):
    deg = deg0_ref[...] + deg1_ref[...] + 1.0
    dinv = lax.rsqrt(deg)
    dinv_ref[...] = dinv
    q_ref[...] = jnp.dot(x_ref[...], w_ref[...],
                         preferred_element_type=F32) * dinv


_tc1 = pl.pallas_call(
    _tc1_body,
    out_shape=(
        jax.ShapeDtypeStruct((NP, 1), F32),
        jax.ShapeDtypeStruct((NP, H), F32),
    ),
)


def _tc2_body(s0_ref, s1_ref, q1_ref, dinv_ref, w2_ref, b1_ref, q2_ref):
    dinv = dinv_ref[...]
    h1 = jnp.maximum(
        dinv * (s0_ref[...] + s1_ref[...] + q1_ref[...]) + b1_ref[...], 0.0)
    q2_ref[...] = jnp.dot(h1, w2_ref[...], preferred_element_type=F32) * dinv


_tc2 = pl.pallas_call(
    _tc2_body,
    out_shape=jax.ShapeDtypeStruct((NP, H), F32),
)


def _tc3_body(s0_ref, s1_ref, q2_ref, dinv_ref, wc1_ref, b2_ref, bc1_ref,
              a_ref, b_ref):
    h2 = dinv_ref[...] * (s0_ref[...] + s1_ref[...] + q2_ref[...]) + b2_ref[...]
    wc1 = wc1_ref[...]
    a_ref[...] = jnp.dot(h2, wc1[:H], preferred_element_type=F32) + bc1_ref[...]
    b_ref[...] = jnp.dot(h2, wc1[H:], preferred_element_type=F32)


_tc3 = pl.pallas_call(
    _tc3_body,
    out_shape=(
        jax.ShapeDtypeStruct((NP, H), F32),
        jax.ShapeDtypeStruct((NP, H), F32),
    ),
)

_BR = 5120


def _tc4_body(z_ref, w_ref, bias_ref, o_ref):
    zc = z_ref[...]
    z = jnp.maximum(zc[:, :H] + zc[:, H:], 0.0)
    o_ref[...] = jax.lax.dot_general(
        w_ref[...], z, (((0,), (1,)), ((), ())),
        preferred_element_type=F32) + bias_ref[...]


_tc4 = pl.pallas_call(
    _tc4_body,
    grid=(EP // _BR,),
    in_specs=[
        pl.BlockSpec((_BR, 2 * H), lambda i: (i, 0)),
        pl.BlockSpec((H, 2), lambda i: (0, 0)),
        pl.BlockSpec((2, 1), lambda i: (0, 0)),
    ],
    out_specs=pl.BlockSpec((2, _BR), lambda i: (0, i)),
    out_shape=jax.ShapeDtypeStruct((2, EP), F32),
)



def kernel(x, edge_index, W1, b1, W2, b2, Wc1, bc1, Wc2, bc2):
    src = edge_index[0]
    dst = edge_index[1]
    pad = jnp.full((EP - E,), N, dtype=jnp.int32)
    src2d = jnp.concatenate([src, pad]).reshape(ER, 128)
    dst2d = jnp.concatenate([dst, pad]).reshape(ER, 128)
    x_pad = jnp.pad(x, ((0, NP - N), (0, 0)))
    ones_deg = jnp.ones((128, DW), F32)
    zeros1 = jnp.zeros((NPT, DW), F32)
    zeros64 = jnp.zeros((NPT, H), F32)

    deg_p = _deg_kernel(dst2d, ones_deg, zeros1)
    dinv, q1 = _tc1(deg_p[0, :, :1], deg_p[1, :, :1], x_pad, W1)
    s1 = _agg_kernel(q1, src2d, dst2d, zeros64)
    q2 = _tc2(s1[0], s1[1], q1, dinv, W2, b1.reshape(1, H))
    s2 = _agg_kernel(q2, src2d, dst2d, zeros64)
    a_nodes, b_nodes = _tc3(s2[0], s2[1], q2, dinv, Wc1, b2.reshape(1, H),
                            bc1.reshape(1, H))
    zcat = _edge_gather_kernel(a_nodes, b_nodes, src2d, dst2d)
    out_t = _tc4(zcat, Wc2, bc2.reshape(2, 1))
    return out_t[:, :E].T

# --- scband reference (transcript-rebuilt; emitter-appended) ---
"""Pipeline reference for scband-gcnmodel-16475494547624 (READ-ONLY COPY).

The authoritative reference and input builder live on the scoring server;
editing this copy changes nothing except your own understanding.
"""

import jax, jax.numpy as jnp
import numpy as np

N = 10000
E = 320000
D_IN = 128
H = 64


def setup_inputs(seed: int = 0) -> dict:
    key = jax.random.key(seed)
    ks = jax.random.split(key, 12)
    x = jax.random.normal(ks[0], (N, D_IN), dtype=jnp.float32)
    edge_index = jax.random.randint(ks[1], (2, E), 0, N, dtype=jnp.int32)
    # GCNConv layer 1: lin (no bias) + post-aggregation bias
    W1 = jax.random.normal(ks[2], (D_IN, H), dtype=jnp.float32) / np.sqrt(D_IN)
    b1 = jnp.zeros((H,), dtype=jnp.float32)
    # GCNConv layer 2
    W2 = jax.random.normal(ks[3], (H, H), dtype=jnp.float32) / np.sqrt(H)
    b2 = jnp.zeros((H,), dtype=jnp.float32)
    # edge classifier: Linear(2H, H) -> ReLU -> Linear(H, 2)
    Wc1 = jax.random.normal(ks[4], (2 * H, H), dtype=jnp.float32) / np.sqrt(2 * H)
    bc1 = jax.random.normal(ks[5], (H,), dtype=jnp.float32) * 0.01
    Wc2 = jax.random.normal(ks[6], (H, 2), dtype=jnp.float32) / np.sqrt(H)
    bc2 = jax.random.normal(ks[7], (2,), dtype=jnp.float32) * 0.01
    return {"x": x, "edge_index": edge_index, "W1": W1, "b1": b1, "W2": W2, "b2": b2,
            "Wc1": Wc1, "bc1": bc1, "Wc2": Wc2, "bc2": bc2}


def _gcn_conv(x, edge_index, W, b):
    # Kipf & Welling GCN: x' = D^{-1/2} (A + I) D^{-1/2} (x W) + b
    n = x.shape[0]
    loop = jnp.arange(n, dtype=edge_index.dtype)
    src = jnp.concatenate([edge_index[0], loop])
    dst = jnp.concatenate([edge_index[1], loop])
    h = x @ W
    deg = jnp.zeros((n,), dtype=x.dtype).at[dst].add(1.0)
    dinv = jnp.where(deg > 0, 1.0 / jnp.sqrt(deg), 0.0)
    norm = dinv[src] * dinv[dst]
    msg = h[src] * norm[:, None]
    out = jax.ops.segment_sum(msg, dst, num_segments=n)
    return out + b


def reference(x, edge_index, W1, b1, W2, b2, Wc1, bc1, Wc2, bc2):
    # eval mode: dropout is identity
    h = jax.nn.relu(_gcn_conv(x, edge_index, W1, b1))
    h = _gcn_conv(h, edge_index, W2, b2)
    edge_emb = jnp.concatenate([h[edge_index[0]], h[edge_index[1]]], axis=1)
    z = jax.nn.relu(edge_emb @ Wc1 + bc1)
    out = z @ Wc2 + bc2
    return out

if __name__ == "__main__":
    import jax
    _d = setup_inputs()
    print(jax.jit(kernel)(*tuple(_d.values())))

</pallas_src>

<mosaic_0001>
#map = affine_map<(d0, d1) -> (0, 0)>
#map1 = affine_map<(d0, d1) -> (0, 0, 0)>
module attributes {stable_mosaic.version = 14 : i64} {
  func.func @_deg_kernel(%arg0: i32, %arg1: i32, %arg2: memref<2560x128xi32, #tpu.memory_space<hbm>>, %arg3: memref<128x16xf32, #tpu.memory_space<hbm>>, %arg4: memref<640x16xf32, #tpu.memory_space<hbm>>, %arg5: memref<2x10240x16xf32, #tpu.memory_space<hbm>>, %arg6: memref<4x128xi32, #tpu.memory_space<vmem>>, %arg7: memref<128x16xf32, #tpu.memory_space<vmem>>, %arg8: memref<640x16xf32, #tpu.memory_space<vmem>>, %arg9: memref<10240x16xf32, #tpu.memory_space<vmem_shared>>) attributes {dimension_semantics = [#tpu.dimension_semantics<core_parallel>, #tpu.dimension_semantics<subcore_parallel>], iteration_bounds = array<i64: 2, 16>, scalar_prefetch = 0 : i64, scratch_operands = 4 : i64, tpu.core_type = #tpu.core_type<sc_vector_subcore>, window_params = [{transform_indices = #map}, {transform_indices = #map}, {transform_indices = #map}, {transform_indices = #map1}]} {
    %mul3A = arith.constant 2 : i32
    %mul3A_0 = arith.muli %arg1, %mul3A : i32
    %add3A = arith.addi %mul3A_0, %arg0 : i32
    "tpu.region"() ({
      %run_scoped3A = tpu.sem_alloc : memref<!tpu.dma_semaphore, #tpu.memory_space<semaphore_mem>>
      tpu.enqueue_dma source(%arg4 : memref<640x16xf32, #tpu.memory_space<hbm>>) target(%arg8 : memref<640x16xf32, #tpu.memory_space<vmem>>) target_semaphore(%run_scoped3A : memref<!tpu.dma_semaphore, #tpu.memory_space<semaphore_mem>>)
      tpu.wait_dma2 semaphore(%run_scoped3A : memref<!tpu.dma_semaphore, #tpu.memory_space<semaphore_mem>>) src(%arg4 : memref<640x16xf32, #tpu.memory_space<hbm>>) dst(%arg8 : memref<640x16xf32, #tpu.memory_space<vmem>>)
      tpu.yield
    }) : () -> ()
    %mul3A_1 = arith.constant 640 : i32
    %mul3A_2 = arith.muli %arg1, %mul3A_1 : i32
    "tpu.region"() ({
      %run_scoped3A = tpu.sem_alloc : memref<!tpu.dma_semaphore, #tpu.memory_space<semaphore_mem>>
      %dma_start3A = arith.constant 0 : i32
      %dma_start3A_13 = tpu.memref_slice %arg9[%mul3A_2, %dma_start3A] : memref<10240x16xf32, #tpu.memory_space<vmem_shared>> -> memref<640x16xf32, #tpu.memory_space<vmem_shared>>
      %dma_start3A_14 = arith.constant 0 : i32
      %dma_start3A_15 = tpu.memref_slice %arg9[%mul3A_2, %dma_start3A_14] : memref<10240x16xf32, #tpu.memory_space<vmem_shared>> -> memref<640x16xf32, #tpu.memory_space<vmem_shared>>
      tpu.enqueue_dma source(%arg8 : memref<640x16xf32, #tpu.memory_space<vmem>>) target(%dma_start3A_15 : memref<640x16xf32, #tpu.memory_space<vmem_shared>>) target_semaphore(%run_scoped3A : memref<!tpu.dma_semaphore, #tpu.memory_space<semaphore_mem>>)
      %dma_wait3A = arith.constant 0 : i32
      %dma_wait3A_16 = tpu.memref_slice %arg9[%mul3A_2, %dma_wait3A] : memref<10240x16xf32, #tpu.memory_space<vmem_shared>> -> memref<640x16xf32, #tpu.memory_space<vmem_shared>>
      %dma_wait3A_17 = arith.constant 0 : i32
      %dma_wait3A_18 = tpu.memref_slice %arg9[%mul3A_2, %dma_wait3A_17] : memref<10240x16xf32, #tpu.memory_space<vmem_shared>> -> memref<640x16xf32, #tpu.memory_space<vmem_shared>>
      tpu.wait_dma2 semaphore(%run_scoped3A : memref<!tpu.dma_semaphore, #tpu.memory_space<semaphore_mem>>) src(%arg8 : memref<640x16xf32, #tpu.memory_space<vmem>>) dst(%dma_wait3A_18 : memref<640x16xf32, #tpu.memory_space<vmem_shared>>)
      tpu.yield
    }) : () -> ()
    "tpu.region"() ({
      %run_scoped3A = tpu.sem_alloc : memref<!tpu.dma_semaphore, #tpu.memory_space<semaphore_mem>>
      tpu.enqueue_dma source(%arg3 : memref<128x16xf32, #tpu.memory_space<hbm>>) target(%arg7 : memref<128x16xf32, #tpu.memory_space<vmem>>) target_semaphore(%run_scoped3A : memref<!tpu.dma_semaphore, #tpu.memory_space<semaphore_mem>>)
      tpu.wait_dma2 semaphore(%run_scoped3A : memref<!tpu.dma_semaphore, #tpu.memory_space<semaphore_mem>>) src(%arg3 : memref<128x16xf32, #tpu.memory_space<hbm>>) dst(%arg7 : memref<128x16xf32, #tpu.memory_space<vmem>>)
      tpu.yield
    }) : () -> ()
    %barrier3A = arith.constant 0 : index
    tpu.barrier barrier_id(%barrier3A)
    %scan3A = arith.constant 0 : i32
    %scan3A_3 = arith.constant 0 : i32
    %scan3A_4 = arith.constant 20 : i32
    %scan3A_5 = arith.addi %scan3A_3, %scan3A_4 : i32
    %scan3A_6 = arith.constant 1 : i32
    scf.for %scan3A_13 = %scan3A_3 to %scan3A_5 step %scan3A_6  : i32 {
      %mul3A_14 = arith.constant 80 : i32
      %mul3A_15 = arith.muli %add3A, %mul3A_14 : i32
      %mul3A_16 = arith.constant 4 : i32
      %mul3A_17 = arith.muli %scan3A_13, %mul3A_16 : i32
      %add3A_18 = arith.addi %mul3A_15, %mul3A_17 : i32
      "tpu.region"() ({
        %run_scoped3A_22 = tpu.sem_alloc : memref<!tpu.dma_semaphore, #tpu.memory_space<semaphore_mem>>
        %dma_start3A = arith.constant 0 : i32
        %dma_start3A_23 = tpu.memref_slice %arg2[%add3A_18, %dma_start3A] : memref<2560x128xi32, #tpu.memory_space<hbm>> -> memref<4x128xi32, #tpu.memory_space<hbm>>
        %dma_start3A_24 = arith.constant 0 : i32
        %dma_start3A_25 = tpu.memref_slice %arg2[%add3A_18, %dma_start3A_24] : memref<2560x128xi32, #tpu.memory_space<hbm>> -> memref<4x128xi32, #tpu.memory_space<hbm>>
        tpu.enqueue_dma source(%dma_start3A_25 : memref<4x128xi32, #tpu.memory_space<hbm>>) target(%arg6 : memref<4x128xi32, #tpu.memory_space<vmem>>) target_semaphore(%run_scoped3A_22 : memref<!tpu.dma_semaphore, #tpu.memory_space<semaphore_mem>>)
        %dma_wait3A = arith.constant 0 : i32
        %dma_wait3A_26 = tpu.memref_slice %arg2[%add3A_18, %dma_wait3A] : memref<2560x128xi32, #tpu.memory_space<hbm>> -> memref<4x128xi32, #tpu.memory_space<hbm>>
        %dma_wait3A_27 = arith.constant 0 : i32
        %dma_wait3A_28 = tpu.memref_slice %arg2[%add3A_18, %dma_wait3A_27] : memref<2560x128xi32, #tpu.memory_space<hbm>> -> memref<4x128xi32, #tpu.memory_space<hbm>>
        tpu.wait_dma2 semaphore(%run_scoped3A_22 : memref<!tpu.dma_semaphore, #tpu.memory_space<semaphore_mem>>) src(%dma_wait3A_28 : memref<4x128xi32, #tpu.memory_space<hbm>>) dst(%arg6 : memref<4x128xi32, #tpu.memory_space<vmem>>)
        tpu.yield
      }) : () -> ()
      %run_scoped3A = arith.constant 0 : i32
      "tpu.region"() ({
        %run_scoped3A_22 = tpu.sem_alloc : memref<!tpu.dma_semaphore, #tpu.memory_space<semaphore_mem>>
        %dma_start3A = arith.constant 0 : i32
        %dma_start3A_23 = tpu.memref_slice %arg6[%run_scoped3A, %dma_start3A] : memref<4x128xi32, #tpu.memory_space<vmem>> -> memref<1x128xi32, #tpu.memory_space<vmem>>
        %dma_start3A_24 = tpu.memref_squeeze %dma_start3A_23 : memref<1x128xi32, #tpu.memory_space<vmem>> -> memref<128xi32, #tpu.memory_space<vmem>>
        %dma_start3A_25 = arith.constant 0 : i32
        %dma_start3A_26 = arith.constant 0 : i32
        %dma_start3A_27 = tpu.memref_slice %arg9[%dma_start3A_25, %dma_start3A_26] : memref<10240x16xf32, #tpu.memory_space<vmem_shared>> -> memref<10240x16xf32, #tpu.memory_space<vmem_shared>>
        tpu.enqueue_indirect_dma source(%arg7 : memref<128x16xf32, #tpu.memory_space<vmem>>) target(%dma_start3A_27 : memref<10240x16xf32, #tpu.memory_space<vmem_shared>>) offsets(%dma_start3A_24 : memref<128xi32, #tpu.memory_space<vmem>>) semaphore(%run_scoped3A_22 : memref<!tpu.dma_semaphore, #tpu.memory_space<semaphore_mem>>) {add = true}
        %dma_wait3A = arith.constant 0 : i32
        %dma_wait3A_28 = tpu.memref_slice %arg6[%run_scoped3A, %dma_wait3A] : memref<4x128xi32, #tpu.memory_space<vmem>> -> memref<1x128xi32, #tpu.memory_space<vmem>>
        %dma_wait3A_29 = tpu.memref_squeeze %dma_wait3A_28 : memref<1x128xi32, #tpu.memory_space<vmem>> -> memref<128xi32, #tpu.memory_space<vmem>>
        %dma_wait3A_30 = arith.constant 0 : i32
        %dma_wait3A_31 = arith.constant 0 : i32
        %dma_wait3A_32 = tpu.memref_slice %arg9[%dma_wait3A_30, %dma_wait3A_31] : memref<10240x16xf32, #tpu.memory_space<vmem_shared>> -> memref<10240x16xf32, #tpu.memory_space<vmem_shared>>
        tpu.wait_indirect_dma semaphore(%run_scoped3A_22 : memref<!tpu.dma_semaphore, #tpu.memory_space<semaphore_mem>>) src(%arg7 : memref<128x16xf32, #tpu.memory_space<vmem>>) dst(%dma_wait3A_32 : memref<10240x16xf32, #tpu.memory_space<vmem_shared>>)
        tpu.yield
      }) : () -> ()
      %run_scoped3A_19 = arith.constant 1 : i32
      "tpu.region"() ({
        %run_scoped3A_22 = tpu.sem_alloc : memref<!tpu.dma_semaphore, #tpu.memory_space<semaphore_mem>>
        %dma_start3A = arith.constant 0 : i32
        %dma_start3A_23 = tpu.memref_slice %arg6[%run_scoped3A_19, %dma_start3A] : memref<4x128xi32, #tpu.memory_space<vmem>> -> memref<1x128xi32, #tpu.memory_space<vmem>>
        %dma_start3A_24 = tpu.memref_squeeze %dma_start3A_23 : memref<1x128xi32, #tpu.memory_space<vmem>> -> memref<128xi32, #tpu.memory_space<vmem>>
        %dma_start3A_25 = arith.constant 0 : i32
        %dma_start3A_26 = arith.constant 0 : i32
        %dma_start3A_27 = tpu.memref_slice %arg9[%dma_start3A_25, %dma_start3A_26] : memref<10240x16xf32, #tpu.memory_space<vmem_shared>> -> memref<10240x16xf32, #tpu.memory_space<vmem_shared>>
        tpu.enqueue_indirect_dma source(%arg7 : memref<128x16xf32, #tpu.memory_space<vmem>>) target(%dma_start3A_27 : memref<10240x16xf32, #tpu.memory_space<vmem_shared>>) offsets(%dma_start3A_24 : memref<128xi32, #tpu.memory_space<vmem>>) semaphore(%run_scoped3A_22 : memref<!tpu.dma_semaphore, #tpu.memory_space<semaphore_mem>>) {add = true}
        %dma_wait3A = arith.constant 0 : i32
        %dma_wait3A_28 = tpu.memref_slice %arg6[%run_scoped3A_19, %dma_wait3A] : memref<4x128xi32, #tpu.memory_space<vmem>> -> memref<1x128xi32, #tpu.memory_space<vmem>>
        %dma_wait3A_29 = tpu.memref_squeeze %dma_wait3A_28 : memref<1x128xi32, #tpu.memory_space<vmem>> -> memref<128xi32, #tpu.memory_space<vmem>>
        %dma_wait3A_30 = arith.constant 0 : i32
        %dma_wait3A_31 = arith.constant 0 : i32
        %dma_wait3A_32 = tpu.memref_slice %arg9[%dma_wait3A_30, %dma_wait3A_31] : memref<10240x16xf32, #tpu.memory_space<vmem_shared>> -> memref<10240x16xf32, #tpu.memory_space<vmem_shared>>
        tpu.wait_indirect_dma semaphore(%run_scoped3A_22 : memref<!tpu.dma_semaphore, #tpu.memory_space<semaphore_mem>>) src(%arg7 : memref<128x16xf32, #tpu.memory_space<vmem>>) dst(%dma_wait3A_32 : memref<10240x16xf32, #tpu.memory_space<vmem_shared>>)
        tpu.yield
      }) : () -> ()
      %run_scoped3A_20 = arith.constant 2 : i32
      "tpu.region"() ({
        %run_scoped3A_22 = tpu.sem_alloc : memref<!tpu.dma_semaphore, #tpu.memory_space<semaphore_mem>>
        %dma_start3A = arith.constant 0 : i32
        %dma_start3A_23 = tpu.memref_slice %arg6[%run_scoped3A_20, %dma_start3A] : memref<4x128xi32, #tpu.memory_space<vmem>> -> memref<1x128xi32, #tpu.memory_space<vmem>>
        %dma_start3A_24 = tpu.memref_squeeze %dma_start3A_23 : memref<1x128xi32, #tpu.memory_space<vmem>> -> memref<128xi32, #tpu.memory_space<vmem>>
        %dma_start3A_25 = arith.constant 0 : i32
        %dma_start3A_26 = arith.constant 0 : i32
        %dma_start3A_27 = tpu.memref_slice %arg9[%dma_start3A_25, %dma_start3A_26] : memref<10240x16xf32, #tpu.memory_space<vmem_shared>> -> memref<10240x16xf32, #tpu.memory_space<vmem_shared>>
        tpu.enqueue_indirect_dma source(%arg7 : memref<128x16xf32, #tpu.memory_space<vmem>>) target(%dma_start3A_27 : memref<10240x16xf32, #tpu.memory_space<vmem_shared>>) offsets(%dma_start3A_24 : memref<128xi32, #tpu.memory_space<vmem>>) semaphore(%run_scoped3A_22 : memref<!tpu.dma_semaphore, #tpu.memory_space<semaphore_mem>>) {add = true}
        %dma_wait3A = arith.constant 0 : i32
        %dma_wait3A_28 = tpu.memref_slice %arg6[%run_scoped3A_20, %dma_wait3A] : memref<4x128xi32, #tpu.memory_space<vmem>> -> memref<1x128xi32, #tpu.memory_space<vmem>>
        %dma_wait3A_29 = tpu.memref_squeeze %dma_wait3A_28 : memref<1x128xi32, #tpu.memory_space<vmem>> -> memref<128xi32, #tpu.memory_space<vmem>>
        %dma_wait3A_30 = arith.constant 0 : i32
        %dma_wait3A_31 = arith.constant 0 : i32
        %dma_wait3A_32 = tpu.memref_slice %arg9[%dma_wait3A_30, %dma_wait3A_31] : memref<10240x16xf32, #tpu.memory_space<vmem_shared>> -> memref<10240x16xf32, #tpu.memory_space<vmem_shared>>
        tpu.wait_indirect_dma semaphore(%run_scoped3A_22 : memref<!tpu.dma_semaphore, #tpu.memory_space<semaphore_mem>>) src(%arg7 : memref<128x16xf32, #tpu.memory_space<vmem>>) dst(%dma_wait3A_32 : memref<10240x16xf32, #tpu.memory_space<vmem_shared>>)
        tpu.yield
      }) : () -> ()
      %run_scoped3A_21 = arith.constant 3 : i32
      "tpu.region"() ({
        %run_scoped3A_22 = tpu.sem_alloc : memref<!tpu.dma_semaphore, #tpu.memory_space<semaphore_mem>>
        %dma_start3A = arith.constant 0 : i32
        %dma_start3A_23 = tpu.memref_slice %arg6[%run_scoped3A_21, %dma_start3A] : memref<4x128xi32, #tpu.memory_space<vmem>> -> memref<1x128xi32, #tpu.memory_space<vmem>>
        %dma_start3A_24 = tpu.memref_squeeze %dma_start3A_23 : memref<1x128xi32, #tpu.memory_space<vmem>> -> memref<128xi32, #tpu.memory_space<vmem>>
        %dma_start3A_25 = arith.constant 0 : i32
        %dma_start3A_26 = arith.constant 0 : i32
        %dma_start3A_27 = tpu.memref_slice %arg9[%dma_start3A_25, %dma_start3A_26] : memref<10240x16xf32, #tpu.memory_space<vmem_shared>> -> memref<10240x16xf32, #tpu.memory_space<vmem_shared>>
        tpu.enqueue_indirect_dma source(%arg7 : memref<128x16xf32, #tpu.memory_space<vmem>>) target(%dma_start3A_27 : memref<10240x16xf32, #tpu.memory_space<vmem_shared>>) offsets(%dma_start3A_24 : memref<128xi32, #tpu.memory_space<vmem>>) semaphore(%run_scoped3A_22 : memref<!tpu.dma_semaphore, #tpu.memory_space<semaphore_mem>>) {add = true}
        %dma_wait3A = arith.constant 0 : i32
        %dma_wait3A_28 = tpu.memref_slice %arg6[%run_scoped3A_21, %dma_wait3A] : memref<4x128xi32, #tpu.memory_space<vmem>> -> memref<1x128xi32, #tpu.memory_space<vmem>>
        %dma_wait3A_29 = tpu.memref_squeeze %dma_wait3A_28 : memref<1x128xi32, #tpu.memory_space<vmem>> -> memref<128xi32, #tpu.memory_space<vmem>>
        %dma_wait3A_30 = arith.constant 0 : i32
        %dma_wait3A_31 = arith.constant 0 : i32
        %dma_wait3A_32 = tpu.memref_slice %arg9[%dma_wait3A_30, %dma_wait3A_31] : memref<10240x16xf32, #tpu.memory_space<vmem_shared>> -> memref<10240x16xf32, #tpu.memory_space<vmem_shared>>
        tpu.wait_indirect_dma semaphore(%run_scoped3A_22 : memref<!tpu.dma_semaphore, #tpu.memory_space<semaphore_mem>>) src(%arg7 : memref<128x16xf32, #tpu.memory_space<vmem>>) dst(%dma_wait3A_32 : memref<10240x16xf32, #tpu.memory_space<vmem_shared>>)
        tpu.yield
      }) : () -> ()
    }
    %scan3A_7 = arith.constant 20 : i32
    %barrier3A_8 = arith.constant 0 : index
    tpu.barrier barrier_id(%barrier3A_8)
    %mul3A_9 = arith.constant 640 : i32
    %mul3A_10 = arith.muli %arg1, %mul3A_9 : i32
    "tpu.region"() ({
      %run_scoped3A = tpu.sem_alloc : memref<!tpu.dma_semaphore, #tpu.memory_space<semaphore_mem>>
      %dma_start3A = arith.constant 0 : i32
      %dma_start3A_13 = tpu.memref_slice %arg9[%mul3A_10, %dma_start3A] : memref<10240x16xf32, #tpu.memory_space<vmem_shared>> -> memref<640x16xf32, #tpu.memory_space<vmem_shared>>
      %dma_start3A_14 = arith.constant 0 : i32
      %dma_start3A_15 = tpu.memref_slice %arg9[%mul3A_10, %dma_start3A_14] : memref<10240x16xf32, #tpu.memory_space<vmem_shared>> -> memref<640x16xf32, #tpu.memory_space<vmem_shared>>
      tpu.enqueue_dma source(%dma_start3A_15 : memref<640x16xf32, #tpu.memory_space<vmem_shared>>) target(%arg8 : memref<640x16xf32, #tpu.memory_space<vmem>>) target_semaphore(%run_scoped3A : memref<!tpu.dma_semaphore, #tpu.memory_space<semaphore_mem>>)
      %dma_wait3A = arith.constant 0 : i32
      %dma_wait3A_16 = tpu.memref_slice %arg9[%mul3A_10, %dma_wait3A] : memref<10240x16xf32, #tpu.memory_space<vmem_shared>> -> memref<640x16xf32, #tpu.memory_space<vmem_shared>>
      %dma_wait3A_17 = arith.constant 0 : i32
      %dma_wait3A_18 = tpu.memref_slice %arg9[%mul3A_10, %dma_wait3A_17] : memref<10240x16xf32, #tpu.memory_space<vmem_shared>> -> memref<640x16xf32, #tpu.memory_space<vmem_shared>>
      tpu.wait_dma2 semaphore(%run_scoped3A : memref<!tpu.dma_semaphore, #tpu.memory_space<semaphore_mem>>) src(%dma_wait3A_18 : memref<640x16xf32, #tpu.memory_space<vmem_shared>>) dst(%arg8 : memref<640x16xf32, #tpu.memory_space<vmem>>)
      tpu.yield
    }) : () -> ()
    %mul3A_11 = arith.constant 640 : i32
    %mul3A_12 = arith.muli %arg1, %mul3A_11 : i32
    "tpu.region"() ({
      %run_scoped3A = tpu.sem_alloc : memref<!tpu.dma_semaphore, #tpu.memory_space<semaphore_mem>>
      %dma_start3A = arith.constant 0 : i32
      %dma_start3A_13 = tpu.memref_slice %arg5[%arg0, %mul3A_12, %dma_start3A] : memref<2x10240x16xf32, #tpu.memory_space<hbm>> -> memref<1x640x16xf32, #tpu.memory_space<hbm>>
      %dma_start3A_14 = tpu.memref_squeeze %dma_start3A_13 : memref<1x640x16xf32, #tpu.memory_space<hbm>> -> memref<640x16xf32, #tpu.memory_space<hbm>>
      %dma_start3A_15 = arith.constant 0 : i32
      %dma_start3A_16 = tpu.memref_slice %arg5[%arg0, %mul3A_12, %dma_start3A_15] : memref<2x10240x16xf32, #tpu.memory_space<hbm>> -> memref<1x640x16xf32, #tpu.memory_space<hbm>>
      %dma_start3A_17 = tpu.memref_squeeze %dma_start3A_16 : memref<1x640x16xf32, #tpu.memory_space<hbm>> -> memref<640x16xf32, #tpu.memory_space<hbm>>
      tpu.enqueue_dma source(%arg8 : memref<640x16xf32, #tpu.memory_space<vmem>>) target(%dma_start3A_17 : memref<640x16xf32, #tpu.memory_space<hbm>>) target_semaphore(%run_scoped3A : memref<!tpu.dma_semaphore, #tpu.memory_space<semaphore_mem>>)
      %dma_wait3A = arith.constant 0 : i32
      %dma_wait3A_18 = tpu.memref_slice %arg5[%arg0, %mul3A_12, %dma_wait3A] : memref<2x10240x16xf32, #tpu.memory_space<hbm>> -> memref<1x640x16xf32, #tpu.memory_space<hbm>>
      %dma_wait3A_19 = tpu.memref_squeeze %dma_wait3A_18 : memref<1x640x16xf32, #tpu.memory_space<hbm>> -> memref<640x16xf32, #tpu.memory_space<hbm>>
      %dma_wait3A_20 = arith.constant 0 : i32
      %dma_wait3A_21 = tpu.memref_slice %arg5[%arg0, %mul3A_12, %dma_wait3A_20] : memref<2x10240x16xf32, #tpu.memory_space<hbm>> -> memref<1x640x16xf32, #tpu.memory_space<hbm>>
      %dma_wait3A_22 = tpu.memref_squeeze %dma_wait3A_21 : memref<1x640x16xf32, #tpu.memory_space<hbm>> -> memref<640x16xf32, #tpu.memory_space<hbm>>
      tpu.wait_dma2 semaphore(%run_scoped3A : memref<!tpu.dma_semaphore, #tpu.memory_space<semaphore_mem>>) src(%arg8 : memref<640x16xf32, #tpu.memory_space<vmem>>) dst(%dma_wait3A_22 : memref<640x16xf32, #tpu.memory_space<hbm>>)
      tpu.yield
    }) : () -> ()
    return
  }
}

#map = affine_map<(d0, d1) -> (0, 0)>
#map1 = affine_map<(d0, d1) -> (0, 0, 0)>
module attributes {stable_mosaic.version = 14 : i64} {
  func.func @_agg_kernel(%arg0: i32, %arg1: i32, %arg2: memref<10240x64xf32, #tpu.memory_space<hbm>>, %arg3: memref<2560x128xi32, #tpu.memory_space<hbm>>, %arg4: memref<2560x128xi32, #tpu.memory_space<hbm>>, %arg5: memref<640x64xf32, #tpu.memory_space<hbm>>, %arg6: memref<2x10240x64xf32, #tpu.memory_space<hbm>>, %arg7: memref<4x128xi32, #tpu.memory_space<vmem>>, %arg8: memref<4x128xi32, #tpu.memory_space<vmem>>, %arg9: memref<4x128xi32, #tpu.memory_space<vmem>>, %arg10: memref<4x128xi32, #tpu.memory_space<vmem>>, %arg11: memref<512x64xf32, #tpu.memory_space<vmem>>, %arg12: memref<512x64xf32, #tpu.memory_space<vmem>>, %arg13: memref<!tpu.dma_semaphore, #tpu.memory_space<semaphore_mem>>, %arg14: memref<!tpu.dma_semaphore, #tpu.memory_space<semaphore_mem>>, %arg15: memref<10240x64xf32, #tpu.memory_space<vmem_shared>>) attributes {dimension_semantics = [#tpu.dimension_semantics<core_parallel>, #tpu.dimension_semantics<subcore_parallel>], iteration_bounds = array<i64: 2, 16>, scalar_prefetch = 0 : i64, scratch_operands = 9 : i64, tpu.core_type = #tpu.core_type<sc_vector_subcore>, window_params = [{transform_indices = #map}, {transform_indices = #map}, {transform_indices = #map}, {transform_indices = #map}, {transform_indices = #map1}]} {
    %mul3A = arith.constant 2 : i32
    %mul3A_0 = arith.muli %arg1, %mul3A : i32
    %add3A = arith.addi %mul3A_0, %arg0 : i32
    "tpu.region"() ({
      %run_scoped3A = tpu.sem_alloc : memref<!tpu.dma_semaphore, #tpu.memory_space<semaphore_mem>>
      %dma_start3A_167 = arith.constant 0 : i32
      %dma_start3A_168 = arith.constant 0 : i32
      %dma_start3A_169 = tpu.memref_slice %arg5[%dma_start3A_167, %dma_start3A_168] : memref<640x64xf32, #tpu.memory_space<hbm>> -> memref<512x64xf32, #tpu.memory_space<hbm>>
      %dma_start3A_170 = arith.constant 0 : i32
      %dma_start3A_171 = arith.constant 0 : i32
      %dma_start3A_172 = tpu.memref_slice %arg5[%dma_start3A_170, %dma_start3A_171] : memref<640x64xf32, #tpu.memory_space<hbm>> -> memref<512x64xf32, #tpu.memory_space<hbm>>
      tpu.enqueue_dma source(%dma_start3A_172 : memref<512x64xf32, #tpu.memory_space<hbm>>) target(%arg11 : memref<512x64xf32, #tpu.memory_space<vmem>>) target_semaphore(%run_scoped3A : memref<!tpu.dma_semaphore, #tpu.memory_space<semaphore_mem>>)
      %dma_wait3A = arith.constant 0 : i32
      %dma_wait3A_173 = arith.constant 0 : i32
      %dma_wait3A_174 = tpu.memref_slice %arg5[%dma_wait3A, %dma_wait3A_173] : memref<640x64xf32, #tpu.memory_space<hbm>> -> memref<512x64xf32, #tpu.memory_space<hbm>>
      %dma_wait3A_175 = arith.constant 0 : i32
      %dma_wait3A_176 = arith.constant 0 : i32
      %dma_wait3A_177 = tpu.memref_slice %arg5[%dma_wait3A_175, %dma_wait3A_176] : memref<640x64xf32, #tpu.memory_space<hbm>> -> memref<512x64xf32, #tpu.memory_space<hbm>>
      tpu.wait_dma2 semaphore(%run_scoped3A : memref<!tpu.dma_semaphore, #tpu.memory_space<semaphore_mem>>) src(%dma_wait3A_177 : memref<512x64xf32, #tpu.memory_space<hbm>>) dst(%arg11 : memref<512x64xf32, #tpu.memory_space<vmem>>)
      tpu.yield
    }) : () -> ()
    "tpu.region"() ({
      %run_scoped3A = tpu.sem_alloc : memref<!tpu.dma_semaphore, #tpu.memory_space<semaphore_mem>>
      %dma_start3A_167 = arith.constant 0 : i32
      %dma_start3A_168 = arith.constant 0 : i32
      %dma_start3A_169 = tpu.memref_slice %arg12[%dma_start3A_167, %dma_start3A_168] : memref<512x64xf32, #tpu.memory_space<vmem>> -> memref<128x64xf32, #tpu.memory_space<vmem>>
      %dma_start3A_170 = arith.constant 512 : i32
      %dma_start3A_171 = arith.constant 0 : i32
      %dma_start3A_172 = tpu.memref_slice %arg5[%dma_start3A_170, %dma_start3A_171] : memref<640x64xf32, #tpu.memory_space<hbm>> -> memref<128x64xf32, #tpu.memory_space<hbm>>
      %dma_start3A_173 = arith.constant 0 : i32
      %dma_start3A_174 = arith.constant 0 : i32
      %dma_start3A_175 = tpu.memref_slice %arg12[%dma_start3A_173, %dma_start3A_174] : memref<512x64xf32, #tpu.memory_space<vmem>> -> memref<128x64xf32, #tpu.memory_space<vmem>>
      %dma_start3A_176 = arith.constant 512 : i32
      %dma_start3A_177 = arith.constant 0 : i32
      %dma_start3A_178 = tpu.memref_slice %arg5[%dma_start3A_176, %dma_start3A_177] : memref<640x64xf32, #tpu.memory_space<hbm>> -> memref<128x64xf32, #tpu.memory_space<hbm>>
      tpu.enqueue_dma source(%dma_start3A_178 : memref<128x64xf32, #tpu.memory_space<hbm>>) target(%dma_start3A_175 : memref<128x64xf32, #tpu.memory_space<vmem>>) target_semaphore(%run_scoped3A : memref<!tpu.dma_semaphore, #tpu.memory_space<semaphore_mem>>)
      %dma_wait3A = arith.constant 0 : i32
      %dma_wait3A_179 = arith.constant 0 : i32
      %dma_wait3A_180 = tpu.memref_slice %arg12[%dma_wait3A, %dma_wait3A_179] : memref<512x64xf32, #tpu.memory_space<vmem>> -> memref<128x64xf32, #tpu.memory_space<vmem>>
      %dma_wait3A_181 = arith.constant 512 : i32
      %dma_wait3A_182 = arith.constant 0 : i32
      %dma_wait3A_183 = tpu.memref_slice %arg5[%dma_wait3A_181, %dma_wait3A_182] : memref<640x64xf32, #tpu.memory_space<hbm>> -> memref<128x64xf32, #tpu.memory_space<hbm>>
      %dma_wait3A_184 = arith.constant 0 : i32
      %dma_wait3A_185 = arith.constant 0 : i32
      %dma_wait3A_186 = tpu.memref_slice %arg12[%dma_wait3A_184, %dma_wait3A_185] : memref<512x64xf32, #tpu.memory_space<vmem>> -> memref<128x64xf32, #tpu.memory_space<vmem>>
      %dma_wait3A_187 = arith.constant 512 : i32
      %dma_wait3A_188 = arith.constant 0 : i32
      %dma_wait3A_189 = tpu.memref_slice %arg5[%dma_wait3A_187, %dma_wait3A_188] : memref<640x64xf32, #tpu.memory_space<hbm>> -> memref<128x64xf32, #tpu.memory_space<hbm>>
      tpu.wait_dma2 semaphore(%run_scoped3A : memref<!tpu.dma_semaphore, #tpu.memory_space<semaphore_mem>>) src(%dma_wait3A_189 : memref<128x64xf32, #tpu.memory_space<hbm>>) dst(%dma_wait3A_186 : memref<128x64xf32, #tpu.memory_space<vmem>>)
      tpu.yield
    }) : () -> ()
    %mul3A_1 = arith.constant 640 : i32
    %mul3A_2 = arith.muli %arg1, %mul3A_1 : i32
    "tpu.region"() ({
      %run_scoped3A = tpu.sem_alloc : memref<!tpu.dma_semaphore, #tpu.memory_space<semaphore_mem>>
      %dma_start3A_167 = arith.constant 0 : i32
      %dma_start3A_168 = tpu.memref_slice %arg15[%mul3A_2, %dma_start3A_167] : memref<10240x64xf32, #tpu.memory_space<vmem_shared>> -> memref<512x64xf32, #tpu.memory_space<vmem_shared>>
      %dma_start3A_169 = arith.constant 0 : i32
      %dma_start3A_170 = tpu.memref_slice %arg15[%mul3A_2, %dma_start3A_169] : memref<10240x64xf32, #tpu.memory_space<vmem_shared>> -> memref<512x64xf32, #tpu.memory_space<vmem_shared>>
      tpu.enqueue_dma source(%arg11 : memref<512x64xf32, #tpu.memory_space<vmem>>) target(%dma_start3A_170 : memref<512x64xf32, #tpu.memory_space<vmem_shared>>) target_semaphore(%run_scoped3A : memref<!tpu.dma_semaphore, #tpu.memory_space<semaphore_mem>>)
      %dma_wait3A = arith.constant 0 : i32
      %dma_wait3A_171 = tpu.memref_slice %arg15[%mul3A_2, %dma_wait3A] : memref<10240x64xf32, #tpu.memory_space<vmem_shared>> -> memref<512x64xf32, #tpu.memory_space<vmem_shared>>
      %dma_wait3A_172 = arith.constant 0 : i32
      %dma_wait3A_173 = tpu.memref_slice %arg15[%mul3A_2, %dma_wait3A_172] : memref<10240x64xf32, #tpu.memory_space<vmem_shared>> -> memref<512x64xf32, #tpu.memory_space<vmem_shared>>
      tpu.wait_dma2 semaphore(%run_scoped3A : memref<!tpu.dma_semaphore, #tpu.memory_space<semaphore_mem>>) src(%arg11 : memref<512x64xf32, #tpu.memory_space<vmem>>) dst(%dma_wait3A_173 : memref<512x64xf32, #tpu.memory_space<vmem_shared>>)
      tpu.yield
    }) : () -> ()
    %mul3A_3 = arith.constant 640 : i32
    %mul3A_4 = arith.muli %arg1, %mul3A_3 : i32
    %add3A_5 = arith.constant 512 : i32
    %add3A_6 = arith.addi %mul3A_4, %add3A_5 : i32
    "tpu.region"() ({
      %run_scoped3A = tpu.sem_alloc : memref<!tpu.dma_semaphore, #tpu.memory_space<semaphore_mem>>
      %dma_start3A_167 = arith.constant 0 : i32
      %dma_start3A_168 = arith.constant 0 : i32
      %dma_start3A_169 = tpu.memref_slice %arg12[%dma_start3A_167, %dma_start3A_168] : memref<512x64xf32, #tpu.memory_space<vmem>> -> memref<128x64xf32, #tpu.memory_space<vmem>>
      %dma_start3A_170 = arith.constant 0 : i32
      %dma_start3A_171 = tpu.memref_slice %arg15[%add3A_6, %dma_start3A_170] : memref<10240x64xf32, #tpu.memory_space<vmem_shared>> -> memref<128x64xf32, #tpu.memory_space<vmem_shared>>
      %dma_start3A_172 = arith.constant 0 : i32
      %dma_start3A_173 = tpu.memref_slice %arg15[%add3A_6, %dma_start3A_172] : memref<10240x64xf32, #tpu.memory_space<vmem_shared>> -> memref<128x64xf32, #tpu.memory_space<vmem_shared>>
      %dma_start3A_174 = arith.constant 0 : i32
      %dma_start3A_175 = arith.constant 0 : i32
      %dma_start3A_176 = tpu.memref_slice %arg12[%dma_start3A_174, %dma_start3A_175] : memref<512x64xf32, #tpu.memory_space<vmem>> -> memref<128x64xf32, #tpu.memory_space<vmem>>
      tpu.enqueue_dma source(%dma_start3A_176 : memref<128x64xf32, #tpu.memory_space<vmem>>) target(%dma_start3A_173 : memref<128x64xf32, #tpu.memory_space<vmem_shared>>) target_semaphore(%run_scoped3A : memref<!tpu.dma_semaphore, #tpu.memory_space<semaphore_mem>>)
      %dma_wait3A = arith.constant 0 : i32
      %dma_wait3A_177 = arith.constant 0 : i32
      %dma_wait3A_178 = tpu.memref_slice %arg12[%dma_wait3A, %dma_wait3A_177] : memref<512x64xf32, #tpu.memory_space<vmem>> -> memref<128x64xf32, #tpu.memory_space<vmem>>
      %dma_wait3A_179 = arith.constant 0 : i32
      %dma_wait3A_180 = tpu.memref_slice %arg15[%add3A_6, %dma_wait3A_179] : memref<10240x64xf32, #tpu.memory_space<vmem_shared>> -> memref<128x64xf32, #tpu.memory_space<vmem_shared>>
      %dma_wait3A_181 = arith.constant 0 : i32
      %dma_wait3A_182 = tpu.memref_slice %arg15[%add3A_6, %dma_wait3A_181] : memref<10240x64xf32, #tpu.memory_space<vmem_shared>> -> memref<128x64xf32, #tpu.memory_space<vmem_shared>>
      %dma_wait3A_183 = arith.constant 0 : i32
      %dma_wait3A_184 = arith.constant 0 : i32
      %dma_wait3A_185 = tpu.memref_slice %arg12[%dma_wait3A_183, %dma_wait3A_184] : memref<512x64xf32, #tpu.memory_space<vmem>> -> memref<128x64xf32, #tpu.memory_space<vmem>>
      tpu.wait_dma2 semaphore(%run_scoped3A : memref<!tpu.dma_semaphore, #tpu.memory_space<semaphore_mem>>) src(%dma_wait3A_185 : memref<128x64xf32, #tpu.memory_space<vmem>>) dst(%dma_wait3A_182 : memref<128x64xf32, #tpu.memory_space<vmem_shared>>)
      tpu.yield
    }) : () -> ()
    %barrier3A = arith.constant 0 : index
    tpu.barrier barrier_id(%barrier3A)
    %eq3A = arith.constant 0 : i32
    %eq3A_7 = arith.cmpi eq, %arg0, %eq3A : i32
    %jit3A = arith.constant 120 : i32
    %jit3A_8 = arith.constant 40 : i32
    %select_n3A = arith.select %eq3A_7, %jit3A, %jit3A_8 : i32
    %eq3A_9 = arith.constant 0 : i32
    %eq3A_10 = arith.cmpi eq, %arg0, %eq3A_9 : i32
    %mul3A_11 = arith.constant 120 : i32
    %mul3A_12 = arith.muli %arg1, %mul3A_11 : i32
    %mul3A_13 = arith.constant 40 : i32
    %mul3A_14 = arith.muli %arg1, %mul3A_13 : i32
    %add3A_15 = arith.constant 1920 : i32
    %add3A_16 = arith.addi %add3A_15, %mul3A_14 : i32
    %select_n3A_17 = arith.select %eq3A_10, %mul3A_12, %add3A_16 : i32
    %add3A_18 = arith.constant 0 : i32
    %add3A_19 = arith.addi %select_n3A_17, %add3A_18 : i32
    %jit3A_20 = arith.constant 4 : i32
    %div3A = arith.divsi %select_n3A, %jit3A_20 : i32
    %sign3A = arith.constant 0 : i32
    %sign3A_21 = arith.cmpi sgt, %select_n3A, %sign3A : i32
    %sign3A_22 = arith.extui %sign3A_21 : i1 to i32
    %sign3A_23 = arith.constant 0 : i32
    %sign3A_24 = arith.cmpi slt, %select_n3A, %sign3A_23 : i32
    %sign3A_25 = arith.extui %sign3A_24 : i1 to i32
    %sign3A_26 = arith.subi %sign3A_22, %sign3A_25 : i32
    %sign3A_27 = arith.constant 0 : i32
    %sign3A_28 = arith.cmpi sgt, %jit3A_20, %sign3A_27 : i32
    %sign3A_29 = arith.extui %sign3A_28 : i1 to i32
    %sign3A_30 = arith.constant 0 : i32
    %sign3A_31 = arith.cmpi slt, %jit3A_20, %sign3A_30 : i32
    %sign3A_32 = arith.extui %sign3A_31 : i1 to i32
    %sign3A_33 = arith.subi %sign3A_29, %sign3A_32 : i32
    %ne3A = arith.cmpi ne, %sign3A_26, %sign3A_33 : i32
    %rem3A = arith.remsi %select_n3A, %jit3A_20 : i32
    %ne3A_34 = arith.constant 0 : i32
    %ne3A_35 = arith.cmpi ne, %rem3A, %ne3A_34 : i32
    %and3A = arith.andi %ne3A, %ne3A_35 : i1
    %sub3A = arith.constant 1 : i32
    %sub3A_36 = arith.subi %div3A, %sub3A : i32
    %select_n3A_37 = arith.select %and3A, %sub3A_36, %div3A : i32
    %eq3A_38 = arith.constant 0 : i32
    %eq3A_39 = arith.cmpi eq, %arg0, %eq3A_38 : i32
    %jit3A_40 = arith.constant 120 : i32
    %jit3A_41 = arith.constant 40 : i32
    %select_n3A_42 = arith.select %eq3A_39, %jit3A_40, %jit3A_41 : i32
    %eq3A_43 = arith.constant 0 : i32
    %eq3A_44 = arith.cmpi eq, %arg0, %eq3A_43 : i32
    %mul3A_45 = arith.constant 120 : i32
    %mul3A_46 = arith.muli %arg1, %mul3A_45 : i32
    %mul3A_47 = arith.constant 40 : i32
    %mul3A_48 = arith.muli %arg1, %mul3A_47 : i32
    %add3A_49 = arith.constant 1920 : i32
    %add3A_50 = arith.addi %add3A_49, %mul3A_48 : i32
    %select_n3A_51 = arith.select %eq3A_44, %mul3A_46, %add3A_50 : i32
    %add3A_52 = arith.constant 0 : i32
    %add3A_53 = arith.addi %select_n3A_51, %add3A_52 : i32
    %jit3A_54 = arith.constant 4 : i32
    %div3A_55 = arith.divsi %select_n3A_42, %jit3A_54 : i32
    %sign3A_56 = arith.constant 0 : i32
    %sign3A_57 = arith.cmpi sgt, %select_n3A_42, %sign3A_56 : i32
    %sign3A_58 = arith.extui %sign3A_57 : i1 to i32
    %sign3A_59 = arith.constant 0 : i32
    %sign3A_60 = arith.cmpi slt, %select_n3A_42, %sign3A_59 : i32
    %sign3A_61 = arith.extui %sign3A_60 : i1 to i32
    %sign3A_62 = arith.subi %sign3A_58, %sign3A_61 : i32
    %sign3A_63 = arith.constant 0 : i32
    %sign3A_64 = arith.cmpi sgt, %jit3A_54, %sign3A_63 : i32
    %sign3A_65 = arith.extui %sign3A_64 : i1 to i32
    %sign3A_66 = arith.constant 0 : i32
    %sign3A_67 = arith.cmpi slt, %jit3A_54, %sign3A_66 : i32
    %sign3A_68 = arith.extui %sign3A_67 : i1 to i32
    %sign3A_69 = arith.subi %sign3A_65, %sign3A_68 : i32
    %ne3A_70 = arith.cmpi ne, %sign3A_62, %sign3A_69 : i32
    %rem3A_71 = arith.remsi %select_n3A_42, %jit3A_54 : i32
    %ne3A_72 = arith.constant 0 : i32
    %ne3A_73 = arith.cmpi ne, %rem3A_71, %ne3A_72 : i32
    %and3A_74 = arith.andi %ne3A_70, %ne3A_73 : i1
    %sub3A_75 = arith.constant 1 : i32
    %sub3A_76 = arith.subi %div3A_55, %sub3A_75 : i32
    %select_n3A_77 = arith.select %and3A_74, %sub3A_76, %div3A_55 : i32
    "tpu.region"() ({
      %run_scoped3A = tpu.sem_alloc : memref<!tpu.dma_semaphore, #tpu.memory_space<semaphore_mem>>
      %dma_start3A_167 = arith.constant 0 : i32
      %dma_start3A_168 = tpu.memref_slice %arg3[%add3A_53, %dma_start3A_167] : memref<2560x128xi32, #tpu.memory_space<hbm>> -> memref<4x128xi32, #tpu.memory_space<hbm>>
      %dma_start3A_169 = arith.constant 0 : i32
      %dma_start3A_170 = tpu.memref_slice %arg3[%add3A_53, %dma_start3A_169] : memref<2560x128xi32, #tpu.memory_space<hbm>> -> memref<4x128xi32, #tpu.memory_space<hbm>>
      tpu.enqueue_dma source(%dma_start3A_170 : memref<4x128xi32, #tpu.memory_space<hbm>>) target(%arg7 : memref<4x128xi32, #tpu.memory_space<vmem>>) target_semaphore(%run_scoped3A : memref<!tpu.dma_semaphore, #tpu.memory_space<semaphore_mem>>)
      %dma_wait3A = arith.constant 0 : i32
      %dma_wait3A_171 = tpu.memref_slice %arg3[%add3A_53, %dma_wait3A] : memref<2560x128xi32, #tpu.memory_space<hbm>> -> memref<4x128xi32, #tpu.memory_space<hbm>>
      %dma_wait3A_172 = arith.constant 0 : i32
      %dma_wait3A_173 = tpu.memref_slice %arg3[%add3A_53, %dma_wait3A_172] : memref<2560x128xi32, #tpu.memory_space<hbm>> -> memref<4x128xi32, #tpu.memory_space<hbm>>
      tpu.wait_dma2 semaphore(%run_scoped3A : memref<!tpu.dma_semaphore, #tpu.memory_space<semaphore_mem>>) src(%dma_wait3A_173 : memref<4x128xi32, #tpu.memory_space<hbm>>) dst(%arg7 : memref<4x128xi32, #tpu.memory_space<vmem>>)
      tpu.yield
    }) : () -> ()
    "tpu.region"() ({
      %run_scoped3A = tpu.sem_alloc : memref<!tpu.dma_semaphore, #tpu.memory_space<semaphore_mem>>
      %dma_start3A_167 = arith.constant 0 : i32
      %dma_start3A_168 = tpu.memref_slice %arg4[%add3A_53, %dma_start3A_167] : memref<2560x128xi32, #tpu.memory_space<hbm>> -> memref<4x128xi32, #tpu.memory_space<hbm>>
      %dma_start3A_169 = arith.constant 0 : i32
      %dma_start3A_170 = tpu.memref_slice %arg4[%add3A_53, %dma_start3A_169] : memref<2560x128xi32, #tpu.memory_space<hbm>> -> memref<4x128xi32, #tpu.memory_space<hbm>>
      tpu.enqueue_dma source(%dma_start3A_170 : memref<4x128xi32, #tpu.memory_space<hbm>>) target(%arg9 : memref<4x128xi32, #tpu.memory_space<vmem>>) target_semaphore(%run_scoped3A : memref<!tpu.dma_semaphore, #tpu.memory_space<semaphore_mem>>)
      %dma_wait3A = arith.constant 0 : i32
      %dma_wait3A_171 = tpu.memref_slice %arg4[%add3A_53, %dma_wait3A] : memref<2560x128xi32, #tpu.memory_space<hbm>> -> memref<4x128xi32, #tpu.memory_space<hbm>>
      %dma_wait3A_172 = arith.constant 0 : i32
      %dma_wait3A_173 = tpu.memref_slice %arg4[%add3A_53, %dma_wait3A_172] : memref<2560x128xi32, #tpu.memory_space<hbm>> -> memref<4x128xi32, #tpu.memory_space<hbm>>
      tpu.wait_dma2 semaphore(%run_scoped3A : memref<!tpu.dma_semaphore, #tpu.memory_space<semaphore_mem>>) src(%dma_wait3A_173 : memref<4x128xi32, #tpu.memory_space<hbm>>) dst(%arg9 : memref<4x128xi32, #tpu.memory_space<vmem>>)
      tpu.yield
    }) : () -> ()
    %dma_start3A = arith.constant 0 : i32
    %dma_start3A_78 = arith.constant 0 : i32
    %dma_start3A_79 = arith.constant 0 : i32
    %dma_start3A_80 = tpu.memref_slice %arg11[%dma_start3A_78, %dma_start3A_79] : memref<512x64xf32, #tpu.memory_space<vmem>> -> memref<128x64xf32, #tpu.memory_space<vmem>>
    %dma_start3A_81 = arith.constant 0 : i32
    %dma_start3A_82 = tpu.memref_slice %arg7[%dma_start3A, %dma_start3A_81] : memref<4x128xi32, #tpu.memory_space<vmem>> -> memref<1x128xi32, #tpu.memory_space<vmem>>
    %dma_start3A_83 = tpu.memref_squeeze %dma_start3A_82 : memref<1x128xi32, #tpu.memory_space<vmem>> -> memref<128xi32, #tpu.memory_space<vmem>>
    %dma_start3A_84 = arith.constant 0 : i32
    %dma_start3A_85 = arith.constant 0 : i32
    %dma_start3A_86 = tpu.memref_slice %arg2[%dma_start3A_84, %dma_start3A_85] : memref<10240x64xf32, #tpu.memory_space<hbm>> -> memref<10240x64xf32, #tpu.memory_space<hbm>>
    tpu.enqueue_indirect_dma source(%dma_start3A_86 : memref<10240x64xf32, #tpu.memory_space<hbm>>) target(%dma_start3A_80 : memref<128x64xf32, #tpu.memory_space<vmem>>) offsets(%dma_start3A_83 : memref<128xi32, #tpu.memory_space<vmem>>) semaphore(%arg13 : memref<!tpu.dma_semaphore, #tpu.memory_space<semaphore_mem>>)
    %dma_start3A_87 = arith.constant 1 : i32
    %dma_start3A_88 = arith.constant 128 : i32
    %dma_start3A_89 = arith.constant 0 : i32
    %dma_start3A_90 = tpu.memref_slice %arg11[%dma_start3A_88, %dma_start3A_89] : memref<512x64xf32, #tpu.memory_space<vmem>> -> memref<128x64xf32, #tpu.memory_space<vmem>>
    %dma_start3A_91 = arith.constant 0 : i32
    %dma_start3A_92 = tpu.memref_slice %arg7[%dma_start3A_87, %dma_start3A_91] : memref<4x128xi32, #tpu.memory_space<vmem>> -> memref<1x128xi32, #tpu.memory_space<vmem>>
    %dma_start3A_93 = tpu.memref_squeeze %dma_start3A_92 : memref<1x128xi32, #tpu.memory_space<vmem>> -> memref<128xi32, #tpu.memory_space<vmem>>
    %dma_start3A_94 = arith.constant 0 : i32
    %dma_start3A_95 = arith.constant 0 : i32
    %dma_start3A_96 = tpu.memref_slice %arg2[%dma_start3A_94, %dma_start3A_95] : memref<10240x64xf32, #tpu.memory_space<hbm>> -> memref<10240x64xf32, #tpu.memory_space<hbm>>
    tpu.enqueue_indirect_dma source(%dma_start3A_96 : memref<10240x64xf32, #tpu.memory_space<hbm>>) target(%dma_start3A_90 : memref<128x64xf32, #tpu.memory_space<vmem>>) offsets(%dma_start3A_93 : memref<128xi32, #tpu.memory_space<vmem>>) semaphore(%arg13 : memref<!tpu.dma_semaphore, #tpu.memory_space<semaphore_mem>>)
    %dma_start3A_97 = arith.constant 2 : i32
    %dma_start3A_98 = arith.constant 256 : i32
    %dma_start3A_99 = arith.constant 0 : i32
    %dma_start3A_100 = tpu.memref_slice %arg11[%dma_start3A_98, %dma_start3A_99] : memref<512x64xf32, #tpu.memory_space<vmem>> -> memref<128x64xf32, #tpu.memory_space<vmem>>
    %dma_start3A_101 = arith.constant 0 : i32
    %dma_start3A_102 = tpu.memref_slice %arg7[%dma_start3A_97, %dma_start3A_101] : memref<4x128xi32, #tpu.memory_space<vmem>> -> memref<1x128xi32, #tpu.memory_space<vmem>>
    %dma_start3A_103 = tpu.memref_squeeze %dma_start3A_102 : memref<1x128xi32, #tpu.memory_space<vmem>> -> memref<128xi32, #tpu.memory_space<vmem>>
    %dma_start3A_104 = arith.constant 0 : i32
    %dma_start3A_105 = arith.constant 0 : i32
    %dma_start3A_106 = tpu.memref_slice %arg2[%dma_start3A_104, %dma_start3A_105] : memref<10240x64xf32, #tpu.memory_space<hbm>> -> memref<10240x64xf32, #tpu.memory_space<hbm>>
    tpu.enqueue_indirect_dma source(%dma_start3A_106 : memref<10240x64xf32, #tpu.memory_space<hbm>>) target(%dma_start3A_100 : memref<128x64xf32, #tpu.memory_space<vmem>>) offsets(%dma_start3A_103 : memref<128xi32, #tpu.memory_space<vmem>>) semaphore(%arg13 : memref<!tpu.dma_semaphore, #tpu.memory_space<semaphore_mem>>)
    %dma_start3A_107 = arith.constant 3 : i32
    %dma_start3A_108 = arith.constant 384 : i32
    %dma_start3A_109 = arith.constant 0 : i32
    %dma_start3A_110 = tpu.memref_slice %arg11[%dma_start3A_108, %dma_start3A_109] : memref<512x64xf32, #tpu.memory_space<vmem>> -> memref<128x64xf32, #tpu.memory_space<vmem>>
    %dma_start3A_111 = arith.constant 0 : i32
    %dma_start3A_112 = tpu.memref_slice %arg7[%dma_start3A_107, %dma_start3A_111] : memref<4x128xi32, #tpu.memory_space<vmem>> -> memref<1x128xi32, #tpu.memory_space<vmem>>
    %dma_start3A_113 = tpu.memref_squeeze %dma_start3A_112 : memref<1x128xi32, #tpu.memory_space<vmem>> -> memref<128xi32, #tpu.memory_space<vmem>>
    %dma_start3A_114 = arith.constant 0 : i32
    %dma_start3A_115 = arith.constant 0 : i32
    %dma_start3A_116 = tpu.memref_slice %arg2[%dma_start3A_114, %dma_start3A_115] : memref<10240x64xf32, #tpu.memory_space<hbm>> -> memref<10240x64xf32, #tpu.memory_space<hbm>>
    tpu.enqueue_indirect_dma source(%dma_start3A_116 : memref<10240x64xf32, #tpu.memory_space<hbm>>) target(%dma_start3A_110 : memref<128x64xf32, #tpu.memory_space<vmem>>) offsets(%dma_start3A_113 : memref<128xi32, #tpu.memory_space<vmem>>) semaphore(%arg13 : memref<!tpu.dma_semaphore, #tpu.memory_space<semaphore_mem>>)
    %jit3A_117 = arith.constant 2 : i32
    %div3A_118 = arith.divsi %select_n3A_37, %jit3A_117 : i32
    %sign3A_119 = arith.constant 0 : i32
    %sign3A_120 = arith.cmpi sgt, %select_n3A_37, %sign3A_119 : i32
    %sign3A_121 = arith.extui %sign3A_120 : i1 to i32
    %sign3A_122 = arith.constant 0 : i32
    %sign3A_123 = arith.cmpi slt, %select_n3A_37, %sign3A_122 : i32
    %sign3A_124 = arith.extui %sign3A_123 : i1 to i32
    %sign3A_125 = arith.subi %sign3A_121, %sign3A_124 : i32
    %sign3A_126 = arith.constant 0 : i32
    %sign3A_127 = arith.cmpi sgt, %jit3A_117, %sign3A_126 : i32
    %sign3A_128 = arith.extui %sign3A_127 : i1 to i32
    %sign3A_129 = arith.constant 0 : i32
    %sign3A_130 = arith.cmpi slt, %jit3A_117, %sign3A_129 : i32
    %sign3A_131 = arith.extui %sign3A_130 : i1 to i32
    %sign3A_132 = arith.subi %sign3A_128, %sign3A_131 : i32
    %ne3A_133 = arith.cmpi ne, %sign3A_125, %sign3A_132 : i32
    %rem3A_134 = arith.remsi %select_n3A_37, %jit3A_117 : i32
    %ne3A_135 = arith.constant 0 : i32
    %ne3A_136 = arith.cmpi ne, %rem3A_134, %ne3A_135 : i32
    %and3A_137 = arith.andi %ne3A_133, %ne3A_136 : i1
    %sub3A_138 = arith.constant 1 : i32
    %sub3A_139 = arith.subi %div3A_118, %sub3A_138 : i32
    %select_n3A_140 = arith.select %and3A_137, %sub3A_139, %div3A_118 : i32
    %while3A = arith.constant 0 : i32
    %while3A_141 = arith.constant 0 : i32
    %while3A_142 = arith.constant 1 : i32
    %while3A_143 = arith.constant 2 : i32
    %while3A_144 = arith.constant 3 : i32
    %while3A_145 = arith.constant 0 : i32
    %while3A_146 = arith.subi %select_n3A_140, %while3A_145 : i32
    %while3A_147 = arith.addi %while3A_145, %while3A_146 : i32
    %while3A_148 = arith.constant 1 : i32
    %while3A_149 = arith.divsi %while3A_146, %while3A_148 : i32
    %while3A_150 = arith.muli %while3A_149, %while3A_148 : i32
    %while3A_151 = arith.addi %while3A_145, %while3A_150 : i32
    %while3A_152 = arith.constant 1 : i32
    scf.for %while3A_167 = %while3A_145 to %while3A_151 step %while3A_152  : i32 {
      %mul3A_168 = arith.constant 2 : i32
      %mul3A_169 = arith.muli %while3A_167, %mul3A_168 : i32
      %add3A_170 = arith.constant 1 : i32
      %add3A_171 = arith.addi %mul3A_169, %add3A_170 : i32
      %eq3A_172 = arith.constant 0 : i32
      %eq3A_173 = arith.cmpi eq, %arg0, %eq3A_172 : i32
      %jit3A_174 = arith.constant 120 : i32
      %jit3A_175 = arith.constant 40 : i32
      %select_n3A_176 = arith.select %eq3A_173, %jit3A_174, %jit3A_175 : i32
      %eq3A_177 = arith.constant 0 : i32
      %eq3A_178 = arith.cmpi eq, %arg0, %eq3A_177 : i32
      %mul3A_179 = arith.constant 120 : i32
      %mul3A_180 = arith.muli %arg1, %mul3A_179 : i32
      %mul3A_181 = arith.constant 40 : i32
      %mul3A_182 = arith.muli %arg1, %mul3A_181 : i32
      %add3A_183 = arith.constant 1920 : i32
      %add3A_184 = arith.addi %add3A_183, %mul3A_182 : i32
      %select_n3A_185 = arith.select %eq3A_178, %mul3A_180, %add3A_184 : i32
      %mul3A_186 = arith.constant 4 : i32
      %mul3A_187 = arith.muli %add3A_171, %mul3A_186 : i32
      %add3A_188 = arith.addi %select_n3A_185, %mul3A_187 : i32
      %jit3A_189 = arith.constant 4 : i32
      %div3A_190 = arith.divsi %select_n3A_176, %jit3A_189 : i32
      %sign3A_191 = arith.constant 0 : i32
      %sign3A_192 = arith.cmpi sgt, %select_n3A_176, %sign3A_191 : i32
      %sign3A_193 = arith.extui %sign3A_192 : i1 to i32
      %sign3A_194 = arith.constant 0 : i32
      %sign3A_195 = arith.cmpi slt, %select_n3A_176, %sign3A_194 : i32
      %sign3A_196 = arith.extui %sign3A_195 : i1 to i32
      %sign3A_197 = arith.subi %sign3A_193, %sign3A_196 : i32
      %sign3A_198 = arith.constant 0 : i32
      %sign3A_199 = arith.cmpi sgt, %jit3A_189, %sign3A_198 : i32
      %sign3A_200 = arith.extui %sign3A_199 : i1 to i32
      %sign3A_201 = arith.constant 0 : i32
      %sign3A_202 = arith.cmpi slt, %jit3A_189, %sign3A_201 : i32
      %sign3A_203 = arith.extui %sign3A_202 : i1 to i32
      %sign3A_204 = arith.subi %sign3A_200, %sign3A_203 : i32
      %ne3A_205 = arith.cmpi ne, %sign3A_197, %sign3A_204 : i32
      %rem3A_206 = arith.remsi %select_n3A_176, %jit3A_189 : i32
      %ne3A_207 = arith.constant 0 : i32
      %ne3A_208 = arith.cmpi ne, %rem3A_206, %ne3A_207 : i32
      %and3A_209 = arith.andi %ne3A_205, %ne3A_208 : i1
      %sub3A_210 = arith.constant 1 : i32
      %sub3A_211 = arith.subi %div3A_190, %sub3A_210 : i32
      %select_n3A_212 = arith.select %and3A_209, %sub3A_211, %div3A_190 : i32
      "tpu.region"() ({
        %run_scoped3A_338 = tpu.sem_alloc : memref<!tpu.dma_semaphore, #tpu.memory_space<semaphore_mem>>
        %dma_start3A_339 = arith.constant 0 : i32
        %dma_start3A_340 = tpu.memref_slice %arg3[%add3A_188, %dma_start3A_339] : memref<2560x128xi32, #tpu.memory_space<hbm>> -> memref<4x128xi32, #tpu.memory_space<hbm>>
        %dma_start3A_341 = arith.constant 0 : i32
        %dma_start3A_342 = tpu.memref_slice %arg3[%add3A_188, %dma_start3A_341] : memref<2560x128xi32, #tpu.memory_space<hbm>> -> memref<4x128xi32, #tpu.memory_space<hbm>>
        tpu.enqueue_dma source(%dma_start3A_342 : memref<4x128xi32, #tpu.memory_space<hbm>>) target(%arg8 : memref<4x128xi32, #tpu.memory_space<vmem>>) target_semaphore(%run_scoped3A_338 : memref<!tpu.dma_semaphore, #tpu.memory_space<semaphore_mem>>)
        %dma_wait3A_343 = arith.constant 0 : i32
        %dma_wait3A_344 = tpu.memref_slice %arg3[%add3A_188, %dma_wait3A_343] : memref<2560x128xi32, #tpu.memory_space<hbm>> -> memref<4x128xi32, #tpu.memory_space<hbm>>
        %dma_wait3A_345 = arith.constant 0 : i32
        %dma_wait3A_346 = tpu.memref_slice %arg3[%add3A_188, %dma_wait3A_345] : memref<2560x128xi32, #tpu.memory_space<hbm>> -> memref<4x128xi32, #tpu.memory_space<hbm>>
        tpu.wait_dma2 semaphore(%run_scoped3A_338 : memref<!tpu.dma_semaphore, #tpu.memory_space<semaphore_mem>>) src(%dma_wait3A_346 : memref<4x128xi32, #tpu.memory_space<hbm>>) dst(%arg8 : memref<4x128xi32, #tpu.memory_space<vmem>>)
        tpu.yield
      }) : () -> ()
      "tpu.region"() ({
        %run_scoped3A_338 = tpu.sem_alloc : memref<!tpu.dma_semaphore, #tpu.memory_space<semaphore_mem>>
        %dma_start3A_339 = arith.constant 0 : i32
        %dma_start3A_340 = tpu.memref_slice %arg4[%add3A_188, %dma_start3A_339] : memref<2560x128xi32, #tpu.memory_space<hbm>> -> memref<4x128xi32, #tpu.memory_space<hbm>>
        %dma_start3A_341 = arith.constant 0 : i32
        %dma_start3A_342 = tpu.memref_slice %arg4[%add3A_188, %dma_start3A_341] : memref<2560x128xi32, #tpu.memory_space<hbm>> -> memref<4x128xi32, #tpu.memory_space<hbm>>
        tpu.enqueue_dma source(%dma_start3A_342 : memref<4x128xi32, #tpu.memory_space<hbm>>) target(%arg10 : memref<4x128xi32, #tpu.memory_space<vmem>>) target_semaphore(%run_scoped3A_338 : memref<!tpu.dma_semaphore, #tpu.memory_space<semaphore_mem>>)
        %dma_wait3A_343 = arith.constant 0 : i32
        %dma_wait3A_344 = tpu.memref_slice %arg4[%add3A_188, %dma_wait3A_343] : memref<2560x128xi32, #tpu.memory_space<hbm>> -> memref<4x128xi32, #tpu.memory_space<hbm>>
        %dma_wait3A_345 = arith.constant 0 : i32
        %dma_wait3A_346 = tpu.memref_slice %arg4[%add3A_188, %dma_wait3A_345] : memref<2560x128xi32, #tpu.memory_space<hbm>> -> memref<4x128xi32, #tpu.memory_space<hbm>>
        tpu.wait_dma2 semaphore(%run_scoped3A_338 : memref<!tpu.dma_semaphore, #tpu.memory_space<semaphore_mem>>) src(%dma_wait3A_346 : memref<4x128xi32, #tpu.memory_space<hbm>>) dst(%arg10 : memref<4x128xi32, #tpu.memory_space<vmem>>)
        tpu.yield
      }) : () -> ()
      %dma_start3A_213 = arith.constant 0 : i32
      %dma_start3A_214 = arith.constant 0 : i32
      %dma_start3A_215 = arith.constant 0 : i32
      %dma_start3A_216 = tpu.memref_slice %arg12[%dma_start3A_214, %dma_start3A_215] : memref<512x64xf32, #tpu.memory_space<vmem>> -> memref<128x64xf32, #tpu.memory_space<vmem>>
      %dma_start3A_217 = arith.constant 0 : i32
      %dma_start3A_218 = tpu.memref_slice %arg8[%dma_start3A_213, %dma_start3A_217] : memref<4x128xi32, #tpu.memory_space<vmem>> -> memref<1x128xi32, #tpu.memory_space<vmem>>
      %dma_start3A_219 = tpu.memref_squeeze %dma_start3A_218 : memref<1x128xi32, #tpu.memory_space<vmem>> -> memref<128xi32, #tpu.memory_space<vmem>>
      %dma_start3A_220 = arith.constant 0 : i32
      %dma_start3A_221 = arith.constant 0 : i32
      %dma_start3A_222 = tpu.memref_slice %arg2[%dma_start3A_220, %dma_start3A_221] : memref<10240x64xf32, #tpu.memory_space<hbm>> -> memref<10240x64xf32, #tpu.memory_space<hbm>>
      tpu.enqueue_indirect_dma source(%dma_start3A_222 : memref<10240x64xf32, #tpu.memory_space<hbm>>) target(%dma_start3A_216 : memref<128x64xf32, #tpu.memory_space<vmem>>) offsets(%dma_start3A_219 : memref<128xi32, #tpu.memory_space<vmem>>) semaphore(%arg14 : memref<!tpu.dma_semaphore, #tpu.memory_space<semaphore_mem>>)
      %dma_start3A_223 = arith.constant 1 : i32
      %dma_start3A_224 = arith.constant 128 : i32
      %dma_start3A_225 = arith.constant 0 : i32
      %dma_start3A_226 = tpu.memref_slice %arg12[%dma_start3A_224, %dma_start3A_225] : memref<512x64xf32, #tpu.memory_space<vmem>> -> memref<128x64xf32, #tpu.memory_space<vmem>>
      %dma_start3A_227 = arith.constant 0 : i32
      %dma_start3A_228 = tpu.memref_slice %arg8[%dma_start3A_223, %dma_start3A_227] : memref<4x128xi32, #tpu.memory_space<vmem>> -> memref<1x128xi32, #tpu.memory_space<vmem>>
      %dma_start3A_229 = tpu.memref_squeeze %dma_start3A_228 : memref<1x128xi32, #tpu.memory_space<vmem>> -> memref<128xi32, #tpu.memory_space<vmem>>
      %dma_start3A_230 = arith.constant 0 : i32
      %dma_start3A_231 = arith.constant 0 : i32
      %dma_start3A_232 = tpu.memref_slice %arg2[%dma_start3A_230, %dma_start3A_231] : memref<10240x64xf32, #tpu.memory_space<hbm>> -> memref<10240x64xf32, #tpu.memory_space<hbm>>
      tpu.enqueue_indirect_dma source(%dma_start3A_232 : memref<10240x64xf32, #tpu.memory_space<hbm>>) target(%dma_start3A_226 : memref<128x64xf32, #tpu.memory_space<vmem>>) offsets(%dma_start3A_229 : memref<128xi32, #tpu.memory_space<vmem>>) semaphore(%arg14 : memref<!tpu.dma_semaphore, #tpu.memory_space<semaphore_mem>>)
      %dma_start3A_233 = arith.constant 2 : i32
      %dma_start3A_234 = arith.constant 256 : i32
      %dma_start3A_235 = arith.constant 0 : i32
      %dma_start3A_236 = tpu.memref_slice %arg12[%dma_start3A_234, %dma_start3A_235] : memref<512x64xf32, #tpu.memory_space<vmem>> -> memref<128x64xf32, #tpu.memory_space<vmem>>
      %dma_start3A_237 = arith.constant 0 : i32
      %dma_start3A_238 = tpu.memref_slice %arg8[%dma_start3A_233, %dma_start3A_237] : memref<4x128xi32, #tpu.memory_space<vmem>> -> memref<1x128xi32, #tpu.memory_space<vmem>>
      %dma_start3A_239 = tpu.memref_squeeze %dma_start3A_238 : memref<1x128xi32, #tpu.memory_space<vmem>> -> memref<128xi32, #tpu.memory_space<vmem>>
      %dma_start3A_240 = arith.constant 0 : i32
      %dma_start3A_241 = arith.constant 0 : i32
      %dma_start3A_242 = tpu.memref_slice %arg2[%dma_start3A_240, %dma_start3A_241] : memref<10240x64xf32, #tpu.memory_space<hbm>> -> memref<10240x64xf32, #tpu.memory_space<hbm>>
      tpu.enqueue_indirect_dma source(%dma_start3A_242 : memref<10240x64xf32, #tpu.memory_space<hbm>>) target(%dma_start3A_236 : memref<128x64xf32, #tpu.memory_space<vmem>>) offsets(%dma_start3A_239 : memref<128xi32, #tpu.memory_space<vmem>>) semaphore(%arg14 : memref<!tpu.dma_semaphore, #tpu.memory_space<semaphore_mem>>)
      %dma_start3A_243 = arith.constant 3 : i32
      %dma_start3A_244 = arith.constant 384 : i32
      %dma_start3A_245 = arith.constant 0 : i32
      %dma_start3A_246 = tpu.memref_slice %arg12[%dma_start3A_244, %dma_start3A_245] : memref<512x64xf32, #tpu.memory_space<vmem>> -> memref<128x64xf32, #tpu.memory_space<vmem>>
      %dma_start3A_247 = arith.constant 0 : i32
      %dma_start3A_248 = tpu.memref_slice %arg8[%dma_start3A_243, %dma_start3A_247] : memref<4x128xi32, #tpu.memory_space<vmem>> -> memref<1x128xi32, #tpu.memory_space<vmem>>
      %dma_start3A_249 = tpu.memref_squeeze %dma_start3A_248 : memref<1x128xi32, #tpu.memory_space<vmem>> -> memref<128xi32, #tpu.memory_space<vmem>>
      %dma_start3A_250 = arith.constant 0 : i32
      %dma_start3A_251 = arith.constant 0 : i32
      %dma_start3A_252 = tpu.memref_slice %arg2[%dma_start3A_250, %dma_start3A_251] : memref<10240x64xf32, #tpu.memory_space<hbm>> -> memref<10240x64xf32, #tpu.memory_space<hbm>>
      tpu.enqueue_indirect_dma source(%dma_start3A_252 : memref<10240x64xf32, #tpu.memory_space<hbm>>) target(%dma_start3A_246 : memref<128x64xf32, #tpu.memory_space<vmem>>) offsets(%dma_start3A_249 : memref<128xi32, #tpu.memory_space<vmem>>) semaphore(%arg14 : memref<!tpu.dma_semaphore, #tpu.memory_space<semaphore_mem>>)
      %dma_wait3A = arith.constant 0 : i32
      %dma_wait3A_253 = arith.constant 0 : i32
      %dma_wait3A_254 = tpu.memref_slice %arg11[%dma_wait3A, %dma_wait3A_253] : memref<512x64xf32, #tpu.memory_space<vmem>> -> memref<128x64xf32, #tpu.memory_space<vmem>>
      %dma_wait3A_255 = arith.constant 0 : i32
      %dma_wait3A_256 = tpu.memref_slice %arg7[%while3A_141, %dma_wait3A_255] : memref<4x128xi32, #tpu.memory_space<vmem>> -> memref<1x128xi32, #tpu.memory_space<vmem>>
      %dma_wait3A_257 = tpu.memref_squeeze %dma_wait3A_256 : memref<1x128xi32, #tpu.memory_space<vmem>> -> memref<128xi32, #tpu.memory_space<vmem>>
      %dma_wait3A_258 = arith.constant 0 : i32
      %dma_wait3A_259 = arith.constant 0 : i32
      %dma_wait3A_260 = tpu.memref_slice %arg2[%dma_wait3A_258, %dma_wait3A_259] : memref<10240x64xf32, #tpu.memory_space<hbm>> -> memref<10240x64xf32, #tpu.memory_space<hbm>>
      tpu.wait_indirect_dma semaphore(%arg13 : memref<!tpu.dma_semaphore, #tpu.memory_space<semaphore_mem>>) src(%dma_wait3A_260 : memref<10240x64xf32, #tpu.memory_space<hbm>>) dst(%dma_wait3A_254 : memref<128x64xf32, #tpu.memory_space<vmem>>)
      %dma_wait3A_261 = arith.constant 128 : i32
      %dma_wait3A_262 = arith.constant 0 : i32
      %dma_wait3A_263 = tpu.memref_slice %arg11[%dma_wait3A_261, %dma_wait3A_262] : memref<512x64xf32, #tpu.memory_space<vmem>> -> memref<128x64xf32, #tpu.memory_space<vmem>>
      %dma_wait3A_264 = arith.constant 0 : i32
      %dma_wait3A_265 = tpu.memref_slice %arg7[%while3A_142, %dma_wait3A_264] : memref<4x128xi32, #tpu.memory_space<vmem>> -> memref<1x128xi32, #tpu.memory_space<vmem>>
      %dma_wait3A_266 = tpu.memref_squeeze %dma_wait3A_265 : memref<1x128xi32, #tpu.memory_space<vmem>> -> memref<128xi32, #tpu.memory_space<vmem>>
      %dma_wait3A_267 = arith.constant 0 : i32
      %dma_wait3A_268 = arith.constant 0 : i32
      %dma_wait3A_269 = tpu.memref_slice %arg2[%dma_wait3A_267, %dma_wait3A_268] : memref<10240x64xf32, #tpu.memory_space<hbm>> -> memref<10240x64xf32, #tpu.memory_space<hbm>>
      tpu.wait_indirect_dma semaphore(%arg13 : memref<!tpu.dma_semaphore, #tpu.memory_space<semaphore_mem>>) src(%dma_wait3A_269 : memref<10240x64xf32, #tpu.memory_space<hbm>>) dst(%dma_wait3A_263 : memref<128x64xf32, #tpu.memory_space<vmem>>)
      %dma_wait3A_270 = arith.constant 256 : i32
      %dma_wait3A_271 = arith.constant 0 : i32
      %dma_wait3A_272 = tpu.memref_slice %arg11[%dma_wait3A_270, %dma_wait3A_271] : memref<512x64xf32, #tpu.memory_space<vmem>> -> memref<128x64xf32, #tpu.memory_space<vmem>>
      %dma_wait3A_273 = arith.constant 0 : i32
      %dma_wait3A_274 = tpu.memref_slice %arg7[%while3A_143, %dma_wait3A_273] : memref<4x128xi32, #tpu.memory_space<vmem>> -> memref<1x128xi32, #tpu.memory_space<vmem>>
      %dma_wait3A_275 = tpu.memref_squeeze %dma_wait3A_274 : memref<1x128xi32, #tpu.memory_space<vmem>> -> memref<128xi32, #tpu.memory_space<vmem>>
      %dma_wait3A_276 = arith.constant 0 : i32
      %dma_wait3A_277 = arith.constant 0 : i32
      %dma_wait3A_278 = tpu.memref_slice %arg2[%dma_wait3A_276, %dma_wait3A_277] : memref<10240x64xf32, #tpu.memory_space<hbm>> -> memref<10240x64xf32, #tpu.memory_space<hbm>>
      tpu.wait_indirect_dma semaphore(%arg13 : memref<!tpu.dma_semaphore, #tpu.memory_space<semaphore_mem>>) src(%dma_wait3A_278 : memref<10240x64xf32, #tpu.memory_space<hbm>>) dst(%dma_wait3A_272 : memref<128x64xf32, #tpu.memory_space<vmem>>)
      %dma_wait3A_279 = arith.constant 384 : i32
      %dma_wait3A_280 = arith.constant 0 : i32
      %dma_wait3A_281 = tpu.memref_slice %arg11[%dma_wait3A_279, %dma_wait3A_280] : memref<512x64xf32, #tpu.memory_space<vmem>> -> memref<128x64xf32, #tpu.memory_space<vmem>>
      %dma_wait3A_282 = arith.constant 0 : i32
      %dma_wait3A_283 = tpu.memref_slice %arg7[%while3A_144, %dma_wait3A_282] : memref<4x128xi32, #tpu.memory_space<vmem>> -> memref<1x128xi32, #tpu.memory_space<vmem>>
      %dma_wait3A_284 = tpu.memref_squeeze %dma_wait3A_283 : memref<1x128xi32, #tpu.memory_space<vmem>> -> memref<128xi32, #tpu.memory_space<vmem>>
      %dma_wait3A_285 = arith.constant 0 : i32
      %dma_wait3A_286 = arith.constant 0 : i32
      %dma_wait3A_287 = tpu.memref_slice %arg2[%dma_wait3A_285, %dma_wait3A_286] : memref<10240x64xf32, #tpu.memory_space<hbm>> -> memref<10240x64xf32, #tpu.memory_space<hbm>>
      tpu.wait_indirect_dma semaphore(%arg13 : memref<!tpu.dma_semaphore, #tpu.memory_space<semaphore_mem>>) src(%dma_wait3A_287 : memref<10240x64xf32, #tpu.memory_space<hbm>>) dst(%dma_wait3A_281 : memref<128x64xf32, #tpu.memory_space<vmem>>)
      %run_scoped3A = arith.constant 0 : i32
      "tpu.region"() ({
        %run_scoped3A_338 = tpu.sem_alloc : memref<!tpu.dma_semaphore, #tpu.memory_space<semaphore_mem>>
        %dma_start3A_339 = arith.constant 0 : i32
        %dma_start3A_340 = arith.constant 0 : i32
        %dma_start3A_341 = tpu.memref_slice %arg11[%dma_start3A_339, %dma_start3A_340] : memref<512x64xf32, #tpu.memory_space<vmem>> -> memref<128x64xf32, #tpu.memory_space<vmem>>
        %dma_start3A_342 = arith.constant 0 : i32
        %dma_start3A_343 = tpu.memref_slice %arg9[%run_scoped3A, %dma_start3A_342] : memref<4x128xi32, #tpu.memory_space<vmem>> -> memref<1x128xi32, #tpu.memory_space<vmem>>
        %dma_start3A_344 = tpu.memref_squeeze %dma_start3A_343 : memref<1x128xi32, #tpu.memory_space<vmem>> -> memref<128xi32, #tpu.memory_space<vmem>>
        %dma_start3A_345 = arith.constant 0 : i32
        %dma_start3A_346 = arith.constant 0 : i32
        %dma_start3A_347 = tpu.memref_slice %arg15[%dma_start3A_345, %dma_start3A_346] : memref<10240x64xf32, #tpu.memory_space<vmem_shared>> -> memref<10240x64xf32, #tpu.memory_space<vmem_shared>>
        tpu.enqueue_indirect_dma source(%dma_start3A_341 : memref<128x64xf32, #tpu.memory_space<vmem>>) target(%dma_start3A_347 : memref<10240x64xf32, #tpu.memory_space<vmem_shared>>) offsets(%dma_start3A_344 : memref<128xi32, #tpu.memory_space<vmem>>) semaphore(%run_scoped3A_338 : memref<!tpu.dma_semaphore, #tpu.memory_space<semaphore_mem>>) {add = true}
        %dma_wait3A_348 = arith.constant 0 : i32
        %dma_wait3A_349 = arith.constant 0 : i32
        %dma_wait3A_350 = tpu.memref_slice %arg11[%dma_wait3A_348, %dma_wait3A_349] : memref<512x64xf32, #tpu.memory_space<vmem>> -> memref<128x64xf32, #tpu.memory_space<vmem>>
        %dma_wait3A_351 = arith.constant 0 : i32
        %dma_wait3A_352 = tpu.memref_slice %arg9[%run_scoped3A, %dma_wait3A_351] : memref<4x128xi32, #tpu.memory_space<vmem>> -> memref<1x128xi32, #tpu.memory_space<vmem>>
        %dma_wait3A_353 = tpu.memref_squeeze %dma_wait3A_352 : memref<1x128xi32, #tpu.memory_space<vmem>> -> memref<128xi32, #tpu.memory_space<vmem>>
        %dma_wait3A_354 = arith.constant 0 : i32
        %dma_wait3A_355 = arith.constant 0 : i32
        %dma_wait3A_356 = tpu.memref_slice %arg15[%dma_wait3A_354, %dma_wait3A_355] : memref<10240x64xf32, #tpu.memory_space<vmem_shared>> -> memref<10240x64xf32, #tpu.memory_space<vmem_shared>>
        tpu.wait_indirect_dma semaphore(%run_scoped3A_338 : memref<!tpu.dma_semaphore, #tpu.memory_space<semaphore_mem>>) src(%dma_wait3A_350 : memref<128x64xf32, #tpu.memory_space<vmem>>) dst(%dma_wait3A_356 : memref<10240x64xf32, #tpu.memory_space<vmem_shared>>)
        tpu.yield
      }) : () -> ()
      %run_scoped3A_288 = arith.constant 1 : i32
      "tpu.region"() ({
        %run_scoped3A_338 = tpu.sem_alloc : memref<!tpu.dma_semaphore, #tpu.memory_space<semaphore_mem>>
        %dma_start3A_339 = arith.constant 128 : i32
        %dma_start3A_340 = arith.constant 0 : i32
        %dma_start3A_341 = tpu.memref_slice %arg11[%dma_start3A_339, %dma_start3A_340] : memref<512x64xf32, #tpu.memory_space<vmem>> -> memref<128x64xf32, #tpu.memory_space<vmem>>
        %dma_start3A_342 = arith.constant 0 : i32
        %dma_start3A_343 = tpu.memref_slice %arg9[%run_scoped3A_288, %dma_start3A_342] : memref<4x128xi32, #tpu.memory_space<vmem>> -> memref<1x128xi32, #tpu.memory_space<vmem>>
        %dma_start3A_344 = tpu.memref_squeeze %dma_start3A_343 : memref<1x128xi32, #tpu.memory_space<vmem>> -> memref<128xi32, #tpu.memory_space<vmem>>
        %dma_start3A_345 = arith.constant 0 : i32
        %dma_start3A_346 = arith.constant 0 : i32
        %dma_start3A_347 = tpu.memref_slice %arg15[%dma_start3A_345, %dma_start3A_346] : memref<10240x64xf32, #tpu.memory_space<vmem_shared>> -> memref<10240x64xf32, #tpu.memory_space<vmem_shared>>
        tpu.enqueue_indirect_dma source(%dma_start3A_341 : memref<128x64xf32, #tpu.memory_space<vmem>>) target(%dma_start3A_347 : memref<10240x64xf32, #tpu.memory_space<vmem_shared>>) offsets(%dma_start3A_344 : memref<128xi32, #tpu.memory_space<vmem>>) semaphore(%run_scoped3A_338 : memref<!tpu.dma_semaphore, #tpu.memory_space<semaphore_mem>>) {add = true}
        %dma_wait3A_348 = arith.constant 128 : i32
        %dma_wait3A_349 = arith.constant 0 : i32
        %dma_wait3A_350 = tpu.memref_slice %arg11[%dma_wait3A_348, %dma_wait3A_349] : memref<512x64xf32, #tpu.memory_space<vmem>> -> memref<128x64xf32, #tpu.memory_space<vmem>>
        %dma_wait3A_351 = arith.constant 0 : i32
        %dma_wait3A_352 = tpu.memref_slice %arg9[%run_scoped3A_288, %dma_wait3A_351] : memref<4x128xi32, #tpu.memory_space<vmem>> -> memref<1x128xi32, #tpu.memory_space<vmem>>
        %dma_wait3A_353 = tpu.memref_squeeze %dma_wait3A_352 : memref<1x128xi32, #tpu.memory_space<vmem>> -> memref<128xi32, #tpu.memory_space<vmem>>
        %dma_wait3A_354 = arith.constant 0 : i32
        %dma_wait3A_355 = arith.constant 0 : i32
        %dma_wait3A_356 = tpu.memref_slice %arg15[%dma_wait3A_354, %dma_wait3A_355] : memref<10240x64xf32, #tpu.memory_space<vmem_shared>> -> memref<10240x64xf32, #tpu.memory_space<vmem_shared>>
        tpu.wait_indirect_dma semaphore(%run_scoped3A_338 : memref<!tpu.dma_semaphore, #tpu.memory_space<semaphore_mem>>) src(%dma_wait3A_350 : memref<128x64xf32, #tpu.memory_space<vmem>>) dst(%dma_wait3A_356 : memref<10240x64xf32, #tpu.memory_space<vmem_shared>>)
        tpu.yield
      }) : () -> ()
      %run_scoped3A_289 = arith.constant 2 : i32
      "tpu.region"() ({
        %run_scoped3A_338 = tpu.sem_alloc : memref<!tpu.dma_semaphore, #tpu.memory_space<semaphore_mem>>
        %dma_start3A_339 = arith.constant 256 : i32
        %dma_start3A_340 = arith.constant 0 : i32
        %dma_start3A_341 = tpu.memref_slice %arg11[%dma_start3A_339, %dma_start3A_340] : memref<512x64xf32, #tpu.memory_space<vmem>> -> memref<128x64xf32, #tpu.memory_space<vmem>>
        %dma_start3A_342 = arith.constant 0 : i32
        %dma_start3A_343 = tpu.memref_slice %arg9[%run_scoped3A_289, %dma_start3A_342] : memref<4x128xi32, #tpu.memory_space<vmem>> -> memref<1x128xi32, #tpu.memory_space<vmem>>
        %dma_start3A_344 = tpu.memref_squeeze %dma_start3A_343 : memref<1x128xi32, #tpu.memory_space<vmem>> -> memref<128xi32, #tpu.memory_space<vmem>>
        %dma_start3A_345 = arith.constant 0 : i32
        %dma_start3A_346 = arith.constant 0 : i32
        %dma_start3A_347 = tpu.memref_slice %arg15[%dma_start3A_345, %dma_start3A_346] : memref<10240x64xf32, #tpu.memory_space<vmem_shared>> -> memref<10240x64xf32, #tpu.memory_space<vmem_shared>>
        tpu.enqueue_indirect_dma source(%dma_start3A_341 : memref<128x64xf32, #tpu.memory_space<vmem>>) target(%dma_start3A_347 : memref<10240x64xf32, #tpu.memory_space<vmem_shared>>) offsets(%dma_start3A_344 : memref<128xi32, #tpu.memory_space<vmem>>) semaphore(%run_scoped3A_338 : memref<!tpu.dma_semaphore, #tpu.memory_space<semaphore_mem>>) {add = true}
        %dma_wait3A_348 = arith.constant 256 : i32
        %dma_wait3A_349 = arith.constant 0 : i32
        %dma_wait3A_350 = tpu.memref_slice %arg11[%dma_wait3A_348, %dma_wait3A_349] : memref<512x64xf32, #tpu.memory_space<vmem>> -> memref<128x64xf32, #tpu.memory_space<vmem>>
        %dma_wait3A_351 = arith.constant 0 : i32
        %dma_wait3A_352 = tpu.memref_slice %arg9[%run_scoped3A_289, %dma_wait3A_351] : memref<4x128xi32, #tpu.memory_space<vmem>> -> memref<1x128xi32, #tpu.memory_space<vmem>>
        %dma_wait3A_353 = tpu.memref_squeeze %dma_wait3A_352 : memref<1x128xi32, #tpu.memory_space<vmem>> -> memref<128xi32, #tpu.memory_space<vmem>>
        %dma_wait3A_354 = arith.constant 0 : i32
        %dma_wait3A_355 = arith.constant 0 : i32
        %dma_wait3A_356 = tpu.memref_slice %arg15[%dma_wait3A_354, %dma_wait3A_355] : memref<10240x64xf32, #tpu.memory_space<vmem_shared>> -> memref<10240x64xf32, #tpu.memory_space<vmem_shared>>
        tpu.wait_indirect_dma semaphore(%run_scoped3A_338 : memref<!tpu.dma_semaphore, #tpu.memory_space<semaphore_mem>>) src(%dma_wait3A_350 : memref<128x64xf32, #tpu.memory_space<vmem>>) dst(%dma_wait3A_356 : memref<10240x64xf32, #tpu.memory_space<vmem_shared>>)
        tpu.yield
      }) : () -> ()
      %run_scoped3A_290 = arith.constant 3 : i32
      "tpu.region"() ({
        %run_scoped3A_338 = tpu.sem_alloc : memref<!tpu.dma_semaphore, #tpu.memory_space<semaphore_mem>>
        %dma_start3A_339 = arith.constant 384 : i32
        %dma_start3A_340 = arith.constant 0 : i32
        %dma_start3A_341 = tpu.memref_slice %arg11[%dma_start3A_339, %dma_start3A_340] : memref<512x64xf32, #tpu.memory_space<vmem>> -> memref<128x64xf32, #tpu.memory_space<vmem>>
        %dma_start3A_342 = arith.constant 0 : i32
        %dma_start3A_343 = tpu.memref_slice %arg9[%run_scoped3A_290, %dma_start3A_342] : memref<4x128xi32, #tpu.memory_space<vmem>> -> memref<1x128xi32, #tpu.memory_space<vmem>>
        %dma_start3A_344 = tpu.memref_squeeze %dma_start3A_343 : memref<1x128xi32, #tpu.memory_space<vmem>> -> memref<128xi32, #tpu.memory_space<vmem>>
        %dma_start3A_345 = arith.constant 0 : i32
        %dma_start3A_346 = arith.constant 0 : i32
        %dma_start3A_347 = tpu.memref_slice %arg15[%dma_start3A_345, %dma_start3A_346] : memref<10240x64xf32, #tpu.memory_space<vmem_shared>> -> memref<10240x64xf32, #tpu.memory_space<vmem_shared>>
        tpu.enqueue_indirect_dma source(%dma_start3A_341 : memref<128x64xf32, #tpu.memory_space<vmem>>) target(%dma_start3A_347 : memref<10240x64xf32, #tpu.memory_space<vmem_shared>>) offsets(%dma_start3A_344 : memref<128xi32, #tpu.memory_space<vmem>>) semaphore(%run_scoped3A_338 : memref<!tpu.dma_semaphore, #tpu.memory_space<semaphore_mem>>) {add = true}
        %dma_wait3A_348 = arith.constant 384 : i32
        %dma_wait3A_349 = arith.constant 0 : i32
        %dma_wait3A_350 = tpu.memref_slice %arg11[%dma_wait3A_348, %dma_wait3A_349] : memref<512x64xf32, #tpu.memory_space<vmem>> -> memref<128x64xf32, #tpu.memory_space<vmem>>
        %dma_wait3A_351 = arith.constant 0 : i32
        %dma_wait3A_352 = tpu.memref_slice %arg9[%run_scoped3A_290, %dma_wait3A_351] : memref<4x128xi32, #tpu.memory_space<vmem>> -> memref<1x128xi32, #tpu.memory_space<vmem>>
        %dma_wait3A_353 = tpu.memref_squeeze %dma_wait3A_352 : memref<1x128xi32, #tpu.memory_space<vmem>> -> memref<128xi32, #tpu.memory_space<vmem>>
        %dma_wait3A_354 = arith.constant 0 : i32
        %dma_wait3A_355 = arith.constant 0 : i32
        %dma_wait3A_356 = tpu.memref_slice %arg15[%dma_wait3A_354, %dma_wait3A_355] : memref<10240x64xf32, #tpu.memory_space<vmem_shared>> -> memref<10240x64xf32, #tpu.memory_space<vmem_shared>>
        tpu.wait_indirect_dma semaphore(%run_scoped3A_338 : memref<!tpu.dma_semaphore, #tpu.memory_space<semaphore_mem>>) src(%dma_wait3A_350 : memref<128x64xf32, #tpu.memory_space<vmem>>) dst(%dma_wait3A_356 : memref<10240x64xf32, #tpu.memory_space<vmem_shared>>)
        tpu.yield
      }) : () -> ()
      %add3A_291 = arith.constant 2 : i32
      %add3A_292 = arith.addi %mul3A_169, %add3A_291 : i32
      %lt3A = arith.cmpi slt, %add3A_292, %select_n3A_37 : i32
      %convert_element_type3A = arith.extui %lt3A : i1 to i32
      %cond3A = arith.constant 0 : i32
      %cond3A_293 = arith.cmpi ne, %convert_element_type3A, %cond3A : i32
      scf.if %cond3A_293 {
        %add3A_338 = arith.constant 2 : i32
        %add3A_339 = arith.addi %mul3A_169, %add3A_338 : i32
        %eq3A_340 = arith.constant 0 : i32
        %eq3A_341 = arith.cmpi eq, %arg0, %eq3A_340 : i32
        %jit3A_342 = arith.constant 120 : i32
        %jit3A_343 = arith.constant 40 : i32
        %select_n3A_344 = arith.select %eq3A_341, %jit3A_342, %jit3A_343 : i32
        %eq3A_345 = arith.constant 0 : i32
        %eq3A_346 = arith.cmpi eq, %arg0, %eq3A_345 : i32
        %mul3A_347 = arith.constant 120 : i32
        %mul3A_348 = arith.muli %arg1, %mul3A_347 : i32
        %mul3A_349 = arith.constant 40 : i32
        %mul3A_350 = arith.muli %arg1, %mul3A_349 : i32
        %add3A_351 = arith.constant 1920 : i32
        %add3A_352 = arith.addi %add3A_351, %mul3A_350 : i32
        %select_n3A_353 = arith.select %eq3A_346, %mul3A_348, %add3A_352 : i32
        %mul3A_354 = arith.constant 4 : i32
        %mul3A_355 = arith.muli %add3A_339, %mul3A_354 : i32
        %add3A_356 = arith.addi %select_n3A_353, %mul3A_355 : i32
        %jit3A_357 = arith.constant 4 : i32
        %div3A_358 = arith.divsi %select_n3A_344, %jit3A_357 : i32
        %sign3A_359 = arith.constant 0 : i32
        %sign3A_360 = arith.cmpi sgt, %select_n3A_344, %sign3A_359 : i32
        %sign3A_361 = arith.extui %sign3A_360 : i1 to i32
        %sign3A_362 = arith.constant 0 : i32
        %sign3A_363 = arith.cmpi slt, %select_n3A_344, %sign3A_362 : i32
        %sign3A_364 = arith.extui %sign3A_363 : i1 to i32
        %sign3A_365 = arith.subi %sign3A_361, %sign3A_364 : i32
        %sign3A_366 = arith.constant 0 : i32
        %sign3A_367 = arith.cmpi sgt, %jit3A_357, %sign3A_366 : i32
        %sign3A_368 = arith.extui %sign3A_367 : i1 to i32
        %sign3A_369 = arith.constant 0 : i32
        %sign3A_370 = arith.cmpi slt, %jit3A_357, %sign3A_369 : i32
        %sign3A_371 = arith.extui %sign3A_370 : i1 to i32
        %sign3A_372 = arith.subi %sign3A_368, %sign3A_371 : i32
        %ne3A_373 = arith.cmpi ne, %sign3A_365, %sign3A_372 : i32
        %rem3A_374 = arith.remsi %select_n3A_344, %jit3A_357 : i32
        %ne3A_375 = arith.constant 0 : i32
        %ne3A_376 = arith.cmpi ne, %rem3A_374, %ne3A_375 : i32
        %and3A_377 = arith.andi %ne3A_373, %ne3A_376 : i1
        %sub3A_378 = arith.constant 1 : i32
        %sub3A_379 = arith.subi %div3A_358, %sub3A_378 : i32
        %select_n3A_380 = arith.select %and3A_377, %sub3A_379, %div3A_358 : i32
        "tpu.region"() ({
          %run_scoped3A_421 = tpu.sem_alloc : memref<!tpu.dma_semaphore, #tpu.memory_space<semaphore_mem>>
          %dma_start3A_422 = arith.constant 0 : i32
          %dma_start3A_423 = tpu.memref_slice %arg3[%add3A_356, %dma_start3A_422] : memref<2560x128xi32, #tpu.memory_space<hbm>> -> memref<4x128xi32, #tpu.memory_space<hbm>>
          %dma_start3A_424 = arith.constant 0 : i32
          %dma_start3A_425 = tpu.memref_slice %arg3[%add3A_356, %dma_start3A_424] : memref<2560x128xi32, #tpu.memory_space<hbm>> -> memref<4x128xi32, #tpu.memory_space<hbm>>
          tpu.enqueue_dma source(%dma_start3A_425 : memref<4x128xi32, #tpu.memory_space<hbm>>) target(%arg7 : memref<4x128xi32, #tpu.memory_space<vmem>>) target_semaphore(%run_scoped3A_421 : memref<!tpu.dma_semaphore, #tpu.memory_space<semaphore_mem>>)
          %dma_wait3A_426 = arith.constant 0 : i32
          %dma_wait3A_427 = tpu.memref_slice %arg3[%add3A_356, %dma_wait3A_426] : memref<2560x128xi32, #tpu.memory_space<hbm>> -> memref<4x128xi32, #tpu.memory_space<hbm>>
          %dma_wait3A_428 = arith.constant 0 : i32
          %dma_wait3A_429 = tpu.memref_slice %arg3[%add3A_356, %dma_wait3A_428] : memref<2560x128xi32, #tpu.memory_space<hbm>> -> memref<4x128xi32, #tpu.memory_space<hbm>>
          tpu.wait_dma2 semaphore(%run_scoped3A_421 : memref<!tpu.dma_semaphore, #tpu.memory_space<semaphore_mem>>) src(%dma_wait3A_429 : memref<4x128xi32, #tpu.memory_space<hbm>>) dst(%arg7 : memref<4x128xi32, #tpu.memory_space<vmem>>)
          tpu.yield
        }) : () -> ()
        "tpu.region"() ({
          %run_scoped3A_421 = tpu.sem_alloc : memref<!tpu.dma_semaphore, #tpu.memory_space<semaphore_mem>>
          %dma_start3A_422 = arith.constant 0 : i32
          %dma_start3A_423 = tpu.memref_slice %arg4[%add3A_356, %dma_start3A_422] : memref<2560x128xi32, #tpu.memory_space<hbm>> -> memref<4x128xi32, #tpu.memory_space<hbm>>
          %dma_start3A_424 = arith.constant 0 : i32
          %dma_start3A_425 = tpu.memref_slice %arg4[%add3A_356, %dma_start3A_424] : memref<2560x128xi32, #tpu.memory_space<hbm>> -> memref<4x128xi32, #tpu.memory_space<hbm>>
          tpu.enqueue_dma source(%dma_start3A_425 : memref<4x128xi32, #tpu.memory_space<hbm>>) target(%arg9 : memref<4x128xi32, #tpu.memory_space<vmem>>) target_semaphore(%run_scoped3A_421 : memref<!tpu.dma_semaphore, #tpu.memory_space<semaphore_mem>>)
          %dma_wait3A_426 = arith.constant 0 : i32
          %dma_wait3A_427 = tpu.memref_slice %arg4[%add3A_356, %dma_wait3A_426] : memref<2560x128xi32, #tpu.memory_space<hbm>> -> memref<4x128xi32, #tpu.memory_space<hbm>>
          %dma_wait3A_428 = arith.constant 0 : i32
          %dma_wait3A_429 = tpu.memref_slice %arg4[%add3A_356, %dma_wait3A_428] : memref<2560x128xi32, #tpu.memory_space<hbm>> -> memref<4x128xi32, #tpu.memory_space<hbm>>
          tpu.wait_dma2 semaphore(%run_scoped3A_421 : memref<!tpu.dma_semaphore, #tpu.memory_space<semaphore_mem>>) src(%dma_wait3A_429 : memref<4x128xi32, #tpu.memory_space<hbm>>) dst(%arg9 : memref<4x128xi32, #tpu.memory_space<vmem>>)
          tpu.yield
        }) : () -> ()
        %dma_start3A_381 = arith.constant 0 : i32
        %dma_start3A_382 = arith.constant 0 : i32
        %dma_start3A_383 = arith.constant 0 : i32
        %dma_start3A_384 = tpu.memref_slice %arg11[%dma_start3A_382, %dma_start3A_383] : memref<512x64xf32, #tpu.memory_space<vmem>> -> memref<128x64xf32, #tpu.memory_space<vmem>>
        %dma_start3A_385 = arith.constant 0 : i32
        %dma_start3A_386 = tpu.memref_slice %arg7[%dma_start3A_381, %dma_start3A_385] : memref<4x128xi32, #tpu.memory_space<vmem>> -> memref<1x128xi32, #tpu.memory_space<vmem>>
        %dma_start3A_387 = tpu.memref_squeeze %dma_start3A_386 : memref<1x128xi32, #tpu.memory_space<vmem>> -> memref<128xi32, #tpu.memory_space<vmem>>
        %dma_start3A_388 = arith.constant 0 : i32
        %dma_start3A_389 = arith.constant 0 : i32
        %dma_start3A_390 = tpu.memref_slice %arg2[%dma_start3A_388, %dma_start3A_389] : memref<10240x64xf32, #tpu.memory_space<hbm>> -> memref<10240x64xf32, #tpu.memory_space<hbm>>
        tpu.enqueue_indirect_dma source(%dma_start3A_390 : memref<10240x64xf32, #tpu.memory_space<hbm>>) target(%dma_start3A_384 : memref<128x64xf32, #tpu.memory_space<vmem>>) offsets(%dma_start3A_387 : memref<128xi32, #tpu.memory_space<vmem>>) semaphore(%arg13 : memref<!tpu.dma_semaphore, #tpu.memory_space<semaphore_mem>>)
        %dma_start3A_391 = arith.constant 1 : i32
        %dma_start3A_392 = arith.constant 128 : i32
        %dma_start3A_393 = arith.constant 0 : i32
        %dma_start3A_394 = tpu.memref_slice %arg11[%dma_start3A_392, %dma_start3A_393] : memref<512x64xf32, #tpu.memory_space<vmem>> -> memref<128x64xf32, #tpu.memory_space<vmem>>
        %dma_start3A_395 = arith.constant 0 : i32
        %dma_start3A_396 = tpu.memref_slice %arg7[%dma_start3A_391, %dma_start3A_395] : memref<4x128xi32, #tpu.memory_space<vmem>> -> memref<1x128xi32, #tpu.memory_space<vmem>>
        %dma_start3A_397 = tpu.memref_squeeze %dma_start3A_396 : memref<1x128xi32, #tpu.memory_space<vmem>> -> memref<128xi32, #tpu.memory_space<vmem>>
        %dma_start3A_398 = arith.constant 0 : i32
        %dma_start3A_399 = arith.constant 0 : i32
        %dma_start3A_400 = tpu.memref_slice %arg2[%dma_start3A_398, %dma_start3A_399] : memref<10240x64xf32, #tpu.memory_space<hbm>> -> memref<10240x64xf32, #tpu.memory_space<hbm>>
        tpu.enqueue_indirect_dma source(%dma_start3A_400 : memref<10240x64xf32, #tpu.memory_space<hbm>>) target(%dma_start3A_394 : memref<128x64xf32, #tpu.memory_space<vmem>>) offsets(%dma_start3A_397 : memref<128xi32, #tpu.memory_space<vmem>>) semaphore(%arg13 : memref<!tpu.dma_semaphore, #tpu.memory_space<semaphore_mem>>)
        %dma_start3A_401 = arith.constant 2 : i32
        %dma_start3A_402 = arith.constant 256 : i32
        %dma_start3A_403 = arith.constant 0 : i32
        %dma_start3A_404 = tpu.memref_slice %arg11[%dma_start3A_402, %dma_start3A_403] : memref<512x64xf32, #tpu.memory_space<vmem>> -> memref<128x64xf32, #tpu.memory_space<vmem>>
        %dma_start3A_405 = arith.constant 0 : i32
        %dma_start3A_406 = tpu.memref_slice %arg7[%dma_start3A_401, %dma_start3A_405] : memref<4x128xi32, #tpu.memory_space<vmem>> -> memref<1x128xi32, #tpu.memory_space<vmem>>
        %dma_start3A_407 = tpu.memref_squeeze %dma_start3A_406 : memref<1x128xi32, #tpu.memory_space<vmem>> -> memref<128xi32, #tpu.memory_space<vmem>>
        %dma_start3A_408 = arith.constant 0 : i32
        %dma_start3A_409 = arith.constant 0 : i32
        %dma_start3A_410 = tpu.memref_slice %arg2[%dma_start3A_408, %dma_start3A_409] : memref<10240x64xf32, #tpu.memory_space<hbm>> -> memref<10240x64xf32, #tpu.memory_space<hbm>>
        tpu.enqueue_indirect_dma source(%dma_start3A_410 : memref<10240x64xf32, #tpu.memory_space<hbm>>) target(%dma_start3A_404 : memref<128x64xf32, #tpu.memory_space<vmem>>) offsets(%dma_start3A_407 : memref<128xi32, #tpu.memory_space<vmem>>) semaphore(%arg13 : memref<!tpu.dma_semaphore, #tpu.memory_space<semaphore_mem>>)
        %dma_start3A_411 = arith.constant 3 : i32
        %dma_start3A_412 = arith.constant 384 : i32
        %dma_start3A_413 = arith.constant 0 : i32
        %dma_start3A_414 = tpu.memref_slice %arg11[%dma_start3A_412, %dma_start3A_413] : memref<512x64xf32, #tpu.memory_space<vmem>> -> memref<128x64xf32, #tpu.memory_space<vmem>>
        %dma_start3A_415 = arith.constant 0 : i32
        %dma_start3A_416 = tpu.memref_slice %arg7[%dma_start3A_411, %dma_start3A_415] : memref<4x128xi32, #tpu.memory_space<vmem>> -> memref<1x128xi32, #tpu.memory_space<vmem>>
        %dma_start3A_417 = tpu.memref_squeeze %dma_start3A_416 : memref<1x128xi32, #tpu.memory_space<vmem>> -> memref<128xi32, #tpu.memory_space<vmem>>
        %dma_start3A_418 = arith.constant 0 : i32
        %dma_start3A_419 = arith.constant 0 : i32
        %dma_start3A_420 = tpu.memref_slice %arg2[%dma_start3A_418, %dma_start3A_419] : memref<10240x64xf32, #tpu.memory_space<hbm>> -> memref<10240x64xf32, #tpu.memory_space<hbm>>
        tpu.enqueue_indirect_dma source(%dma_start3A_420 : memref<10240x64xf32, #tpu.memory_space<hbm>>) target(%dma_start3A_414 : memref<128x64xf32, #tpu.memory_space<vmem>>) offsets(%dma_start3A_417 : memref<128xi32, #tpu.memory_space<vmem>>) semaphore(%arg13 : memref<!tpu.dma_semaphore, #tpu.memory_space<semaphore_mem>>)
      } else {
      }
      %dma_wait3A_294 = arith.constant 0 : i32
      %dma_wait3A_295 = arith.constant 0 : i32
      %dma_wait3A_296 = arith.constant 0 : i32
      %dma_wait3A_297 = tpu.memref_slice %arg12[%dma_wait3A_295, %dma_wait3A_296] : memref<512x64xf32, #tpu.memory_space<vmem>> -> memref<128x64xf32, #tpu.memory_space<vmem>>
      %dma_wait3A_298 = arith.constant 0 : i32
      %dma_wait3A_299 = tpu.memref_slice %arg8[%dma_wait3A_294, %dma_wait3A_298] : memref<4x128xi32, #tpu.memory_space<vmem>> -> memref<1x128xi32, #tpu.memory_space<vmem>>
      %dma_wait3A_300 = tpu.memref_squeeze %dma_wait3A_299 : memref<1x128xi32, #tpu.memory_space<vmem>> -> memref<128xi32, #tpu.memory_space<vmem>>
      %dma_wait3A_301 = arith.constant 0 : i32
      %dma_wait3A_302 = arith.constant 0 : i32
      %dma_wait3A_303 = tpu.memref_slice %arg2[%dma_wait3A_301, %dma_wait3A_302] : memref<10240x64xf32, #tpu.memory_space<hbm>> -> memref<10240x64xf32, #tpu.memory_space<hbm>>
      tpu.wait_indirect_dma semaphore(%arg14 : memref<!tpu.dma_semaphore, #tpu.memory_space<semaphore_mem>>) src(%dma_wait3A_303 : memref<10240x64xf32, #tpu.memory_space<hbm>>) dst(%dma_wait3A_297 : memref<128x64xf32, #tpu.memory_space<vmem>>)
      %dma_wait3A_304 = arith.constant 1 : i32
      %dma_wait3A_305 = arith.constant 128 : i32
      %dma_wait3A_306 = arith.constant 0 : i32
      %dma_wait3A_307 = tpu.memref_slice %arg12[%dma_wait3A_305, %dma_wait3A_306] : memref<512x64xf32, #tpu.memory_space<vmem>> -> memref<128x64xf32, #tpu.memory_space<vmem>>
      %dma_wait3A_308 = arith.constant 0 : i32
      %dma_wait3A_309 = tpu.memref_slice %arg8[%dma_wait3A_304, %dma_wait3A_308] : memref<4x128xi32, #tpu.memory_space<vmem>> -> memref<1x128xi32, #tpu.memory_space<vmem>>
      %dma_wait3A_310 = tpu.memref_squeeze %dma_wait3A_309 : memref<1x128xi32, #tpu.memory_space<vmem>> -> memref<128xi32, #tpu.memory_space<vmem>>
      %dma_wait3A_311 = arith.constant 0 : i32
      %dma_wait3A_312 = arith.constant 0 : i32
      %dma_wait3A_313 = tpu.memref_slice %arg2[%dma_wait3A_311, %dma_wait3A_312] : memref<10240x64xf32, #tpu.memory_space<hbm>> -> memref<10240x64xf32, #tpu.memory_space<hbm>>
      tpu.wait_indirect_dma semaphore(%arg14 : memref<!tpu.dma_semaphore, #tpu.memory_space<semaphore_mem>>) src(%dma_wait3A_313 : memref<10240x64xf32, #tpu.memory_space<hbm>>) dst(%dma_wait3A_307 : memref<128x64xf32, #tpu.memory_space<vmem>>)
      %dma_wait3A_314 = arith.constant 2 : i32
      %dma_wait3A_315 = arith.constant 256 : i32
      %dma_wait3A_316 = arith.constant 0 : i32
      %dma_wait3A_317 = tpu.memref_slice %arg12[%dma_wait3A_315, %dma_wait3A_316] : memref<512x64xf32, #tpu.memory_space<vmem>> -> memref<128x64xf32, #tpu.memory_space<vmem>>
      %dma_wait3A_318 = arith.constant 0 : i32
      %dma_wait3A_319 = tpu.memref_slice %arg8[%dma_wait3A_314, %dma_wait3A_318] : memref<4x128xi32, #tpu.memory_space<vmem>> -> memref<1x128xi32, #tpu.memory_space<vmem>>
      %dma_wait3A_320 = tpu.memref_squeeze %dma_wait3A_319 : memref<1x128xi32, #tpu.memory_space<vmem>> -> memref<128xi32, #tpu.memory_space<vmem>>
      %dma_wait3A_321 = arith.constant 0 : i32
      %dma_wait3A_322 = arith.constant 0 : i32
      %dma_wait3A_323 = tpu.memref_slice %arg2[%dma_wait3A_321, %dma_wait3A_322] : memref<10240x64xf32, #tpu.memory_space<hbm>> -> memref<10240x64xf32, #tpu.memory_space<hbm>>
      tpu.wait_indirect_dma semaphore(%arg14 : memref<!tpu.dma_semaphore, #tpu.memory_space<semaphore_mem>>) src(%dma_wait3A_323 : memref<10240x64xf32, #tpu.memory_space<hbm>>) dst(%dma_wait3A_317 : memref<128x64xf32, #tpu.memory_space<vmem>>)
      %dma_wait3A_324 = arith.constant 3 : i32
      %dma_wait3A_325 = arith.constant 384 : i32
      %dma_wait3A_326 = arith.constant 0 : i32
      %dma_wait3A_327 = tpu.memref_slice %arg12[%dma_wait3A_325, %dma_wait3A_326] : memref<512x64xf32, #tpu.memory_space<vmem>> -> memref<128x64xf32, #tpu.memory_space<vmem>>
      %dma_wait3A_328 = arith.constant 0 : i32
      %dma_wait3A_329 = tpu.memref_slice %arg8[%dma_wait3A_324, %dma_wait3A_328] : memref<4x128xi32, #tpu.memory_space<vmem>> -> memref<1x128xi32, #tpu.memory_space<vmem>>
      %dma_wait3A_330 = tpu.memref_squeeze %dma_wait3A_329 : memref<1x128xi32, #tpu.memory_space<vmem>> -> memref<128xi32, #tpu.memory_space<vmem>>
      %dma_wait3A_331 = arith.constant 0 : i32
      %dma_wait3A_332 = arith.constant 0 : i32
      %dma_wait3A_333 = tpu.memref_slice %arg2[%dma_wait3A_331, %dma_wait3A_332] : memref<10240x64xf32, #tpu.memory_space<hbm>> -> memref<10240x64xf32, #tpu.memory_space<hbm>>
      tpu.wait_indirect_dma semaphore(%arg14 : memref<!tpu.dma_semaphore, #tpu.memory_space<semaphore_mem>>) src(%dma_wait3A_333 : memref<10240x64xf32, #tpu.memory_space<hbm>>) dst(%dma_wait3A_327 : memref<128x64xf32, #tpu.memory_space<vmem>>)
      %run_scoped3A_334 = arith.constant 0 : i32
      "tpu.region"() ({
        %run_scoped3A_338 = tpu.sem_alloc : memref<!tpu.dma_semaphore, #tpu.memory_space<semaphore_mem>>
        %dma_start3A_339 = arith.constant 0 : i32
        %dma_start3A_340 = arith.constant 0 : i32
        %dma_start3A_341 = tpu.memref_slice %arg12[%dma_start3A_339, %dma_start3A_340] : memref<512x64xf32, #tpu.memory_space<vmem>> -> memref<128x64xf32, #tpu.memory_space<vmem>>
        %dma_start3A_342 = arith.constant 0 : i32
        %dma_start3A_343 = tpu.memref_slice %arg10[%run_scoped3A_334, %dma_start3A_342] : memref<4x128xi32, #tpu.memory_space<vmem>> -> memref<1x128xi32, #tpu.memory_space<vmem>>
        %dma_start3A_344 = tpu.memref_squeeze %dma_start3A_343 : memref<1x128xi32, #tpu.memory_space<vmem>> -> memref<128xi32, #tpu.memory_space<vmem>>
        %dma_start3A_345 = arith.constant 0 : i32
        %dma_start3A_346 = arith.constant 0 : i32
        %dma_start3A_347 = tpu.memref_slice %arg15[%dma_start3A_345, %dma_start3A_346] : memref<10240x64xf32, #tpu.memory_space<vmem_shared>> -> memref<10240x64xf32, #tpu.memory_space<vmem_shared>>
        tpu.enqueue_indirect_dma source(%dma_start3A_341 : memref<128x64xf32, #tpu.memory_space<vmem>>) target(%dma_start3A_347 : memref<10240x64xf32, #tpu.memory_space<vmem_shared>>) offsets(%dma_start3A_344 : memref<128xi32, #tpu.memory_space<vmem>>) semaphore(%run_scoped3A_338 : memref<!tpu.dma_semaphore, #tpu.memory_space<semaphore_mem>>) {add = true}
        %dma_wait3A_348 = arith.constant 0 : i32
        %dma_wait3A_349 = arith.constant 0 : i32
        %dma_wait3A_350 = tpu.memref_slice %arg12[%dma_wait3A_348, %dma_wait3A_349] : memref<512x64xf32, #tpu.memory_space<vmem>> -> memref<128x64xf32, #tpu.memory_space<vmem>>
        %dma_wait3A_351 = arith.constant 0 : i32
        %dma_wait3A_352 = tpu.memref_slice %arg10[%run_scoped3A_334, %dma_wait3A_351] : memref<4x128xi32, #tpu.memory_space<vmem>> -> memref<1x128xi32, #tpu.memory_space<vmem>>
        %dma_wait3A_353 = tpu.memref_squeeze %dma_wait3A_352 : memref<1x128xi32, #tpu.memory_space<vmem>> -> memref<128xi32, #tpu.memory_space<vmem>>
        %dma_wait3A_354 = arith.constant 0 : i32
        %dma_wait3A_355 = arith.constant 0 : i32
        %dma_wait3A_356 = tpu.memref_slice %arg15[%dma_wait3A_354, %dma_wait3A_355] : memref<10240x64xf32, #tpu.memory_space<vmem_shared>> -> memref<10240x64xf32, #tpu.memory_space<vmem_shared>>
        tpu.wait_indirect_dma semaphore(%run_scoped3A_338 : memref<!tpu.dma_semaphore, #tpu.memory_space<semaphore_mem>>) src(%dma_wait3A_350 : memref<128x64xf32, #tpu.memory_space<vmem>>) dst(%dma_wait3A_356 : memref<10240x64xf32, #tpu.memory_space<vmem_shared>>)
        tpu.yield
      }) : () -> ()
      %run_scoped3A_335 = arith.constant 1 : i32
      "tpu.region"() ({
        %run_scoped3A_338 = tpu.sem_alloc : memref<!tpu.dma_semaphore, #tpu.memory_space<semaphore_mem>>
        %dma_start3A_339 = arith.constant 128 : i32
        %dma_start3A_340 = arith.constant 0 : i32
        %dma_start3A_341 = tpu.memref_slice %arg12[%dma_start3A_339, %dma_start3A_340] : memref<512x64xf32, #tpu.memory_space<vmem>> -> memref<128x64xf32, #tpu.memory_space<vmem>>
        %dma_start3A_342 = arith.constant 0 : i32
        %dma_start3A_343 = tpu.memref_slice %arg10[%run_scoped3A_335, %dma_start3A_342] : memref<4x128xi32, #tpu.memory_space<vmem>> -> memref<1x128xi32, #tpu.memory_space<vmem>>
        %dma_start3A_344 = tpu.memref_squeeze %dma_start3A_343 : memref<1x128xi32, #tpu.memory_space<vmem>> -> memref<128xi32, #tpu.memory_space<vmem>>
        %dma_start3A_345 = arith.constant 0 : i32
        %dma_start3A_346 = arith.constant 0 : i32
        %dma_start3A_347 = tpu.memref_slice %arg15[%dma_start3A_345, %dma_start3A_346] : memref<10240x64xf32, #tpu.memory_space<vmem_shared>> -> memref<10240x64xf32, #tpu.memory_space<vmem_shared>>
        tpu.enqueue_indirect_dma source(%dma_start3A_341 : memref<128x64xf32, #tpu.memory_space<vmem>>) target(%dma_start3A_347 : memref<10240x64xf32, #tpu.memory_space<vmem_shared>>) offsets(%dma_start3A_344 : memref<128xi32, #tpu.memory_space<vmem>>) semaphore(%run_scoped3A_338 : memref<!tpu.dma_semaphore, #tpu.memory_space<semaphore_mem>>) {add = true}
        %dma_wait3A_348 = arith.constant 128 : i32
        %dma_wait3A_349 = arith.constant 0 : i32
        %dma_wait3A_350 = tpu.memref_slice %arg12[%dma_wait3A_348, %dma_wait3A_349] : memref<512x64xf32, #tpu.memory_space<vmem>> -> memref<128x64xf32, #tpu.memory_space<vmem>>
        %dma_wait3A_351 = arith.constant 0 : i32
        %dma_wait3A_352 = tpu.memref_slice %arg10[%run_scoped3A_335, %dma_wait3A_351] : memref<4x128xi32, #tpu.memory_space<vmem>> -> memref<1x128xi32, #tpu.memory_space<vmem>>
        %dma_wait3A_353 = tpu.memref_squeeze %dma_wait3A_352 : memref<1x128xi32, #tpu.memory_space<vmem>> -> memref<128xi32, #tpu.memory_space<vmem>>
        %dma_wait3A_354 = arith.constant 0 : i32
        %dma_wait3A_355 = arith.constant 0 : i32
        %dma_wait3A_356 = tpu.memref_slice %arg15[%dma_wait3A_354, %dma_wait3A_355] : memref<10240x64xf32, #tpu.memory_space<vmem_shared>> -> memref<10240x64xf32, #tpu.memory_space<vmem_shared>>
        tpu.wait_indirect_dma semaphore(%run_scoped3A_338 : memref<!tpu.dma_semaphore, #tpu.memory_space<semaphore_mem>>) src(%dma_wait3A_350 : memref<128x64xf32, #tpu.memory_space<vmem>>) dst(%dma_wait3A_356 : memref<10240x64xf32, #tpu.memory_space<vmem_shared>>)
        tpu.yield
      }) : () -> ()
      %run_scoped3A_336 = arith.constant 2 : i32
      "tpu.region"() ({
        %run_scoped3A_338 = tpu.sem_alloc : memref<!tpu.dma_semaphore, #tpu.memory_space<semaphore_mem>>
        %dma_start3A_339 = arith.constant 256 : i32
        %dma_start3A_340 = arith.constant 0 : i32
        %dma_start3A_341 = tpu.memref_slice %arg12[%dma_start3A_339, %dma_start3A_340] : memref<512x64xf32, #tpu.memory_space<vmem>> -> memref<128x64xf32, #tpu.memory_space<vmem>>
        %dma_start3A_342 = arith.constant 0 : i32
        %dma_start3A_343 = tpu.memref_slice %arg10[%run_scoped3A_336, %dma_start3A_342] : memref<4x128xi32, #tpu.memory_space<vmem>> -> memref<1x128xi32, #tpu.memory_space<vmem>>
        %dma_start3A_344 = tpu.memref_squeeze %dma_start3A_343 : memref<1x128xi32, #tpu.memory_space<vmem>> -> memref<128xi32, #tpu.memory_space<vmem>>
        %dma_start3A_345 = arith.constant 0 : i32
        %dma_start3A_346 = arith.constant 0 : i32
        %dma_start3A_347 = tpu.memref_slice %arg15[%dma_start3A_345, %dma_start3A_346] : memref<10240x64xf32, #tpu.memory_space<vmem_shared>> -> memref<10240x64xf32, #tpu.memory_space<vmem_shared>>
        tpu.enqueue_indirect_dma source(%dma_start3A_341 : memref<128x64xf32, #tpu.memory_space<vmem>>) target(%dma_start3A_347 : memref<10240x64xf32, #tpu.memory_space<vmem_shared>>) offsets(%dma_start3A_344 : memref<128xi32, #tpu.memory_space<vmem>>) semaphore(%run_scoped3A_338 : memref<!tpu.dma_semaphore, #tpu.memory_space<semaphore_mem>>) {add = true}
        %dma_wait3A_348 = arith.constant 256 : i32
        %dma_wait3A_349 = arith.constant 0 : i32
        %dma_wait3A_350 = tpu.memref_slice %arg12[%dma_wait3A_348, %dma_wait3A_349] : memref<512x64xf32, #tpu.memory_space<vmem>> -> memref<128x64xf32, #tpu.memory_space<vmem>>
        %dma_wait3A_351 = arith.constant 0 : i32
        %dma_wait3A_352 = tpu.memref_slice %arg10[%run_scoped3A_336, %dma_wait3A_351] : memref<4x128xi32, #tpu.memory_space<vmem>> -> memref<1x128xi32, #tpu.memory_space<vmem>>
        %dma_wait3A_353 = tpu.memref_squeeze %dma_wait3A_352 : memref<1x128xi32, #tpu.memory_space<vmem>> -> memref<128xi32, #tpu.memory_space<vmem>>
        %dma_wait3A_354 = arith.constant 0 : i32
        %dma_wait3A_355 = arith.constant 0 : i32
        %dma_wait3A_356 = tpu.memref_slice %arg15[%dma_wait3A_354, %dma_wait3A_355] : memref<10240x64xf32, #tpu.memory_space<vmem_shared>> -> memref<10240x64xf32, #tpu.memory_space<vmem_shared>>
        tpu.wait_indirect_dma semaphore(%run_scoped3A_338 : memref<!tpu.dma_semaphore, #tpu.memory_space<semaphore_mem>>) src(%dma_wait3A_350 : memref<128x64xf32, #tpu.memory_space<vmem>>) dst(%dma_wait3A_356 : memref<10240x64xf32, #tpu.memory_space<vmem_shared>>)
        tpu.yield
      }) : () -> ()
      %run_scoped3A_337 = arith.constant 3 : i32
      "tpu.region"() ({
        %run_scoped3A_338 = tpu.sem_alloc : memref<!tpu.dma_semaphore, #tpu.memory_space<semaphore_mem>>
        %dma_start3A_339 = arith.constant 384 : i32
        %dma_start3A_340 = arith.constant 0 : i32
        %dma_start3A_341 = tpu.memref_slice %arg12[%dma_start3A_339, %dma_start3A_340] : memref<512x64xf32, #tpu.memory_space<vmem>> -> memref<128x64xf32, #tpu.memory_space<vmem>>
        %dma_start3A_342 = arith.constant 0 : i32
        %dma_start3A_343 = tpu.memref_slice %arg10[%run_scoped3A_337, %dma_start3A_342] : memref<4x128xi32, #tpu.memory_space<vmem>> -> memref<1x128xi32, #tpu.memory_space<vmem>>
        %dma_start3A_344 = tpu.memref_squeeze %dma_start3A_343 : memref<1x128xi32, #tpu.memory_space<vmem>> -> memref<128xi32, #tpu.memory_space<vmem>>
        %dma_start3A_345 = arith.constant 0 : i32
        %dma_start3A_346 = arith.constant 0 : i32
        %dma_start3A_347 = tpu.memref_slice %arg15[%dma_start3A_345, %dma_start3A_346] : memref<10240x64xf32, #tpu.memory_space<vmem_shared>> -> memref<10240x64xf32, #tpu.memory_space<vmem_shared>>
        tpu.enqueue_indirect_dma source(%dma_start3A_341 : memref<128x64xf32, #tpu.memory_space<vmem>>) target(%dma_start3A_347 : memref<10240x64xf32, #tpu.memory_space<vmem_shared>>) offsets(%dma_start3A_344 : memref<128xi32, #tpu.memory_space<vmem>>) semaphore(%run_scoped3A_338 : memref<!tpu.dma_semaphore, #tpu.memory_space<semaphore_mem>>) {add = true}
        %dma_wait3A_348 = arith.constant 384 : i32
        %dma_wait3A_349 = arith.constant 0 : i32
        %dma_wait3A_350 = tpu.memref_slice %arg12[%dma_wait3A_348, %dma_wait3A_349] : memref<512x64xf32, #tpu.memory_space<vmem>> -> memref<128x64xf32, #tpu.memory_space<vmem>>
        %dma_wait3A_351 = arith.constant 0 : i32
        %dma_wait3A_352 = tpu.memref_slice %arg10[%run_scoped3A_337, %dma_wait3A_351] : memref<4x128xi32, #tpu.memory_space<vmem>> -> memref<1x128xi32, #tpu.memory_space<vmem>>
        %dma_wait3A_353 = tpu.memref_squeeze %dma_wait3A_352 : memref<1x128xi32, #tpu.memory_space<vmem>> -> memref<128xi32, #tpu.memory_space<vmem>>
        %dma_wait3A_354 = arith.constant 0 : i32
        %dma_wait3A_355 = arith.constant 0 : i32
        %dma_wait3A_356 = tpu.memref_slice %arg15[%dma_wait3A_354, %dma_wait3A_355] : memref<10240x64xf32, #tpu.memory_space<vmem_shared>> -> memref<10240x64xf32, #tpu.memory_space<vmem_shared>>
        tpu.wait_indirect_dma semaphore(%run_scoped3A_338 : memref<!tpu.dma_semaphore, #tpu.memory_space<semaphore_mem>>) src(%dma_wait3A_350 : memref<128x64xf32, #tpu.memory_space<vmem>>) dst(%dma_wait3A_356 : memref<10240x64xf32, #tpu.memory_space<vmem_shared>>)
        tpu.yield
      }) : () -> ()
    }
    %while3A_153 = arith.constant 1 : i32
    scf.for %while3A_167 = %while3A_151 to %while3A_147 step %while3A_153  : i32 {
      %mul3A_168 = arith.constant 2 : i32
      %mul3A_169 = arith.muli %while3A_167, %mul3A_168 : i32
      %add3A_170 = arith.constant 1 : i32
      %add3A_171 = arith.addi %mul3A_169, %add3A_170 : i32
      %eq3A_172 = arith.constant 0 : i32
      %eq3A_173 = arith.cmpi eq, %arg0, %eq3A_172 : i32
      %jit3A_174 = arith.constant 120 : i32
      %jit3A_175 = arith.constant 40 : i32
      %select_n3A_176 = arith.select %eq3A_173, %jit3A_174, %jit3A_175 : i32
      %eq3A_177 = arith.constant 0 : i32
      %eq3A_178 = arith.cmpi eq, %arg0, %eq3A_177 : i32
      %mul3A_179 = arith.constant 120 : i32
      %mul3A_180 = arith.muli %arg1, %mul3A_179 : i32
      %mul3A_181 = arith.constant 40 : i32
      %mul3A_182 = arith.muli %arg1, %mul3A_181 : i32
      %add3A_183 = arith.constant 1920 : i32
      %add3A_184 = arith.addi %add3A_183, %mul3A_182 : i32
      %select_n3A_185 = arith.select %eq3A_178, %mul3A_180, %add3A_184 : i32
      %mul3A_186 = arith.constant 4 : i32
      %mul3A_187 = arith.muli %add3A_171, %mul3A_186 : i32
      %add3A_188 = arith.addi %select_n3A_185, %mul3A_187 : i32
      %jit3A_189 = arith.constant 4 : i32
      %div3A_190 = arith.divsi %select_n3A_176, %jit3A_189 : i32
      %sign3A_191 = arith.constant 0 : i32
      %sign3A_192 = arith.cmpi sgt, %select_n3A_176, %sign3A_191 : i32
      %sign3A_193 = arith.extui %sign3A_192 : i1 to i32
      %sign3A_194 = arith.constant 0 : i32
      %sign3A_195 = arith.cmpi slt, %select_n3A_176, %sign3A_194 : i32
      %sign3A_196 = arith.extui %sign3A_195 : i1 to i32
      %sign3A_197 = arith.subi %sign3A_193, %sign3A_196 : i32
      %sign3A_198 = arith.constant 0 : i32
      %sign3A_199 = arith.cmpi sgt, %jit3A_189, %sign3A_198 : i32
      %sign3A_200 = arith.extui %sign3A_199 : i1 to i32
      %sign3A_201 = arith.constant 0 : i32
      %sign3A_202 = arith.cmpi slt, %jit3A_189, %sign3A_201 : i32
      %sign3A_203 = arith.extui %sign3A_202 : i1 to i32
      %sign3A_204 = arith.subi %sign3A_200, %sign3A_203 : i32
      %ne3A_205 = arith.cmpi ne, %sign3A_197, %sign3A_204 : i32
      %rem3A_206 = arith.remsi %select_n3A_176, %jit3A_189 : i32
      %ne3A_207 = arith.constant 0 : i32
      %ne3A_208 = arith.cmpi ne, %rem3A_206, %ne3A_207 : i32
      %and3A_209 = arith.andi %ne3A_205, %ne3A_208 : i1
      %sub3A_210 = arith.constant 1 : i32
      %sub3A_211 = arith.subi %div3A_190, %sub3A_210 : i32
      %select_n3A_212 = arith.select %and3A_209, %sub3A_211, %div3A_190 : i32
      "tpu.region"() ({
        %run_scoped3A_338 = tpu.sem_alloc : memref<!tpu.dma_semaphore, #tpu.memory_space<semaphore_mem>>
        %dma_start3A_339 = arith.constant 0 : i32
        %dma_start3A_340 = tpu.memref_slice %arg3[%add3A_188, %dma_start3A_339] : memref<2560x128xi32, #tpu.memory_space<hbm>> -> memref<4x128xi32, #tpu.memory_space<hbm>>
        %dma_start3A_341 = arith.constant 0 : i32
        %dma_start3A_342 = tpu.memref_slice %arg3[%add3A_188, %dma_start3A_341] : memref<2560x128xi32, #tpu.memory_space<hbm>> -> memref<4x128xi32, #tpu.memory_space<hbm>>
        tpu.enqueue_dma source(%dma_start3A_342 : memref<4x128xi32, #tpu.memory_space<hbm>>) target(%arg8 : memref<4x128xi32, #tpu.memory_space<vmem>>) target_semaphore(%run_scoped3A_338 : memref<!tpu.dma_semaphore, #tpu.memory_space<semaphore_mem>>)
        %dma_wait3A_343 = arith.constant 0 : i32
        %dma_wait3A_344 = tpu.memref_slice %arg3[%add3A_188, %dma_wait3A_343] : memref<2560x128xi32, #tpu.memory_space<hbm>> -> memref<4x128xi32, #tpu.memory_space<hbm>>
        %dma_wait3A_345 = arith.constant 0 : i32
        %dma_wait3A_346 = tpu.memref_slice %arg3[%add3A_188, %dma_wait3A_345] : memref<2560x128xi32, #tpu.memory_space<hbm>> -> memref<4x128xi32, #tpu.memory_space<hbm>>
        tpu.wait_dma2 semaphore(%run_scoped3A_338 : memref<!tpu.dma_semaphore, #tpu.memory_space<semaphore_mem>>) src(%dma_wait3A_346 : memref<4x128xi32, #tpu.memory_space<hbm>>) dst(%arg8 : memref<4x128xi32, #tpu.memory_space<vmem>>)
        tpu.yield
      }) : () -> ()
      "tpu.region"() ({
        %run_scoped3A_338 = tpu.sem_alloc : memref<!tpu.dma_semaphore, #tpu.memory_space<semaphore_mem>>
        %dma_start3A_339 = arith.constant 0 : i32
        %dma_start3A_340 = tpu.memref_slice %arg4[%add3A_188, %dma_start3A_339] : memref<2560x128xi32, #tpu.memory_space<hbm>> -> memref<4x128xi32, #tpu.memory_space<hbm>>
        %dma_start3A_341 = arith.constant 0 : i32
        %dma_start3A_342 = tpu.memref_slice %arg4[%add3A_188, %dma_start3A_341] : memref<2560x128xi32, #tpu.memory_space<hbm>> -> memref<4x128xi32, #tpu.memory_space<hbm>>
        tpu.enqueue_dma source(%dma_start3A_342 : memref<4x128xi32, #tpu.memory_space<hbm>>) target(%arg10 : memref<4x128xi32, #tpu.memory_space<vmem>>) target_semaphore(%run_scoped3A_338 : memref<!tpu.dma_semaphore, #tpu.memory_space<semaphore_mem>>)
        %dma_wait3A_343 = arith.constant 0 : i32
        %dma_wait3A_344 = tpu.memref_slice %arg4[%add3A_188, %dma_wait3A_343] : memref<2560x128xi32, #tpu.memory_space<hbm>> -> memref<4x128xi32, #tpu.memory_space<hbm>>
        %dma_wait3A_345 = arith.constant 0 : i32
        %dma_wait3A_346 = tpu.memref_slice %arg4[%add3A_188, %dma_wait3A_345] : memref<2560x128xi32, #tpu.memory_space<hbm>> -> memref<4x128xi32, #tpu.memory_space<hbm>>
        tpu.wait_dma2 semaphore(%run_scoped3A_338 : memref<!tpu.dma_semaphore, #tpu.memory_space<semaphore_mem>>) src(%dma_wait3A_346 : memref<4x128xi32, #tpu.memory_space<hbm>>) dst(%arg10 : memref<4x128xi32, #tpu.memory_space<vmem>>)
        tpu.yield
      }) : () -> ()
      %dma_start3A_213 = arith.constant 0 : i32
      %dma_start3A_214 = arith.constant 0 : i32
      %dma_start3A_215 = arith.constant 0 : i32
      %dma_start3A_216 = tpu.memref_slice %arg12[%dma_start3A_214, %dma_start3A_215] : memref<512x64xf32, #tpu.memory_space<vmem>> -> memref<128x64xf32, #tpu.memory_space<vmem>>
      %dma_start3A_217 = arith.constant 0 : i32
      %dma_start3A_218 = tpu.memref_slice %arg8[%dma_start3A_213, %dma_start3A_217] : memref<4x128xi32, #tpu.memory_space<vmem>> -> memref<1x128xi32, #tpu.memory_space<vmem>>
      %dma_start3A_219 = tpu.memref_squeeze %dma_start3A_218 : memref<1x128xi32, #tpu.memory_space<vmem>> -> memref<128xi32, #tpu.memory_space<vmem>>
      %dma_start3A_220 = arith.constant 0 : i32
      %dma_start3A_221 = arith.constant 0 : i32
      %dma_start3A_222 = tpu.memref_slice %arg2[%dma_start3A_220, %dma_start3A_221] : memref<10240x64xf32, #tpu.memory_space<hbm>> -> memref<10240x64xf32, #tpu.memory_space<hbm>>
      tpu.enqueue_indirect_dma source(%dma_start3A_222 : memref<10240x64xf32, #tpu.memory_space<hbm>>) target(%dma_start3A_216 : memref<128x64xf32, #tpu.memory_space<vmem>>) offsets(%dma_start3A_219 : memref<128xi32, #tpu.memory_space<vmem>>) semaphore(%arg14 : memref<!tpu.dma_semaphore, #tpu.memory_space<semaphore_mem>>)
      %dma_start3A_223 = arith.constant 1 : i32
      %dma_start3A_224 = arith.constant 128 : i32
      %dma_start3A_225 = arith.constant 0 : i32
      %dma_start3A_226 = tpu.memref_slice %arg12[%dma_start3A_224, %dma_start3A_225] : memref<512x64xf32, #tpu.memory_space<vmem>> -> memref<128x64xf32, #tpu.memory_space<vmem>>
      %dma_start3A_227 = arith.constant 0 : i32
      %dma_start3A_228 = tpu.memref_slice %arg8[%dma_start3A_223, %dma_start3A_227] : memref<4x128xi32, #tpu.memory_space<vmem>> -> memref<1x128xi32, #tpu.memory_space<vmem>>
      %dma_start3A_229 = tpu.memref_squeeze %dma_start3A_228 : memref<1x128xi32, #tpu.memory_space<vmem>> -> memref<128xi32, #tpu.memory_space<vmem>>
      %dma_start3A_230 = arith.constant 0 : i32
      %dma_start3A_231 = arith.constant 0 : i32
      %dma_start3A_232 = tpu.memref_slice %arg2[%dma_start3A_230, %dma_start3A_231] : memref<10240x64xf32, #tpu.memory_space<hbm>> -> memref<10240x64xf32, #tpu.memory_space<hbm>>
      tpu.enqueue_indirect_dma source(%dma_start3A_232 : memref<10240x64xf32, #tpu.memory_space<hbm>>) target(%dma_start3A_226 : memref<128x64xf32, #tpu.memory_space<vmem>>) offsets(%dma_start3A_229 : memref<128xi32, #tpu.memory_space<vmem>>) semaphore(%arg14 : memref<!tpu.dma_semaphore, #tpu.memory_space<semaphore_mem>>)
      %dma_start3A_233 = arith.constant 2 : i32
      %dma_start3A_234 = arith.constant 256 : i32
      %dma_start3A_235 = arith.constant 0 : i32
      %dma_start3A_236 = tpu.memref_slice %arg12[%dma_start3A_234, %dma_start3A_235] : memref<512x64xf32, #tpu.memory_space<vmem>> -> memref<128x64xf32, #tpu.memory_space<vmem>>
      %dma_start3A_237 = arith.constant 0 : i32
      %dma_start3A_238 = tpu.memref_slice %arg8[%dma_start3A_233, %dma_start3A_237] : memref<4x128xi32, #tpu.memory_space<vmem>> -> memref<1x128xi32, #tpu.memory_space<vmem>>
      %dma_start3A_239 = tpu.memref_squeeze %dma_start3A_238 : memref<1x128xi32, #tpu.memory_space<vmem>> -> memref<128xi32, #tpu.memory_space<vmem>>
      %dma_start3A_240 = arith.constant 0 : i32
      %dma_start3A_241 = arith.constant 0 : i32
      %dma_start3A_242 = tpu.memref_slice %arg2[%dma_start3A_240, %dma_start3A_241] : memref<10240x64xf32, #tpu.memory_space<hbm>> -> memref<10240x64xf32, #tpu.memory_space<hbm>>
      tpu.enqueue_indirect_dma source(%dma_start3A_242 : memref<10240x64xf32, #tpu.memory_space<hbm>>) target(%dma_start3A_236 : memref<128x64xf32, #tpu.memory_space<vmem>>) offsets(%dma_start3A_239 : memref<128xi32, #tpu.memory_space<vmem>>) semaphore(%arg14 : memref<!tpu.dma_semaphore, #tpu.memory_space<semaphore_mem>>)
      %dma_start3A_243 = arith.constant 3 : i32
      %dma_start3A_244 = arith.constant 384 : i32
      %dma_start3A_245 = arith.constant 0 : i32
      %dma_start3A_246 = tpu.memref_slice %arg12[%dma_start3A_244, %dma_start3A_245] : memref<512x64xf32, #tpu.memory_space<vmem>> -> memref<128x64xf32, #tpu.memory_space<vmem>>
      %dma_start3A_247 = arith.constant 0 : i32
      %dma_start3A_248 = tpu.memref_slice %arg8[%dma_start3A_243, %dma_start3A_247] : memref<4x128xi32, #tpu.memory_space<vmem>> -> memref<1x128xi32, #tpu.memory_space<vmem>>
      %dma_start3A_249 = tpu.memref_squeeze %dma_start3A_248 : memref<1x128xi32, #tpu.memory_space<vmem>> -> memref<128xi32, #tpu.memory_space<vmem>>
      %dma_start3A_250 = arith.constant 0 : i32
      %dma_start3A_251 = arith.constant 0 : i32
      %dma_start3A_252 = tpu.memref_slice %arg2[%dma_start3A_250, %dma_start3A_251] : memref<10240x64xf32, #tpu.memory_space<hbm>> -> memref<10240x64xf32, #tpu.memory_space<hbm>>
      tpu.enqueue_indirect_dma source(%dma_start3A_252 : memref<10240x64xf32, #tpu.memory_space<hbm>>) target(%dma_start3A_246 : memref<128x64xf32, #tpu.memory_space<vmem>>) offsets(%dma_start3A_249 : memref<128xi32, #tpu.memory_space<vmem>>) semaphore(%arg14 : memref<!tpu.dma_semaphore, #tpu.memory_space<semaphore_mem>>)
      %dma_wait3A = arith.constant 0 : i32
      %dma_wait3A_253 = arith.constant 0 : i32
      %dma_wait3A_254 = tpu.memref_slice %arg11[%dma_wait3A, %dma_wait3A_253] : memref<512x64xf32, #tpu.memory_space<vmem>> -> memref<128x64xf32, #tpu.memory_space<vmem>>
      %dma_wait3A_255 = arith.constant 0 : i32
      %dma_wait3A_256 = tpu.memref_slice %arg7[%while3A_141, %dma_wait3A_255] : memref<4x128xi32, #tpu.memory_space<vmem>> -> memref<1x128xi32, #tpu.memory_space<vmem>>
      %dma_wait3A_257 = tpu.memref_squeeze %dma_wait3A_256 : memref<1x128xi32, #tpu.memory_space<vmem>> -> memref<128xi32, #tpu.memory_space<vmem>>
      %dma_wait3A_258 = arith.constant 0 : i32
      %dma_wait3A_259 = arith.constant 0 : i32
      %dma_wait3A_260 = tpu.memref_slice %arg2[%dma_wait3A_258, %dma_wait3A_259] : memref<10240x64xf32, #tpu.memory_space<hbm>> -> memref<10240x64xf32, #tpu.memory_space<hbm>>
      tpu.wait_indirect_dma semaphore(%arg13 : memref<!tpu.dma_semaphore, #tpu.memory_space<semaphore_mem>>) src(%dma_wait3A_260 : memref<10240x64xf32, #tpu.memory_space<hbm>>) dst(%dma_wait3A_254 : memref<128x64xf32, #tpu.memory_space<vmem>>)
      %dma_wait3A_261 = arith.constant 128 : i32
      %dma_wait3A_262 = arith.constant 0 : i32
      %dma_wait3A_263 = tpu.memref_slice %arg11[%dma_wait3A_261, %dma_wait3A_262] : memref<512x64xf32, #tpu.memory_space<vmem>> -> memref<128x64xf32, #tpu.memory_space<vmem>>
      %dma_wait3A_264 = arith.constant 0 : i32
      %dma_wait3A_265 = tpu.memref_slice %arg7[%while3A_142, %dma_wait3A_264] : memref<4x128xi32, #tpu.memory_space<vmem>> -> memref<1x128xi32, #tpu.memory_space<vmem>>
      %dma_wait3A_266 = tpu.memref_squeeze %dma_wait3A_265 : memref<1x128xi32, #tpu.memory_space<vmem>> -> memref<128xi32, #tpu.memory_space<vmem>>
      %dma_wait3A_267 = arith.constant 0 : i32
      %dma_wait3A_268 = arith.constant 0 : i32
      %dma_wait3A_269 = tpu.memref_slice %arg2[%dma_wait3A_267, %dma_wait3A_268] : memref<10240x64xf32, #tpu.memory_space<hbm>> -> memref<10240x64xf32, #tpu.memory_space<hbm>>
      tpu.wait_indirect_dma semaphore(%arg13 : memref<!tpu.dma_semaphore, #tpu.memory_space<semaphore_mem>>) src(%dma_wait3A_269 : memref<10240x64xf32, #tpu.memory_space<hbm>>) dst(%dma_wait3A_263 : memref<128x64xf32, #tpu.memory_space<vmem>>)
      %dma_wait3A_270 = arith.constant 256 : i32
      %dma_wait3A_271 = arith.constant 0 : i32
      %dma_wait3A_272 = tpu.memref_slice %arg11[%dma_wait3A_270, %dma_wait3A_271] : memref<512x64xf32, #tpu.memory_space<vmem>> -> memref<128x64xf32, #tpu.memory_space<vmem>>
      %dma_wait3A_273 = arith.constant 0 : i32
      %dma_wait3A_274 = tpu.memref_slice %arg7[%while3A_143, %dma_wait3A_273] : memref<4x128xi32, #tpu.memory_space<vmem>> -> memref<1x128xi32, #tpu.memory_space<vmem>>
      %dma_wait3A_275 = tpu.memref_squeeze %dma_wait3A_274 : memref<1x128xi32, #tpu.memory_space<vmem>> -> memref<128xi32, #tpu.memory_space<vmem>>
      %dma_wait3A_276 = arith.constant 0 : i32
      %dma_wait3A_277 = arith.constant 0 : i32
      %dma_wait3A_278 = tpu.memref_slice %arg2[%dma_wait3A_276, %dma_wait3A_277] : memref<10240x64xf32, #tpu.memory_space<hbm>> -> memref<10240x64xf32, #tpu.memory_space<hbm>>
      tpu.wait_indirect_dma semaphore(%arg13 : memref<!tpu.dma_semaphore, #tpu.memory_space<semaphore_mem>>) src(%dma_wait3A_278 : memref<10240x64xf32, #tpu.memory_space<hbm>>) dst(%dma_wait3A_272 : memref<128x64xf32, #tpu.memory_space<vmem>>)
      %dma_wait3A_279 = arith.constant 384 : i32
      %dma_wait3A_280 = arith.constant 0 : i32
      %dma_wait3A_281 = tpu.memref_slice %arg11[%dma_wait3A_279, %dma_wait3A_280] : memref<512x64xf32, #tpu.memory_space<vmem>> -> memref<128x64xf32, #tpu.memory_space<vmem>>
      %dma_wait3A_282 = arith.constant 0 : i32
      %dma_wait3A_283 = tpu.memref_slice %arg7[%while3A_144, %dma_wait3A_282] : memref<4x128xi32, #tpu.memory_space<vmem>> -> memref<1x128xi32, #tpu.memory_space<vmem>>
      %dma_wait3A_284 = tpu.memref_squeeze %dma_wait3A_283 : memref<1x128xi32, #tpu.memory_space<vmem>> -> memref<128xi32, #tpu.memory_space<vmem>>
      %dma_wait3A_285 = arith.constant 0 : i32
      %dma_wait3A_286 = arith.constant 0 : i32
      %dma_wait3A_287 = tpu.memref_slice %arg2[%dma_wait3A_285, %dma_wait3A_286] : memref<10240x64xf32, #tpu.memory_space<hbm>> -> memref<10240x64xf32, #tpu.memory_space<hbm>>
      tpu.wait_indirect_dma semaphore(%arg13 : memref<!tpu.dma_semaphore, #tpu.memory_space<semaphore_mem>>) src(%dma_wait3A_287 : memref<10240x64xf32, #tpu.memory_space<hbm>>) dst(%dma_wait3A_281 : memref<128x64xf32, #tpu.memory_space<vmem>>)
      %run_scoped3A = arith.constant 0 : i32
      "tpu.region"() ({
        %run_scoped3A_338 = tpu.sem_alloc : memref<!tpu.dma_semaphore, #tpu.memory_space<semaphore_mem>>
        %dma_start3A_339 = arith.constant 0 : i32
        %dma_start3A_340 = arith.constant 0 : i32
        %dma_start3A_341 = tpu.memref_slice %arg11[%dma_start3A_339, %dma_start3A_340] : memref<512x64xf32, #tpu.memory_space<vmem>> -> memref<128x64xf32, #tpu.memory_space<vmem>>
        %dma_start3A_342 = arith.constant 0 : i32
        %dma_start3A_343 = tpu.memref_slice %arg9[%run_scoped3A, %dma_start3A_342] : memref<4x128xi32, #tpu.memory_space<vmem>> -> memref<1x128xi32, #tpu.memory_space<vmem>>
        %dma_start3A_344 = tpu.memref_squeeze %dma_start3A_343 : memref<1x128xi32, #tpu.memory_space<vmem>> -> memref<128xi32, #tpu.memory_space<vmem>>
        %dma_start3A_345 = arith.constant 0 : i32
        %dma_start3A_346 = arith.constant 0 : i32
        %dma_start3A_347 = tpu.memref_slice %arg15[%dma_start3A_345, %dma_start3A_346] : memref<10240x64xf32, #tpu.memory_space<vmem_shared>> -> memref<10240x64xf32, #tpu.memory_space<vmem_shared>>
        tpu.enqueue_indirect_dma source(%dma_start3A_341 : memref<128x64xf32, #tpu.memory_space<vmem>>) target(%dma_start3A_347 : memref<10240x64xf32, #tpu.memory_space<vmem_shared>>) offsets(%dma_start3A_344 : memref<128xi32, #tpu.memory_space<vmem>>) semaphore(%run_scoped3A_338 : memref<!tpu.dma_semaphore, #tpu.memory_space<semaphore_mem>>) {add = true}
        %dma_wait3A_348 = arith.constant 0 : i32
        %dma_wait3A_349 = arith.constant 0 : i32
        %dma_wait3A_350 = tpu.memref_slice %arg11[%dma_wait3A_348, %dma_wait3A_349] : memref<512x64xf32, #tpu.memory_space<vmem>> -> memref<128x64xf32, #tpu.memory_space<vmem>>
        %dma_wait3A_351 = arith.constant 0 : i32
        %dma_wait3A_352 = tpu.memref_slice %arg9[%run_scoped3A, %dma_wait3A_351] : memref<4x128xi32, #tpu.memory_space<vmem>> -> memref<1x128xi32, #tpu.memory_space<vmem>>
        %dma_wait3A_353 = tpu.memref_squeeze %dma_wait3A_352 : memref<1x128xi32, #tpu.memory_space<vmem>> -> memref<128xi32, #tpu.memory_space<vmem>>
        %dma_wait3A_354 = arith.constant 0 : i32
        %dma_wait3A_355 = arith.constant 0 : i32
        %dma_wait3A_356 = tpu.memref_slice %arg15[%dma_wait3A_354, %dma_wait3A_355] : memref<10240x64xf32, #tpu.memory_space<vmem_shared>> -> memref<10240x64xf32, #tpu.memory_space<vmem_shared>>
        tpu.wait_indirect_dma semaphore(%run_scoped3A_338 : memref<!tpu.dma_semaphore, #tpu.memory_space<semaphore_mem>>) src(%dma_wait3A_350 : memref<128x64xf32, #tpu.memory_space<vmem>>) dst(%dma_wait3A_356 : memref<10240x64xf32, #tpu.memory_space<vmem_shared>>)
        tpu.yield
      }) : () -> ()
      %run_scoped3A_288 = arith.constant 1 : i32
      "tpu.region"() ({
        %run_scoped3A_338 = tpu.sem_alloc : memref<!tpu.dma_semaphore, #tpu.memory_space<semaphore_mem>>
        %dma_start3A_339 = arith.constant 128 : i32
        %dma_start3A_340 = arith.constant 0 : i32
        %dma_start3A_341 = tpu.memref_slice %arg11[%dma_start3A_339, %dma_start3A_340] : memref<512x64xf32, #tpu.memory_space<vmem>> -> memref<128x64xf32, #tpu.memory_space<vmem>>
        %dma_start3A_342 = arith.constant 0 : i32
        %dma_start3A_343 = tpu.memref_slice %arg9[%run_scoped3A_288, %dma_start3A_342] : memref<4x128xi32, #tpu.memory_space<vmem>> -> memref<1x128xi32, #tpu.memory_space<vmem>>
        %dma_start3A_344 = tpu.memref_squeeze %dma_start3A_343 : memref<1x128xi32, #tpu.memory_space<vmem>> -> memref<128xi32, #tpu.memory_space<vmem>>
        %dma_start3A_345 = arith.constant 0 : i32
        %dma_start3A_346 = arith.constant 0 : i32
        %dma_start3A_347 = tpu.memref_slice %arg15[%dma_start3A_345, %dma_start3A_346] : memref<10240x64xf32, #tpu.memory_space<vmem_shared>> -> memref<10240x64xf32, #tpu.memory_space<vmem_shared>>
        tpu.enqueue_indirect_dma source(%dma_start3A_341 : memref<128x64xf32, #tpu.memory_space<vmem>>) target(%dma_start3A_347 : memref<10240x64xf32, #tpu.memory_space<vmem_shared>>) offsets(%dma_start3A_344 : memref<128xi32, #tpu.memory_space<vmem>>) semaphore(%run_scoped3A_338 : memref<!tpu.dma_semaphore, #tpu.memory_space<semaphore_mem>>) {add = true}
        %dma_wait3A_348 = arith.constant 128 : i32
        %dma_wait3A_349 = arith.constant 0 : i32
        %dma_wait3A_350 = tpu.memref_slice %arg11[%dma_wait3A_348, %dma_wait3A_349] : memref<512x64xf32, #tpu.memory_space<vmem>> -> memref<128x64xf32, #tpu.memory_space<vmem>>
        %dma_wait3A_351 = arith.constant 0 : i32
        %dma_wait3A_352 = tpu.memref_slice %arg9[%run_scoped3A_288, %dma_wait3A_351] : memref<4x128xi32, #tpu.memory_space<vmem>> -> memref<1x128xi32, #tpu.memory_space<vmem>>
        %dma_wait3A_353 = tpu.memref_squeeze %dma_wait3A_352 : memref<1x128xi32, #tpu.memory_space<vmem>> -> memref<128xi32, #tpu.memory_space<vmem>>
        %dma_wait3A_354 = arith.constant 0 : i32
        %dma_wait3A_355 = arith.constant 0 : i32
        %dma_wait3A_356 = tpu.memref_slice %arg15[%dma_wait3A_354, %dma_wait3A_355] : memref<10240x64xf32, #tpu.memory_space<vmem_shared>> -> memref<10240x64xf32, #tpu.memory_space<vmem_shared>>
        tpu.wait_indirect_dma semaphore(%run_scoped3A_338 : memref<!tpu.dma_semaphore, #tpu.memory_space<semaphore_mem>>) src(%dma_wait3A_350 : memref<128x64xf32, #tpu.memory_space<vmem>>) dst(%dma_wait3A_356 : memref<10240x64xf32, #tpu.memory_space<vmem_shared>>)
        tpu.yield
      }) : () -> ()
      %run_scoped3A_289 = arith.constant 2 : i32
      "tpu.region"() ({
        %run_scoped3A_338 = tpu.sem_alloc : memref<!tpu.dma_semaphore, #tpu.memory_space<semaphore_mem>>
        %dma_start3A_339 = arith.constant 256 : i32
        %dma_start3A_340 = arith.constant 0 : i32
        %dma_start3A_341 = tpu.memref_slice %arg11[%dma_start3A_339, %dma_start3A_340] : memref<512x64xf32, #tpu.memory_space<vmem>> -> memref<128x64xf32, #tpu.memory_space<vmem>>
        %dma_start3A_342 = arith.constant 0 : i32
        %dma_start3A_343 = tpu.memref_slice %arg9[%run_scoped3A_289, %dma_start3A_342] : memref<4x128xi32, #tpu.memory_space<vmem>> -> memref<1x128xi32, #tpu.memory_space<vmem>>
        %dma_start3A_344 = tpu.memref_squeeze %dma_start3A_343 : memref<1x128xi32, #tpu.memory_space<vmem>> -> memref<128xi32, #tpu.memory_space<vmem>>
        %dma_start3A_345 = arith.constant 0 : i32
        %dma_start3A_346 = arith.constant 0 : i32
        %dma_start3A_347 = tpu.memref_slice %arg15[%dma_start3A_345, %dma_start3A_346] : memref<10240x64xf32, #tpu.memory_space<vmem_shared>> -> memref<10240x64xf32, #tpu.memory_space<vmem_shared>>
        tpu.enqueue_indirect_dma source(%dma_start3A_341 : memref<128x64xf32, #tpu.memory_space<vmem>>) target(%dma_start3A_347 : memref<10240x64xf32, #tpu.memory_space<vmem_shared>>) offsets(%dma_start3A_344 : memref<128xi32, #tpu.memory_space<vmem>>) semaphore(%run_scoped3A_338 : memref<!tpu.dma_semaphore, #tpu.memory_space<semaphore_mem>>) {add = true}
        %dma_wait3A_348 = arith.constant 256 : i32
        %dma_wait3A_349 = arith.constant 0 : i32
        %dma_wait3A_350 = tpu.memref_slice %arg11[%dma_wait3A_348, %dma_wait3A_349] : memref<512x64xf32, #tpu.memory_space<vmem>> -> memref<128x64xf32, #tpu.memory_space<vmem>>
        %dma_wait3A_351 = arith.constant 0 : i32
        %dma_wait3A_352 = tpu.memref_slice %arg9[%run_scoped3A_289, %dma_wait3A_351] : memref<4x128xi32, #tpu.memory_space<vmem>> -> memref<1x128xi32, #tpu.memory_space<vmem>>
        %dma_wait3A_353 = tpu.memref_squeeze %dma_wait3A_352 : memref<1x128xi32, #tpu.memory_space<vmem>> -> memref<128xi32, #tpu.memory_space<vmem>>
        %dma_wait3A_354 = arith.constant 0 : i32
        %dma_wait3A_355 = arith.constant 0 : i32
        %dma_wait3A_356 = tpu.memref_slice %arg15[%dma_wait3A_354, %dma_wait3A_355] : memref<10240x64xf32, #tpu.memory_space<vmem_shared>> -> memref<10240x64xf32, #tpu.memory_space<vmem_shared>>
        tpu.wait_indirect_dma semaphore(%run_scoped3A_338 : memref<!tpu.dma_semaphore, #tpu.memory_space<semaphore_mem>>) src(%dma_wait3A_350 : memref<128x64xf32, #tpu.memory_space<vmem>>) dst(%dma_wait3A_356 : memref<10240x64xf32, #tpu.memory_space<vmem_shared>>)
        tpu.yield
      }) : () -> ()
      %run_scoped3A_290 = arith.constant 3 : i32
      "tpu.region"() ({
        %run_scoped3A_338 = tpu.sem_alloc : memref<!tpu.dma_semaphore, #tpu.memory_space<semaphore_mem>>
        %dma_start3A_339 = arith.constant 384 : i32
        %dma_start3A_340 = arith.constant 0 : i32
        %dma_start3A_341 = tpu.memref_slice %arg11[%dma_start3A_339, %dma_start3A_340] : memref<512x64xf32, #tpu.memory_space<vmem>> -> memref<128x64xf32, #tpu.memory_space<vmem>>
        %dma_start3A_342 = arith.constant 0 : i32
        %dma_start3A_343 = tpu.memref_slice %arg9[%run_scoped3A_290, %dma_start3A_342] : memref<4x128xi32, #tpu.memory_space<vmem>> -> memref<1x128xi32, #tpu.memory_space<vmem>>
        %dma_start3A_344 = tpu.memref_squeeze %dma_start3A_343 : memref<1x128xi32, #tpu.memory_space<vmem>> -> memref<128xi32, #tpu.memory_space<vmem>>
        %dma_start3A_345 = arith.constant 0 : i32
        %dma_start3A_346 = arith.constant 0 : i32
        %dma_start3A_347 = tpu.memref_slice %arg15[%dma_start3A_345, %dma_start3A_346] : memref<10240x64xf32, #tpu.memory_space<vmem_shared>> -> memref<10240x64xf32, #tpu.memory_space<vmem_shared>>
        tpu.enqueue_indirect_dma source(%dma_start3A_341 : memref<128x64xf32, #tpu.memory_space<vmem>>) target(%dma_start3A_347 : memref<10240x64xf32, #tpu.memory_space<vmem_shared>>) offsets(%dma_start3A_344 : memref<128xi32, #tpu.memory_space<vmem>>) semaphore(%run_scoped3A_338 : memref<!tpu.dma_semaphore, #tpu.memory_space<semaphore_mem>>) {add = true}
        %dma_wait3A_348 = arith.constant 384 : i32
        %dma_wait3A_349 = arith.constant 0 : i32
        %dma_wait3A_350 = tpu.memref_slice %arg11[%dma_wait3A_348, %dma_wait3A_349] : memref<512x64xf32, #tpu.memory_space<vmem>> -> memref<128x64xf32, #tpu.memory_space<vmem>>
        %dma_wait3A_351 = arith.constant 0 : i32
        %dma_wait3A_352 = tpu.memref_slice %arg9[%run_scoped3A_290, %dma_wait3A_351] : memref<4x128xi32, #tpu.memory_space<vmem>> -> memref<1x128xi32, #tpu.memory_space<vmem>>
        %dma_wait3A_353 = tpu.memref_squeeze %dma_wait3A_352 : memref<1x128xi32, #tpu.memory_space<vmem>> -> memref<128xi32, #tpu.memory_space<vmem>>
        %dma_wait3A_354 = arith.constant 0 : i32
        %dma_wait3A_355 = arith.constant 0 : i32
        %dma_wait3A_356 = tpu.memref_slice %arg15[%dma_wait3A_354, %dma_wait3A_355] : memref<10240x64xf32, #tpu.memory_space<vmem_shared>> -> memref<10240x64xf32, #tpu.memory_space<vmem_shared>>
        tpu.wait_indirect_dma semaphore(%run_scoped3A_338 : memref<!tpu.dma_semaphore, #tpu.memory_space<semaphore_mem>>) src(%dma_wait3A_350 : memref<128x64xf32, #tpu.memory_space<vmem>>) dst(%dma_wait3A_356 : memref<10240x64xf32, #tpu.memory_space<vmem_shared>>)
        tpu.yield
      }) : () -> ()
      %add3A_291 = arith.constant 2 : i32
      %add3A_292 = arith.addi %mul3A_169, %add3A_291 : i32
      %lt3A = arith.cmpi slt, %add3A_292, %select_n3A_37 : i32
      %convert_element_type3A = arith.extui %lt3A : i1 to i32
      %cond3A = arith.constant 0 : i32
      %cond3A_293 = arith.cmpi ne, %convert_element_type3A, %cond3A : i32
      scf.if %cond3A_293 {
        %add3A_338 = arith.constant 2 : i32
        %add3A_339 = arith.addi %mul3A_169, %add3A_338 : i32
        %eq3A_340 = arith.constant 0 : i32
        %eq3A_341 = arith.cmpi eq, %arg0, %eq3A_340 : i32
        %jit3A_342 = arith.constant 120 : i32
        %jit3A_343 = arith.constant 40 : i32
        %select_n3A_344 = arith.select %eq3A_341, %jit3A_342, %jit3A_343 : i32
        %eq3A_345 = arith.constant 0 : i32
        %eq3A_346 = arith.cmpi eq, %arg0, %eq3A_345 : i32
        %mul3A_347 = arith.constant 120 : i32
        %mul3A_348 = arith.muli %arg1, %mul3A_347 : i32
        %mul3A_349 = arith.constant 40 : i32
        %mul3A_350 = arith.muli %arg1, %mul3A_349 : i32
        %add3A_351 = arith.constant 1920 : i32
        %add3A_352 = arith.addi %add3A_351, %mul3A_350 : i32
        %select_n3A_353 = arith.select %eq3A_346, %mul3A_348, %add3A_352 : i32
        %mul3A_354 = arith.constant 4 : i32
        %mul3A_355 = arith.muli %add3A_339, %mul3A_354 : i32
        %add3A_356 = arith.addi %select_n3A_353, %mul3A_355 : i32
        %jit3A_357 = arith.constant 4 : i32
        %div3A_358 = arith.divsi %select_n3A_344, %jit3A_357 : i32
        %sign3A_359 = arith.constant 0 : i32
        %sign3A_360 = arith.cmpi sgt, %select_n3A_344, %sign3A_359 : i32
        %sign3A_361 = arith.extui %sign3A_360 : i1 to i32
        %sign3A_362 = arith.constant 0 : i32
        %sign3A_363 = arith.cmpi slt, %select_n3A_344, %sign3A_362 : i32
        %sign3A_364 = arith.extui %sign3A_363 : i1 to i32
        %sign3A_365 = arith.subi %sign3A_361, %sign3A_364 : i32
        %sign3A_366 = arith.constant 0 : i32
        %sign3A_367 = arith.cmpi sgt, %jit3A_357, %sign3A_366 : i32
        %sign3A_368 = arith.extui %sign3A_367 : i1 to i32
        %sign3A_369 = arith.constant 0 : i32
        %sign3A_370 = arith.cmpi slt, %jit3A_357, %sign3A_369 : i32
        %sign3A_371 = arith.extui %sign3A_370 : i1 to i32
        %sign3A_372 = arith.subi %sign3A_368, %sign3A_371 : i32
        %ne3A_373 = arith.cmpi ne, %sign3A_365, %sign3A_372 : i32
        %rem3A_374 = arith.remsi %select_n3A_344, %jit3A_357 : i32
        %ne3A_375 = arith.constant 0 : i32
        %ne3A_376 = arith.cmpi ne, %rem3A_374, %ne3A_375 : i32
        %and3A_377 = arith.andi %ne3A_373, %ne3A_376 : i1
        %sub3A_378 = arith.constant 1 : i32
        %sub3A_379 = arith.subi %div3A_358, %sub3A_378 : i32
        %select_n3A_380 = arith.select %and3A_377, %sub3A_379, %div3A_358 : i32
        "tpu.region"() ({
          %run_scoped3A_421 = tpu.sem_alloc : memref<!tpu.dma_semaphore, #tpu.memory_space<semaphore_mem>>
          %dma_start3A_422 = arith.constant 0 : i32
          %dma_start3A_423 = tpu.memref_slice %arg3[%add3A_356, %dma_start3A_422] : memref<2560x128xi32, #tpu.memory_space<hbm>> -> memref<4x128xi32, #tpu.memory_space<hbm>>
          %dma_start3A_424 = arith.constant 0 : i32
          %dma_start3A_425 = tpu.memref_slice %arg3[%add3A_356, %dma_start3A_424] : memref<2560x128xi32, #tpu.memory_space<hbm>> -> memref<4x128xi32, #tpu.memory_space<hbm>>
          tpu.enqueue_dma source(%dma_start3A_425 : memref<4x128xi32, #tpu.memory_space<hbm>>) target(%arg7 : memref<4x128xi32, #tpu.memory_space<vmem>>) target_semaphore(%run_scoped3A_421 : memref<!tpu.dma_semaphore, #tpu.memory_space<semaphore_mem>>)
          %dma_wait3A_426 = arith.constant 0 : i32
          %dma_wait3A_427 = tpu.memref_slice %arg3[%add3A_356, %dma_wait3A_426] : memref<2560x128xi32, #tpu.memory_space<hbm>> -> memref<4x128xi32, #tpu.memory_space<hbm>>
          %dma_wait3A_428 = arith.constant 0 : i32
          %dma_wait3A_429 = tpu.memref_slice %arg3[%add3A_356, %dma_wait3A_428] : memref<2560x128xi32, #tpu.memory_space<hbm>> -> memref<4x128xi32, #tpu.memory_space<hbm>>
          tpu.wait_dma2 semaphore(%run_scoped3A_421 : memref<!tpu.dma_semaphore, #tpu.memory_space<semaphore_mem>>) src(%dma_wait3A_429 : memref<4x128xi32, #tpu.memory_space<hbm>>) dst(%arg7 : memref<4x128xi32, #tpu.memory_space<vmem>>)
          tpu.yield
        }) : () -> ()
        "tpu.region"() ({
          %run_scoped3A_421 = tpu.sem_alloc : memref<!tpu.dma_semaphore, #tpu.memory_space<semaphore_mem>>
          %dma_start3A_422 = arith.constant 0 : i32
          %dma_start3A_423 = tpu.memref_slice %arg4[%add3A_356, %dma_start3A_422] : memref<2560x128xi32, #tpu.memory_space<hbm>> -> memref<4x128xi32, #tpu.memory_space<hbm>>
          %dma_start3A_424 = arith.constant 0 : i32
          %dma_start3A_425 = tpu.memref_slice %arg4[%add3A_356, %dma_start3A_424] : memref<2560x128xi32, #tpu.memory_space<hbm>> -> memref<4x128xi32, #tpu.memory_space<hbm>>
          tpu.enqueue_dma source(%dma_start3A_425 : memref<4x128xi32, #tpu.memory_space<hbm>>) target(%arg9 : memref<4x128xi32, #tpu.memory_space<vmem>>) target_semaphore(%run_scoped3A_421 : memref<!tpu.dma_semaphore, #tpu.memory_space<semaphore_mem>>)
          %dma_wait3A_426 = arith.constant 0 : i32
          %dma_wait3A_427 = tpu.memref_slice %arg4[%add3A_356, %dma_wait3A_426] : memref<2560x128xi32, #tpu.memory_space<hbm>> -> memref<4x128xi32, #tpu.memory_space<hbm>>
          %dma_wait3A_428 = arith.constant 0 : i32
          %dma_wait3A_429 = tpu.memref_slice %arg4[%add3A_356, %dma_wait3A_428] : memref<2560x128xi32, #tpu.memory_space<hbm>> -> memref<4x128xi32, #tpu.memory_space<hbm>>
          tpu.wait_dma2 semaphore(%run_scoped3A_421 : memref<!tpu.dma_semaphore, #tpu.memory_space<semaphore_mem>>) src(%dma_wait3A_429 : memref<4x128xi32, #tpu.memory_space<hbm>>) dst(%arg9 : memref<4x128xi32, #tpu.memory_space<vmem>>)
          tpu.yield
        }) : () -> ()
        %dma_start3A_381 = arith.constant 0 : i32
        %dma_start3A_382 = arith.constant 0 : i32
        %dma_start3A_383 = arith.constant 0 : i32
        %dma_start3A_384 = tpu.memref_slice %arg11[%dma_start3A_382, %dma_start3A_383] : memref<512x64xf32, #tpu.memory_space<vmem>> -> memref<128x64xf32, #tpu.memory_space<vmem>>
        %dma_start3A_385 = arith.constant 0 : i32
        %dma_start3A_386 = tpu.memref_slice %arg7[%dma_start3A_381, %dma_start3A_385] : memref<4x128xi32, #tpu.memory_space<vmem>> -> memref<1x128xi32, #tpu.memory_space<vmem>>
        %dma_start3A_387 = tpu.memref_squeeze %dma_start3A_386 : memref<1x128xi32, #tpu.memory_space<vmem>> -> memref<128xi32, #tpu.memory_space<vmem>>
        %dma_start3A_388 = arith.constant 0 : i32
        %dma_start3A_389 = arith.constant 0 : i32
        %dma_start3A_390 = tpu.memref_slice %arg2[%dma_start3A_388, %dma_start3A_389] : memref<10240x64xf32, #tpu.memory_space<hbm>> -> memref<10240x64xf32, #tpu.memory_space<hbm>>
        tpu.enqueue_indirect_dma source(%dma_start3A_390 : memref<10240x64xf32, #tpu.memory_space<hbm>>) target(%dma_start3A_384 : memref<128x64xf32, #tpu.memory_space<vmem>>) offsets(%dma_start3A_387 : memref<128xi32, #tpu.memory_space<vmem>>) semaphore(%arg13 : memref<!tpu.dma_semaphore, #tpu.memory_space<semaphore_mem>>)
        %dma_start3A_391 = arith.constant 1 : i32
        %dma_start3A_392 = arith.constant 128 : i32
        %dma_start3A_393 = arith.constant 0 : i32
        %dma_start3A_394 = tpu.memref_slice %arg11[%dma_start3A_392, %dma_start3A_393] : memref<512x64xf32, #tpu.memory_space<vmem>> -> memref<128x64xf32, #tpu.memory_space<vmem>>
        %dma_start3A_395 = arith.constant 0 : i32
        %dma_start3A_396 = tpu.memref_slice %arg7[%dma_start3A_391, %dma_start3A_395] : memref<4x128xi32, #tpu.memory_space<vmem>> -> memref<1x128xi32, #tpu.memory_space<vmem>>
        %dma_start3A_397 = tpu.memref_squeeze %dma_start3A_396 : memref<1x128xi32, #tpu.memory_space<vmem>> -> memref<128xi32, #tpu.memory_space<vmem>>
        %dma_start3A_398 = arith.constant 0 : i32
        %dma_start3A_399 = arith.constant 0 : i32
        %dma_start3A_400 = tpu.memref_slice %arg2[%dma_start3A_398, %dma_start3A_399] : memref<10240x64xf32, #tpu.memory_space<hbm>> -> memref<10240x64xf32, #tpu.memory_space<hbm>>
        tpu.enqueue_indirect_dma source(%dma_start3A_400 : memref<10240x64xf32, #tpu.memory_space<hbm>>) target(%dma_start3A_394 : memref<128x64xf32, #tpu.memory_space<vmem>>) offsets(%dma_start3A_397 : memref<128xi32, #tpu.memory_space<vmem>>) semaphore(%arg13 : memref<!tpu.dma_semaphore, #tpu.memory_space<semaphore_mem>>)
        %dma_start3A_401 = arith.constant 2 : i32
        %dma_start3A_402 = arith.constant 256 : i32
        %dma_start3A_403 = arith.constant 0 : i32
        %dma_start3A_404 = tpu.memref_slice %arg11[%dma_start3A_402, %dma_start3A_403] : memref<512x64xf32, #tpu.memory_space<vmem>> -> memref<128x64xf32, #tpu.memory_space<vmem>>
        %dma_start3A_405 = arith.constant 0 : i32
        %dma_start3A_406 = tpu.memref_slice %arg7[%dma_start3A_401, %dma_start3A_405] : memref<4x128xi32, #tpu.memory_space<vmem>> -> memref<1x128xi32, #tpu.memory_space<vmem>>
        %dma_start3A_407 = tpu.memref_squeeze %dma_start3A_406 : memref<1x128xi32, #tpu.memory_space<vmem>> -> memref<128xi32, #tpu.memory_space<vmem>>
        %dma_start3A_408 = arith.constant 0 : i32
        %dma_start3A_409 = arith.constant 0 : i32
        %dma_start3A_410 = tpu.memref_slice %arg2[%dma_start3A_408, %dma_start3A_409] : memref<10240x64xf32, #tpu.memory_space<hbm>> -> memref<10240x64xf32, #tpu.memory_space<hbm>>
        tpu.enqueue_indirect_dma source(%dma_start3A_410 : memref<10240x64xf32, #tpu.memory_space<hbm>>) target(%dma_start3A_404 : memref<128x64xf32, #tpu.memory_space<vmem>>) offsets(%dma_start3A_407 : memref<128xi32, #tpu.memory_space<vmem>>) semaphore(%arg13 : memref<!tpu.dma_semaphore, #tpu.memory_space<semaphore_mem>>)
        %dma_start3A_411 = arith.constant 3 : i32
        %dma_start3A_412 = arith.constant 384 : i32
        %dma_start3A_413 = arith.constant 0 : i32
        %dma_start3A_414 = tpu.memref_slice %arg11[%dma_start3A_412, %dma_start3A_413] : memref<512x64xf32, #tpu.memory_space<vmem>> -> memref<128x64xf32, #tpu.memory_space<vmem>>
        %dma_start3A_415 = arith.constant 0 : i32
        %dma_start3A_416 = tpu.memref_slice %arg7[%dma_start3A_411, %dma_start3A_415] : memref<4x128xi32, #tpu.memory_space<vmem>> -> memref<1x128xi32, #tpu.memory_space<vmem>>
        %dma_start3A_417 = tpu.memref_squeeze %dma_start3A_416 : memref<1x128xi32, #tpu.memory_space<vmem>> -> memref<128xi32, #tpu.memory_space<vmem>>
        %dma_start3A_418 = arith.constant 0 : i32
        %dma_start3A_419 = arith.constant 0 : i32
        %dma_start3A_420 = tpu.memref_slice %arg2[%dma_start3A_418, %dma_start3A_419] : memref<10240x64xf32, #tpu.memory_space<hbm>> -> memref<10240x64xf32, #tpu.memory_space<hbm>>
        tpu.enqueue_indirect_dma source(%dma_start3A_420 : memref<10240x64xf32, #tpu.memory_space<hbm>>) target(%dma_start3A_414 : memref<128x64xf32, #tpu.memory_space<vmem>>) offsets(%dma_start3A_417 : memref<128xi32, #tpu.memory_space<vmem>>) semaphore(%arg13 : memref<!tpu.dma_semaphore, #tpu.memory_space<semaphore_mem>>)
      } else {
      }
      %dma_wait3A_294 = arith.constant 0 : i32
      %dma_wait3A_295 = arith.constant 0 : i32
      %dma_wait3A_296 = arith.constant 0 : i32
      %dma_wait3A_297 = tpu.memref_slice %arg12[%dma_wait3A_295, %dma_wait3A_296] : memref<512x64xf32, #tpu.memory_space<vmem>> -> memref<128x64xf32, #tpu.memory_space<vmem>>
      %dma_wait3A_298 = arith.constant 0 : i32
      %dma_wait3A_299 = tpu.memref_slice %arg8[%dma_wait3A_294, %dma_wait3A_298] : memref<4x128xi32, #tpu.memory_space<vmem>> -> memref<1x128xi32, #tpu.memory_space<vmem>>
      %dma_wait3A_300 = tpu.memref_squeeze %dma_wait3A_299 : memref<1x128xi32, #tpu.memory_space<vmem>> -> memref<128xi32, #tpu.memory_space<vmem>>
      %dma_wait3A_301 = arith.constant 0 : i32
      %dma_wait3A_302 = arith.constant 0 : i32
      %dma_wait3A_303 = tpu.memref_slice %arg2[%dma_wait3A_301, %dma_wait3A_302] : memref<10240x64xf32, #tpu.memory_space<hbm>> -> memref<10240x64xf32, #tpu.memory_space<hbm>>
      tpu.wait_indirect_dma semaphore(%arg14 : memref<!tpu.dma_semaphore, #tpu.memory_space<semaphore_mem>>) src(%dma_wait3A_303 : memref<10240x64xf32, #tpu.memory_space<hbm>>) dst(%dma_wait3A_297 : memref<128x64xf32, #tpu.memory_space<vmem>>)
      %dma_wait3A_304 = arith.constant 1 : i32
      %dma_wait3A_305 = arith.constant 128 : i32
      %dma_wait3A_306 = arith.constant 0 : i32
      %dma_wait3A_307 = tpu.memref_slice %arg12[%dma_wait3A_305, %dma_wait3A_306] : memref<512x64xf32, #tpu.memory_space<vmem>> -> memref<128x64xf32, #tpu.memory_space<vmem>>
      %dma_wait3A_308 = arith.constant 0 : i32
      %dma_wait3A_309 = tpu.memref_slice %arg8[%dma_wait3A_304, %dma_wait3A_308] : memref<4x128xi32, #tpu.memory_space<vmem>> -> memref<1x128xi32, #tpu.memory_space<vmem>>
      %dma_wait3A_310 = tpu.memref_squeeze %dma_wait3A_309 : memref<1x128xi32, #tpu.memory_space<vmem>> -> memref<128xi32, #tpu.memory_space<vmem>>
      %dma_wait3A_311 = arith.constant 0 : i32
      %dma_wait3A_312 = arith.constant 0 : i32
      %dma_wait3A_313 = tpu.memref_slice %arg2[%dma_wait3A_311, %dma_wait3A_312] : memref<10240x64xf32, #tpu.memory_space<hbm>> -> memref<10240x64xf32, #tpu.memory_space<hbm>>
      tpu.wait_indirect_dma semaphore(%arg14 : memref<!tpu.dma_semaphore, #tpu.memory_space<semaphore_mem>>) src(%dma_wait3A_313 : memref<10240x64xf32, #tpu.memory_space<hbm>>) dst(%dma_wait3A_307 : memref<128x64xf32, #tpu.memory_space<vmem>>)
      %dma_wait3A_314 = arith.constant 2 : i32
      %dma_wait3A_315 = arith.constant 256 : i32
      %dma_wait3A_316 = arith.constant 0 : i32
      %dma_wait3A_317 = tpu.memref_slice %arg12[%dma_wait3A_315, %dma_wait3A_316] : memref<512x64xf32, #tpu.memory_space<vmem>> -> memref<128x64xf32, #tpu.memory_space<vmem>>
      %dma_wait3A_318 = arith.constant 0 : i32
      %dma_wait3A_319 = tpu.memref_slice %arg8[%dma_wait3A_314, %dma_wait3A_318] : memref<4x128xi32, #tpu.memory_space<vmem>> -> memref<1x128xi32, #tpu.memory_space<vmem>>
      %dma_wait3A_320 = tpu.memref_squeeze %dma_wait3A_319 : memref<1x128xi32, #tpu.memory_space<vmem>> -> memref<128xi32, #tpu.memory_space<vmem>>
      %dma_wait3A_321 = arith.constant 0 : i32
      %dma_wait3A_322 = arith.constant 0 : i32
      %dma_wait3A_323 = tpu.memref_slice %arg2[%dma_wait3A_321, %dma_wait3A_322] : memref<10240x64xf32, #tpu.memory_space<hbm>> -> memref<10240x64xf32, #tpu.memory_space<hbm>>
      tpu.wait_indirect_dma semaphore(%arg14 : memref<!tpu.dma_semaphore, #tpu.memory_space<semaphore_mem>>) src(%dma_wait3A_323 : memref<10240x64xf32, #tpu.memory_space<hbm>>) dst(%dma_wait3A_317 : memref<128x64xf32, #tpu.memory_space<vmem>>)
      %dma_wait3A_324 = arith.constant 3 : i32
      %dma_wait3A_325 = arith.constant 384 : i32
      %dma_wait3A_326 = arith.constant 0 : i32
      %dma_wait3A_327 = tpu.memref_slice %arg12[%dma_wait3A_325, %dma_wait3A_326] : memref<512x64xf32, #tpu.memory_space<vmem>> -> memref<128x64xf32, #tpu.memory_space<vmem>>
      %dma_wait3A_328 = arith.constant 0 : i32
      %dma_wait3A_329 = tpu.memref_slice %arg8[%dma_wait3A_324, %dma_wait3A_328] : memref<4x128xi32, #tpu.memory_space<vmem>> -> memref<1x128xi32, #tpu.memory_space<vmem>>
      %dma_wait3A_330 = tpu.memref_squeeze %dma_wait3A_329 : memref<1x128xi32, #tpu.memory_space<vmem>> -> memref<128xi32, #tpu.memory_space<vmem>>
      %dma_wait3A_331 = arith.constant 0 : i32
      %dma_wait3A_332 = arith.constant 0 : i32
      %dma_wait3A_333 = tpu.memref_slice %arg2[%dma_wait3A_331, %dma_wait3A_332] : memref<10240x64xf32, #tpu.memory_space<hbm>> -> memref<10240x64xf32, #tpu.memory_space<hbm>>
      tpu.wait_indirect_dma semaphore(%arg14 : memref<!tpu.dma_semaphore, #tpu.memory_space<semaphore_mem>>) src(%dma_wait3A_333 : memref<10240x64xf32, #tpu.memory_space<hbm>>) dst(%dma_wait3A_327 : memref<128x64xf32, #tpu.memory_space<vmem>>)
      %run_scoped3A_334 = arith.constant 0 : i32
      "tpu.region"() ({
        %run_scoped3A_338 = tpu.sem_alloc : memref<!tpu.dma_semaphore, #tpu.memory_space<semaphore_mem>>
        %dma_start3A_339 = arith.constant 0 : i32
        %dma_start3A_340 = arith.constant 0 : i32
        %dma_start3A_341 = tpu.memref_slice %arg12[%dma_start3A_339, %dma_start3A_340] : memref<512x64xf32, #tpu.memory_space<vmem>> -> memref<128x64xf32, #tpu.memory_space<vmem>>
        %dma_start3A_342 = arith.constant 0 : i32
        %dma_start3A_343 = tpu.memref_slice %arg10[%run_scoped3A_334, %dma_start3A_342] : memref<4x128xi32, #tpu.memory_space<vmem>> -> memref<1x128xi32, #tpu.memory_space<vmem>>
        %dma_start3A_344 = tpu.memref_squeeze %dma_start3A_343 : memref<1x128xi32, #tpu.memory_space<vmem>> -> memref<128xi32, #tpu.memory_space<vmem>>
        %dma_start3A_345 = arith.constant 0 : i32
        %dma_start3A_346 = arith.constant 0 : i32
        %dma_start3A_347 = tpu.memref_slice %arg15[%dma_start3A_345, %dma_start3A_346] : memref<10240x64xf32, #tpu.memory_space<vmem_shared>> -> memref<10240x64xf32, #tpu.memory_space<vmem_shared>>
        tpu.enqueue_indirect_dma source(%dma_start3A_341 : memref<128x64xf32, #tpu.memory_space<vmem>>) target(%dma_start3A_347 : memref<10240x64xf32, #tpu.memory_space<vmem_shared>>) offsets(%dma_start3A_344 : memref<128xi32, #tpu.memory_space<vmem>>) semaphore(%run_scoped3A_338 : memref<!tpu.dma_semaphore, #tpu.memory_space<semaphore_mem>>) {add = true}
        %dma_wait3A_348 = arith.constant 0 : i32
        %dma_wait3A_349 = arith.constant 0 : i32
        %dma_wait3A_350 = tpu.memref_slice %arg12[%dma_wait3A_348, %dma_wait3A_349] : memref<512x64xf32, #tpu.memory_space<vmem>> -> memref<128x64xf32, #tpu.memory_space<vmem>>
        %dma_wait3A_351 = arith.constant 0 : i32
        %dma_wait3A_352 = tpu.memref_slice %arg10[%run_scoped3A_334, %dma_wait3A_351] : memref<4x128xi32, #tpu.memory_space<vmem>> -> memref<1x128xi32, #tpu.memory_space<vmem>>
        %dma_wait3A_353 = tpu.memref_squeeze %dma_wait3A_352 : memref<1x128xi32, #tpu.memory_space<vmem>> -> memref<128xi32, #tpu.memory_space<vmem>>
        %dma_wait3A_354 = arith.constant 0 : i32
        %dma_wait3A_355 = arith.constant 0 : i32
        %dma_wait3A_356 = tpu.memref_slice %arg15[%dma_wait3A_354, %dma_wait3A_355] : memref<10240x64xf32, #tpu.memory_space<vmem_shared>> -> memref<10240x64xf32, #tpu.memory_space<vmem_shared>>
        tpu.wait_indirect_dma semaphore(%run_scoped3A_338 : memref<!tpu.dma_semaphore, #tpu.memory_space<semaphore_mem>>) src(%dma_wait3A_350 : memref<128x64xf32, #tpu.memory_space<vmem>>) dst(%dma_wait3A_356 : memref<10240x64xf32, #tpu.memory_space<vmem_shared>>)
        tpu.yield
      }) : () -> ()
      %run_scoped3A_335 = arith.constant 1 : i32
      "tpu.region"() ({
        %run_scoped3A_338 = tpu.sem_alloc : memref<!tpu.dma_semaphore, #tpu.memory_space<semaphore_mem>>
        %dma_start3A_339 = arith.constant 128 : i32
        %dma_start3A_340 = arith.constant 0 : i32
        %dma_start3A_341 = tpu.memref_slice %arg12[%dma_start3A_339, %dma_start3A_340] : memref<512x64xf32, #tpu.memory_space<vmem>> -> memref<128x64xf32, #tpu.memory_space<vmem>>
        %dma_start3A_342 = arith.constant 0 : i32
        %dma_start3A_343 = tpu.memref_slice %arg10[%run_scoped3A_335, %dma_start3A_342] : memref<4x128xi32, #tpu.memory_space<vmem>> -> memref<1x128xi32, #tpu.memory_space<vmem>>
        %dma_start3A_344 = tpu.memref_squeeze %dma_start3A_343 : memref<1x128xi32, #tpu.memory_space<vmem>> -> memref<128xi32, #tpu.memory_space<vmem>>
        %dma_start3A_345 = arith.constant 0 : i32
        %dma_start3A_346 = arith.constant 0 : i32
        %dma_start3A_347 = tpu.memref_slice %arg15[%dma_start3A_345, %dma_start3A_346] : memref<10240x64xf32, #tpu.memory_space<vmem_shared>> -> memref<10240x64xf32, #tpu.memory_space<vmem_shared>>
        tpu.enqueue_indirect_dma source(%dma_start3A_341 : memref<128x64xf32, #tpu.memory_space<vmem>>) target(%dma_start3A_347 : memref<10240x64xf32, #tpu.memory_space<vmem_shared>>) offsets(%dma_start3A_344 : memref<128xi32, #tpu.memory_space<vmem>>) semaphore(%run_scoped3A_338 : memref<!tpu.dma_semaphore, #tpu.memory_space<semaphore_mem>>) {add = true}
        %dma_wait3A_348 = arith.constant 128 : i32
        %dma_wait3A_349 = arith.constant 0 : i32
        %dma_wait3A_350 = tpu.memref_slice %arg12[%dma_wait3A_348, %dma_wait3A_349] : memref<512x64xf32, #tpu.memory_space<vmem>> -> memref<128x64xf32, #tpu.memory_space<vmem>>
        %dma_wait3A_351 = arith.constant 0 : i32
        %dma_wait3A_352 = tpu.memref_slice %arg10[%run_scoped3A_335, %dma_wait3A_351] : memref<4x128xi32, #tpu.memory_space<vmem>> -> memref<1x128xi32, #tpu.memory_space<vmem>>
        %dma_wait3A_353 = tpu.memref_squeeze %dma_wait3A_352 : memref<1x128xi32, #tpu.memory_space<vmem>> -> memref<128xi32, #tpu.memory_space<vmem>>
        %dma_wait3A_354 = arith.constant 0 : i32
        %dma_wait3A_355 = arith.constant 0 : i32
        %dma_wait3A_356 = tpu.memref_slice %arg15[%dma_wait3A_354, %dma_wait3A_355] : memref<10240x64xf32, #tpu.memory_space<vmem_shared>> -> memref<10240x64xf32, #tpu.memory_space<vmem_shared>>
        tpu.wait_indirect_dma semaphore(%run_scoped3A_338 : memref<!tpu.dma_semaphore, #tpu.memory_space<semaphore_mem>>) src(%dma_wait3A_350 : memref<128x64xf32, #tpu.memory_space<vmem>>) dst(%dma_wait3A_356 : memref<10240x64xf32, #tpu.memory_space<vmem_shared>>)
        tpu.yield
      }) : () -> ()
      %run_scoped3A_336 = arith.constant 2 : i32
      "tpu.region"() ({
        %run_scoped3A_338 = tpu.sem_alloc : memref<!tpu.dma_semaphore, #tpu.memory_space<semaphore_mem>>
        %dma_start3A_339 = arith.constant 256 : i32
        %dma_start3A_340 = arith.constant 0 : i32
        %dma_start3A_341 = tpu.memref_slice %arg12[%dma_start3A_339, %dma_start3A_340] : memref<512x64xf32, #tpu.memory_space<vmem>> -> memref<128x64xf32, #tpu.memory_space<vmem>>
        %dma_start3A_342 = arith.constant 0 : i32
        %dma_start3A_343 = tpu.memref_slice %arg10[%run_scoped3A_336, %dma_start3A_342] : memref<4x128xi32, #tpu.memory_space<vmem>> -> memref<1x128xi32, #tpu.memory_space<vmem>>
        %dma_start3A_344 = tpu.memref_squeeze %dma_start3A_343 : memref<1x128xi32, #tpu.memory_space<vmem>> -> memref<128xi32, #tpu.memory_space<vmem>>
        %dma_start3A_345 = arith.constant 0 : i32
        %dma_start3A_346 = arith.constant 0 : i32
        %dma_start3A_347 = tpu.memref_slice %arg15[%dma_start3A_345, %dma_start3A_346] : memref<10240x64xf32, #tpu.memory_space<vmem_shared>> -> memref<10240x64xf32, #tpu.memory_space<vmem_shared>>
        tpu.enqueue_indirect_dma source(%dma_start3A_341 : memref<128x64xf32, #tpu.memory_space<vmem>>) target(%dma_start3A_347 : memref<10240x64xf32, #tpu.memory_space<vmem_shared>>) offsets(%dma_start3A_344 : memref<128xi32, #tpu.memory_space<vmem>>) semaphore(%run_scoped3A_338 : memref<!tpu.dma_semaphore, #tpu.memory_space<semaphore_mem>>) {add = true}
        %dma_wait3A_348 = arith.constant 256 : i32
        %dma_wait3A_349 = arith.constant 0 : i32
        %dma_wait3A_350 = tpu.memref_slice %arg12[%dma_wait3A_348, %dma_wait3A_349] : memref<512x64xf32, #tpu.memory_space<vmem>> -> memref<128x64xf32, #tpu.memory_space<vmem>>
        %dma_wait3A_351 = arith.constant 0 : i32
        %dma_wait3A_352 = tpu.memref_slice %arg10[%run_scoped3A_336, %dma_wait3A_351] : memref<4x128xi32, #tpu.memory_space<vmem>> -> memref<1x128xi32, #tpu.memory_space<vmem>>
        %dma_wait3A_353 = tpu.memref_squeeze %dma_wait3A_352 : memref<1x128xi32, #tpu.memory_space<vmem>> -> memref<128xi32, #tpu.memory_space<vmem>>
        %dma_wait3A_354 = arith.constant 0 : i32
        %dma_wait3A_355 = arith.constant 0 : i32
        %dma_wait3A_356 = tpu.memref_slice %arg15[%dma_wait3A_354, %dma_wait3A_355] : memref<10240x64xf32, #tpu.memory_space<vmem_shared>> -> memref<10240x64xf32, #tpu.memory_space<vmem_shared>>
        tpu.wait_indirect_dma semaphore(%run_scoped3A_338 : memref<!tpu.dma_semaphore, #tpu.memory_space<semaphore_mem>>) src(%dma_wait3A_350 : memref<128x64xf32, #tpu.memory_space<vmem>>) dst(%dma_wait3A_356 : memref<10240x64xf32, #tpu.memory_space<vmem_shared>>)
        tpu.yield
      }) : () -> ()
      %run_scoped3A_337 = arith.constant 3 : i32
      "tpu.region"() ({
        %run_scoped3A_338 = tpu.sem_alloc : memref<!tpu.dma_semaphore, #tpu.memory_space<semaphore_mem>>
        %dma_start3A_339 = arith.constant 384 : i32
        %dma_start3A_340 = arith.constant 0 : i32
        %dma_start3A_341 = tpu.memref_slice %arg12[%dma_start3A_339, %dma_start3A_340] : memref<512x64xf32, #tpu.memory_space<vmem>> -> memref<128x64xf32, #tpu.memory_space<vmem>>
        %dma_start3A_342 = arith.constant 0 : i32
        %dma_start3A_343 = tpu.memref_slice %arg10[%run_scoped3A_337, %dma_start3A_342] : memref<4x128xi32, #tpu.memory_space<vmem>> -> memref<1x128xi32, #tpu.memory_space<vmem>>
        %dma_start3A_344 = tpu.memref_squeeze %dma_start3A_343 : memref<1x128xi32, #tpu.memory_space<vmem>> -> memref<128xi32, #tpu.memory_space<vmem>>
        %dma_start3A_345 = arith.constant 0 : i32
        %dma_start3A_346 = arith.constant 0 : i32
        %dma_start3A_347 = tpu.memref_slice %arg15[%dma_start3A_345, %dma_start3A_346] : memref<10240x64xf32, #tpu.memory_space<vmem_shared>> -> memref<10240x64xf32, #tpu.memory_space<vmem_shared>>
        tpu.enqueue_indirect_dma source(%dma_start3A_341 : memref<128x64xf32, #tpu.memory_space<vmem>>) target(%dma_start3A_347 : memref<10240x64xf32, #tpu.memory_space<vmem_shared>>) offsets(%dma_start3A_344 : memref<128xi32, #tpu.memory_space<vmem>>) semaphore(%run_scoped3A_338 : memref<!tpu.dma_semaphore, #tpu.memory_space<semaphore_mem>>) {add = true}
        %dma_wait3A_348 = arith.constant 384 : i32
        %dma_wait3A_349 = arith.constant 0 : i32
        %dma_wait3A_350 = tpu.memref_slice %arg12[%dma_wait3A_348, %dma_wait3A_349] : memref<512x64xf32, #tpu.memory_space<vmem>> -> memref<128x64xf32, #tpu.memory_space<vmem>>
        %dma_wait3A_351 = arith.constant 0 : i32
        %dma_wait3A_352 = tpu.memref_slice %arg10[%run_scoped3A_337, %dma_wait3A_351] : memref<4x128xi32, #tpu.memory_space<vmem>> -> memref<1x128xi32, #tpu.memory_space<vmem>>
        %dma_wait3A_353 = tpu.memref_squeeze %dma_wait3A_352 : memref<1x128xi32, #tpu.memory_space<vmem>> -> memref<128xi32, #tpu.memory_space<vmem>>
        %dma_wait3A_354 = arith.constant 0 : i32
        %dma_wait3A_355 = arith.constant 0 : i32
        %dma_wait3A_356 = tpu.memref_slice %arg15[%dma_wait3A_354, %dma_wait3A_355] : memref<10240x64xf32, #tpu.memory_space<vmem_shared>> -> memref<10240x64xf32, #tpu.memory_space<vmem_shared>>
        tpu.wait_indirect_dma semaphore(%run_scoped3A_338 : memref<!tpu.dma_semaphore, #tpu.memory_space<semaphore_mem>>) src(%dma_wait3A_350 : memref<128x64xf32, #tpu.memory_space<vmem>>) dst(%dma_wait3A_356 : memref<10240x64xf32, #tpu.memory_space<vmem_shared>>)
        tpu.yield
      }) : () -> ()
    }
    %barrier3A_154 = arith.constant 0 : index
    tpu.barrier barrier_id(%barrier3A_154)
    %mul3A_155 = arith.constant 640 : i32
    %mul3A_156 = arith.muli %arg1, %mul3A_155 : i32
    "tpu.region"() ({
      %run_scoped3A = tpu.sem_alloc : memref<!tpu.dma_semaphore, #tpu.memory_space<semaphore_mem>>
      %dma_start3A_167 = arith.constant 0 : i32
      %dma_start3A_168 = tpu.memref_slice %arg15[%mul3A_156, %dma_start3A_167] : memref<10240x64xf32, #tpu.memory_space<vmem_shared>> -> memref<512x64xf32, #tpu.memory_space<vmem_shared>>
      %dma_start3A_169 = arith.constant 0 : i32
      %dma_start3A_170 = tpu.memref_slice %arg15[%mul3A_156, %dma_start3A_169] : memref<10240x64xf32, #tpu.memory_space<vmem_shared>> -> memref<512x64xf32, #tpu.memory_space<vmem_shared>>
      tpu.enqueue_dma source(%dma_start3A_170 : memref<512x64xf32, #tpu.memory_space<vmem_shared>>) target(%arg11 : memref<512x64xf32, #tpu.memory_space<vmem>>) target_semaphore(%run_scoped3A : memref<!tpu.dma_semaphore, #tpu.memory_space<semaphore_mem>>)
      %dma_wait3A = arith.constant 0 : i32
      %dma_wait3A_171 = tpu.memref_slice %arg15[%mul3A_156, %dma_wait3A] : memref<10240x64xf32, #tpu.memory_space<vmem_shared>> -> memref<512x64xf32, #tpu.memory_space<vmem_shared>>
      %dma_wait3A_172 = arith.constant 0 : i32
      %dma_wait3A_173 = tpu.memref_slice %arg15[%mul3A_156, %dma_wait3A_172] : memref<10240x64xf32, #tpu.memory_space<vmem_shared>> -> memref<512x64xf32, #tpu.memory_space<vmem_shared>>
      tpu.wait_dma2 semaphore(%run_scoped3A : memref<!tpu.dma_semaphore, #tpu.memory_space<semaphore_mem>>) src(%dma_wait3A_173 : memref<512x64xf32, #tpu.memory_space<vmem_shared>>) dst(%arg11 : memref<512x64xf32, #tpu.memory_space<vmem>>)
      tpu.yield
    }) : () -> ()
    %mul3A_157 = arith.constant 640 : i32
    %mul3A_158 = arith.muli %arg1, %mul3A_157 : i32
    %add3A_159 = arith.constant 512 : i32
    %add3A_160 = arith.addi %mul3A_158, %add3A_159 : i32
    "tpu.region"() ({
      %run_scoped3A = tpu.sem_alloc : memref<!tpu.dma_semaphore, #tpu.memory_space<semaphore_mem>>
      %dma_start3A_167 = arith.constant 0 : i32
      %dma_start3A_168 = arith.constant 0 : i32
      %dma_start3A_169 = tpu.memref_slice %arg12[%dma_start3A_167, %dma_start3A_168] : memref<512x64xf32, #tpu.memory_space<vmem>> -> memref<128x64xf32, #tpu.memory_space<vmem>>
      %dma_start3A_170 = arith.constant 0 : i32
      %dma_start3A_171 = tpu.memref_slice %arg15[%add3A_160, %dma_start3A_170] : memref<10240x64xf32, #tpu.memory_space<vmem_shared>> -> memref<128x64xf32, #tpu.memory_space<vmem_shared>>
      %dma_start3A_172 = arith.constant 0 : i32
      %dma_start3A_173 = arith.constant 0 : i32
      %dma_start3A_174 = tpu.memref_slice %arg12[%dma_start3A_172, %dma_start3A_173] : memref<512x64xf32, #tpu.memory_space<vmem>> -> memref<128x64xf32, #tpu.memory_space<vmem>>
      %dma_start3A_175 = arith.constant 0 : i32
      %dma_start3A_176 = tpu.memref_slice %arg15[%add3A_160, %dma_start3A_175] : memref<10240x64xf32, #tpu.memory_space<vmem_shared>> -> memref<128x64xf32, #tpu.memory_space<vmem_shared>>
      tpu.enqueue_dma source(%dma_start3A_176 : memref<128x64xf32, #tpu.memory_space<vmem_shared>>) target(%dma_start3A_174 : memref<128x64xf32, #tpu.memory_space<vmem>>) target_semaphore(%run_scoped3A : memref<!tpu.dma_semaphore, #tpu.memory_space<semaphore_mem>>)
      %dma_wait3A = arith.constant 0 : i32
      %dma_wait3A_177 = arith.constant 0 : i32
      %dma_wait3A_178 = tpu.memref_slice %arg12[%dma_wait3A, %dma_wait3A_177] : memref<512x64xf32, #tpu.memory_space<vmem>> -> memref<128x64xf32, #tpu.memory_space<vmem>>
      %dma_wait3A_179 = arith.constant 0 : i32
      %dma_wait3A_180 = tpu.memref_slice %arg15[%add3A_160, %dma_wait3A_179] : memref<10240x64xf32, #tpu.memory_space<vmem_shared>> -> memref<128x64xf32, #tpu.memory_space<vmem_shared>>
      %dma_wait3A_181 = arith.constant 0 : i32
      %dma_wait3A_182 = arith.constant 0 : i32
      %dma_wait3A_183 = tpu.memref_slice %arg12[%dma_wait3A_181, %dma_wait3A_182] : memref<512x64xf32, #tpu.memory_space<vmem>> -> memref<128x64xf32, #tpu.memory_space<vmem>>
      %dma_wait3A_184 = arith.constant 0 : i32
      %dma_wait3A_185 = tpu.memref_slice %arg15[%add3A_160, %dma_wait3A_184] : memref<10240x64xf32, #tpu.memory_space<vmem_shared>> -> memref<128x64xf32, #tpu.memory_space<vmem_shared>>
      tpu.wait_dma2 semaphore(%run_scoped3A : memref<!tpu.dma_semaphore, #tpu.memory_space<semaphore_mem>>) src(%dma_wait3A_185 : memref<128x64xf32, #tpu.memory_space<vmem_shared>>) dst(%dma_wait3A_183 : memref<128x64xf32, #tpu.memory_space<vmem>>)
      tpu.yield
    }) : () -> ()
    %mul3A_161 = arith.constant 640 : i32
    %mul3A_162 = arith.muli %arg1, %mul3A_161 : i32
    "tpu.region"() ({
      %run_scoped3A = tpu.sem_alloc : memref<!tpu.dma_semaphore, #tpu.memory_space<semaphore_mem>>
      %dma_start3A_167 = arith.constant 0 : i32
      %dma_start3A_168 = tpu.memref_slice %arg6[%arg0, %mul3A_162, %dma_start3A_167] : memref<2x10240x64xf32, #tpu.memory_space<hbm>> -> memref<1x512x64xf32, #tpu.memory_space<hbm>>
      %dma_start3A_169 = tpu.memref_squeeze %dma_start3A_168 : memref<1x512x64xf32, #tpu.memory_space<hbm>> -> memref<512x64xf32, #tpu.memory_space<hbm>>
      %dma_start3A_170 = arith.constant 0 : i32
      %dma_start3A_171 = tpu.memref_slice %arg6[%arg0, %mul3A_162, %dma_start3A_170] : memref<2x10240x64xf32, #tpu.memory_space<hbm>> -> memref<1x512x64xf32, #tpu.memory_space<hbm>>
      %dma_start3A_172 = tpu.memref_squeeze %dma_start3A_171 : memref<1x512x64xf32, #tpu.memory_space<hbm>> -> memref<512x64xf32, #tpu.memory_space<hbm>>
      tpu.enqueue_dma source(%arg11 : memref<512x64xf32, #tpu.memory_space<vmem>>) target(%dma_start3A_172 : memref<512x64xf32, #tpu.memory_space<hbm>>) target_semaphore(%run_scoped3A : memref<!tpu.dma_semaphore, #tpu.memory_space<semaphore_mem>>)
      %dma_wait3A = arith.constant 0 : i32
      %dma_wait3A_173 = tpu.memref_slice %arg6[%arg0, %mul3A_162, %dma_wait3A] : memref<2x10240x64xf32, #tpu.memory_space<hbm>> -> memref<1x512x64xf32, #tpu.memory_space<hbm>>
      %dma_wait3A_174 = tpu.memref_squeeze %dma_wait3A_173 : memref<1x512x64xf32, #tpu.memory_space<hbm>> -> memref<512x64xf32, #tpu.memory_space<hbm>>
      %dma_wait3A_175 = arith.constant 0 : i32
      %dma_wait3A_176 = tpu.memref_slice %arg6[%arg0, %mul3A_162, %dma_wait3A_175] : memref<2x10240x64xf32, #tpu.memory_space<hbm>> -> memref<1x512x64xf32, #tpu.memory_space<hbm>>
      %dma_wait3A_177 = tpu.memref_squeeze %dma_wait3A_176 : memref<1x512x64xf32, #tpu.memory_space<hbm>> -> memref<512x64xf32, #tpu.memory_space<hbm>>
      tpu.wait_dma2 semaphore(%run_scoped3A : memref<!tpu.dma_semaphore, #tpu.memory_space<semaphore_mem>>) src(%arg11 : memref<512x64xf32, #tpu.memory_space<vmem>>) dst(%dma_wait3A_177 : memref<512x64xf32, #tpu.memory_space<hbm>>)
      tpu.yield
    }) : () -> ()
    %mul3A_163 = arith.constant 640 : i32
    %mul3A_164 = arith.muli %arg1, %mul3A_163 : i32
    %add3A_165 = arith.constant 512 : i32
    %add3A_166 = arith.addi %mul3A_164, %add3A_165 : i32
    "tpu.region"() ({
      %run_scoped3A = tpu.sem_alloc : memref<!tpu.dma_semaphore, #tpu.memory_space<semaphore_mem>>
      %dma_start3A_167 = arith.constant 0 : i32
      %dma_start3A_168 = arith.constant 0 : i32
      %dma_start3A_169 = tpu.memref_slice %arg12[%dma_start3A_167, %dma_start3A_168] : memref<512x64xf32, #tpu.memory_space<vmem>> -> memref<128x64xf32, #tpu.memory_space<vmem>>
      %dma_start3A_170 = arith.constant 0 : i32
      %dma_start3A_171 = tpu.memref_slice %arg6[%arg0, %add3A_166, %dma_start3A_170] : memref<2x10240x64xf32, #tpu.memory_space<hbm>> -> memref<1x128x64xf32, #tpu.memory_space<hbm>>
      %dma_start3A_172 = tpu.memref_squeeze %dma_start3A_171 : memref<1x128x64xf32, #tpu.memory_space<hbm>> -> memref<128x64xf32, #tpu.memory_space<hbm>>
      %dma_start3A_173 = arith.constant 0 : i32
      %dma_start3A_174 = tpu.memref_slice %arg6[%arg0, %add3A_166, %dma_start3A_173] : memref<2x10240x64xf32, #tpu.memory_space<hbm>> -> memref<1x128x64xf32, #tpu.memory_space<hbm>>
      %dma_start3A_175 = tpu.memref_squeeze %dma_start3A_174 : memref<1x128x64xf32, #tpu.memory_space<hbm>> -> memref<128x64xf32, #tpu.memory_space<hbm>>
      %dma_start3A_176 = arith.constant 0 : i32
      %dma_start3A_177 = arith.constant 0 : i32
      %dma_start3A_178 = tpu.memref_slice %arg12[%dma_start3A_176, %dma_start3A_177] : memref<512x64xf32, #tpu.memory_space<vmem>> -> memref<128x64xf32, #tpu.memory_space<vmem>>
      tpu.enqueue_dma source(%dma_start3A_178 : memref<128x64xf32, #tpu.memory_space<vmem>>) target(%dma_start3A_175 : memref<128x64xf32, #tpu.memory_space<hbm>>) target_semaphore(%run_scoped3A : memref<!tpu.dma_semaphore, #tpu.memory_space<semaphore_mem>>)
      %dma_wait3A = arith.constant 0 : i32
      %dma_wait3A_179 = arith.constant 0 : i32
      %dma_wait3A_180 = tpu.memref_slice %arg12[%dma_wait3A, %dma_wait3A_179] : memref<512x64xf32, #tpu.memory_space<vmem>> -> memref<128x64xf32, #tpu.memory_space<vmem>>
      %dma_wait3A_181 = arith.constant 0 : i32
      %dma_wait3A_182 = tpu.memref_slice %arg6[%arg0, %add3A_166, %dma_wait3A_181] : memref<2x10240x64xf32, #tpu.memory_space<hbm>> -> memref<1x128x64xf32, #tpu.memory_space<hbm>>
      %dma_wait3A_183 = tpu.memref_squeeze %dma_wait3A_182 : memref<1x128x64xf32, #tpu.memory_space<hbm>> -> memref<128x64xf32, #tpu.memory_space<hbm>>
      %dma_wait3A_184 = arith.constant 0 : i32
      %dma_wait3A_185 = tpu.memref_slice %arg6[%arg0, %add3A_166, %dma_wait3A_184] : memref<2x10240x64xf32, #tpu.memory_space<hbm>> -> memref<1x128x64xf32, #tpu.memory_space<hbm>>
      %dma_wait3A_186 = tpu.memref_squeeze %dma_wait3A_185 : memref<1x128x64xf32, #tpu.memory_space<hbm>> -> memref<128x64xf32, #tpu.memory_space<hbm>>
      %dma_wait3A_187 = arith.constant 0 : i32
      %dma_wait3A_188 = arith.constant 0 : i32
      %dma_wait3A_189 = tpu.memref_slice %arg12[%dma_wait3A_187, %dma_wait3A_188] : memref<512x64xf32, #tpu.memory_space<vmem>> -> memref<128x64xf32, #tpu.memory_space<vmem>>
      tpu.wait_dma2 semaphore(%run_scoped3A : memref<!tpu.dma_semaphore, #tpu.memory_space<semaphore_mem>>) src(%dma_wait3A_189 : memref<128x64xf32, #tpu.memory_space<vmem>>) dst(%dma_wait3A_186 : memref<128x64xf32, #tpu.memory_space<hbm>>)
      tpu.yield
    }) : () -> ()
    return
  }
}

#map = affine_map<(d0, d1) -> (0, 0)>
#map1 = affine_map<(d0, d1) -> (0, 0, 0)>
module attributes {stable_mosaic.version = 14 : i64} {
  func.func @_agg_kernel(%arg0: i32, %arg1: i32, %arg2: memref<10240x64xf32, #tpu.memory_space<hbm>>, %arg3: memref<2560x128xi32, #tpu.memory_space<hbm>>, %arg4: memref<2560x128xi32, #tpu.memory_space<hbm>>, %arg5: memref<640x64xf32, #tpu.memory_space<hbm>>, %arg6: memref<2x10240x64xf32, #tpu.memory_space<hbm>>, %arg7: memref<4x128xi32, #tpu.memory_space<vmem>>, %arg8: memref<4x128xi32, #tpu.memory_space<vmem>>, %arg9: memref<4x128xi32, #tpu.memory_space<vmem>>, %arg10: memref<4x128xi32, #tpu.memory_space<vmem>>, %arg11: memref<512x64xf32, #tpu.memory_space<vmem>>, %arg12: memref<512x64xf32, #tpu.memory_space<vmem>>, %arg13: memref<!tpu.dma_semaphore, #tpu.memory_space<semaphore_mem>>, %arg14: memref<!tpu.dma_semaphore, #tpu.memory_space<semaphore_mem>>, %arg15: memref<10240x64xf32, #tpu.memory_space<vmem_shared>>) attributes {dimension_semantics = [#tpu.dimension_semantics<core_parallel>, #tpu.dimension_semantics<subcore_parallel>], iteration_bounds = array<i64: 2, 16>, scalar_prefetch = 0 : i64, scratch_operands = 9 : i64, tpu.core_type = #tpu.core_type<sc_vector_subcore>, window_params = [{transform_indices = #map}, {transform_indices = #map}, {transform_indices = #map}, {transform_indices = #map}, {transform_indices = #map1}]} {
    %mul3A = arith.constant 2 : i32
    %mul3A_0 = arith.muli %arg1, %mul3A : i32
    %add3A = arith.addi %mul3A_0, %arg0 : i32
    "tpu.region"() ({
      %run_scoped3A = tpu.sem_alloc : memref<!tpu.dma_semaphore, #tpu.memory_space<semaphore_mem>>
      %dma_start3A_167 = arith.constant 0 : i32
      %dma_start3A_168 = arith.constant 0 : i32
      %dma_start3A_169 = tpu.memref_slice %arg5[%dma_start3A_167, %dma_start3A_168] : memref<640x64xf32, #tpu.memory_space<hbm>> -> memref<512x64xf32, #tpu.memory_space<hbm>>
      %dma_start3A_170 = arith.constant 0 : i32
      %dma_start3A_171 = arith.constant 0 : i32
      %dma_start3A_172 = tpu.memref_slice %arg5[%dma_start3A_170, %dma_start3A_171] : memref<640x64xf32, #tpu.memory_space<hbm>> -> memref<512x64xf32, #tpu.memory_space<hbm>>
      tpu.enqueue_dma source(%dma_start3A_172 : memref<512x64xf32, #tpu.memory_space<hbm>>) target(%arg11 : memref<512x64xf32, #tpu.memory_space<vmem>>) target_semaphore(%run_scoped3A : memref<!tpu.dma_semaphore, #tpu.memory_space<semaphore_mem>>)
      %dma_wait3A = arith.constant 0 : i32
      %dma_wait3A_173 = arith.constant 0 : i32
      %dma_wait3A_174 = tpu.memref_slice %arg5[%dma_wait3A, %dma_wait3A_173] : memref<640x64xf32, #tpu.memory_space<hbm>> -> memref<512x64xf32, #tpu.memory_space<hbm>>
      %dma_wait3A_175 = arith.constant 0 : i32
      %dma_wait3A_176 = arith.constant 0 : i32
      %dma_wait3A_177 = tpu.memref_slice %arg5[%dma_wait3A_175, %dma_wait3A_176] : memref<640x64xf32, #tpu.memory_space<hbm>> -> memref<512x64xf32, #tpu.memory_space<hbm>>
      tpu.wait_dma2 semaphore(%run_scoped3A : memref<!tpu.dma_semaphore, #tpu.memory_space<semaphore_mem>>) src(%dma_wait3A_177 : memref<512x64xf32, #tpu.memory_space<hbm>>) dst(%arg11 : memref<512x64xf32, #tpu.memory_space<vmem>>)
      tpu.yield
    }) : () -> ()
    "tpu.region"() ({
      %run_scoped3A = tpu.sem_alloc : memref<!tpu.dma_semaphore, #tpu.memory_space<semaphore_mem>>
      %dma_start3A_167 = arith.constant 0 : i32
      %dma_start3A_168 = arith.constant 0 : i32
      %dma_start3A_169 = tpu.memref_slice %arg12[%dma_start3A_167, %dma_start3A_168] : memref<512x64xf32, #tpu.memory_space<vmem>> -> memref<128x64xf32, #tpu.memory_space<vmem>>
      %dma_start3A_170 = arith.constant 512 : i32
      %dma_start3A_171 = arith.constant 0 : i32
      %dma_start3A_172 = tpu.memref_slice %arg5[%dma_start3A_170, %dma_start3A_171] : memref<640x64xf32, #tpu.memory_space<hbm>> -> memref<128x64xf32, #tpu.memory_space<hbm>>
      %dma_start3A_173 = arith.constant 0 : i32
      %dma_start3A_174 = arith.constant 0 : i32
      %dma_start3A_175 = tpu.memref_slice %arg12[%dma_start3A_173, %dma_start3A_174] : memref<512x64xf32, #tpu.memory_space<vmem>> -> memref<128x64xf32, #tpu.memory_space<vmem>>
      %dma_start3A_176 = arith.constant 512 : i32
      %dma_start3A_177 = arith.constant 0 : i32
      %dma_start3A_178 = tpu.memref_slice %arg5[%dma_start3A_176, %dma_start3A_177] : memref<640x64xf32, #tpu.memory_space<hbm>> -> memref<128x64xf32, #tpu.memory_space<hbm>>
      tpu.enqueue_dma source(%dma_start3A_178 : memref<128x64xf32, #tpu.memory_space<hbm>>) target(%dma_start3A_175 : memref<128x64xf32, #tpu.memory_space<vmem>>) target_semaphore(%run_scoped3A : memref<!tpu.dma_semaphore, #tpu.memory_space<semaphore_mem>>)
      %dma_wait3A = arith.constant 0 : i32
      %dma_wait3A_179 = arith.constant 0 : i32
      %dma_wait3A_180 = tpu.memref_slice %arg12[%dma_wait3A, %dma_wait3A_179] : memref<512x64xf32, #tpu.memory_space<vmem>> -> memref<128x64xf32, #tpu.memory_space<vmem>>
      %dma_wait3A_181 = arith.constant 512 : i32
      %dma_wait3A_182 = arith.constant 0 : i32
      %dma_wait3A_183 = tpu.memref_slice %arg5[%dma_wait3A_181, %dma_wait3A_182] : memref<640x64xf32, #tpu.memory_space<hbm>> -> memref<128x64xf32, #tpu.memory_space<hbm>>
      %dma_wait3A_184 = arith.constant 0 : i32
      %dma_wait3A_185 = arith.constant 0 : i32
      %dma_wait3A_186 = tpu.memref_slice %arg12[%dma_wait3A_184, %dma_wait3A_185] : memref<512x64xf32, #tpu.memory_space<vmem>> -> memref<128x64xf32, #tpu.memory_space<vmem>>
      %dma_wait3A_187 = arith.constant 512 : i32
      %dma_wait3A_188 = arith.constant 0 : i32
      %dma_wait3A_189 = tpu.memref_slice %arg5[%dma_wait3A_187, %dma_wait3A_188] : memref<640x64xf32, #tpu.memory_space<hbm>> -> memref<128x64xf32, #tpu.memory_space<hbm>>
      tpu.wait_dma2 semaphore(%run_scoped3A : memref<!tpu.dma_semaphore, #tpu.memory_space<semaphore_mem>>) src(%dma_wait3A_189 : memref<128x64xf32, #tpu.memory_space<hbm>>) dst(%dma_wait3A_186 : memref<128x64xf32, #tpu.memory_space<vmem>>)
      tpu.yield
    }) : () -> ()
    %mul3A_1 = arith.constant 640 : i32
    %mul3A_2 = arith.muli %arg1, %mul3A_1 : i32
    "tpu.region"() ({
      %run_scoped3A = tpu.sem_alloc : memref<!tpu.dma_semaphore, #tpu.memory_space<semaphore_mem>>
      %dma_start3A_167 = arith.constant 0 : i32
      %dma_start3A_168 = tpu.memref_slice %arg15[%mul3A_2, %dma_start3A_167] : memref<10240x64xf32, #tpu.memory_space<vmem_shared>> -> memref<512x64xf32, #tpu.memory_space<vmem_shared>>
      %dma_start3A_169 = arith.constant 0 : i32
      %dma_start3A_170 = tpu.memref_slice %arg15[%mul3A_2, %dma_start3A_169] : memref<10240x64xf32, #tpu.memory_space<vmem_shared>> -> memref<512x64xf32, #tpu.memory_space<vmem_shared>>
      tpu.enqueue_dma source(%arg11 : memref<512x64xf32, #tpu.memory_space<vmem>>) target(%dma_start3A_170 : memref<512x64xf32, #tpu.memory_space<vmem_shared>>) target_semaphore(%run_scoped3A : memref<!tpu.dma_semaphore, #tpu.memory_space<semaphore_mem>>)
      %dma_wait3A = arith.constant 0 : i32
      %dma_wait3A_171 = tpu.memref_slice %arg15[%mul3A_2, %dma_wait3A] : memref<10240x64xf32, #tpu.memory_space<vmem_shared>> -> memref<512x64xf32, #tpu.memory_space<vmem_shared>>
      %dma_wait3A_172 = arith.constant 0 : i32
      %dma_wait3A_173 = tpu.memref_slice %arg15[%mul3A_2, %dma_wait3A_172] : memref<10240x64xf32, #tpu.memory_space<vmem_shared>> -> memref<512x64xf32, #tpu.memory_space<vmem_shared>>
      tpu.wait_dma2 semaphore(%run_scoped3A : memref<!tpu.dma_semaphore, #tpu.memory_space<semaphore_mem>>) src(%arg11 : memref<512x64xf32, #tpu.memory_space<vmem>>) dst(%dma_wait3A_173 : memref<512x64xf32, #tpu.memory_space<vmem_shared>>)
      tpu.yield
    }) : () -> ()
    %mul3A_3 = arith.constant 640 : i32
    %mul3A_4 = arith.muli %arg1, %mul3A_3 : i32
    %add3A_5 = arith.constant 512 : i32
    %add3A_6 = arith.addi %mul3A_4, %add3A_5 : i32
    "tpu.region"() ({
      %run_scoped3A = tpu.sem_alloc : memref<!tpu.dma_semaphore, #tpu.memory_space<semaphore_mem>>
      %dma_start3A_167 = arith.constant 0 : i32
      %dma_start3A_168 = arith.constant 0 : i32
      %dma_start3A_169 = tpu.memref_slice %arg12[%dma_start3A_167, %dma_start3A_168] : memref<512x64xf32, #tpu.memory_space<vmem>> -> memref<128x64xf32, #tpu.memory_space<vmem>>
      %dma_start3A_170 = arith.constant 0 : i32
      %dma_start3A_171 = tpu.memref_slice %arg15[%add3A_6, %dma_start3A_170] : memref<10240x64xf32, #tpu.memory_space<vmem_shared>> -> memref<128x64xf32, #tpu.memory_space<vmem_shared>>
      %dma_start3A_172 = arith.constant 0 : i32
      %dma_start3A_173 = tpu.memref_slice %arg15[%add3A_6, %dma_start3A_172] : memref<10240x64xf32, #tpu.memory_space<vmem_shared>> -> memref<128x64xf32, #tpu.memory_space<vmem_shared>>
      %dma_start3A_174 = arith.constant 0 : i32
      %dma_start3A_175 = arith.constant 0 : i32
      %dma_start3A_176 = tpu.memref_slice %arg12[%dma_start3A_174, %dma_start3A_175] : memref<512x64xf32, #tpu.memory_space<vmem>> -> memref<128x64xf32, #tpu.memory_space<vmem>>
      tpu.enqueue_dma source(%dma_start3A_176 : memref<128x64xf32, #tpu.memory_space<vmem>>) target(%dma_start3A_173 : memref<128x64xf32, #tpu.memory_space<vmem_shared>>) target_semaphore(%run_scoped3A : memref<!tpu.dma_semaphore, #tpu.memory_space<semaphore_mem>>)
      %dma_wait3A = arith.constant 0 : i32
      %dma_wait3A_177 = arith.constant 0 : i32
      %dma_wait3A_178 = tpu.memref_slice %arg12[%dma_wait3A, %dma_wait3A_177] : memref<512x64xf32, #tpu.memory_space<vmem>> -> memref<128x64xf32, #tpu.memory_space<vmem>>
      %dma_wait3A_179 = arith.constant 0 : i32
      %dma_wait3A_180 = tpu.memref_slice %arg15[%add3A_6, %dma_wait3A_179] : memref<10240x64xf32, #tpu.memory_space<vmem_shared>> -> memref<128x64xf32, #tpu.memory_space<vmem_shared>>
      %dma_wait3A_181 = arith.constant 0 : i32
      %dma_wait3A_182 = tpu.memref_slice %arg15[%add3A_6, %dma_wait3A_181] : memref<10240x64xf32, #tpu.memory_space<vmem_shared>> -> memref<128x64xf32, #tpu.memory_space<vmem_shared>>
      %dma_wait3A_183 = arith.constant 0 : i32
      %dma_wait3A_184 = arith.constant 0 : i32
      %dma_wait3A_185 = tpu.memref_slice %arg12[%dma_wait3A_183, %dma_wait3A_184] : memref<512x64xf32, #tpu.memory_space<vmem>> -> memref<128x64xf32, #tpu.memory_space<vmem>>
      tpu.wait_dma2 semaphore(%run_scoped3A : memref<!tpu.dma_semaphore, #tpu.memory_space<semaphore_mem>>) src(%dma_wait3A_185 : memref<128x64xf32, #tpu.memory_space<vmem>>) dst(%dma_wait3A_182 : memref<128x64xf32, #tpu.memory_space<vmem_shared>>)
      tpu.yield
    }) : () -> ()
    %barrier3A = arith.constant 0 : index
    tpu.barrier barrier_id(%barrier3A)
    %eq3A = arith.constant 0 : i32
    %eq3A_7 = arith.cmpi eq, %arg0, %eq3A : i32
    %jit3A = arith.constant 120 : i32
    %jit3A_8 = arith.constant 40 : i32
    %select_n3A = arith.select %eq3A_7, %jit3A, %jit3A_8 : i32
    %eq3A_9 = arith.constant 0 : i32
    %eq3A_10 = arith.cmpi eq, %arg0, %eq3A_9 : i32
    %mul3A_11 = arith.constant 120 : i32
    %mul3A_12 = arith.muli %arg1, %mul3A_11 : i32
    %mul3A_13 = arith.constant 40 : i32
    %mul3A_14 = arith.muli %arg1, %mul3A_13 : i32
    %add3A_15 = arith.constant 1920 : i32
    %add3A_16 = arith.addi %add3A_15, %mul3A_14 : i32
    %select_n3A_17 = arith.select %eq3A_10, %mul3A_12, %add3A_16 : i32
    %add3A_18 = arith.constant 0 : i32
    %add3A_19 = arith.addi %select_n3A_17, %add3A_18 : i32
    %jit3A_20 = arith.constant 4 : i32
    %div3A = arith.divsi %select_n3A, %jit3A_20 : i32
    %sign3A = arith.constant 0 : i32
    %sign3A_21 = arith.cmpi sgt, %select_n3A, %sign3A : i32
    %sign3A_22 = arith.extui %sign3A_21 : i1 to i32
    %sign3A_23 = arith.constant 0 : i32
    %sign3A_24 = arith.cmpi slt, %select_n3A, %sign3A_23 : i32
    %sign3A_25 = arith.extui %sign3A_24 : i1 to i32
    %sign3A_26 = arith.subi %sign3A_22, %sign3A_25 : i32
    %sign3A_27 = arith.constant 0 : i32
    %sign3A_28 = arith.cmpi sgt, %jit3A_20, %sign3A_27 : i32
    %sign3A_29 = arith.extui %sign3A_28 : i1 to i32
    %sign3A_30 = arith.constant 0 : i32
    %sign3A_31 = arith.cmpi slt, %jit3A_20, %sign3A_30 : i32
    %sign3A_32 = arith.extui %sign3A_31 : i1 to i32
    %sign3A_33 = arith.subi %sign3A_29, %sign3A_32 : i32
    %ne3A = arith.cmpi ne, %sign3A_26, %sign3A_33 : i32
    %rem3A = arith.remsi %select_n3A, %jit3A_20 : i32
    %ne3A_34 = arith.constant 0 : i32
    %ne3A_35 = arith.cmpi ne, %rem3A, %ne3A_34 : i32
    %and3A = arith.andi %ne3A, %ne3A_35 : i1
    %sub3A = arith.constant 1 : i32
    %sub3A_36 = arith.subi %div3A, %sub3A : i32
    %select_n3A_37 = arith.select %and3A, %sub3A_36, %div3A : i32
    %eq3A_38 = arith.constant 0 : i32
    %eq3A_39 = arith.cmpi eq, %arg0, %eq3A_38 : i32
    %jit3A_40 = arith.constant 120 : i32
    %jit3A_41 = arith.constant 40 : i32
    %select_n3A_42 = arith.select %eq3A_39, %jit3A_40, %jit3A_41 : i32
    %eq3A_43 = arith.constant 0 : i32
    %eq3A_44 = arith.cmpi eq, %arg0, %eq3A_43 : i32
    %mul3A_45 = arith.constant 120 : i32
    %mul3A_46 = arith.muli %arg1, %mul3A_45 : i32
    %mul3A_47 = arith.constant 40 : i32
    %mul3A_48 = arith.muli %arg1, %mul3A_47 : i32
    %add3A_49 = arith.constant 1920 : i32
    %add3A_50 = arith.addi %add3A_49, %mul3A_48 : i32
    %select_n3A_51 = arith.select %eq3A_44, %mul3A_46, %add3A_50 : i32
    %add3A_52 = arith.constant 0 : i32
    %add3A_53 = arith.addi %select_n3A_51, %add3A_52 : i32
    %jit3A_54 = arith.constant 4 : i32
    %div3A_55 = arith.divsi %select_n3A_42, %jit3A_54 : i32
    %sign3A_56 = arith.constant 0 : i32
    %sign3A_57 = arith.cmpi sgt, %select_n3A_42, %sign3A_56 : i32
    %sign3A_58 = arith.extui %sign3A_57 : i1 to i32
    %sign3A_59 = arith.constant 0 : i32
    %sign3A_60 = arith.cmpi slt, %select_n3A_42, %sign3A_59 : i32
    %sign3A_61 = arith.extui %sign3A_60 : i1 to i32
    %sign3A_62 = arith.subi %sign3A_58, %sign3A_61 : i32
    %sign3A_63 = arith.constant 0 : i32
    %sign3A_64 = arith.cmpi sgt, %jit3A_54, %sign3A_63 : i32
    %sign3A_65 = arith.extui %sign3A_64 : i1 to i32
    %sign3A_66 = arith.constant 0 : i32
    %sign3A_67 = arith.cmpi slt, %jit3A_54, %sign3A_66 : i32
    %sign3A_68 = arith.extui %sign3A_67 : i1 to i32
    %sign3A_69 = arith.subi %sign3A_65, %sign3A_68 : i32
    %ne3A_70 = arith.cmpi ne, %sign3A_62, %sign3A_69 : i32
    %rem3A_71 = arith.remsi %select_n3A_42, %jit3A_54 : i32
    %ne3A_72 = arith.constant 0 : i32
    %ne3A_73 = arith.cmpi ne, %rem3A_71, %ne3A_72 : i32
    %and3A_74 = arith.andi %ne3A_70, %ne3A_73 : i1
    %sub3A_75 = arith.constant 1 : i32
    %sub3A_76 = arith.subi %div3A_55, %sub3A_75 : i32
    %select_n3A_77 = arith.select %and3A_74, %sub3A_76, %div3A_55 : i32
    "tpu.region"() ({
      %run_scoped3A = tpu.sem_alloc : memref<!tpu.dma_semaphore, #tpu.memory_space<semaphore_mem>>
      %dma_start3A_167 = arith.constant 0 : i32
      %dma_start3A_168 = tpu.memref_slice %arg3[%add3A_53, %dma_start3A_167] : memref<2560x128xi32, #tpu.memory_space<hbm>> -> memref<4x128xi32, #tpu.memory_space<hbm>>
      %dma_start3A_169 = arith.constant 0 : i32
      %dma_start3A_170 = tpu.memref_slice %arg3[%add3A_53, %dma_start3A_169] : memref<2560x128xi32, #tpu.memory_space<hbm>> -> memref<4x128xi32, #tpu.memory_space<hbm>>
      tpu.enqueue_dma source(%dma_start3A_170 : memref<4x128xi32, #tpu.memory_space<hbm>>) target(%arg7 : memref<4x128xi32, #tpu.memory_space<vmem>>) target_semaphore(%run_scoped3A : memref<!tpu.dma_semaphore, #tpu.memory_space<semaphore_mem>>)
      %dma_wait3A = arith.constant 0 : i32
      %dma_wait3A_171 = tpu.memref_slice %arg3[%add3A_53, %dma_wait3A] : memref<2560x128xi32, #tpu.memory_space<hbm>> -> memref<4x128xi32, #tpu.memory_space<hbm>>
      %dma_wait3A_172 = arith.constant 0 : i32
      %dma_wait3A_173 = tpu.memref_slice %arg3[%add3A_53, %dma_wait3A_172] : memref<2560x128xi32, #tpu.memory_space<hbm>> -> memref<4x128xi32, #tpu.memory_space<hbm>>
      tpu.wait_dma2 semaphore(%run_scoped3A : memref<!tpu.dma_semaphore, #tpu.memory_space<semaphore_mem>>) src(%dma_wait3A_173 : memref<4x128xi32, #tpu.memory_space<hbm>>) dst(%arg7 : memref<4x128xi32, #tpu.memory_space<vmem>>)
      tpu.yield
    }) : () -> ()
    "tpu.region"() ({
      %run_scoped3A = tpu.sem_alloc : memref<!tpu.dma_semaphore, #tpu.memory_space<semaphore_mem>>
      %dma_start3A_167 = arith.constant 0 : i32
      %dma_start3A_168 = tpu.memref_slice %arg4[%add3A_53, %dma_start3A_167] : memref<2560x128xi32, #tpu.memory_space<hbm>> -> memref<4x128xi32, #tpu.memory_space<hbm>>
      %dma_start3A_169 = arith.constant 0 : i32
      %dma_start3A_170 = tpu.memref_slice %arg4[%add3A_53, %dma_start3A_169] : memref<2560x128xi32, #tpu.memory_space<hbm>> -> memref<4x128xi32, #tpu.memory_space<hbm>>
      tpu.enqueue_dma source(%dma_start3A_170 : memref<4x128xi32, #tpu.memory_space<hbm>>) target(%arg9 : memref<4x128xi32, #tpu.memory_space<vmem>>) target_semaphore(%run_scoped3A : memref<!tpu.dma_semaphore, #tpu.memory_space<semaphore_mem>>)
      %dma_wait3A = arith.constant 0 : i32
      %dma_wait3A_171 = tpu.memref_slice %arg4[%add3A_53, %dma_wait3A] : memref<2560x128xi32, #tpu.memory_space<hbm>> -> memref<4x128xi32, #tpu.memory_space<hbm>>
      %dma_wait3A_172 = arith.constant 0 : i32
      %dma_wait3A_173 = tpu.memref_slice %arg4[%add3A_53, %dma_wait3A_172] : memref<2560x128xi32, #tpu.memory_space<hbm>> -> memref<4x128xi32, #tpu.memory_space<hbm>>
      tpu.wait_dma2 semaphore(%run_scoped3A : memref<!tpu.dma_semaphore, #tpu.memory_space<semaphore_mem>>) src(%dma_wait3A_173 : memref<4x128xi32, #tpu.memory_space<hbm>>) dst(%arg9 : memref<4x128xi32, #tpu.memory_space<vmem>>)
      tpu.yield
    }) : () -> ()
    %dma_start3A = arith.constant 0 : i32
    %dma_start3A_78 = arith.constant 0 : i32
    %dma_start3A_79 = arith.constant 0 : i32
    %dma_start3A_80 = tpu.memref_slice %arg11[%dma_start3A_78, %dma_start3A_79] : memref<512x64xf32, #tpu.memory_space<vmem>> -> memref<128x64xf32, #tpu.memory_space<vmem>>
    %dma_start3A_81 = arith.constant 0 : i32
    %dma_start3A_82 = tpu.memref_slice %arg7[%dma_start3A, %dma_start3A_81] : memref<4x128xi32, #tpu.memory_space<vmem>> -> memref<1x128xi32, #tpu.memory_space<vmem>>
    %dma_start3A_83 = tpu.memref_squeeze %dma_start3A_82 : memref<1x128xi32, #tpu.memory_space<vmem>> -> memref<128xi32, #tpu.memory_space<vmem>>
    %dma_start3A_84 = arith.constant 0 : i32
    %dma_start3A_85 = arith.constant 0 : i32
    %dma_start3A_86 = tpu.memref_slice %arg2[%dma_start3A_84, %dma_start3A_85] : memref<10240x64xf32, #tpu.memory_space<hbm>> -> memref<10240x64xf32, #tpu.memory_space<hbm>>
    tpu.enqueue_indirect_dma source(%dma_start3A_86 : memref<10240x64xf32, #tpu.memory_space<hbm>>) target(%dma_start3A_80 : memref<128x64xf32, #tpu.memory_space<vmem>>) offsets(%dma_start3A_83 : memref<128xi32, #tpu.memory_space<vmem>>) semaphore(%arg13 : memref<!tpu.dma_semaphore, #tpu.memory_space<semaphore_mem>>)
    %dma_start3A_87 = arith.constant 1 : i32
    %dma_start3A_88 = arith.constant 128 : i32
    %dma_start3A_89 = arith.constant 0 : i32
    %dma_start3A_90 = tpu.memref_slice %arg11[%dma_start3A_88, %dma_start3A_89] : memref<512x64xf32, #tpu.memory_space<vmem>> -> memref<128x64xf32, #tpu.memory_space<vmem>>
    %dma_start3A_91 = arith.constant 0 : i32
    %dma_start3A_92 = tpu.memref_slice %arg7[%dma_start3A_87, %dma_start3A_91] : memref<4x128xi32, #tpu.memory_space<vmem>> -> memref<1x128xi32, #tpu.memory_space<vmem>>
    %dma_start3A_93 = tpu.memref_squeeze %dma_start3A_92 : memref<1x128xi32, #tpu.memory_space<vmem>> -> memref<128xi32, #tpu.memory_space<vmem>>
    %dma_start3A_94 = arith.constant 0 : i32
    %dma_start3A_95 = arith.constant 0 : i32
    %dma_start3A_96 = tpu.memref_slice %arg2[%dma_start3A_94, %dma_start3A_95] : memref<10240x64xf32, #tpu.memory_space<hbm>> -> memref<10240x64xf32, #tpu.memory_space<hbm>>
    tpu.enqueue_indirect_dma source(%dma_start3A_96 : memref<10240x64xf32, #tpu.memory_space<hbm>>) target(%dma_start3A_90 : memref<128x64xf32, #tpu.memory_space<vmem>>) offsets(%dma_start3A_93 : memref<128xi32, #tpu.memory_space<vmem>>) semaphore(%arg13 : memref<!tpu.dma_semaphore, #tpu.memory_space<semaphore_mem>>)
    %dma_start3A_97 = arith.constant 2 : i32
    %dma_start3A_98 = arith.constant 256 : i32
    %dma_start3A_99 = arith.constant 0 : i32
    %dma_start3A_100 = tpu.memref_slice %arg11[%dma_start3A_98, %dma_start3A_99] : memref<512x64xf32, #tpu.memory_space<vmem>> -> memref<128x64xf32, #tpu.memory_space<vmem>>
    %dma_start3A_101 = arith.constant 0 : i32
    %dma_start3A_102 = tpu.memref_slice %arg7[%dma_start3A_97, %dma_start3A_101] : memref<4x128xi32, #tpu.memory_space<vmem>> -> memref<1x128xi32, #tpu.memory_space<vmem>>
    %dma_start3A_103 = tpu.memref_squeeze %dma_start3A_102 : memref<1x128xi32, #tpu.memory_space<vmem>> -> memref<128xi32, #tpu.memory_space<vmem>>
    %dma_start3A_104 = arith.constant 0 : i32
    %dma_start3A_105 = arith.constant 0 : i32
    %dma_start3A_106 = tpu.memref_slice %arg2[%dma_start3A_104, %dma_start3A_105] : memref<10240x64xf32, #tpu.memory_space<hbm>> -> memref<10240x64xf32, #tpu.memory_space<hbm>>
    tpu.enqueue_indirect_dma source(%dma_start3A_106 : memref<10240x64xf32, #tpu.memory_space<hbm>>) target(%dma_start3A_100 : memref<128x64xf32, #tpu.memory_space<vmem>>) offsets(%dma_start3A_103 : memref<128xi32, #tpu.memory_space<vmem>>) semaphore(%arg13 : memref<!tpu.dma_semaphore, #tpu.memory_space<semaphore_mem>>)
    %dma_start3A_107 = arith.constant 3 : i32
    %dma_start3A_108 = arith.constant 384 : i32
    %dma_start3A_109 = arith.constant 0 : i32
    %dma_start3A_110 = tpu.memref_slice %arg11[%dma_start3A_108, %dma_start3A_109] : memref<512x64xf32, #tpu.memory_space<vmem>> -> memref<128x64xf32, #tpu.memory_space<vmem>>
    %dma_start3A_111 = arith.constant 0 : i32
    %dma_start3A_112 = tpu.memref_slice %arg7[%dma_start3A_107, %dma_start3A_111] : memref<4x128xi32, #tpu.memory_space<vmem>> -> memref<1x128xi32, #tpu.memory_space<vmem>>
    %dma_start3A_113 = tpu.memref_squeeze %dma_start3A_112 : memref<1x128xi32, #tpu.memory_space<vmem>> -> memref<128xi32, #tpu.memory_space<vmem>>
    %dma_start3A_114 = arith.constant 0 : i32
    %dma_start3A_115 = arith.constant 0 : i32
    %dma_start3A_116 = tpu.memref_slice %arg2[%dma_start3A_114, %dma_start3A_115] : memref<10240x64xf32, #tpu.memory_space<hbm>> -> memref<10240x64xf32, #tpu.memory_space<hbm>>
    tpu.enqueue_indirect_dma source(%dma_start3A_116 : memref<10240x64xf32, #tpu.memory_space<hbm>>) target(%dma_start3A_110 : memref<128x64xf32, #tpu.memory_space<vmem>>) offsets(%dma_start3A_113 : memref<128xi32, #tpu.memory_space<vmem>>) semaphore(%arg13 : memref<!tpu.dma_semaphore, #tpu.memory_space<semaphore_mem>>)
    %jit3A_117 = arith.constant 2 : i32
    %div3A_118 = arith.divsi %select_n3A_37, %jit3A_117 : i32
    %sign3A_119 = arith.constant 0 : i32
    %sign3A_120 = arith.cmpi sgt, %select_n3A_37, %sign3A_119 : i32
    %sign3A_121 = arith.extui %sign3A_120 : i1 to i32
    %sign3A_122 = arith.constant 0 : i32
    %sign3A_123 = arith.cmpi slt, %select_n3A_37, %sign3A_122 : i32
    %sign3A_124 = arith.extui %sign3A_123 : i1 to i32
    %sign3A_125 = arith.subi %sign3A_121, %sign3A_124 : i32
    %sign3A_126 = arith.constant 0 : i32
    %sign3A_127 = arith.cmpi sgt, %jit3A_117, %sign3A_126 : i32
    %sign3A_128 = arith.extui %sign3A_127 : i1 to i32
    %sign3A_129 = arith.constant 0 : i32
    %sign3A_130 = arith.cmpi slt, %jit3A_117, %sign3A_129 : i32
    %sign3A_131 = arith.extui %sign3A_130 : i1 to i32
    %sign3A_132 = arith.subi %sign3A_128, %sign3A_131 : i32
    %ne3A_133 = arith.cmpi ne, %sign3A_125, %sign3A_132 : i32
    %rem3A_134 = arith.remsi %select_n3A_37, %jit3A_117 : i32
    %ne3A_135 = arith.constant 0 : i32
    %ne3A_136 = arith.cmpi ne, %rem3A_134, %ne3A_135 : i32
    %and3A_137 = arith.andi %ne3A_133, %ne3A_136 : i1
    %sub3A_138 = arith.constant 1 : i32
    %sub3A_139 = arith.subi %div3A_118, %sub3A_138 : i32
    %select_n3A_140 = arith.select %and3A_137, %sub3A_139, %div3A_118 : i32
    %while3A = arith.constant 0 : i32
    %while3A_141 = arith.constant 0 : i32
    %while3A_142 = arith.constant 1 : i32
    %while3A_143 = arith.constant 2 : i32
    %while3A_144 = arith.constant 3 : i32
    %while3A_145 = arith.constant 0 : i32
    %while3A_146 = arith.subi %select_n3A_140, %while3A_145 : i32
    %while3A_147 = arith.addi %while3A_145, %while3A_146 : i32
    %while3A_148 = arith.constant 1 : i32
    %while3A_149 = arith.divsi %while3A_146, %while3A_148 : i32
    %while3A_150 = arith.muli %while3A_149, %while3A_148 : i32
    %while3A_151 = arith.addi %while3A_145, %while3A_150 : i32
    %while3A_152 = arith.constant 1 : i32
    scf.for %while3A_167 = %while3A_145 to %while3A_151 step %while3A_152  : i32 {
      %mul3A_168 = arith.constant 2 : i32
      %mul3A_169 = arith.muli %while3A_167, %mul3A_168 : i32
      %add3A_170 = arith.constant 1 : i32
      %add3A_171 = arith.addi %mul3A_169, %add3A_170 : i32
      %eq3A_172 = arith.constant 0 : i32
      %eq3A_173 = arith.cmpi eq, %arg0, %eq3A_172 : i32
      %jit3A_174 = arith.constant 120 : i32
      %jit3A_175 = arith.constant 40 : i32
      %select_n3A_176 = arith.select %eq3A_173, %jit3A_174, %jit3A_175 : i32
      %eq3A_177 = arith.constant 0 : i32
      %eq3A_178 = arith.cmpi eq, %arg0, %eq3A_177 : i32
      %mul3A_179 = arith.constant 120 : i32
      %mul3A_180 = arith.muli %arg1, %mul3A_179 : i32
      %mul3A_181 = arith.constant 40 : i32
      %mul3A_182 = arith.muli %arg1, %mul3A_181 : i32
      %add3A_183 = arith.constant 1920 : i32
      %add3A_184 = arith.addi %add3A_183, %mul3A_182 : i32
      %select_n3A_185 = arith.select %eq3A_178, %mul3A_180, %add3A_184 : i32
      %mul3A_186 = arith.constant 4 : i32
      %mul3A_187 = arith.muli %add3A_171, %mul3A_186 : i32
      %add3A_188 = arith.addi %select_n3A_185, %mul3A_187 : i32
      %jit3A_189 = arith.constant 4 : i32
      %div3A_190 = arith.divsi %select_n3A_176, %jit3A_189 : i32
      %sign3A_191 = arith.constant 0 : i32
      %sign3A_192 = arith.cmpi sgt, %select_n3A_176, %sign3A_191 : i32
      %sign3A_193 = arith.extui %sign3A_192 : i1 to i32
      %sign3A_194 = arith.constant 0 : i32
      %sign3A_195 = arith.cmpi slt, %select_n3A_176, %sign3A_194 : i32
      %sign3A_196 = arith.extui %sign3A_195 : i1 to i32
      %sign3A_197 = arith.subi %sign3A_193, %sign3A_196 : i32
      %sign3A_198 = arith.constant 0 : i32
      %sign3A_199 = arith.cmpi sgt, %jit3A_189, %sign3A_198 : i32
      %sign3A_200 = arith.extui %sign3A_199 : i1 to i32
      %sign3A_201 = arith.constant 0 : i32
      %sign3A_202 = arith.cmpi slt, %jit3A_189, %sign3A_201 : i32
      %sign3A_203 = arith.extui %sign3A_202 : i1 to i32
      %sign3A_204 = arith.subi %sign3A_200, %sign3A_203 : i32
      %ne3A_205 = arith.cmpi ne, %sign3A_197, %sign3A_204 : i32
      %rem3A_206 = arith.remsi %select_n3A_176, %jit3A_189 : i32
      %ne3A_207 = arith.constant 0 : i32
      %ne3A_208 = arith.cmpi ne, %rem3A_206, %ne3A_207 : i32
      %and3A_209 = arith.andi %ne3A_205, %ne3A_208 : i1
      %sub3A_210 = arith.constant 1 : i32
      %sub3A_211 = arith.subi %div3A_190, %sub3A_210 : i32
      %select_n3A_212 = arith.select %and3A_209, %sub3A_211, %div3A_190 : i32
      "tpu.region"() ({
        %run_scoped3A_338 = tpu.sem_alloc : memref<!tpu.dma_semaphore, #tpu.memory_space<semaphore_mem>>
        %dma_start3A_339 = arith.constant 0 : i32
        %dma_start3A_340 = tpu.memref_slice %arg3[%add3A_188, %dma_start3A_339] : memref<2560x128xi32, #tpu.memory_space<hbm>> -> memref<4x128xi32, #tpu.memory_space<hbm>>
        %dma_start3A_341 = arith.constant 0 : i32
        %dma_start3A_342 = tpu.memref_slice %arg3[%add3A_188, %dma_start3A_341] : memref<2560x128xi32, #tpu.memory_space<hbm>> -> memref<4x128xi32, #tpu.memory_space<hbm>>
        tpu.enqueue_dma source(%dma_start3A_342 : memref<4x128xi32, #tpu.memory_space<hbm>>) target(%arg8 : memref<4x128xi32, #tpu.memory_space<vmem>>) target_semaphore(%run_scoped3A_338 : memref<!tpu.dma_semaphore, #tpu.memory_space<semaphore_mem>>)
        %dma_wait3A_343 = arith.constant 0 : i32
        %dma_wait3A_344 = tpu.memref_slice %arg3[%add3A_188, %dma_wait3A_343] : memref<2560x128xi32, #tpu.memory_space<hbm>> -> memref<4x128xi32, #tpu.memory_space<hbm>>
        %dma_wait3A_345 = arith.constant 0 : i32
        %dma_wait3A_346 = tpu.memref_slice %arg3[%add3A_188, %dma_wait3A_345] : memref<2560x128xi32, #tpu.memory_space<hbm>> -> memref<4x128xi32, #tpu.memory_space<hbm>>
        tpu.wait_dma2 semaphore(%run_scoped3A_338 : memref<!tpu.dma_semaphore, #tpu.memory_space<semaphore_mem>>) src(%dma_wait3A_346 : memref<4x128xi32, #tpu.memory_space<hbm>>) dst(%arg8 : memref<4x128xi32, #tpu.memory_space<vmem>>)
        tpu.yield
      }) : () -> ()
      "tpu.region"() ({
        %run_scoped3A_338 = tpu.sem_alloc : memref<!tpu.dma_semaphore, #tpu.memory_space<semaphore_mem>>
        %dma_start3A_339 = arith.constant 0 : i32
        %dma_start3A_340 = tpu.memref_slice %arg4[%add3A_188, %dma_start3A_339] : memref<2560x128xi32, #tpu.memory_space<hbm>> -> memref<4x128xi32, #tpu.memory_space<hbm>>
        %dma_start3A_341 = arith.constant 0 : i32
        %dma_start3A_342 = tpu.memref_slice %arg4[%add3A_188, %dma_start3A_341] : memref<2560x128xi32, #tpu.memory_space<hbm>> -> memref<4x128xi32, #tpu.memory_space<hbm>>
        tpu.enqueue_dma source(%dma_start3A_342 : memref<4x128xi32, #tpu.memory_space<hbm>>) target(%arg10 : memref<4x128xi32, #tpu.memory_space<vmem>>) target_semaphore(%run_scoped3A_338 : memref<!tpu.dma_semaphore, #tpu.memory_space<semaphore_mem>>)
        %dma_wait3A_343 = arith.constant 0 : i32
        %dma_wait3A_344 = tpu.memref_slice %arg4[%add3A_188, %dma_wait3A_343] : memref<2560x128xi32, #tpu.memory_space<hbm>> -> memref<4x128xi32, #tpu.memory_space<hbm>>
        %dma_wait3A_345 = arith.constant 0 : i32
        %dma_wait3A_346 = tpu.memref_slice %arg4[%add3A_188, %dma_wait3A_345] : memref<2560x128xi32, #tpu.memory_space<hbm>> -> memref<4x128xi32, #tpu.memory_space<hbm>>
        tpu.wait_dma2 semaphore(%run_scoped3A_338 : memref<!tpu.dma_semaphore, #tpu.memory_space<semaphore_mem>>) src(%dma_wait3A_346 : memref<4x128xi32, #tpu.memory_space<hbm>>) dst(%arg10 : memref<4x128xi32, #tpu.memory_space<vmem>>)
        tpu.yield
      }) : () -> ()
      %dma_start3A_213 = arith.constant 0 : i32
      %dma_start3A_214 = arith.constant 0 : i32
      %dma_start3A_215 = arith.constant 0 : i32
      %dma_start3A_216 = tpu.memref_slice %arg12[%dma_start3A_214, %dma_start3A_215] : memref<512x64xf32, #tpu.memory_space<vmem>> -> memref<128x64xf32, #tpu.memory_space<vmem>>
      %dma_start3A_217 = arith.constant 0 : i32
      %dma_start3A_218 = tpu.memref_slice %arg8[%dma_start3A_213, %dma_start3A_217] : memref<4x128xi32, #tpu.memory_space<vmem>> -> memref<1x128xi32, #tpu.memory_space<vmem>>
      %dma_start3A_219 = tpu.memref_squeeze %dma_start3A_218 : memref<1x128xi32, #tpu.memory_space<vmem>> -> memref<128xi32, #tpu.memory_space<vmem>>
      %dma_start3A_220 = arith.constant 0 : i32
      %dma_start3A_221 = arith.constant 0 : i32
      %dma_start3A_222 = tpu.memref_slice %arg2[%dma_start3A_220, %dma_start3A_221] : memref<10240x64xf32, #tpu.memory_space<hbm>> -> memref<10240x64xf32, #tpu.memory_space<hbm>>
      tpu.enqueue_indirect_dma source(%dma_start3A_222 : memref<10240x64xf32, #tpu.memory_space<hbm>>) target(%dma_start3A_216 : memref<128x64xf32, #tpu.memory_space<vmem>>) offsets(%dma_start3A_219 : memref<128xi32, #tpu.memory_space<vmem>>) semaphore(%arg14 : memref<!tpu.dma_semaphore, #tpu.memory_space<semaphore_mem>>)
      %dma_start3A_223 = arith.constant 1 : i32
      %dma_start3A_224 = arith.constant 128 : i32
      %dma_start3A_225 = arith.constant 0 : i32
      %dma_start3A_226 = tpu.memref_slice %arg12[%dma_start3A_224, %dma_start3A_225] : memref<512x64xf32, #tpu.memory_space<vmem>> -> memref<128x64xf32, #tpu.memory_space<vmem>>
      %dma_start3A_227 = arith.constant 0 : i32
      %dma_start3A_228 = tpu.memref_slice %arg8[%dma_start3A_223, %dma_start3A_227] : memref<4x128xi32, #tpu.memory_space<vmem>> -> memref<1x128xi32, #tpu.memory_space<vmem>>
      %dma_start3A_229 = tpu.memref_squeeze %dma_start3A_228 : memref<1x128xi32, #tpu.memory_space<vmem>> -> memref<128xi32, #tpu.memory_space<vmem>>
      %dma_start3A_230 = arith.constant 0 : i32
      %dma_start3A_231 = arith.constant 0 : i32
      %dma_start3A_232 = tpu.memref_slice %arg2[%dma_start3A_230, %dma_start3A_231] : memref<10240x64xf32, #tpu.memory_space<hbm>> -> memref<10240x64xf32, #tpu.memory_space<hbm>>
      tpu.enqueue_indirect_dma source(%dma_start3A_232 : memref<10240x64xf32, #tpu.memory_space<hbm>>) target(%dma_start3A_226 : memref<128x64xf32, #tpu.memory_space<vmem>>) offsets(%dma_start3A_229 : memref<128xi32, #tpu.memory_space<vmem>>) semaphore(%arg14 : memref<!tpu.dma_semaphore, #tpu.memory_space<semaphore_mem>>)
      %dma_start3A_233 = arith.constant 2 : i32
      %dma_start3A_234 = arith.constant 256 : i32
      %dma_start3A_235 = arith.constant 0 : i32
      %dma_start3A_236 = tpu.memref_slice %arg12[%dma_start3A_234, %dma_start3A_235] : memref<512x64xf32, #tpu.memory_space<vmem>> -> memref<128x64xf32, #tpu.memory_space<vmem>>
      %dma_start3A_237 = arith.constant 0 : i32
      %dma_start3A_238 = tpu.memref_slice %arg8[%dma_start3A_233, %dma_start3A_237] : memref<4x128xi32, #tpu.memory_space<vmem>> -> memref<1x128xi32, #tpu.memory_space<vmem>>
      %dma_start3A_239 = tpu.memref_squeeze %dma_start3A_238 : memref<1x128xi32, #tpu.memory_space<vmem>> -> memref<128xi32, #tpu.memory_space<vmem>>
      %dma_start3A_240 = arith.constant 0 : i32
      %dma_start3A_241 = arith.constant 0 : i32
      %dma_start3A_242 = tpu.memref_slice %arg2[%dma_start3A_240, %dma_start3A_241] : memref<10240x64xf32, #tpu.memory_space<hbm>> -> memref<10240x64xf32, #tpu.memory_space<hbm>>
      tpu.enqueue_indirect_dma source(%dma_start3A_242 : memref<10240x64xf32, #tpu.memory_space<hbm>>) target(%dma_start3A_236 : memref<128x64xf32, #tpu.memory_space<vmem>>) offsets(%dma_start3A_239 : memref<128xi32, #tpu.memory_space<vmem>>) semaphore(%arg14 : memref<!tpu.dma_semaphore, #tpu.memory_space<semaphore_mem>>)
      %dma_start3A_243 = arith.constant 3 : i32
      %dma_start3A_244 = arith.constant 384 : i32
      %dma_start3A_245 = arith.constant 0 : i32
      %dma_start3A_246 = tpu.memref_slice %arg12[%dma_start3A_244, %dma_start3A_245] : memref<512x64xf32, #tpu.memory_space<vmem>> -> memref<128x64xf32, #tpu.memory_space<vmem>>
      %dma_start3A_247 = arith.constant 0 : i32
      %dma_start3A_248 = tpu.memref_slice %arg8[%dma_start3A_243, %dma_start3A_247] : memref<4x128xi32, #tpu.memory_space<vmem>> -> memref<1x128xi32, #tpu.memory_space<vmem>>
      %dma_start3A_249 = tpu.memref_squeeze %dma_start3A_248 : memref<1x128xi32, #tpu.memory_space<vmem>> -> memref<128xi32, #tpu.memory_space<vmem>>
      %dma_start3A_250 = arith.constant 0 : i32
      %dma_start3A_251 = arith.constant 0 : i32
      %dma_start3A_252 = tpu.memref_slice %arg2[%dma_start3A_250, %dma_start3A_251] : memref<10240x64xf32, #tpu.memory_space<hbm>> -> memref<10240x64xf32, #tpu.memory_space<hbm>>
      tpu.enqueue_indirect_dma source(%dma_start3A_252 : memref<10240x64xf32, #tpu.memory_space<hbm>>) target(%dma_start3A_246 : memref<128x64xf32, #tpu.memory_space<vmem>>) offsets(%dma_start3A_249 : memref<128xi32, #tpu.memory_space<vmem>>) semaphore(%arg14 : memref<!tpu.dma_semaphore, #tpu.memory_space<semaphore_mem>>)
      %dma_wait3A = arith.constant 0 : i32
      %dma_wait3A_253 = arith.constant 0 : i32
      %dma_wait3A_254 = tpu.memref_slice %arg11[%dma_wait3A, %dma_wait3A_253] : memref<512x64xf32, #tpu.memory_space<vmem>> -> memref<128x64xf32, #tpu.memory_space<vmem>>
      %dma_wait3A_255 = arith.constant 0 : i32
      %dma_wait3A_256 = tpu.memref_slice %arg7[%while3A_141, %dma_wait3A_255] : memref<4x128xi32, #tpu.memory_space<vmem>> -> memref<1x128xi32, #tpu.memory_space<vmem>>
      %dma_wait3A_257 = tpu.memref_squeeze %dma_wait3A_256 : memref<1x128xi32, #tpu.memory_space<vmem>> -> memref<128xi32, #tpu.memory_space<vmem>>
      %dma_wait3A_258 = arith.constant 0 : i32
      %dma_wait3A_259 = arith.constant 0 : i32
      %dma_wait3A_260 = tpu.memref_slice %arg2[%dma_wait3A_258, %dma_wait3A_259] : memref<10240x64xf32, #tpu.memory_space<hbm>> -> memref<10240x64xf32, #tpu.memory_space<hbm>>
      tpu.wait_indirect_dma semaphore(%arg13 : memref<!tpu.dma_semaphore, #tpu.memory_space<semaphore_mem>>) src(%dma_wait3A_260 : memref<10240x64xf32, #tpu.memory_space<hbm>>) dst(%dma_wait3A_254 : memref<128x64xf32, #tpu.memory_space<vmem>>)
      %dma_wait3A_261 = arith.constant 128 : i32
      %dma_wait3A_262 = arith.constant 0 : i32
      %dma_wait3A_263 = tpu.memref_slice %arg11[%dma_wait3A_261, %dma_wait3A_262] : memref<512x64xf32, #tpu.memory_space<vmem>> -> memref<128x64xf32, #tpu.memory_space<vmem>>
      %dma_wait3A_264 = arith.constant 0 : i32
      %dma_wait3A_265 = tpu.memref_slice %arg7[%while3A_142, %dma_wait3A_264] : memref<4x128xi32, #tpu.memory_space<vmem>> -> memref<1x128xi32, #tpu.memory_space<vmem>>
      %dma_wait3A_266 = tpu.memref_squeeze %dma_wait3A_265 : memref<1x128xi32, #tpu.memory_space<vmem>> -> memref<128xi32, #tpu.memory_space<vmem>>
      %dma_wait3A_267 = arith.constant 0 : i32
      %dma_wait3A_268 = arith.constant 0 : i32
      %dma_wait3A_269 = tpu.memref_slice %arg2[%dma_wait3A_267, %dma_wait3A_268] : memref<10240x64xf32, #tpu.memory_space<hbm>> -> memref<10240x64xf32, #tpu.memory_space<hbm>>
      tpu.wait_indirect_dma semaphore(%arg13 : memref<!tpu.dma_semaphore, #tpu.memory_space<semaphore_mem>>) src(%dma_wait3A_269 : memref<10240x64xf32, #tpu.memory_space<hbm>>) dst(%dma_wait3A_263 : memref<128x64xf32, #tpu.memory_space<vmem>>)
      %dma_wait3A_270 = arith.constant 256 : i32
      %dma_wait3A_271 = arith.constant 0 : i32
      %dma_wait3A_272 = tpu.memref_slice %arg11[%dma_wait3A_270, %dma_wait3A_271] : memref<512x64xf32, #tpu.memory_space<vmem>> -> memref<128x64xf32, #tpu.memory_space<vmem>>
      %dma_wait3A_273 = arith.constant 0 : i32
      %dma_wait3A_274 = tpu.memref_slice %arg7[%while3A_143, %dma_wait3A_273] : memref<4x128xi32, #tpu.memory_space<vmem>> -> memref<1x128xi32, #tpu.memory_space<vmem>>
      %dma_wait3A_275 = tpu.memref_squeeze %dma_wait3A_274 : memref<1x128xi32, #tpu.memory_space<vmem>> -> memref<128xi32, #tpu.memory_space<vmem>>
      %dma_wait3A_276 = arith.constant 0 : i32
      %dma_wait3A_277 = arith.constant 0 : i32
      %dma_wait3A_278 = tpu.memref_slice %arg2[%dma_wait3A_276, %dma_wait3A_277] : memref<10240x64xf32, #tpu.memory_space<hbm>> -> memref<10240x64xf32, #tpu.memory_space<hbm>>
      tpu.wait_indirect_dma semaphore(%arg13 : memref<!tpu.dma_semaphore, #tpu.memory_space<semaphore_mem>>) src(%dma_wait3A_278 : memref<10240x64xf32, #tpu.memory_space<hbm>>) dst(%dma_wait3A_272 : memref<128x64xf32, #tpu.memory_space<vmem>>)
      %dma_wait3A_279 = arith.constant 384 : i32
      %dma_wait3A_280 = arith.constant 0 : i32
      %dma_wait3A_281 = tpu.memref_slice %arg11[%dma_wait3A_279, %dma_wait3A_280] : memref<512x64xf32, #tpu.memory_space<vmem>> -> memref<128x64xf32, #tpu.memory_space<vmem>>
      %dma_wait3A_282 = arith.constant 0 : i32
      %dma_wait3A_283 = tpu.memref_slice %arg7[%while3A_144, %dma_wait3A_282] : memref<4x128xi32, #tpu.memory_space<vmem>> -> memref<1x128xi32, #tpu.memory_space<vmem>>
      %dma_wait3A_284 = tpu.memref_squeeze %dma_wait3A_283 : memref<1x128xi32, #tpu.memory_space<vmem>> -> memref<128xi32, #tpu.memory_space<vmem>>
      %dma_wait3A_285 = arith.constant 0 : i32
      %dma_wait3A_286 = arith.constant 0 : i32
      %dma_wait3A_287 = tpu.memref_slice %arg2[%dma_wait3A_285, %dma_wait3A_286] : memref<10240x64xf32, #tpu.memory_space<hbm>> -> memref<10240x64xf32, #tpu.memory_space<hbm>>
      tpu.wait_indirect_dma semaphore(%arg13 : memref<!tpu.dma_semaphore, #tpu.memory_space<semaphore_mem>>) src(%dma_wait3A_287 : memref<10240x64xf32, #tpu.memory_space<hbm>>) dst(%dma_wait3A_281 : memref<128x64xf32, #tpu.memory_space<vmem>>)
      %run_scoped3A = arith.constant 0 : i32
      "tpu.region"() ({
        %run_scoped3A_338 = tpu.sem_alloc : memref<!tpu.dma_semaphore, #tpu.memory_space<semaphore_mem>>
        %dma_start3A_339 = arith.constant 0 : i32
        %dma_start3A_340 = arith.constant 0 : i32
        %dma_start3A_341 = tpu.memref_slice %arg11[%dma_start3A_339, %dma_start3A_340] : memref<512x64xf32, #tpu.memory_space<vmem>> -> memref<128x64xf32, #tpu.memory_space<vmem>>
        %dma_start3A_342 = arith.constant 0 : i32
        %dma_start3A_343 = tpu.memref_slice %arg9[%run_scoped3A, %dma_start3A_342] : memref<4x128xi32, #tpu.memory_space<vmem>> -> memref<1x128xi32, #tpu.memory_space<vmem>>
        %dma_start3A_344 = tpu.memref_squeeze %dma_start3A_343 : memref<1x128xi32, #tpu.memory_space<vmem>> -> memref<128xi32, #tpu.memory_space<vmem>>
        %dma_start3A_345 = arith.constant 0 : i32
        %dma_start3A_346 = arith.constant 0 : i32
        %dma_start3A_347 = tpu.memref_slice %arg15[%dma_start3A_345, %dma_start3A_346] : memref<10240x64xf32, #tpu.memory_space<vmem_shared>> -> memref<10240x64xf32, #tpu.memory_space<vmem_shared>>
        tpu.enqueue_indirect_dma source(%dma_start3A_341 : memref<128x64xf32, #tpu.memory_space<vmem>>) target(%dma_start3A_347 : memref<10240x64xf32, #tpu.memory_space<vmem_shared>>) offsets(%dma_start3A_344 : memref<128xi32, #tpu.memory_space<vmem>>) semaphore(%run_scoped3A_338 : memref<!tpu.dma_semaphore, #tpu.memory_space<semaphore_mem>>) {add = true}
        %dma_wait3A_348 = arith.constant 0 : i32
        %dma_wait3A_349 = arith.constant 0 : i32
        %dma_wait3A_350 = tpu.memref_slice %arg11[%dma_wait3A_348, %dma_wait3A_349] : memref<512x64xf32, #tpu.memory_space<vmem>> -> memref<128x64xf32, #tpu.memory_space<vmem>>
        %dma_wait3A_351 = arith.constant 0 : i32
        %dma_wait3A_352 = tpu.memref_slice %arg9[%run_scoped3A, %dma_wait3A_351] : memref<4x128xi32, #tpu.memory_space<vmem>> -> memref<1x128xi32, #tpu.memory_space<vmem>>
        %dma_wait3A_353 = tpu.memref_squeeze %dma_wait3A_352 : memref<1x128xi32, #tpu.memory_space<vmem>> -> memref<128xi32, #tpu.memory_space<vmem>>
        %dma_wait3A_354 = arith.constant 0 : i32
        %dma_wait3A_355 = arith.constant 0 : i32
        %dma_wait3A_356 = tpu.memref_slice %arg15[%dma_wait3A_354, %dma_wait3A_355] : memref<10240x64xf32, #tpu.memory_space<vmem_shared>> -> memref<10240x64xf32, #tpu.memory_space<vmem_shared>>
        tpu.wait_indirect_dma semaphore(%run_scoped3A_338 : memref<!tpu.dma_semaphore, #tpu.memory_space<semaphore_mem>>) src(%dma_wait3A_350 : memref<128x64xf32, #tpu.memory_space<vmem>>) dst(%dma_wait3A_356 : memref<10240x64xf32, #tpu.memory_space<vmem_shared>>)
        tpu.yield
      }) : () -> ()
      %run_scoped3A_288 = arith.constant 1 : i32
      "tpu.region"() ({
        %run_scoped3A_338 = tpu.sem_alloc : memref<!tpu.dma_semaphore, #tpu.memory_space<semaphore_mem>>
        %dma_start3A_339 = arith.constant 128 : i32
        %dma_start3A_340 = arith.constant 0 : i32
        %dma_start3A_341 = tpu.memref_slice %arg11[%dma_start3A_339, %dma_start3A_340] : memref<512x64xf32, #tpu.memory_space<vmem>> -> memref<128x64xf32, #tpu.memory_space<vmem>>
        %dma_start3A_342 = arith.constant 0 : i32
        %dma_start3A_343 = tpu.memref_slice %arg9[%run_scoped3A_288, %dma_start3A_342] : memref<4x128xi32, #tpu.memory_space<vmem>> -> memref<1x128xi32, #tpu.memory_space<vmem>>
        %dma_start3A_344 = tpu.memref_squeeze %dma_start3A_343 : memref<1x128xi32, #tpu.memory_space<vmem>> -> memref<128xi32, #tpu.memory_space<vmem>>
        %dma_start3A_345 = arith.constant 0 : i32
        %dma_start3A_346 = arith.constant 0 : i32
        %dma_start3A_347 = tpu.memref_slice %arg15[%dma_start3A_345, %dma_start3A_346] : memref<10240x64xf32, #tpu.memory_space<vmem_shared>> -> memref<10240x64xf32, #tpu.memory_space<vmem_shared>>
        tpu.enqueue_indirect_dma source(%dma_start3A_341 : memref<128x64xf32, #tpu.memory_space<vmem>>) target(%dma_start3A_347 : memref<10240x64xf32, #tpu.memory_space<vmem_shared>>) offsets(%dma_start3A_344 : memref<128xi32, #tpu.memory_space<vmem>>) semaphore(%run_scoped3A_338 : memref<!tpu.dma_semaphore, #tpu.memory_space<semaphore_mem>>) {add = true}
        %dma_wait3A_348 = arith.constant 128 : i32
        %dma_wait3A_349 = arith.constant 0 : i32
        %dma_wait3A_350 = tpu.memref_slice %arg11[%dma_wait3A_348, %dma_wait3A_349] : memref<512x64xf32, #tpu.memory_space<vmem>> -> memref<128x64xf32, #tpu.memory_space<vmem>>
        %dma_wait3A_351 = arith.constant 0 : i32
        %dma_wait3A_352 = tpu.memref_slice %arg9[%run_scoped3A_288, %dma_wait3A_351] : memref<4x128xi32, #tpu.memory_space<vmem>> -> memref<1x128xi32, #tpu.memory_space<vmem>>
        %dma_wait3A_353 = tpu.memref_squeeze %dma_wait3A_352 : memref<1x128xi32, #tpu.memory_space<vmem>> -> memref<128xi32, #tpu.memory_space<vmem>>
        %dma_wait3A_354 = arith.constant 0 : i32
        %dma_wait3A_355 = arith.constant 0 : i32
        %dma_wait3A_356 = tpu.memref_slice %arg15[%dma_wait3A_354, %dma_wait3A_355] : memref<10240x64xf32, #tpu.memory_space<vmem_shared>> -> memref<10240x64xf32, #tpu.memory_space<vmem_shared>>
        tpu.wait_indirect_dma semaphore(%run_scoped3A_338 : memref<!tpu.dma_semaphore, #tpu.memory_space<semaphore_mem>>) src(%dma_wait3A_350 : memref<128x64xf32, #tpu.memory_space<vmem>>) dst(%dma_wait3A_356 : memref<10240x64xf32, #tpu.memory_space<vmem_shared>>)
        tpu.yield
      }) : () -> ()
      %run_scoped3A_289 = arith.constant 2 : i32
      "tpu.region"() ({
        %run_scoped3A_338 = tpu.sem_alloc : memref<!tpu.dma_semaphore, #tpu.memory_space<semaphore_mem>>
        %dma_start3A_339 = arith.constant 256 : i32
        %dma_start3A_340 = arith.constant 0 : i32
        %dma_start3A_341 = tpu.memref_slice %arg11[%dma_start3A_339, %dma_start3A_340] : memref<512x64xf32, #tpu.memory_space<vmem>> -> memref<128x64xf32, #tpu.memory_space<vmem>>
        %dma_start3A_342 = arith.constant 0 : i32
        %dma_start3A_343 = tpu.memref_slice %arg9[%run_scoped3A_289, %dma_start3A_342] : memref<4x128xi32, #tpu.memory_space<vmem>> -> memref<1x128xi32, #tpu.memory_space<vmem>>
        %dma_start3A_344 = tpu.memref_squeeze %dma_start3A_343 : memref<1x128xi32, #tpu.memory_space<vmem>> -> memref<128xi32, #tpu.memory_space<vmem>>
        %dma_start3A_345 = arith.constant 0 : i32
        %dma_start3A_346 = arith.constant 0 : i32
        %dma_start3A_347 = tpu.memref_slice %arg15[%dma_start3A_345, %dma_start3A_346] : memref<10240x64xf32, #tpu.memory_space<vmem_shared>> -> memref<10240x64xf32, #tpu.memory_space<vmem_shared>>
        tpu.enqueue_indirect_dma source(%dma_start3A_341 : memref<128x64xf32, #tpu.memory_space<vmem>>) target(%dma_start3A_347 : memref<10240x64xf32, #tpu.memory_space<vmem_shared>>) offsets(%dma_start3A_344 : memref<128xi32, #tpu.memory_space<vmem>>) semaphore(%run_scoped3A_338 : memref<!tpu.dma_semaphore, #tpu.memory_space<semaphore_mem>>) {add = true}
        %dma_wait3A_348 = arith.constant 256 : i32
        %dma_wait3A_349 = arith.constant 0 : i32
        %dma_wait3A_350 = tpu.memref_slice %arg11[%dma_wait3A_348, %dma_wait3A_349] : memref<512x64xf32, #tpu.memory_space<vmem>> -> memref<128x64xf32, #tpu.memory_space<vmem>>
        %dma_wait3A_351 = arith.constant 0 : i32
        %dma_wait3A_352 = tpu.memref_slice %arg9[%run_scoped3A_289, %dma_wait3A_351] : memref<4x128xi32, #tpu.memory_space<vmem>> -> memref<1x128xi32, #tpu.memory_space<vmem>>
        %dma_wait3A_353 = tpu.memref_squeeze %dma_wait3A_352 : memref<1x128xi32, #tpu.memory_space<vmem>> -> memref<128xi32, #tpu.memory_space<vmem>>
        %dma_wait3A_354 = arith.constant 0 : i32
        %dma_wait3A_355 = arith.constant 0 : i32
        %dma_wait3A_356 = tpu.memref_slice %arg15[%dma_wait3A_354, %dma_wait3A_355] : memref<10240x64xf32, #tpu.memory_space<vmem_shared>> -> memref<10240x64xf32, #tpu.memory_space<vmem_shared>>
        tpu.wait_indirect_dma semaphore(%run_scoped3A_338 : memref<!tpu.dma_semaphore, #tpu.memory_space<semaphore_mem>>) src(%dma_wait3A_350 : memref<128x64xf32, #tpu.memory_space<vmem>>) dst(%dma_wait3A_356 : memref<10240x64xf32, #tpu.memory_space<vmem_shared>>)
        tpu.yield
      }) : () -> ()
      %run_scoped3A_290 = arith.constant 3 : i32
      "tpu.region"() ({
        %run_scoped3A_338 = tpu.sem_alloc : memref<!tpu.dma_semaphore, #tpu.memory_space<semaphore_mem>>
        %dma_start3A_339 = arith.constant 384 : i32
        %dma_start3A_340 = arith.constant 0 : i32
        %dma_start3A_341 = tpu.memref_slice %arg11[%dma_start3A_339, %dma_start3A_340] : memref<512x64xf32, #tpu.memory_space<vmem>> -> memref<128x64xf32, #tpu.memory_space<vmem>>
        %dma_start3A_342 = arith.constant 0 : i32
        %dma_start3A_343 = tpu.memref_slice %arg9[%run_scoped3A_290, %dma_start3A_342] : memref<4x128xi32, #tpu.memory_space<vmem>> -> memref<1x128xi32, #tpu.memory_space<vmem>>
        %dma_start3A_344 = tpu.memref_squeeze %dma_start3A_343 : memref<1x128xi32, #tpu.memory_space<vmem>> -> memref<128xi32, #tpu.memory_space<vmem>>
        %dma_start3A_345 = arith.constant 0 : i32
        %dma_start3A_346 = arith.constant 0 : i32
        %dma_start3A_347 = tpu.memref_slice %arg15[%dma_start3A_345, %dma_start3A_346] : memref<10240x64xf32, #tpu.memory_space<vmem_shared>> -> memref<10240x64xf32, #tpu.memory_space<vmem_shared>>
        tpu.enqueue_indirect_dma source(%dma_start3A_341 : memref<128x64xf32, #tpu.memory_space<vmem>>) target(%dma_start3A_347 : memref<10240x64xf32, #tpu.memory_space<vmem_shared>>) offsets(%dma_start3A_344 : memref<128xi32, #tpu.memory_space<vmem>>) semaphore(%run_scoped3A_338 : memref<!tpu.dma_semaphore, #tpu.memory_space<semaphore_mem>>) {add = true}
        %dma_wait3A_348 = arith.constant 384 : i32
        %dma_wait3A_349 = arith.constant 0 : i32
        %dma_wait3A_350 = tpu.memref_slice %arg11[%dma_wait3A_348, %dma_wait3A_349] : memref<512x64xf32, #tpu.memory_space<vmem>> -> memref<128x64xf32, #tpu.memory_space<vmem>>
        %dma_wait3A_351 = arith.constant 0 : i32
        %dma_wait3A_352 = tpu.memref_slice %arg9[%run_scoped3A_290, %dma_wait3A_351] : memref<4x128xi32, #tpu.memory_space<vmem>> -> memref<1x128xi32, #tpu.memory_space<vmem>>
        %dma_wait3A_353 = tpu.memref_squeeze %dma_wait3A_352 : memref<1x128xi32, #tpu.memory_space<vmem>> -> memref<128xi32, #tpu.memory_space<vmem>>
        %dma_wait3A_354 = arith.constant 0 : i32
        %dma_wait3A_355 = arith.constant 0 : i32
        %dma_wait3A_356 = tpu.memref_slice %arg15[%dma_wait3A_354, %dma_wait3A_355] : memref<10240x64xf32, #tpu.memory_space<vmem_shared>> -> memref<10240x64xf32, #tpu.memory_space<vmem_shared>>
        tpu.wait_indirect_dma semaphore(%run_scoped3A_338 : memref<!tpu.dma_semaphore, #tpu.memory_space<semaphore_mem>>) src(%dma_wait3A_350 : memref<128x64xf32, #tpu.memory_space<vmem>>) dst(%dma_wait3A_356 : memref<10240x64xf32, #tpu.memory_space<vmem_shared>>)
        tpu.yield
      }) : () -> ()
      %add3A_291 = arith.constant 2 : i32
      %add3A_292 = arith.addi %mul3A_169, %add3A_291 : i32
      %lt3A = arith.cmpi slt, %add3A_292, %select_n3A_37 : i32
      %convert_element_type3A = arith.extui %lt3A : i1 to i32
      %cond3A = arith.constant 0 : i32
      %cond3A_293 = arith.cmpi ne, %convert_element_type3A, %cond3A : i32
      scf.if %cond3A_293 {
        %add3A_338 = arith.constant 2 : i32
        %add3A_339 = arith.addi %mul3A_169, %add3A_338 : i32
        %eq3A_340 = arith.constant 0 : i32
        %eq3A_341 = arith.cmpi eq, %arg0, %eq3A_340 : i32
        %jit3A_342 = arith.constant 120 : i32
        %jit3A_343 = arith.constant 40 : i32
        %select_n3A_344 = arith.select %eq3A_341, %jit3A_342, %jit3A_343 : i32
        %eq3A_345 = arith.constant 0 : i32
        %eq3A_346 = arith.cmpi eq, %arg0, %eq3A_345 : i32
        %mul3A_347 = arith.constant 120 : i32
        %mul3A_348 = arith.muli %arg1, %mul3A_347 : i32
        %mul3A_349 = arith.constant 40 : i32
        %mul3A_350 = arith.muli %arg1, %mul3A_349 : i32
        %add3A_351 = arith.constant 1920 : i32
        %add3A_352 = arith.addi %add3A_351, %mul3A_350 : i32
        %select_n3A_353 = arith.select %eq3A_346, %mul3A_348, %add3A_352 : i32
        %mul3A_354 = arith.constant 4 : i32
        %mul3A_355 = arith.muli %add3A_339, %mul3A_354 : i32
        %add3A_356 = arith.addi %select_n3A_353, %mul3A_355 : i32
        %jit3A_357 = arith.constant 4 : i32
        %div3A_358 = arith.divsi %select_n3A_344, %jit3A_357 : i32
        %sign3A_359 = arith.constant 0 : i32
        %sign3A_360 = arith.cmpi sgt, %select_n3A_344, %sign3A_359 : i32
        %sign3A_361 = arith.extui %sign3A_360 : i1 to i32
        %sign3A_362 = arith.constant 0 : i32
        %sign3A_363 = arith.cmpi slt, %select_n3A_344, %sign3A_362 : i32
        %sign3A_364 = arith.extui %sign3A_363 : i1 to i32
        %sign3A_365 = arith.subi %sign3A_361, %sign3A_364 : i32
        %sign3A_366 = arith.constant 0 : i32
        %sign3A_367 = arith.cmpi sgt, %jit3A_357, %sign3A_366 : i32
        %sign3A_368 = arith.extui %sign3A_367 : i1 to i32
        %sign3A_369 = arith.constant 0 : i32
        %sign3A_370 = arith.cmpi slt, %jit3A_357, %sign3A_369 : i32
        %sign3A_371 = arith.extui %sign3A_370 : i1 to i32
        %sign3A_372 = arith.subi %sign3A_368, %sign3A_371 : i32
        %ne3A_373 = arith.cmpi ne, %sign3A_365, %sign3A_372 : i32
        %rem3A_374 = arith.remsi %select_n3A_344, %jit3A_357 : i32
        %ne3A_375 = arith.constant 0 : i32
        %ne3A_376 = arith.cmpi ne, %rem3A_374, %ne3A_375 : i32
        %and3A_377 = arith.andi %ne3A_373, %ne3A_376 : i1
        %sub3A_378 = arith.constant 1 : i32
        %sub3A_379 = arith.subi %div3A_358, %sub3A_378 : i32
        %select_n3A_380 = arith.select %and3A_377, %sub3A_379, %div3A_358 : i32
        "tpu.region"() ({
          %run_scoped3A_421 = tpu.sem_alloc : memref<!tpu.dma_semaphore, #tpu.memory_space<semaphore_mem>>
          %dma_start3A_422 = arith.constant 0 : i32
          %dma_start3A_423 = tpu.memref_slice %arg3[%add3A_356, %dma_start3A_422] : memref<2560x128xi32, #tpu.memory_space<hbm>> -> memref<4x128xi32, #tpu.memory_space<hbm>>
          %dma_start3A_424 = arith.constant 0 : i32
          %dma_start3A_425 = tpu.memref_slice %arg3[%add3A_356, %dma_start3A_424] : memref<2560x128xi32, #tpu.memory_space<hbm>> -> memref<4x128xi32, #tpu.memory_space<hbm>>
          tpu.enqueue_dma source(%dma_start3A_425 : memref<4x128xi32, #tpu.memory_space<hbm>>) target(%arg7 : memref<4x128xi32, #tpu.memory_space<vmem>>) target_semaphore(%run_scoped3A_421 : memref<!tpu.dma_semaphore, #tpu.memory_space<semaphore_mem>>)
          %dma_wait3A_426 = arith.constant 0 : i32
          %dma_wait3A_427 = tpu.memref_slice %arg3[%add3A_356, %dma_wait3A_426] : memref<2560x128xi32, #tpu.memory_space<hbm>> -> memref<4x128xi32, #tpu.memory_space<hbm>>
          %dma_wait3A_428 = arith.constant 0 : i32
          %dma_wait3A_429 = tpu.memref_slice %arg3[%add3A_356, %dma_wait3A_428] : memref<2560x128xi32, #tpu.memory_space<hbm>> -> memref<4x128xi32, #tpu.memory_space<hbm>>
          tpu.wait_dma2 semaphore(%run_scoped3A_421 : memref<!tpu.dma_semaphore, #tpu.memory_space<semaphore_mem>>) src(%dma_wait3A_429 : memref<4x128xi32, #tpu.memory_space<hbm>>) dst(%arg7 : memref<4x128xi32, #tpu.memory_space<vmem>>)
          tpu.yield
        }) : () -> ()
        "tpu.region"() ({
          %run_scoped3A_421 = tpu.sem_alloc : memref<!tpu.dma_semaphore, #tpu.memory_space<semaphore_mem>>
          %dma_start3A_422 = arith.constant 0 : i32
          %dma_start3A_423 = tpu.memref_slice %arg4[%add3A_356, %dma_start3A_422] : memref<2560x128xi32, #tpu.memory_space<hbm>> -> memref<4x128xi32, #tpu.memory_space<hbm>>
          %dma_start3A_424 = arith.constant 0 : i32
          %dma_start3A_425 = tpu.memref_slice %arg4[%add3A_356, %dma_start3A_424] : memref<2560x128xi32, #tpu.memory_space<hbm>> -> memref<4x128xi32, #tpu.memory_space<hbm>>
          tpu.enqueue_dma source(%dma_start3A_425 : memref<4x128xi32, #tpu.memory_space<hbm>>) target(%arg9 : memref<4x128xi32, #tpu.memory_space<vmem>>) target_semaphore(%run_scoped3A_421 : memref<!tpu.dma_semaphore, #tpu.memory_space<semaphore_mem>>)
          %dma_wait3A_426 = arith.constant 0 : i32
          %dma_wait3A_427 = tpu.memref_slice %arg4[%add3A_356, %dma_wait3A_426] : memref<2560x128xi32, #tpu.memory_space<hbm>> -> memref<4x128xi32, #tpu.memory_space<hbm>>
          %dma_wait3A_428 = arith.constant 0 : i32
          %dma_wait3A_429 = tpu.memref_slice %arg4[%add3A_356, %dma_wait3A_428] : memref<2560x128xi32, #tpu.memory_space<hbm>> -> memref<4x128xi32, #tpu.memory_space<hbm>>
          tpu.wait_dma2 semaphore(%run_scoped3A_421 : memref<!tpu.dma_semaphore, #tpu.memory_space<semaphore_mem>>) src(%dma_wait3A_429 : memref<4x128xi32, #tpu.memory_space<hbm>>) dst(%arg9 : memref<4x128xi32, #tpu.memory_space<vmem>>)
          tpu.yield
        }) : () -> ()
        %dma_start3A_381 = arith.constant 0 : i32
        %dma_start3A_382 = arith.constant 0 : i32
        %dma_start3A_383 = arith.constant 0 : i32
        %dma_start3A_384 = tpu.memref_slice %arg11[%dma_start3A_382, %dma_start3A_383] : memref<512x64xf32, #tpu.memory_space<vmem>> -> memref<128x64xf32, #tpu.memory_space<vmem>>
        %dma_start3A_385 = arith.constant 0 : i32
        %dma_start3A_386 = tpu.memref_slice %arg7[%dma_start3A_381, %dma_start3A_385] : memref<4x128xi32, #tpu.memory_space<vmem>> -> memref<1x128xi32, #tpu.memory_space<vmem>>
        %dma_start3A_387 = tpu.memref_squeeze %dma_start3A_386 : memref<1x128xi32, #tpu.memory_space<vmem>> -> memref<128xi32, #tpu.memory_space<vmem>>
        %dma_start3A_388 = arith.constant 0 : i32
        %dma_start3A_389 = arith.constant 0 : i32
        %dma_start3A_390 = tpu.memref_slice %arg2[%dma_start3A_388, %dma_start3A_389] : memref<10240x64xf32, #tpu.memory_space<hbm>> -> memref<10240x64xf32, #tpu.memory_space<hbm>>
        tpu.enqueue_indirect_dma source(%dma_start3A_390 : memref<10240x64xf32, #tpu.memory_space<hbm>>) target(%dma_start3A_384 : memref<128x64xf32, #tpu.memory_space<vmem>>) offsets(%dma_start3A_387 : memref<128xi32, #tpu.memory_space<vmem>>) semaphore(%arg13 : memref<!tpu.dma_semaphore, #tpu.memory_space<semaphore_mem>>)
        %dma_start3A_391 = arith.constant 1 : i32
        %dma_start3A_392 = arith.constant 128 : i32
        %dma_start3A_393 = arith.constant 0 : i32
        %dma_start3A_394 = tpu.memref_slice %arg11[%dma_start3A_392, %dma_start3A_393] : memref<512x64xf32, #tpu.memory_space<vmem>> -> memref<128x64xf32, #tpu.memory_space<vmem>>
        %dma_start3A_395 = arith.constant 0 : i32
        %dma_start3A_396 = tpu.memref_slice %arg7[%dma_start3A_391, %dma_start3A_395] : memref<4x128xi32, #tpu.memory_space<vmem>> -> memref<1x128xi32, #tpu.memory_space<vmem>>
        %dma_start3A_397 = tpu.memref_squeeze %dma_start3A_396 : memref<1x128xi32, #tpu.memory_space<vmem>> -> memref<128xi32, #tpu.memory_space<vmem>>
        %dma_start3A_398 = arith.constant 0 : i32
        %dma_start3A_399 = arith.constant 0 : i32
        %dma_start3A_400 = tpu.memref_slice %arg2[%dma_start3A_398, %dma_start3A_399] : memref<10240x64xf32, #tpu.memory_space<hbm>> -> memref<10240x64xf32, #tpu.memory_space<hbm>>
        tpu.enqueue_indirect_dma source(%dma_start3A_400 : memref<10240x64xf32, #tpu.memory_space<hbm>>) target(%dma_start3A_394 : memref<128x64xf32, #tpu.memory_space<vmem>>) offsets(%dma_start3A_397 : memref<128xi32, #tpu.memory_space<vmem>>) semaphore(%arg13 : memref<!tpu.dma_semaphore, #tpu.memory_space<semaphore_mem>>)
        %dma_start3A_401 = arith.constant 2 : i32
        %dma_start3A_402 = arith.constant 256 : i32
        %dma_start3A_403 = arith.constant 0 : i32
        %dma_start3A_404 = tpu.memref_slice %arg11[%dma_start3A_402, %dma_start3A_403] : memref<512x64xf32, #tpu.memory_space<vmem>> -> memref<128x64xf32, #tpu.memory_space<vmem>>
        %dma_start3A_405 = arith.constant 0 : i32
        %dma_start3A_406 = tpu.memref_slice %arg7[%dma_start3A_401, %dma_start3A_405] : memref<4x128xi32, #tpu.memory_space<vmem>> -> memref<1x128xi32, #tpu.memory_space<vmem>>
        %dma_start3A_407 = tpu.memref_squeeze %dma_start3A_406 : memref<1x128xi32, #tpu.memory_space<vmem>> -> memref<128xi32, #tpu.memory_space<vmem>>
        %dma_start3A_408 = arith.constant 0 : i32
        %dma_start3A_409 = arith.constant 0 : i32
        %dma_start3A_410 = tpu.memref_slice %arg2[%dma_start3A_408, %dma_start3A_409] : memref<10240x64xf32, #tpu.memory_space<hbm>> -> memref<10240x64xf32, #tpu.memory_space<hbm>>
        tpu.enqueue_indirect_dma source(%dma_start3A_410 : memref<10240x64xf32, #tpu.memory_space<hbm>>) target(%dma_start3A_404 : memref<128x64xf32, #tpu.memory_space<vmem>>) offsets(%dma_start3A_407 : memref<128xi32, #tpu.memory_space<vmem>>) semaphore(%arg13 : memref<!tpu.dma_semaphore, #tpu.memory_space<semaphore_mem>>)
        %dma_start3A_411 = arith.constant 3 : i32
        %dma_start3A_412 = arith.constant 384 : i32
        %dma_start3A_413 = arith.constant 0 : i32
        %dma_start3A_414 = tpu.memref_slice %arg11[%dma_start3A_412, %dma_start3A_413] : memref<512x64xf32, #tpu.memory_space<vmem>> -> memref<128x64xf32, #tpu.memory_space<vmem>>
        %dma_start3A_415 = arith.constant 0 : i32
        %dma_start3A_416 = tpu.memref_slice %arg7[%dma_start3A_411, %dma_start3A_415] : memref<4x128xi32, #tpu.memory_space<vmem>> -> memref<1x128xi32, #tpu.memory_space<vmem>>
        %dma_start3A_417 = tpu.memref_squeeze %dma_start3A_416 : memref<1x128xi32, #tpu.memory_space<vmem>> -> memref<128xi32, #tpu.memory_space<vmem>>
        %dma_start3A_418 = arith.constant 0 : i32
        %dma_start3A_419 = arith.constant 0 : i32
        %dma_start3A_420 = tpu.memref_slice %arg2[%dma_start3A_418, %dma_start3A_419] : memref<10240x64xf32, #tpu.memory_space<hbm>> -> memref<10240x64xf32, #tpu.memory_space<hbm>>
        tpu.enqueue_indirect_dma source(%dma_start3A_420 : memref<10240x64xf32, #tpu.memory_space<hbm>>) target(%dma_start3A_414 : memref<128x64xf32, #tpu.memory_space<vmem>>) offsets(%dma_start3A_417 : memref<128xi32, #tpu.memory_space<vmem>>) semaphore(%arg13 : memref<!tpu.dma_semaphore, #tpu.memory_space<semaphore_mem>>)
      } else {
      }
      %dma_wait3A_294 = arith.constant 0 : i32
      %dma_wait3A_295 = arith.constant 0 : i32
      %dma_wait3A_296 = arith.constant 0 : i32
      %dma_wait3A_297 = tpu.memref_slice %arg12[%dma_wait3A_295, %dma_wait3A_296] : memref<512x64xf32, #tpu.memory_space<vmem>> -> memref<128x64xf32, #tpu.memory_space<vmem>>
      %dma_wait3A_298 = arith.constant 0 : i32
      %dma_wait3A_299 = tpu.memref_slice %arg8[%dma_wait3A_294, %dma_wait3A_298] : memref<4x128xi32, #tpu.memory_space<vmem>> -> memref<1x128xi32, #tpu.memory_space<vmem>>
      %dma_wait3A_300 = tpu.memref_squeeze %dma_wait3A_299 : memref<1x128xi32, #tpu.memory_space<vmem>> -> memref<128xi32, #tpu.memory_space<vmem>>
      %dma_wait3A_301 = arith.constant 0 : i32
      %dma_wait3A_302 = arith.constant 0 : i32
      %dma_wait3A_303 = tpu.memref_slice %arg2[%dma_wait3A_301, %dma_wait3A_302] : memref<10240x64xf32, #tpu.memory_space<hbm>> -> memref<10240x64xf32, #tpu.memory_space<hbm>>
      tpu.wait_indirect_dma semaphore(%arg14 : memref<!tpu.dma_semaphore, #tpu.memory_space<semaphore_mem>>) src(%dma_wait3A_303 : memref<10240x64xf32, #tpu.memory_space<hbm>>) dst(%dma_wait3A_297 : memref<128x64xf32, #tpu.memory_space<vmem>>)
      %dma_wait3A_304 = arith.constant 1 : i32
      %dma_wait3A_305 = arith.constant 128 : i32
      %dma_wait3A_306 = arith.constant 0 : i32
      %dma_wait3A_307 = tpu.memref_slice %arg12[%dma_wait3A_305, %dma_wait3A_306] : memref<512x64xf32, #tpu.memory_space<vmem>> -> memref<128x64xf32, #tpu.memory_space<vmem>>
      %dma_wait3A_308 = arith.constant 0 : i32
      %dma_wait3A_309 = tpu.memref_slice %arg8[%dma_wait3A_304, %dma_wait3A_308] : memref<4x128xi32, #tpu.memory_space<vmem>> -> memref<1x128xi32, #tpu.memory_space<vmem>>
      %dma_wait3A_310 = tpu.memref_squeeze %dma_wait3A_309 : memref<1x128xi32, #tpu.memory_space<vmem>> -> memref<128xi32, #tpu.memory_space<vmem>>
      %dma_wait3A_311 = arith.constant 0 : i32
      %dma_wait3A_312 = arith.constant 0 : i32
      %dma_wait3A_313 = tpu.memref_slice %arg2[%dma_wait3A_311, %dma_wait3A_312] : memref<10240x64xf32, #tpu.memory_space<hbm>> -> memref<10240x64xf32, #tpu.memory_space<hbm>>
      tpu.wait_indirect_dma semaphore(%arg14 : memref<!tpu.dma_semaphore, #tpu.memory_space<semaphore_mem>>) src(%dma_wait3A_313 : memref<10240x64xf32, #tpu.memory_space<hbm>>) dst(%dma_wait3A_307 : memref<128x64xf32, #tpu.memory_space<vmem>>)
      %dma_wait3A_314 = arith.constant 2 : i32
      %dma_wait3A_315 = arith.constant 256 : i32
      %dma_wait3A_316 = arith.constant 0 : i32
      %dma_wait3A_317 = tpu.memref_slice %arg12[%dma_wait3A_315, %dma_wait3A_316] : memref<512x64xf32, #tpu.memory_space<vmem>> -> memref<128x64xf32, #tpu.memory_space<vmem>>
      %dma_wait3A_318 = arith.constant 0 : i32
      %dma_wait3A_319 = tpu.memref_slice %arg8[%dma_wait3A_314, %dma_wait3A_318] : memref<4x128xi32, #tpu.memory_space<vmem>> -> memref<1x128xi32, #tpu.memory_space<vmem>>
      %dma_wait3A_320 = tpu.memref_squeeze %dma_wait3A_319 : memref<1x128xi32, #tpu.memory_space<vmem>> -> memref<128xi32, #tpu.memory_space<vmem>>
      %dma_wait3A_321 = arith.constant 0 : i32
      %dma_wait3A_322 = arith.constant 0 : i32
      %dma_wait3A_323 = tpu.memref_slice %arg2[%dma_wait3A_321, %dma_wait3A_322] : memref<10240x64xf32, #tpu.memory_space<hbm>> -> memref<10240x64xf32, #tpu.memory_space<hbm>>
      tpu.wait_indirect_dma semaphore(%arg14 : memref<!tpu.dma_semaphore, #tpu.memory_space<semaphore_mem>>) src(%dma_wait3A_323 : memref<10240x64xf32, #tpu.memory_space<hbm>>) dst(%dma_wait3A_317 : memref<128x64xf32, #tpu.memory_space<vmem>>)
      %dma_wait3A_324 = arith.constant 3 : i32
      %dma_wait3A_325 = arith.constant 384 : i32
      %dma_wait3A_326 = arith.constant 0 : i32
      %dma_wait3A_327 = tpu.memref_slice %arg12[%dma_wait3A_325, %dma_wait3A_326] : memref<512x64xf32, #tpu.memory_space<vmem>> -> memref<128x64xf32, #tpu.memory_space<vmem>>
      %dma_wait3A_328 = arith.constant 0 : i32
      %dma_wait3A_329 = tpu.memref_slice %arg8[%dma_wait3A_324, %dma_wait3A_328] : memref<4x128xi32, #tpu.memory_space<vmem>> -> memref<1x128xi32, #tpu.memory_space<vmem>>
      %dma_wait3A_330 = tpu.memref_squeeze %dma_wait3A_329 : memref<1x128xi32, #tpu.memory_space<vmem>> -> memref<128xi32, #tpu.memory_space<vmem>>
      %dma_wait3A_331 = arith.constant 0 : i32
      %dma_wait3A_332 = arith.constant 0 : i32
      %dma_wait3A_333 = tpu.memref_slice %arg2[%dma_wait3A_331, %dma_wait3A_332] : memref<10240x64xf32, #tpu.memory_space<hbm>> -> memref<10240x64xf32, #tpu.memory_space<hbm>>
      tpu.wait_indirect_dma semaphore(%arg14 : memref<!tpu.dma_semaphore, #tpu.memory_space<semaphore_mem>>) src(%dma_wait3A_333 : memref<10240x64xf32, #tpu.memory_space<hbm>>) dst(%dma_wait3A_327 : memref<128x64xf32, #tpu.memory_space<vmem>>)
      %run_scoped3A_334 = arith.constant 0 : i32
      "tpu.region"() ({
        %run_scoped3A_338 = tpu.sem_alloc : memref<!tpu.dma_semaphore, #tpu.memory_space<semaphore_mem>>
        %dma_start3A_339 = arith.constant 0 : i32
        %dma_start3A_340 = arith.constant 0 : i32
        %dma_start3A_341 = tpu.memref_slice %arg12[%dma_start3A_339, %dma_start3A_340] : memref<512x64xf32, #tpu.memory_space<vmem>> -> memref<128x64xf32, #tpu.memory_space<vmem>>
        %dma_start3A_342 = arith.constant 0 : i32
        %dma_start3A_343 = tpu.memref_slice %arg10[%run_scoped3A_334, %dma_start3A_342] : memref<4x128xi32, #tpu.memory_space<vmem>> -> memref<1x128xi32, #tpu.memory_space<vmem>>
        %dma_start3A_344 = tpu.memref_squeeze %dma_start3A_343 : memref<1x128xi32, #tpu.memory_space<vmem>> -> memref<128xi32, #tpu.memory_space<vmem>>
        %dma_start3A_345 = arith.constant 0 : i32
        %dma_start3A_346 = arith.constant 0 : i32
        %dma_start3A_347 = tpu.memref_slice %arg15[%dma_start3A_345, %dma_start3A_346] : memref<10240x64xf32, #tpu.memory_space<vmem_shared>> -> memref<10240x64xf32, #tpu.memory_space<vmem_shared>>
        tpu.enqueue_indirect_dma source(%dma_start3A_341 : memref<128x64xf32, #tpu.memory_space<vmem>>) target(%dma_start3A_347 : memref<10240x64xf32, #tpu.memory_space<vmem_shared>>) offsets(%dma_start3A_344 : memref<128xi32, #tpu.memory_space<vmem>>) semaphore(%run_scoped3A_338 : memref<!tpu.dma_semaphore, #tpu.memory_space<semaphore_mem>>) {add = true}
        %dma_wait3A_348 = arith.constant 0 : i32
        %dma_wait3A_349 = arith.constant 0 : i32
        %dma_wait3A_350 = tpu.memref_slice %arg12[%dma_wait3A_348, %dma_wait3A_349] : memref<512x64xf32, #tpu.memory_space<vmem>> -> memref<128x64xf32, #tpu.memory_space<vmem>>
        %dma_wait3A_351 = arith.constant 0 : i32
        %dma_wait3A_352 = tpu.memref_slice %arg10[%run_scoped3A_334, %dma_wait3A_351] : memref<4x128xi32, #tpu.memory_space<vmem>> -> memref<1x128xi32, #tpu.memory_space<vmem>>
        %dma_wait3A_353 = tpu.memref_squeeze %dma_wait3A_352 : memref<1x128xi32, #tpu.memory_space<vmem>> -> memref<128xi32, #tpu.memory_space<vmem>>
        %dma_wait3A_354 = arith.constant 0 : i32
        %dma_wait3A_355 = arith.constant 0 : i32
        %dma_wait3A_356 = tpu.memref_slice %arg15[%dma_wait3A_354, %dma_wait3A_355] : memref<10240x64xf32, #tpu.memory_space<vmem_shared>> -> memref<10240x64xf32, #tpu.memory_space<vmem_shared>>
        tpu.wait_indirect_dma semaphore(%run_scoped3A_338 : memref<!tpu.dma_semaphore, #tpu.memory_space<semaphore_mem>>) src(%dma_wait3A_350 : memref<128x64xf32, #tpu.memory_space<vmem>>) dst(%dma_wait3A_356 : memref<10240x64xf32, #tpu.memory_space<vmem_shared>>)
        tpu.yield
      }) : () -> ()
      %run_scoped3A_335 = arith.constant 1 : i32
      "tpu.region"() ({
        %run_scoped3A_338 = tpu.sem_alloc : memref<!tpu.dma_semaphore, #tpu.memory_space<semaphore_mem>>
        %dma_start3A_339 = arith.constant 128 : i32
        %dma_start3A_340 = arith.constant 0 : i32
        %dma_start3A_341 = tpu.memref_slice %arg12[%dma_start3A_339, %dma_start3A_340] : memref<512x64xf32, #tpu.memory_space<vmem>> -> memref<128x64xf32, #tpu.memory_space<vmem>>
        %dma_start3A_342 = arith.constant 0 : i32
        %dma_start3A_343 = tpu.memref_slice %arg10[%run_scoped3A_335, %dma_start3A_342] : memref<4x128xi32, #tpu.memory_space<vmem>> -> memref<1x128xi32, #tpu.memory_space<vmem>>
        %dma_start3A_344 = tpu.memref_squeeze %dma_start3A_343 : memref<1x128xi32, #tpu.memory_space<vmem>> -> memref<128xi32, #tpu.memory_space<vmem>>
        %dma_start3A_345 = arith.constant 0 : i32
        %dma_start3A_346 = arith.constant 0 : i32
        %dma_start3A_347 = tpu.memref_slice %arg15[%dma_start3A_345, %dma_start3A_346] : memref<10240x64xf32, #tpu.memory_space<vmem_shared>> -> memref<10240x64xf32, #tpu.memory_space<vmem_shared>>
        tpu.enqueue_indirect_dma source(%dma_start3A_341 : memref<128x64xf32, #tpu.memory_space<vmem>>) target(%dma_start3A_347 : memref<10240x64xf32, #tpu.memory_space<vmem_shared>>) offsets(%dma_start3A_344 : memref<128xi32, #tpu.memory_space<vmem>>) semaphore(%run_scoped3A_338 : memref<!tpu.dma_semaphore, #tpu.memory_space<semaphore_mem>>) {add = true}
        %dma_wait3A_348 = arith.constant 128 : i32
        %dma_wait3A_349 = arith.constant 0 : i32
        %dma_wait3A_350 = tpu.memref_slice %arg12[%dma_wait3A_348, %dma_wait3A_349] : memref<512x64xf32, #tpu.memory_space<vmem>> -> memref<128x64xf32, #tpu.memory_space<vmem>>
        %dma_wait3A_351 = arith.constant 0 : i32
        %dma_wait3A_352 = tpu.memref_slice %arg10[%run_scoped3A_335, %dma_wait3A_351] : memref<4x128xi32, #tpu.memory_space<vmem>> -> memref<1x128xi32, #tpu.memory_space<vmem>>
        %dma_wait3A_353 = tpu.memref_squeeze %dma_wait3A_352 : memref<1x128xi32, #tpu.memory_space<vmem>> -> memref<128xi32, #tpu.memory_space<vmem>>
        %dma_wait3A_354 = arith.constant 0 : i32
        %dma_wait3A_355 = arith.constant 0 : i32
        %dma_wait3A_356 = tpu.memref_slice %arg15[%dma_wait3A_354, %dma_wait3A_355] : memref<10240x64xf32, #tpu.memory_space<vmem_shared>> -> memref<10240x64xf32, #tpu.memory_space<vmem_shared>>
        tpu.wait_indirect_dma semaphore(%run_scoped3A_338 : memref<!tpu.dma_semaphore, #tpu.memory_space<semaphore_mem>>) src(%dma_wait3A_350 : memref<128x64xf32, #tpu.memory_space<vmem>>) dst(%dma_wait3A_356 : memref<10240x64xf32, #tpu.memory_space<vmem_shared>>)
        tpu.yield
      }) : () -> ()
      %run_scoped3A_336 = arith.constant 2 : i32
      "tpu.region"() ({
        %run_scoped3A_338 = tpu.sem_alloc : memref<!tpu.dma_semaphore, #tpu.memory_space<semaphore_mem>>
        %dma_start3A_339 = arith.constant 256 : i32
        %dma_start3A_340 = arith.constant 0 : i32
        %dma_start3A_341 = tpu.memref_slice %arg12[%dma_start3A_339, %dma_start3A_340] : memref<512x64xf32, #tpu.memory_space<vmem>> -> memref<128x64xf32, #tpu.memory_space<vmem>>
        %dma_start3A_342 = arith.constant 0 : i32
        %dma_start3A_343 = tpu.memref_slice %arg10[%run_scoped3A_336, %dma_start3A_342] : memref<4x128xi32, #tpu.memory_space<vmem>> -> memref<1x128xi32, #tpu.memory_space<vmem>>
        %dma_start3A_344 = tpu.memref_squeeze %dma_start3A_343 : memref<1x128xi32, #tpu.memory_space<vmem>> -> memref<128xi32, #tpu.memory_space<vmem>>
        %dma_start3A_345 = arith.constant 0 : i32
        %dma_start3A_346 = arith.constant 0 : i32
        %dma_start3A_347 = tpu.memref_slice %arg15[%dma_start3A_345, %dma_start3A_346] : memref<10240x64xf32, #tpu.memory_space<vmem_shared>> -> memref<10240x64xf32, #tpu.memory_space<vmem_shared>>
        tpu.enqueue_indirect_dma source(%dma_start3A_341 : memref<128x64xf32, #tpu.memory_space<vmem>>) target(%dma_start3A_347 : memref<10240x64xf32, #tpu.memory_space<vmem_shared>>) offsets(%dma_start3A_344 : memref<128xi32, #tpu.memory_space<vmem>>) semaphore(%run_scoped3A_338 : memref<!tpu.dma_semaphore, #tpu.memory_space<semaphore_mem>>) {add = true}
        %dma_wait3A_348 = arith.constant 256 : i32
        %dma_wait3A_349 = arith.constant 0 : i32
        %dma_wait3A_350 = tpu.memref_slice %arg12[%dma_wait3A_348, %dma_wait3A_349] : memref<512x64xf32, #tpu.memory_space<vmem>> -> memref<128x64xf32, #tpu.memory_space<vmem>>
        %dma_wait3A_351 = arith.constant 0 : i32
        %dma_wait3A_352 = tpu.memref_slice %arg10[%run_scoped3A_336, %dma_wait3A_351] : memref<4x128xi32, #tpu.memory_space<vmem>> -> memref<1x128xi32, #tpu.memory_space<vmem>>
        %dma_wait3A_353 = tpu.memref_squeeze %dma_wait3A_352 : memref<1x128xi32, #tpu.memory_space<vmem>> -> memref<128xi32, #tpu.memory_space<vmem>>
        %dma_wait3A_354 = arith.constant 0 : i32
        %dma_wait3A_355 = arith.constant 0 : i32
        %dma_wait3A_356 = tpu.memref_slice %arg15[%dma_wait3A_354, %dma_wait3A_355] : memref<10240x64xf32, #tpu.memory_space<vmem_shared>> -> memref<10240x64xf32, #tpu.memory_space<vmem_shared>>
        tpu.wait_indirect_dma semaphore(%run_scoped3A_338 : memref<!tpu.dma_semaphore, #tpu.memory_space<semaphore_mem>>) src(%dma_wait3A_350 : memref<128x64xf32, #tpu.memory_space<vmem>>) dst(%dma_wait3A_356 : memref<10240x64xf32, #tpu.memory_space<vmem_shared>>)
        tpu.yield
      }) : () -> ()
      %run_scoped3A_337 = arith.constant 3 : i32
      "tpu.region"() ({
        %run_scoped3A_338 = tpu.sem_alloc : memref<!tpu.dma_semaphore, #tpu.memory_space<semaphore_mem>>
        %dma_start3A_339 = arith.constant 384 : i32
        %dma_start3A_340 = arith.constant 0 : i32
        %dma_start3A_341 = tpu.memref_slice %arg12[%dma_start3A_339, %dma_start3A_340] : memref<512x64xf32, #tpu.memory_space<vmem>> -> memref<128x64xf32, #tpu.memory_space<vmem>>
        %dma_start3A_342 = arith.constant 0 : i32
        %dma_start3A_343 = tpu.memref_slice %arg10[%run_scoped3A_337, %dma_start3A_342] : memref<4x128xi32, #tpu.memory_space<vmem>> -> memref<1x128xi32, #tpu.memory_space<vmem>>
        %dma_start3A_344 = tpu.memref_squeeze %dma_start3A_343 : memref<1x128xi32, #tpu.memory_space<vmem>> -> memref<128xi32, #tpu.memory_space<vmem>>
        %dma_start3A_345 = arith.constant 0 : i32
        %dma_start3A_346 = arith.constant 0 : i32
        %dma_start3A_347 = tpu.memref_slice %arg15[%dma_start3A_345, %dma_start3A_346] : memref<10240x64xf32, #tpu.memory_space<vmem_shared>> -> memref<10240x64xf32, #tpu.memory_space<vmem_shared>>
        tpu.enqueue_indirect_dma source(%dma_start3A_341 : memref<128x64xf32, #tpu.memory_space<vmem>>) target(%dma_start3A_347 : memref<10240x64xf32, #tpu.memory_space<vmem_shared>>) offsets(%dma_start3A_344 : memref<128xi32, #tpu.memory_space<vmem>>) semaphore(%run_scoped3A_338 : memref<!tpu.dma_semaphore, #tpu.memory_space<semaphore_mem>>) {add = true}
        %dma_wait3A_348 = arith.constant 384 : i32
        %dma_wait3A_349 = arith.constant 0 : i32
        %dma_wait3A_350 = tpu.memref_slice %arg12[%dma_wait3A_348, %dma_wait3A_349] : memref<512x64xf32, #tpu.memory_space<vmem>> -> memref<128x64xf32, #tpu.memory_space<vmem>>
        %dma_wait3A_351 = arith.constant 0 : i32
        %dma_wait3A_352 = tpu.memref_slice %arg10[%run_scoped3A_337, %dma_wait3A_351] : memref<4x128xi32, #tpu.memory_space<vmem>> -> memref<1x128xi32, #tpu.memory_space<vmem>>
        %dma_wait3A_353 = tpu.memref_squeeze %dma_wait3A_352 : memref<1x128xi32, #tpu.memory_space<vmem>> -> memref<128xi32, #tpu.memory_space<vmem>>
        %dma_wait3A_354 = arith.constant 0 : i32
        %dma_wait3A_355 = arith.constant 0 : i32
        %dma_wait3A_356 = tpu.memref_slice %arg15[%dma_wait3A_354, %dma_wait3A_355] : memref<10240x64xf32, #tpu.memory_space<vmem_shared>> -> memref<10240x64xf32, #tpu.memory_space<vmem_shared>>
        tpu.wait_indirect_dma semaphore(%run_scoped3A_338 : memref<!tpu.dma_semaphore, #tpu.memory_space<semaphore_mem>>) src(%dma_wait3A_350 : memref<128x64xf32, #tpu.memory_space<vmem>>) dst(%dma_wait3A_356 : memref<10240x64xf32, #tpu.memory_space<vmem_shared>>)
        tpu.yield
      }) : () -> ()
    }
    %while3A_153 = arith.constant 1 : i32
    scf.for %while3A_167 = %while3A_151 to %while3A_147 step %while3A_153  : i32 {
      %mul3A_168 = arith.constant 2 : i32
      %mul3A_169 = arith.muli %while3A_167, %mul3A_168 : i32
      %add3A_170 = arith.constant 1 : i32
      %add3A_171 = arith.addi %mul3A_169, %add3A_170 : i32
      %eq3A_172 = arith.constant 0 : i32
      %eq3A_173 = arith.cmpi eq, %arg0, %eq3A_172 : i32
      %jit3A_174 = arith.constant 120 : i32
      %jit3A_175 = arith.constant 40 : i32
      %select_n3A_176 = arith.select %eq3A_173, %jit3A_174, %jit3A_175 : i32
      %eq3A_177 = arith.constant 0 : i32
      %eq3A_178 = arith.cmpi eq, %arg0, %eq3A_177 : i32
      %mul3A_179 = arith.constant 120 : i32
      %mul3A_180 = arith.muli %arg1, %mul3A_179 : i32
      %mul3A_181 = arith.constant 40 : i32
      %mul3A_182 = arith.muli %arg1, %mul3A_181 : i32
      %add3A_183 = arith.constant 1920 : i32
      %add3A_184 = arith.addi %add3A_183, %mul3A_182 : i32
      %select_n3A_185 = arith.select %eq3A_178, %mul3A_180, %add3A_184 : i32
      %mul3A_186 = arith.constant 4 : i32
      %mul3A_187 = arith.muli %add3A_171, %mul3A_186 : i32
      %add3A_188 = arith.addi %select_n3A_185, %mul3A_187 : i32
      %jit3A_189 = arith.constant 4 : i32
      %div3A_190 = arith.divsi %select_n3A_176, %jit3A_189 : i32
      %sign3A_191 = arith.constant 0 : i32
      %sign3A_192 = arith.cmpi sgt, %select_n3A_176, %sign3A_191 : i32
      %sign3A_193 = arith.extui %sign3A_192 : i1 to i32
      %sign3A_194 = arith.constant 0 : i32
      %sign3A_195 = arith.cmpi slt, %select_n3A_176, %sign3A_194 : i32
      %sign3A_196 = arith.extui %sign3A_195 : i1 to i32
      %sign3A_197 = arith.subi %sign3A_193, %sign3A_196 : i32
      %sign3A_198 = arith.constant 0 : i32
      %sign3A_199 = arith.cmpi sgt, %jit3A_189, %sign3A_198 : i32
      %sign3A_200 = arith.extui %sign3A_199 : i1 to i32
      %sign3A_201 = arith.constant 0 : i32
      %sign3A_202 = arith.cmpi slt, %jit3A_189, %sign3A_201 : i32
      %sign3A_203 = arith.extui %sign3A_202 : i1 to i32
      %sign3A_204 = arith.subi %sign3A_200, %sign3A_203 : i32
      %ne3A_205 = arith.cmpi ne, %sign3A_197, %sign3A_204 : i32
      %rem3A_206 = arith.remsi %select_n3A_176, %jit3A_189 : i32
      %ne3A_207 = arith.constant 0 : i32
      %ne3A_208 = arith.cmpi ne, %rem3A_206, %ne3A_207 : i32
      %and3A_209 = arith.andi %ne3A_205, %ne3A_208 : i1
      %sub3A_210 = arith.constant 1 : i32
      %sub3A_211 = arith.subi %div3A_190, %sub3A_210 : i32
      %select_n3A_212 = arith.select %and3A_209, %sub3A_211, %div3A_190 : i32
      "tpu.region"() ({
        %run_scoped3A_338 = tpu.sem_alloc : memref<!tpu.dma_semaphore, #tpu.memory_space<semaphore_mem>>
        %dma_start3A_339 = arith.constant 0 : i32
        %dma_start3A_340 = tpu.memref_slice %arg3[%add3A_188, %dma_start3A_339] : memref<2560x128xi32, #tpu.memory_space<hbm>> -> memref<4x128xi32, #tpu.memory_space<hbm>>
        %dma_start3A_341 = arith.constant 0 : i32
        %dma_start3A_342 = tpu.memref_slice %arg3[%add3A_188, %dma_start3A_341] : memref<2560x128xi32, #tpu.memory_space<hbm>> -> memref<4x128xi32, #tpu.memory_space<hbm>>
        tpu.enqueue_dma source(%dma_start3A_342 : memref<4x128xi32, #tpu.memory_space<hbm>>) target(%arg8 : memref<4x128xi32, #tpu.memory_space<vmem>>) target_semaphore(%run_scoped3A_338 : memref<!tpu.dma_semaphore, #tpu.memory_space<semaphore_mem>>)
        %dma_wait3A_343 = arith.constant 0 : i32
        %dma_wait3A_344 = tpu.memref_slice %arg3[%add3A_188, %dma_wait3A_343] : memref<2560x128xi32, #tpu.memory_space<hbm>> -> memref<4x128xi32, #tpu.memory_space<hbm>>
        %dma_wait3A_345 = arith.constant 0 : i32
        %dma_wait3A_346 = tpu.memref_slice %arg3[%add3A_188, %dma_wait3A_345] : memref<2560x128xi32, #tpu.memory_space<hbm>> -> memref<4x128xi32, #tpu.memory_space<hbm>>
        tpu.wait_dma2 semaphore(%run_scoped3A_338 : memref<!tpu.dma_semaphore, #tpu.memory_space<semaphore_mem>>) src(%dma_wait3A_346 : memref<4x128xi32, #tpu.memory_space<hbm>>) dst(%arg8 : memref<4x128xi32, #tpu.memory_space<vmem>>)
        tpu.yield
      }) : () -> ()
      "tpu.region"() ({
        %run_scoped3A_338 = tpu.sem_alloc : memref<!tpu.dma_semaphore, #tpu.memory_space<semaphore_mem>>
        %dma_start3A_339 = arith.constant 0 : i32
        %dma_start3A_340 = tpu.memref_slice %arg4[%add3A_188, %dma_start3A_339] : memref<2560x128xi32, #tpu.memory_space<hbm>> -> memref<4x128xi32, #tpu.memory_space<hbm>>
        %dma_start3A_341 = arith.constant 0 : i32
        %dma_start3A_342 = tpu.memref_slice %arg4[%add3A_188, %dma_start3A_341] : memref<2560x128xi32, #tpu.memory_space<hbm>> -> memref<4x128xi32, #tpu.memory_space<hbm>>
        tpu.enqueue_dma source(%dma_start3A_342 : memref<4x128xi32, #tpu.memory_space<hbm>>) target(%arg10 : memref<4x128xi32, #tpu.memory_space<vmem>>) target_semaphore(%run_scoped3A_338 : memref<!tpu.dma_semaphore, #tpu.memory_space<semaphore_mem>>)
        %dma_wait3A_343 = arith.constant 0 : i32
        %dma_wait3A_344 = tpu.memref_slice %arg4[%add3A_188, %dma_wait3A_343] : memref<2560x128xi32, #tpu.memory_space<hbm>> -> memref<4x128xi32, #tpu.memory_space<hbm>>
        %dma_wait3A_345 = arith.constant 0 : i32
        %dma_wait3A_346 = tpu.memref_slice %arg4[%add3A_188, %dma_wait3A_345] : memref<2560x128xi32, #tpu.memory_space<hbm>> -> memref<4x128xi32, #tpu.memory_space<hbm>>
        tpu.wait_dma2 semaphore(%run_scoped3A_338 : memref<!tpu.dma_semaphore, #tpu.memory_space<semaphore_mem>>) src(%dma_wait3A_346 : memref<4x128xi32, #tpu.memory_space<hbm>>) dst(%arg10 : memref<4x128xi32, #tpu.memory_space<vmem>>)
        tpu.yield
      }) : () -> ()
      %dma_start3A_213 = arith.constant 0 : i32
      %dma_start3A_214 = arith.constant 0 : i32
      %dma_start3A_215 = arith.constant 0 : i32
      %dma_start3A_216 = tpu.memref_slice %arg12[%dma_start3A_214, %dma_start3A_215] : memref<512x64xf32, #tpu.memory_space<vmem>> -> memref<128x64xf32, #tpu.memory_space<vmem>>
      %dma_start3A_217 = arith.constant 0 : i32
      %dma_start3A_218 = tpu.memref_slice %arg8[%dma_start3A_213, %dma_start3A_217] : memref<4x128xi32, #tpu.memory_space<vmem>> -> memref<1x128xi32, #tpu.memory_space<vmem>>
      %dma_start3A_219 = tpu.memref_squeeze %dma_start3A_218 : memref<1x128xi32, #tpu.memory_space<vmem>> -> memref<128xi32, #tpu.memory_space<vmem>>
      %dma_start3A_220 = arith.constant 0 : i32
      %dma_start3A_221 = arith.constant 0 : i32
      %dma_start3A_222 = tpu.memref_slice %arg2[%dma_start3A_220, %dma_start3A_221] : memref<10240x64xf32, #tpu.memory_space<hbm>> -> memref<10240x64xf32, #tpu.memory_space<hbm>>
      tpu.enqueue_indirect_dma source(%dma_start3A_222 : memref<10240x64xf32, #tpu.memory_space<hbm>>) target(%dma_start3A_216 : memref<128x64xf32, #tpu.memory_space<vmem>>) offsets(%dma_start3A_219 : memref<128xi32, #tpu.memory_space<vmem>>) semaphore(%arg14 : memref<!tpu.dma_semaphore, #tpu.memory_space<semaphore_mem>>)
      %dma_start3A_223 = arith.constant 1 : i32
      %dma_start3A_224 = arith.constant 128 : i32
      %dma_start3A_225 = arith.constant 0 : i32
      %dma_start3A_226 = tpu.memref_slice %arg12[%dma_start3A_224, %dma_start3A_225] : memref<512x64xf32, #tpu.memory_space<vmem>> -> memref<128x64xf32, #tpu.memory_space<vmem>>
      %dma_start3A_227 = arith.constant 0 : i32
      %dma_start3A_228 = tpu.memref_slice %arg8[%dma_start3A_223, %dma_start3A_227] : memref<4x128xi32, #tpu.memory_space<vmem>> -> memref<1x128xi32, #tpu.memory_space<vmem>>
      %dma_start3A_229 = tpu.memref_squeeze %dma_start3A_228 : memref<1x128xi32, #tpu.memory_space<vmem>> -> memref<128xi32, #tpu.memory_space<vmem>>
      %dma_start3A_230 = arith.constant 0 : i32
      %dma_start3A_231 = arith.constant 0 : i32
      %dma_start3A_232 = tpu.memref_slice %arg2[%dma_start3A_230, %dma_start3A_231] : memref<10240x64xf32, #tpu.memory_space<hbm>> -> memref<10240x64xf32, #tpu.memory_space<hbm>>
      tpu.enqueue_indirect_dma source(%dma_start3A_232 : memref<10240x64xf32, #tpu.memory_space<hbm>>) target(%dma_start3A_226 : memref<128x64xf32, #tpu.memory_space<vmem>>) offsets(%dma_start3A_229 : memref<128xi32, #tpu.memory_space<vmem>>) semaphore(%arg14 : memref<!tpu.dma_semaphore, #tpu.memory_space<semaphore_mem>>)
      %dma_start3A_233 = arith.constant 2 : i32
      %dma_start3A_234 = arith.constant 256 : i32
      %dma_start3A_235 = arith.constant 0 : i32
      %dma_start3A_236 = tpu.memref_slice %arg12[%dma_start3A_234, %dma_start3A_235] : memref<512x64xf32, #tpu.memory_space<vmem>> -> memref<128x64xf32, #tpu.memory_space<vmem>>
      %dma_start3A_237 = arith.constant 0 : i32
      %dma_start3A_238 = tpu.memref_slice %arg8[%dma_start3A_233, %dma_start3A_237] : memref<4x128xi32, #tpu.memory_space<vmem>> -> memref<1x128xi32, #tpu.memory_space<vmem>>
      %dma_start3A_239 = tpu.memref_squeeze %dma_start3A_238 : memref<1x128xi32, #tpu.memory_space<vmem>> -> memref<128xi32, #tpu.memory_space<vmem>>
      %dma_start3A_240 = arith.constant 0 : i32
      %dma_start3A_241 = arith.constant 0 : i32
      %dma_start3A_242 = tpu.memref_slice %arg2[%dma_start3A_240, %dma_start3A_241] : memref<10240x64xf32, #tpu.memory_space<hbm>> -> memref<10240x64xf32, #tpu.memory_space<hbm>>
      tpu.enqueue_indirect_dma source(%dma_start3A_242 : memref<10240x64xf32, #tpu.memory_space<hbm>>) target(%dma_start3A_236 : memref<128x64xf32, #tpu.memory_space<vmem>>) offsets(%dma_start3A_239 : memref<128xi32, #tpu.memory_space<vmem>>) semaphore(%arg14 : memref<!tpu.dma_semaphore, #tpu.memory_space<semaphore_mem>>)
      %dma_start3A_243 = arith.constant 3 : i32
      %dma_start3A_244 = arith.constant 384 : i32
      %dma_start3A_245 = arith.constant 0 : i32
      %dma_start3A_246 = tpu.memref_slice %arg12[%dma_start3A_244, %dma_start3A_245] : memref<512x64xf32, #tpu.memory_space<vmem>> -> memref<128x64xf32, #tpu.memory_space<vmem>>
      %dma_start3A_247 = arith.constant 0 : i32
      %dma_start3A_248 = tpu.memref_slice %arg8[%dma_start3A_243, %dma_start3A_247] : memref<4x128xi32, #tpu.memory_space<vmem>> -> memref<1x128xi32, #tpu.memory_space<vmem>>
      %dma_start3A_249 = tpu.memref_squeeze %dma_start3A_248 : memref<1x128xi32, #tpu.memory_space<vmem>> -> memref<128xi32, #tpu.memory_space<vmem>>
      %dma_start3A_250 = arith.constant 0 : i32
      %dma_start3A_251 = arith.constant 0 : i32
      %dma_start3A_252 = tpu.memref_slice %arg2[%dma_start3A_250, %dma_start3A_251] : memref<10240x64xf32, #tpu.memory_space<hbm>> -> memref<10240x64xf32, #tpu.memory_space<hbm>>
      tpu.enqueue_indirect_dma source(%dma_start3A_252 : memref<10240x64xf32, #tpu.memory_space<hbm>>) target(%dma_start3A_246 : memref<128x64xf32, #tpu.memory_space<vmem>>) offsets(%dma_start3A_249 : memref<128xi32, #tpu.memory_space<vmem>>) semaphore(%arg14 : memref<!tpu.dma_semaphore, #tpu.memory_space<semaphore_mem>>)
      %dma_wait3A = arith.constant 0 : i32
      %dma_wait3A_253 = arith.constant 0 : i32
      %dma_wait3A_254 = tpu.memref_slice %arg11[%dma_wait3A, %dma_wait3A_253] : memref<512x64xf32, #tpu.memory_space<vmem>> -> memref<128x64xf32, #tpu.memory_space<vmem>>
      %dma_wait3A_255 = arith.constant 0 : i32
      %dma_wait3A_256 = tpu.memref_slice %arg7[%while3A_141, %dma_wait3A_255] : memref<4x128xi32, #tpu.memory_space<vmem>> -> memref<1x128xi32, #tpu.memory_space<vmem>>
      %dma_wait3A_257 = tpu.memref_squeeze %dma_wait3A_256 : memref<1x128xi32, #tpu.memory_space<vmem>> -> memref<128xi32, #tpu.memory_space<vmem>>
      %dma_wait3A_258 = arith.constant 0 : i32
      %dma_wait3A_259 = arith.constant 0 : i32
      %dma_wait3A_260 = tpu.memref_slice %arg2[%dma_wait3A_258, %dma_wait3A_259] : memref<10240x64xf32, #tpu.memory_space<hbm>> -> memref<10240x64xf32, #tpu.memory_space<hbm>>
      tpu.wait_indirect_dma semaphore(%arg13 : memref<!tpu.dma_semaphore, #tpu.memory_space<semaphore_mem>>) src(%dma_wait3A_260 : memref<10240x64xf32, #tpu.memory_space<hbm>>) dst(%dma_wait3A_254 : memref<128x64xf32, #tpu.memory_space<vmem>>)
      %dma_wait3A_261 = arith.constant 128 : i32
      %dma_wait3A_262 = arith.constant 0 : i32
      %dma_wait3A_263 = tpu.memref_slice %arg11[%dma_wait3A_261, %dma_wait3A_262] : memref<512x64xf32, #tpu.memory_space<vmem>> -> memref<128x64xf32, #tpu.memory_space<vmem>>
      %dma_wait3A_264 = arith.constant 0 : i32
      %dma_wait3A_265 = tpu.memref_slice %arg7[%while3A_142, %dma_wait3A_264] : memref<4x128xi32, #tpu.memory_space<vmem>> -> memref<1x128xi32, #tpu.memory_space<vmem>>
      %dma_wait3A_266 = tpu.memref_squeeze %dma_wait3A_265 : memref<1x128xi32, #tpu.memory_space<vmem>> -> memref<128xi32, #tpu.memory_space<vmem>>
      %dma_wait3A_267 = arith.constant 0 : i32
      %dma_wait3A_268 = arith.constant 0 : i32
      %dma_wait3A_269 = tpu.memref_slice %arg2[%dma_wait3A_267, %dma_wait3A_268] : memref<10240x64xf32, #tpu.memory_space<hbm>> -> memref<10240x64xf32, #tpu.memory_space<hbm>>
      tpu.wait_indirect_dma semaphore(%arg13 : memref<!tpu.dma_semaphore, #tpu.memory_space<semaphore_mem>>) src(%dma_wait3A_269 : memref<10240x64xf32, #tpu.memory_space<hbm>>) dst(%dma_wait3A_263 : memref<128x64xf32, #tpu.memory_space<vmem>>)
      %dma_wait3A_270 = arith.constant 256 : i32
      %dma_wait3A_271 = arith.constant 0 : i32
      %dma_wait3A_272 = tpu.memref_slice %arg11[%dma_wait3A_270, %dma_wait3A_271] : memref<512x64xf32, #tpu.memory_space<vmem>> -> memref<128x64xf32, #tpu.memory_space<vmem>>
      %dma_wait3A_273 = arith.constant 0 : i32
      %dma_wait3A_274 = tpu.memref_slice %arg7[%while3A_143, %dma_wait3A_273] : memref<4x128xi32, #tpu.memory_space<vmem>> -> memref<1x128xi32, #tpu.memory_space<vmem>>
      %dma_wait3A_275 = tpu.memref_squeeze %dma_wait3A_274 : memref<1x128xi32, #tpu.memory_space<vmem>> -> memref<128xi32, #tpu.memory_space<vmem>>
      %dma_wait3A_276 = arith.constant 0 : i32
      %dma_wait3A_277 = arith.constant 0 : i32
      %dma_wait3A_278 = tpu.memref_slice %arg2[%dma_wait3A_276, %dma_wait3A_277] : memref<10240x64xf32, #tpu.memory_space<hbm>> -> memref<10240x64xf32, #tpu.memory_space<hbm>>
      tpu.wait_indirect_dma semaphore(%arg13 : memref<!tpu.dma_semaphore, #tpu.memory_space<semaphore_mem>>) src(%dma_wait3A_278 : memref<10240x64xf32, #tpu.memory_space<hbm>>) dst(%dma_wait3A_272 : memref<128x64xf32, #tpu.memory_space<vmem>>)
      %dma_wait3A_279 = arith.constant 384 : i32
      %dma_wait3A_280 = arith.constant 0 : i32
      %dma_wait3A_281 = tpu.memref_slice %arg11[%dma_wait3A_279, %dma_wait3A_280] : memref<512x64xf32, #tpu.memory_space<vmem>> -> memref<128x64xf32, #tpu.memory_space<vmem>>
      %dma_wait3A_282 = arith.constant 0 : i32
      %dma_wait3A_283 = tpu.memref_slice %arg7[%while3A_144, %dma_wait3A_282] : memref<4x128xi32, #tpu.memory_space<vmem>> -> memref<1x128xi32, #tpu.memory_space<vmem>>
      %dma_wait3A_284 = tpu.memref_squeeze %dma_wait3A_283 : memref<1x128xi32, #tpu.memory_space<vmem>> -> memref<128xi32, #tpu.memory_space<vmem>>
      %dma_wait3A_285 = arith.constant 0 : i32
      %dma_wait3A_286 = arith.constant 0 : i32
      %dma_wait3A_287 = tpu.memref_slice %arg2[%dma_wait3A_285, %dma_wait3A_286] : memref<10240x64xf32, #tpu.memory_space<hbm>> -> memref<10240x64xf32, #tpu.memory_space<hbm>>
      tpu.wait_indirect_dma semaphore(%arg13 : memref<!tpu.dma_semaphore, #tpu.memory_space<semaphore_mem>>) src(%dma_wait3A_287 : memref<10240x64xf32, #tpu.memory_space<hbm>>) dst(%dma_wait3A_281 : memref<128x64xf32, #tpu.memory_space<vmem>>)
      %run_scoped3A = arith.constant 0 : i32
      "tpu.region"() ({
        %run_scoped3A_338 = tpu.sem_alloc : memref<!tpu.dma_semaphore, #tpu.memory_space<semaphore_mem>>
        %dma_start3A_339 = arith.constant 0 : i32
        %dma_start3A_340 = arith.constant 0 : i32
        %dma_start3A_341 = tpu.memref_slice %arg11[%dma_start3A_339, %dma_start3A_340] : memref<512x64xf32, #tpu.memory_space<vmem>> -> memref<128x64xf32, #tpu.memory_space<vmem>>
        %dma_start3A_342 = arith.constant 0 : i32
        %dma_start3A_343 = tpu.memref_slice %arg9[%run_scoped3A, %dma_start3A_342] : memref<4x128xi32, #tpu.memory_space<vmem>> -> memref<1x128xi32, #tpu.memory_space<vmem>>
        %dma_start3A_344 = tpu.memref_squeeze %dma_start3A_343 : memref<1x128xi32, #tpu.memory_space<vmem>> -> memref<128xi32, #tpu.memory_space<vmem>>
        %dma_start3A_345 = arith.constant 0 : i32
        %dma_start3A_346 = arith.constant 0 : i32
        %dma_start3A_347 = tpu.memref_slice %arg15[%dma_start3A_345, %dma_start3A_346] : memref<10240x64xf32, #tpu.memory_space<vmem_shared>> -> memref<10240x64xf32, #tpu.memory_space<vmem_shared>>
        tpu.enqueue_indirect_dma source(%dma_start3A_341 : memref<128x64xf32, #tpu.memory_space<vmem>>) target(%dma_start3A_347 : memref<10240x64xf32, #tpu.memory_space<vmem_shared>>) offsets(%dma_start3A_344 : memref<128xi32, #tpu.memory_space<vmem>>) semaphore(%run_scoped3A_338 : memref<!tpu.dma_semaphore, #tpu.memory_space<semaphore_mem>>) {add = true}
        %dma_wait3A_348 = arith.constant 0 : i32
        %dma_wait3A_349 = arith.constant 0 : i32
        %dma_wait3A_350 = tpu.memref_slice %arg11[%dma_wait3A_348, %dma_wait3A_349] : memref<512x64xf32, #tpu.memory_space<vmem>> -> memref<128x64xf32, #tpu.memory_space<vmem>>
        %dma_wait3A_351 = arith.constant 0 : i32
        %dma_wait3A_352 = tpu.memref_slice %arg9[%run_scoped3A, %dma_wait3A_351] : memref<4x128xi32, #tpu.memory_space<vmem>> -> memref<1x128xi32, #tpu.memory_space<vmem>>
        %dma_wait3A_353 = tpu.memref_squeeze %dma_wait3A_352 : memref<1x128xi32, #tpu.memory_space<vmem>> -> memref<128xi32, #tpu.memory_space<vmem>>
        %dma_wait3A_354 = arith.constant 0 : i32
        %dma_wait3A_355 = arith.constant 0 : i32
        %dma_wait3A_356 = tpu.memref_slice %arg15[%dma_wait3A_354, %dma_wait3A_355] : memref<10240x64xf32, #tpu.memory_space<vmem_shared>> -> memref<10240x64xf32, #tpu.memory_space<vmem_shared>>
        tpu.wait_indirect_dma semaphore(%run_scoped3A_338 : memref<!tpu.dma_semaphore, #tpu.memory_space<semaphore_mem>>) src(%dma_wait3A_350 : memref<128x64xf32, #tpu.memory_space<vmem>>) dst(%dma_wait3A_356 : memref<10240x64xf32, #tpu.memory_space<vmem_shared>>)
        tpu.yield
      }) : () -> ()
      %run_scoped3A_288 = arith.constant 1 : i32
      "tpu.region"() ({
        %run_scoped3A_338 = tpu.sem_alloc : memref<!tpu.dma_semaphore, #tpu.memory_space<semaphore_mem>>
        %dma_start3A_339 = arith.constant 128 : i32
        %dma_start3A_340 = arith.constant 0 : i32
        %dma_start3A_341 = tpu.memref_slice %arg11[%dma_start3A_339, %dma_start3A_340] : memref<512x64xf32, #tpu.memory_space<vmem>> -> memref<128x64xf32, #tpu.memory_space<vmem>>
        %dma_start3A_342 = arith.constant 0 : i32
        %dma_start3A_343 = tpu.memref_slice %arg9[%run_scoped3A_288, %dma_start3A_342] : memref<4x128xi32, #tpu.memory_space<vmem>> -> memref<1x128xi32, #tpu.memory_space<vmem>>
        %dma_start3A_344 = tpu.memref_squeeze %dma_start3A_343 : memref<1x128xi32, #tpu.memory_space<vmem>> -> memref<128xi32, #tpu.memory_space<vmem>>
        %dma_start3A_345 = arith.constant 0 : i32
        %dma_start3A_346 = arith.constant 0 : i32
        %dma_start3A_347 = tpu.memref_slice %arg15[%dma_start3A_345, %dma_start3A_346] : memref<10240x64xf32, #tpu.memory_space<vmem_shared>> -> memref<10240x64xf32, #tpu.memory_space<vmem_shared>>
        tpu.enqueue_indirect_dma source(%dma_start3A_341 : memref<128x64xf32, #tpu.memory_space<vmem>>) target(%dma_start3A_347 : memref<10240x64xf32, #tpu.memory_space<vmem_shared>>) offsets(%dma_start3A_344 : memref<128xi32, #tpu.memory_space<vmem>>) semaphore(%run_scoped3A_338 : memref<!tpu.dma_semaphore, #tpu.memory_space<semaphore_mem>>) {add = true}
        %dma_wait3A_348 = arith.constant 128 : i32
        %dma_wait3A_349 = arith.constant 0 : i32
        %dma_wait3A_350 = tpu.memref_slice %arg11[%dma_wait3A_348, %dma_wait3A_349] : memref<512x64xf32, #tpu.memory_space<vmem>> -> memref<128x64xf32, #tpu.memory_space<vmem>>
        %dma_wait3A_351 = arith.constant 0 : i32
        %dma_wait3A_352 = tpu.memref_slice %arg9[%run_scoped3A_288, %dma_wait3A_351] : memref<4x128xi32, #tpu.memory_space<vmem>> -> memref<1x128xi32, #tpu.memory_space<vmem>>
        %dma_wait3A_353 = tpu.memref_squeeze %dma_wait3A_352 : memref<1x128xi32, #tpu.memory_space<vmem>> -> memref<128xi32, #tpu.memory_space<vmem>>
        %dma_wait3A_354 = arith.constant 0 : i32
        %dma_wait3A_355 = arith.constant 0 : i32
        %dma_wait3A_356 = tpu.memref_slice %arg15[%dma_wait3A_354, %dma_wait3A_355] : memref<10240x64xf32, #tpu.memory_space<vmem_shared>> -> memref<10240x64xf32, #tpu.memory_space<vmem_shared>>
        tpu.wait_indirect_dma semaphore(%run_scoped3A_338 : memref<!tpu.dma_semaphore, #tpu.memory_space<semaphore_mem>>) src(%dma_wait3A_350 : memref<128x64xf32, #tpu.memory_space<vmem>>) dst(%dma_wait3A_356 : memref<10240x64xf32, #tpu.memory_space<vmem_shared>>)
        tpu.yield
      }) : () -> ()
      %run_scoped3A_289 = arith.constant 2 : i32
      "tpu.region"() ({
        %run_scoped3A_338 = tpu.sem_alloc : memref<!tpu.dma_semaphore, #tpu.memory_space<semaphore_mem>>
        %dma_start3A_339 = arith.constant 256 : i32
        %dma_start3A_340 = arith.constant 0 : i32
        %dma_start3A_341 = tpu.memref_slice %arg11[%dma_start3A_339, %dma_start3A_340] : memref<512x64xf32, #tpu.memory_space<vmem>> -> memref<128x64xf32, #tpu.memory_space<vmem>>
        %dma_start3A_342 = arith.constant 0 : i32
        %dma_start3A_343 = tpu.memref_slice %arg9[%run_scoped3A_289, %dma_start3A_342] : memref<4x128xi32, #tpu.memory_space<vmem>> -> memref<1x128xi32, #tpu.memory_space<vmem>>
        %dma_start3A_344 = tpu.memref_squeeze %dma_start3A_343 : memref<1x128xi32, #tpu.memory_space<vmem>> -> memref<128xi32, #tpu.memory_space<vmem>>
        %dma_start3A_345 = arith.constant 0 : i32
        %dma_start3A_346 = arith.constant 0 : i32
        %dma_start3A_347 = tpu.memref_slice %arg15[%dma_start3A_345, %dma_start3A_346] : memref<10240x64xf32, #tpu.memory_space<vmem_shared>> -> memref<10240x64xf32, #tpu.memory_space<vmem_shared>>
        tpu.enqueue_indirect_dma source(%dma_start3A_341 : memref<128x64xf32, #tpu.memory_space<vmem>>) target(%dma_start3A_347 : memref<10240x64xf32, #tpu.memory_space<vmem_shared>>) offsets(%dma_start3A_344 : memref<128xi32, #tpu.memory_space<vmem>>) semaphore(%run_scoped3A_338 : memref<!tpu.dma_semaphore, #tpu.memory_space<semaphore_mem>>) {add = true}
        %dma_wait3A_348 = arith.constant 256 : i32
        %dma_wait3A_349 = arith.constant 0 : i32
        %dma_wait3A_350 = tpu.memref_slice %arg11[%dma_wait3A_348, %dma_wait3A_349] : memref<512x64xf32, #tpu.memory_space<vmem>> -> memref<128x64xf32, #tpu.memory_space<vmem>>
        %dma_wait3A_351 = arith.constant 0 : i32
        %dma_wait3A_352 = tpu.memref_slice %arg9[%run_scoped3A_289, %dma_wait3A_351] : memref<4x128xi32, #tpu.memory_space<vmem>> -> memref<1x128xi32, #tpu.memory_space<vmem>>
        %dma_wait3A_353 = tpu.memref_squeeze %dma_wait3A_352 : memref<1x128xi32, #tpu.memory_space<vmem>> -> memref<128xi32, #tpu.memory_space<vmem>>
        %dma_wait3A_354 = arith.constant 0 : i32
        %dma_wait3A_355 = arith.constant 0 : i32
        %dma_wait3A_356 = tpu.memref_slice %arg15[%dma_wait3A_354, %dma_wait3A_355] : memref<10240x64xf32, #tpu.memory_space<vmem_shared>> -> memref<10240x64xf32, #tpu.memory_space<vmem_shared>>
        tpu.wait_indirect_dma semaphore(%run_scoped3A_338 : memref<!tpu.dma_semaphore, #tpu.memory_space<semaphore_mem>>) src(%dma_wait3A_350 : memref<128x64xf32, #tpu.memory_space<vmem>>) dst(%dma_wait3A_356 : memref<10240x64xf32, #tpu.memory_space<vmem_shared>>)
        tpu.yield
      }) : () -> ()
      %run_scoped3A_290 = arith.constant 3 : i32
      "tpu.region"() ({
        %run_scoped3A_338 = tpu.sem_alloc : memref<!tpu.dma_semaphore, #tpu.memory_space<semaphore_mem>>
        %dma_start3A_339 = arith.constant 384 : i32
        %dma_start3A_340 = arith.constant 0 : i32
        %dma_start3A_341 = tpu.memref_slice %arg11[%dma_start3A_339, %dma_start3A_340] : memref<512x64xf32, #tpu.memory_space<vmem>> -> memref<128x64xf32, #tpu.memory_space<vmem>>
        %dma_start3A_342 = arith.constant 0 : i32
        %dma_start3A_343 = tpu.memref_slice %arg9[%run_scoped3A_290, %dma_start3A_342] : memref<4x128xi32, #tpu.memory_space<vmem>> -> memref<1x128xi32, #tpu.memory_space<vmem>>
        %dma_start3A_344 = tpu.memref_squeeze %dma_start3A_343 : memref<1x128xi32, #tpu.memory_space<vmem>> -> memref<128xi32, #tpu.memory_space<vmem>>
        %dma_start3A_345 = arith.constant 0 : i32
        %dma_start3A_346 = arith.constant 0 : i32
        %dma_start3A_347 = tpu.memref_slice %arg15[%dma_start3A_345, %dma_start3A_346] : memref<10240x64xf32, #tpu.memory_space<vmem_shared>> -> memref<10240x64xf32, #tpu.memory_space<vmem_shared>>
        tpu.enqueue_indirect_dma source(%dma_start3A_341 : memref<128x64xf32, #tpu.memory_space<vmem>>) target(%dma_start3A_347 : memref<10240x64xf32, #tpu.memory_space<vmem_shared>>) offsets(%dma_start3A_344 : memref<128xi32, #tpu.memory_space<vmem>>) semaphore(%run_scoped3A_338 : memref<!tpu.dma_semaphore, #tpu.memory_space<semaphore_mem>>) {add = true}
        %dma_wait3A_348 = arith.constant 384 : i32
        %dma_wait3A_349 = arith.constant 0 : i32
        %dma_wait3A_350 = tpu.memref_slice %arg11[%dma_wait3A_348, %dma_wait3A_349] : memref<512x64xf32, #tpu.memory_space<vmem>> -> memref<128x64xf32, #tpu.memory_space<vmem>>
        %dma_wait3A_351 = arith.constant 0 : i32
        %dma_wait3A_352 = tpu.memref_slice %arg9[%run_scoped3A_290, %dma_wait3A_351] : memref<4x128xi32, #tpu.memory_space<vmem>> -> memref<1x128xi32, #tpu.memory_space<vmem>>
        %dma_wait3A_353 = tpu.memref_squeeze %dma_wait3A_352 : memref<1x128xi32, #tpu.memory_space<vmem>> -> memref<128xi32, #tpu.memory_space<vmem>>
        %dma_wait3A_354 = arith.constant 0 : i32
        %dma_wait3A_355 = arith.constant 0 : i32
        %dma_wait3A_356 = tpu.memref_slice %arg15[%dma_wait3A_354, %dma_wait3A_355] : memref<10240x64xf32, #tpu.memory_space<vmem_shared>> -> memref<10240x64xf32, #tpu.memory_space<vmem_shared>>
        tpu.wait_indirect_dma semaphore(%run_scoped3A_338 : memref<!tpu.dma_semaphore, #tpu.memory_space<semaphore_mem>>) src(%dma_wait3A_350 : memref<128x64xf32, #tpu.memory_space<vmem>>) dst(%dma_wait3A_356 : memref<10240x64xf32, #tpu.memory_space<vmem_shared>>)
        tpu.yield
      }) : () -> ()
      %add3A_291 = arith.constant 2 : i32
      %add3A_292 = arith.addi %mul3A_169, %add3A_291 : i32
      %lt3A = arith.cmpi slt, %add3A_292, %select_n3A_37 : i32
      %convert_element_type3A = arith.extui %lt3A : i1 to i32
      %cond3A = arith.constant 0 : i32
      %cond3A_293 = arith.cmpi ne, %convert_element_type3A, %cond3A : i32
      scf.if %cond3A_293 {
        %add3A_338 = arith.constant 2 : i32
        %add3A_339 = arith.addi %mul3A_169, %add3A_338 : i32
        %eq3A_340 = arith.constant 0 : i32
        %eq3A_341 = arith.cmpi eq, %arg0, %eq3A_340 : i32
        %jit3A_342 = arith.constant 120 : i32
        %jit3A_343 = arith.constant 40 : i32
        %select_n3A_344 = arith.select %eq3A_341, %jit3A_342, %jit3A_343 : i32
        %eq3A_345 = arith.constant 0 : i32
        %eq3A_346 = arith.cmpi eq, %arg0, %eq3A_345 : i32
        %mul3A_347 = arith.constant 120 : i32
        %mul3A_348 = arith.muli %arg1, %mul3A_347 : i32
        %mul3A_349 = arith.constant 40 : i32
        %mul3A_350 = arith.muli %arg1, %mul3A_349 : i32
        %add3A_351 = arith.constant 1920 : i32
        %add3A_352 = arith.addi %add3A_351, %mul3A_350 : i32
        %select_n3A_353 = arith.select %eq3A_346, %mul3A_348, %add3A_352 : i32
        %mul3A_354 = arith.constant 4 : i32
        %mul3A_355 = arith.muli %add3A_339, %mul3A_354 : i32
        %add3A_356 = arith.addi %select_n3A_353, %mul3A_355 : i32
        %jit3A_357 = arith.constant 4 : i32
        %div3A_358 = arith.divsi %select_n3A_344, %jit3A_357 : i32
        %sign3A_359 = arith.constant 0 : i32
        %sign3A_360 = arith.cmpi sgt, %select_n3A_344, %sign3A_359 : i32
        %sign3A_361 = arith.extui %sign3A_360 : i1 to i32
        %sign3A_362 = arith.constant 0 : i32
        %sign3A_363 = arith.cmpi slt, %select_n3A_344, %sign3A_362 : i32
        %sign3A_364 = arith.extui %sign3A_363 : i1 to i32
        %sign3A_365 = arith.subi %sign3A_361, %sign3A_364 : i32
        %sign3A_366 = arith.constant 0 : i32
        %sign3A_367 = arith.cmpi sgt, %jit3A_357, %sign3A_366 : i32
        %sign3A_368 = arith.extui %sign3A_367 : i1 to i32
        %sign3A_369 = arith.constant 0 : i32
        %sign3A_370 = arith.cmpi slt, %jit3A_357, %sign3A_369 : i32
        %sign3A_371 = arith.extui %sign3A_370 : i1 to i32
        %sign3A_372 = arith.subi %sign3A_368, %sign3A_371 : i32
        %ne3A_373 = arith.cmpi ne, %sign3A_365, %sign3A_372 : i32
        %rem3A_374 = arith.remsi %select_n3A_344, %jit3A_357 : i32
        %ne3A_375 = arith.constant 0 : i32
        %ne3A_376 = arith.cmpi ne, %rem3A_374, %ne3A_375 : i32
        %and3A_377 = arith.andi %ne3A_373, %ne3A_376 : i1
        %sub3A_378 = arith.constant 1 : i32
        %sub3A_379 = arith.subi %div3A_358, %sub3A_378 : i32
        %select_n3A_380 = arith.select %and3A_377, %sub3A_379, %div3A_358 : i32
        "tpu.region"() ({
          %run_scoped3A_421 = tpu.sem_alloc : memref<!tpu.dma_semaphore, #tpu.memory_space<semaphore_mem>>
          %dma_start3A_422 = arith.constant 0 : i32
          %dma_start3A_423 = tpu.memref_slice %arg3[%add3A_356, %dma_start3A_422] : memref<2560x128xi32, #tpu.memory_space<hbm>> -> memref<4x128xi32, #tpu.memory_space<hbm>>
          %dma_start3A_424 = arith.constant 0 : i32
          %dma_start3A_425 = tpu.memref_slice %arg3[%add3A_356, %dma_start3A_424] : memref<2560x128xi32, #tpu.memory_space<hbm>> -> memref<4x128xi32, #tpu.memory_space<hbm>>
          tpu.enqueue_dma source(%dma_start3A_425 : memref<4x128xi32, #tpu.memory_space<hbm>>) target(%arg7 : memref<4x128xi32, #tpu.memory_space<vmem>>) target_semaphore(%run_scoped3A_421 : memref<!tpu.dma_semaphore, #tpu.memory_space<semaphore_mem>>)
          %dma_wait3A_426 = arith.constant 0 : i32
          %dma_wait3A_427 = tpu.memref_slice %arg3[%add3A_356, %dma_wait3A_426] : memref<2560x128xi32, #tpu.memory_space<hbm>> -> memref<4x128xi32, #tpu.memory_space<hbm>>
          %dma_wait3A_428 = arith.constant 0 : i32
          %dma_wait3A_429 = tpu.memref_slice %arg3[%add3A_356, %dma_wait3A_428] : memref<2560x128xi32, #tpu.memory_space<hbm>> -> memref<4x128xi32, #tpu.memory_space<hbm>>
          tpu.wait_dma2 semaphore(%run_scoped3A_421 : memref<!tpu.dma_semaphore, #tpu.memory_space<semaphore_mem>>) src(%dma_wait3A_429 : memref<4x128xi32, #tpu.memory_space<hbm>>) dst(%arg7 : memref<4x128xi32, #tpu.memory_space<vmem>>)
          tpu.yield
        }) : () -> ()
        "tpu.region"() ({
          %run_scoped3A_421 = tpu.sem_alloc : memref<!tpu.dma_semaphore, #tpu.memory_space<semaphore_mem>>
          %dma_start3A_422 = arith.constant 0 : i32
          %dma_start3A_423 = tpu.memref_slice %arg4[%add3A_356, %dma_start3A_422] : memref<2560x128xi32, #tpu.memory_space<hbm>> -> memref<4x128xi32, #tpu.memory_space<hbm>>
          %dma_start3A_424 = arith.constant 0 : i32
          %dma_start3A_425 = tpu.memref_slice %arg4[%add3A_356, %dma_start3A_424] : memref<2560x128xi32, #tpu.memory_space<hbm>> -> memref<4x128xi32, #tpu.memory_space<hbm>>
          tpu.enqueue_dma source(%dma_start3A_425 : memref<4x128xi32, #tpu.memory_space<hbm>>) target(%arg9 : memref<4x128xi32, #tpu.memory_space<vmem>>) target_semaphore(%run_scoped3A_421 : memref<!tpu.dma_semaphore, #tpu.memory_space<semaphore_mem>>)
          %dma_wait3A_426 = arith.constant 0 : i32
          %dma_wait3A_427 = tpu.memref_slice %arg4[%add3A_356, %dma_wait3A_426] : memref<2560x128xi32, #tpu.memory_space<hbm>> -> memref<4x128xi32, #tpu.memory_space<hbm>>
          %dma_wait3A_428 = arith.constant 0 : i32
          %dma_wait3A_429 = tpu.memref_slice %arg4[%add3A_356, %dma_wait3A_428] : memref<2560x128xi32, #tpu.memory_space<hbm>> -> memref<4x128xi32, #tpu.memory_space<hbm>>
          tpu.wait_dma2 semaphore(%run_scoped3A_421 : memref<!tpu.dma_semaphore, #tpu.memory_space<semaphore_mem>>) src(%dma_wait3A_429 : memref<4x128xi32, #tpu.memory_space<hbm>>) dst(%arg9 : memref<4x128xi32, #tpu.memory_space<vmem>>)
          tpu.yield
        }) : () -> ()
        %dma_start3A_381 = arith.constant 0 : i32
        %dma_start3A_382 = arith.constant 0 : i32
        %dma_start3A_383 = arith.constant 0 : i32
        %dma_start3A_384 = tpu.memref_slice %arg11[%dma_start3A_382, %dma_start3A_383] : memref<512x64xf32, #tpu.memory_space<vmem>> -> memref<128x64xf32, #tpu.memory_space<vmem>>
        %dma_start3A_385 = arith.constant 0 : i32
        %dma_start3A_386 = tpu.memref_slice %arg7[%dma_start3A_381, %dma_start3A_385] : memref<4x128xi32, #tpu.memory_space<vmem>> -> memref<1x128xi32, #tpu.memory_space<vmem>>
        %dma_start3A_387 = tpu.memref_squeeze %dma_start3A_386 : memref<1x128xi32, #tpu.memory_space<vmem>> -> memref<128xi32, #tpu.memory_space<vmem>>
        %dma_start3A_388 = arith.constant 0 : i32
        %dma_start3A_389 = arith.constant 0 : i32
        %dma_start3A_390 = tpu.memref_slice %arg2[%dma_start3A_388, %dma_start3A_389] : memref<10240x64xf32, #tpu.memory_space<hbm>> -> memref<10240x64xf32, #tpu.memory_space<hbm>>
        tpu.enqueue_indirect_dma source(%dma_start3A_390 : memref<10240x64xf32, #tpu.memory_space<hbm>>) target(%dma_start3A_384 : memref<128x64xf32, #tpu.memory_space<vmem>>) offsets(%dma_start3A_387 : memref<128xi32, #tpu.memory_space<vmem>>) semaphore(%arg13 : memref<!tpu.dma_semaphore, #tpu.memory_space<semaphore_mem>>)
        %dma_start3A_391 = arith.constant 1 : i32
        %dma_start3A_392 = arith.constant 128 : i32
        %dma_start3A_393 = arith.constant 0 : i32
        %dma_start3A_394 = tpu.memref_slice %arg11[%dma_start3A_392, %dma_start3A_393] : memref<512x64xf32, #tpu.memory_space<vmem>> -> memref<128x64xf32, #tpu.memory_space<vmem>>
        %dma_start3A_395 = arith.constant 0 : i32
        %dma_start3A_396 = tpu.memref_slice %arg7[%dma_start3A_391, %dma_start3A_395] : memref<4x128xi32, #tpu.memory_space<vmem>> -> memref<1x128xi32, #tpu.memory_space<vmem>>
        %dma_start3A_397 = tpu.memref_squeeze %dma_start3A_396 : memref<1x128xi32, #tpu.memory_space<vmem>> -> memref<128xi32, #tpu.memory_space<vmem>>
        %dma_start3A_398 = arith.constant 0 : i32
        %dma_start3A_399 = arith.constant 0 : i32
        %dma_start3A_400 = tpu.memref_slice %arg2[%dma_start3A_398, %dma_start3A_399] : memref<10240x64xf32, #tpu.memory_space<hbm>> -> memref<10240x64xf32, #tpu.memory_space<hbm>>
        tpu.enqueue_indirect_dma source(%dma_start3A_400 : memref<10240x64xf32, #tpu.memory_space<hbm>>) target(%dma_start3A_394 : memref<128x64xf32, #tpu.memory_space<vmem>>) offsets(%dma_start3A_397 : memref<128xi32, #tpu.memory_space<vmem>>) semaphore(%arg13 : memref<!tpu.dma_semaphore, #tpu.memory_space<semaphore_mem>>)
        %dma_start3A_401 = arith.constant 2 : i32
        %dma_start3A_402 = arith.constant 256 : i32
        %dma_start3A_403 = arith.constant 0 : i32
        %dma_start3A_404 = tpu.memref_slice %arg11[%dma_start3A_402, %dma_start3A_403] : memref<512x64xf32, #tpu.memory_space<vmem>> -> memref<128x64xf32, #tpu.memory_space<vmem>>
        %dma_start3A_405 = arith.constant 0 : i32
        %dma_start3A_406 = tpu.memref_slice %arg7[%dma_start3A_401, %dma_start3A_405] : memref<4x128xi32, #tpu.memory_space<vmem>> -> memref<1x128xi32, #tpu.memory_space<vmem>>
        %dma_start3A_407 = tpu.memref_squeeze %dma_start3A_406 : memref<1x128xi32, #tpu.memory_space<vmem>> -> memref<128xi32, #tpu.memory_space<vmem>>
        %dma_start3A_408 = arith.constant 0 : i32
        %dma_start3A_409 = arith.constant 0 : i32
        %dma_start3A_410 = tpu.memref_slice %arg2[%dma_start3A_408, %dma_start3A_409] : memref<10240x64xf32, #tpu.memory_space<hbm>> -> memref<10240x64xf32, #tpu.memory_space<hbm>>
        tpu.enqueue_indirect_dma source(%dma_start3A_410 : memref<10240x64xf32, #tpu.memory_space<hbm>>) target(%dma_start3A_404 : memref<128x64xf32, #tpu.memory_space<vmem>>) offsets(%dma_start3A_407 : memref<128xi32, #tpu.memory_space<vmem>>) semaphore(%arg13 : memref<!tpu.dma_semaphore, #tpu.memory_space<semaphore_mem>>)
        %dma_start3A_411 = arith.constant 3 : i32
        %dma_start3A_412 = arith.constant 384 : i32
        %dma_start3A_413 = arith.constant 0 : i32
        %dma_start3A_414 = tpu.memref_slice %arg11[%dma_start3A_412, %dma_start3A_413] : memref<512x64xf32, #tpu.memory_space<vmem>> -> memref<128x64xf32, #tpu.memory_space<vmem>>
        %dma_start3A_415 = arith.constant 0 : i32
        %dma_start3A_416 = tpu.memref_slice %arg7[%dma_start3A_411, %dma_start3A_415] : memref<4x128xi32, #tpu.memory_space<vmem>> -> memref<1x128xi32, #tpu.memory_space<vmem>>
        %dma_start3A_417 = tpu.memref_squeeze %dma_start3A_416 : memref<1x128xi32, #tpu.memory_space<vmem>> -> memref<128xi32, #tpu.memory_space<vmem>>
        %dma_start3A_418 = arith.constant 0 : i32
        %dma_start3A_419 = arith.constant 0 : i32
        %dma_start3A_420 = tpu.memref_slice %arg2[%dma_start3A_418, %dma_start3A_419] : memref<10240x64xf32, #tpu.memory_space<hbm>> -> memref<10240x64xf32, #tpu.memory_space<hbm>>
        tpu.enqueue_indirect_dma source(%dma_start3A_420 : memref<10240x64xf32, #tpu.memory_space<hbm>>) target(%dma_start3A_414 : memref<128x64xf32, #tpu.memory_space<vmem>>) offsets(%dma_start3A_417 : memref<128xi32, #tpu.memory_space<vmem>>) semaphore(%arg13 : memref<!tpu.dma_semaphore, #tpu.memory_space<semaphore_mem>>)
      } else {
      }
      %dma_wait3A_294 = arith.constant 0 : i32
      %dma_wait3A_295 = arith.constant 0 : i32
      %dma_wait3A_296 = arith.constant 0 : i32
      %dma_wait3A_297 = tpu.memref_slice %arg12[%dma_wait3A_295, %dma_wait3A_296] : memref<512x64xf32, #tpu.memory_space<vmem>> -> memref<128x64xf32, #tpu.memory_space<vmem>>
      %dma_wait3A_298 = arith.constant 0 : i32
      %dma_wait3A_299 = tpu.memref_slice %arg8[%dma_wait3A_294, %dma_wait3A_298] : memref<4x128xi32, #tpu.memory_space<vmem>> -> memref<1x128xi32, #tpu.memory_space<vmem>>
      %dma_wait3A_300 = tpu.memref_squeeze %dma_wait3A_299 : memref<1x128xi32, #tpu.memory_space<vmem>> -> memref<128xi32, #tpu.memory_space<vmem>>
      %dma_wait3A_301 = arith.constant 0 : i32
      %dma_wait3A_302 = arith.constant 0 : i32
      %dma_wait3A_303 = tpu.memref_slice %arg2[%dma_wait3A_301, %dma_wait3A_302] : memref<10240x64xf32, #tpu.memory_space<hbm>> -> memref<10240x64xf32, #tpu.memory_space<hbm>>
      tpu.wait_indirect_dma semaphore(%arg14 : memref<!tpu.dma_semaphore, #tpu.memory_space<semaphore_mem>>) src(%dma_wait3A_303 : memref<10240x64xf32, #tpu.memory_space<hbm>>) dst(%dma_wait3A_297 : memref<128x64xf32, #tpu.memory_space<vmem>>)
      %dma_wait3A_304 = arith.constant 1 : i32
      %dma_wait3A_305 = arith.constant 128 : i32
      %dma_wait3A_306 = arith.constant 0 : i32
      %dma_wait3A_307 = tpu.memref_slice %arg12[%dma_wait3A_305, %dma_wait3A_306] : memref<512x64xf32, #tpu.memory_space<vmem>> -> memref<128x64xf32, #tpu.memory_space<vmem>>
      %dma_wait3A_308 = arith.constant 0 : i32
      %dma_wait3A_309 = tpu.memref_slice %arg8[%dma_wait3A_304, %dma_wait3A_308] : memref<4x128xi32, #tpu.memory_space<vmem>> -> memref<1x128xi32, #tpu.memory_space<vmem>>
      %dma_wait3A_310 = tpu.memref_squeeze %dma_wait3A_309 : memref<1x128xi32, #tpu.memory_space<vmem>> -> memref<128xi32, #tpu.memory_space<vmem>>
      %dma_wait3A_311 = arith.constant 0 : i32
      %dma_wait3A_312 = arith.constant 0 : i32
      %dma_wait3A_313 = tpu.memref_slice %arg2[%dma_wait3A_311, %dma_wait3A_312] : memref<10240x64xf32, #tpu.memory_space<hbm>> -> memref<10240x64xf32, #tpu.memory_space<hbm>>
      tpu.wait_indirect_dma semaphore(%arg14 : memref<!tpu.dma_semaphore, #tpu.memory_space<semaphore_mem>>) src(%dma_wait3A_313 : memref<10240x64xf32, #tpu.memory_space<hbm>>) dst(%dma_wait3A_307 : memref<128x64xf32, #tpu.memory_space<vmem>>)
      %dma_wait3A_314 = arith.constant 2 : i32
      %dma_wait3A_315 = arith.constant 256 : i32
      %dma_wait3A_316 = arith.constant 0 : i32
      %dma_wait3A_317 = tpu.memref_slice %arg12[%dma_wait3A_315, %dma_wait3A_316] : memref<512x64xf32, #tpu.memory_space<vmem>> -> memref<128x64xf32, #tpu.memory_space<vmem>>
      %dma_wait3A_318 = arith.constant 0 : i32
      %dma_wait3A_319 = tpu.memref_slice %arg8[%dma_wait3A_314, %dma_wait3A_318] : memref<4x128xi32, #tpu.memory_space<vmem>> -> memref<1x128xi32, #tpu.memory_space<vmem>>
      %dma_wait3A_320 = tpu.memref_squeeze %dma_wait3A_319 : memref<1x128xi32, #tpu.memory_space<vmem>> -> memref<128xi32, #tpu.memory_space<vmem>>
      %dma_wait3A_321 = arith.constant 0 : i32
      %dma_wait3A_322 = arith.constant 0 : i32
      %dma_wait3A_323 = tpu.memref_slice %arg2[%dma_wait3A_321, %dma_wait3A_322] : memref<10240x64xf32, #tpu.memory_space<hbm>> -> memref<10240x64xf32, #tpu.memory_space<hbm>>
      tpu.wait_indirect_dma semaphore(%arg14 : memref<!tpu.dma_semaphore, #tpu.memory_space<semaphore_mem>>) src(%dma_wait3A_323 : memref<10240x64xf32, #tpu.memory_space<hbm>>) dst(%dma_wait3A_317 : memref<128x64xf32, #tpu.memory_space<vmem>>)
      %dma_wait3A_324 = arith.constant 3 : i32
      %dma_wait3A_325 = arith.constant 384 : i32
      %dma_wait3A_326 = arith.constant 0 : i32
      %dma_wait3A_327 = tpu.memref_slice %arg12[%dma_wait3A_325, %dma_wait3A_326] : memref<512x64xf32, #tpu.memory_space<vmem>> -> memref<128x64xf32, #tpu.memory_space<vmem>>
      %dma_wait3A_328 = arith.constant 0 : i32
      %dma_wait3A_329 = tpu.memref_slice %arg8[%dma_wait3A_324, %dma_wait3A_328] : memref<4x128xi32, #tpu.memory_space<vmem>> -> memref<1x128xi32, #tpu.memory_space<vmem>>
      %dma_wait3A_330 = tpu.memref_squeeze %dma_wait3A_329 : memref<1x128xi32, #tpu.memory_space<vmem>> -> memref<128xi32, #tpu.memory_space<vmem>>
      %dma_wait3A_331 = arith.constant 0 : i32
      %dma_wait3A_332 = arith.constant 0 : i32
      %dma_wait3A_333 = tpu.memref_slice %arg2[%dma_wait3A_331, %dma_wait3A_332] : memref<10240x64xf32, #tpu.memory_space<hbm>> -> memref<10240x64xf32, #tpu.memory_space<hbm>>
      tpu.wait_indirect_dma semaphore(%arg14 : memref<!tpu.dma_semaphore, #tpu.memory_space<semaphore_mem>>) src(%dma_wait3A_333 : memref<10240x64xf32, #tpu.memory_space<hbm>>) dst(%dma_wait3A_327 : memref<128x64xf32, #tpu.memory_space<vmem>>)
      %run_scoped3A_334 = arith.constant 0 : i32
      "tpu.region"() ({
        %run_scoped3A_338 = tpu.sem_alloc : memref<!tpu.dma_semaphore, #tpu.memory_space<semaphore_mem>>
        %dma_start3A_339 = arith.constant 0 : i32
        %dma_start3A_340 = arith.constant 0 : i32
        %dma_start3A_341 = tpu.memref_slice %arg12[%dma_start3A_339, %dma_start3A_340] : memref<512x64xf32, #tpu.memory_space<vmem>> -> memref<128x64xf32, #tpu.memory_space<vmem>>
        %dma_start3A_342 = arith.constant 0 : i32
        %dma_start3A_343 = tpu.memref_slice %arg10[%run_scoped3A_334, %dma_start3A_342] : memref<4x128xi32, #tpu.memory_space<vmem>> -> memref<1x128xi32, #tpu.memory_space<vmem>>
        %dma_start3A_344 = tpu.memref_squeeze %dma_start3A_343 : memref<1x128xi32, #tpu.memory_space<vmem>> -> memref<128xi32, #tpu.memory_space<vmem>>
        %dma_start3A_345 = arith.constant 0 : i32
        %dma_start3A_346 = arith.constant 0 : i32
        %dma_start3A_347 = tpu.memref_slice %arg15[%dma_start3A_345, %dma_start3A_346] : memref<10240x64xf32, #tpu.memory_space<vmem_shared>> -> memref<10240x64xf32, #tpu.memory_space<vmem_shared>>
        tpu.enqueue_indirect_dma source(%dma_start3A_341 : memref<128x64xf32, #tpu.memory_space<vmem>>) target(%dma_start3A_347 : memref<10240x64xf32, #tpu.memory_space<vmem_shared>>) offsets(%dma_start3A_344 : memref<128xi32, #tpu.memory_space<vmem>>) semaphore(%run_scoped3A_338 : memref<!tpu.dma_semaphore, #tpu.memory_space<semaphore_mem>>) {add = true}
        %dma_wait3A_348 = arith.constant 0 : i32
        %dma_wait3A_349 = arith.constant 0 : i32
        %dma_wait3A_350 = tpu.memref_slice %arg12[%dma_wait3A_348, %dma_wait3A_349] : memref<512x64xf32, #tpu.memory_space<vmem>> -> memref<128x64xf32, #tpu.memory_space<vmem>>
        %dma_wait3A_351 = arith.constant 0 : i32
        %dma_wait3A_352 = tpu.memref_slice %arg10[%run_scoped3A_334, %dma_wait3A_351] : memref<4x128xi32, #tpu.memory_space<vmem>> -> memref<1x128xi32, #tpu.memory_space<vmem>>
        %dma_wait3A_353 = tpu.memref_squeeze %dma_wait3A_352 : memref<1x128xi32, #tpu.memory_space<vmem>> -> memref<128xi32, #tpu.memory_space<vmem>>
        %dma_wait3A_354 = arith.constant 0 : i32
        %dma_wait3A_355 = arith.constant 0 : i32
        %dma_wait3A_356 = tpu.memref_slice %arg15[%dma_wait3A_354, %dma_wait3A_355] : memref<10240x64xf32, #tpu.memory_space<vmem_shared>> -> memref<10240x64xf32, #tpu.memory_space<vmem_shared>>
        tpu.wait_indirect_dma semaphore(%run_scoped3A_338 : memref<!tpu.dma_semaphore, #tpu.memory_space<semaphore_mem>>) src(%dma_wait3A_350 : memref<128x64xf32, #tpu.memory_space<vmem>>) dst(%dma_wait3A_356 : memref<10240x64xf32, #tpu.memory_space<vmem_shared>>)
        tpu.yield
      }) : () -> ()
      %run_scoped3A_335 = arith.constant 1 : i32
      "tpu.region"() ({
        %run_scoped3A_338 = tpu.sem_alloc : memref<!tpu.dma_semaphore, #tpu.memory_space<semaphore_mem>>
        %dma_start3A_339 = arith.constant 128 : i32
        %dma_start3A_340 = arith.constant 0 : i32
        %dma_start3A_341 = tpu.memref_slice %arg12[%dma_start3A_339, %dma_start3A_340] : memref<512x64xf32, #tpu.memory_space<vmem>> -> memref<128x64xf32, #tpu.memory_space<vmem>>
        %dma_start3A_342 = arith.constant 0 : i32
        %dma_start3A_343 = tpu.memref_slice %arg10[%run_scoped3A_335, %dma_start3A_342] : memref<4x128xi32, #tpu.memory_space<vmem>> -> memref<1x128xi32, #tpu.memory_space<vmem>>
        %dma_start3A_344 = tpu.memref_squeeze %dma_start3A_343 : memref<1x128xi32, #tpu.memory_space<vmem>> -> memref<128xi32, #tpu.memory_space<vmem>>
        %dma_start3A_345 = arith.constant 0 : i32
        %dma_start3A_346 = arith.constant 0 : i32
        %dma_start3A_347 = tpu.memref_slice %arg15[%dma_start3A_345, %dma_start3A_346] : memref<10240x64xf32, #tpu.memory_space<vmem_shared>> -> memref<10240x64xf32, #tpu.memory_space<vmem_shared>>
        tpu.enqueue_indirect_dma source(%dma_start3A_341 : memref<128x64xf32, #tpu.memory_space<vmem>>) target(%dma_start3A_347 : memref<10240x64xf32, #tpu.memory_space<vmem_shared>>) offsets(%dma_start3A_344 : memref<128xi32, #tpu.memory_space<vmem>>) semaphore(%run_scoped3A_338 : memref<!tpu.dma_semaphore, #tpu.memory_space<semaphore_mem>>) {add = true}
        %dma_wait3A_348 = arith.constant 128 : i32
        %dma_wait3A_349 = arith.constant 0 : i32
        %dma_wait3A_350 = tpu.memref_slice %arg12[%dma_wait3A_348, %dma_wait3A_349] : memref<512x64xf32, #tpu.memory_space<vmem>> -> memref<128x64xf32, #tpu.memory_space<vmem>>
        %dma_wait3A_351 = arith.constant 0 : i32
        %dma_wait3A_352 = tpu.memref_slice %arg10[%run_scoped3A_335, %dma_wait3A_351] : memref<4x128xi32, #tpu.memory_space<vmem>> -> memref<1x128xi32, #tpu.memory_space<vmem>>
        %dma_wait3A_353 = tpu.memref_squeeze %dma_wait3A_352 : memref<1x128xi32, #tpu.memory_space<vmem>> -> memref<128xi32, #tpu.memory_space<vmem>>
        %dma_wait3A_354 = arith.constant 0 : i32
        %dma_wait3A_355 = arith.constant 0 : i32
        %dma_wait3A_356 = tpu.memref_slice %arg15[%dma_wait3A_354, %dma_wait3A_355] : memref<10240x64xf32, #tpu.memory_space<vmem_shared>> -> memref<10240x64xf32, #tpu.memory_space<vmem_shared>>
        tpu.wait_indirect_dma semaphore(%run_scoped3A_338 : memref<!tpu.dma_semaphore, #tpu.memory_space<semaphore_mem>>) src(%dma_wait3A_350 : memref<128x64xf32, #tpu.memory_space<vmem>>) dst(%dma_wait3A_356 : memref<10240x64xf32, #tpu.memory_space<vmem_shared>>)
        tpu.yield
      }) : () -> ()
      %run_scoped3A_336 = arith.constant 2 : i32
      "tpu.region"() ({
        %run_scoped3A_338 = tpu.sem_alloc : memref<!tpu.dma_semaphore, #tpu.memory_space<semaphore_mem>>
        %dma_start3A_339 = arith.constant 256 : i32
        %dma_start3A_340 = arith.constant 0 : i32
        %dma_start3A_341 = tpu.memref_slice %arg12[%dma_start3A_339, %dma_start3A_340] : memref<512x64xf32, #tpu.memory_space<vmem>> -> memref<128x64xf32, #tpu.memory_space<vmem>>
        %dma_start3A_342 = arith.constant 0 : i32
        %dma_start3A_343 = tpu.memref_slice %arg10[%run_scoped3A_336, %dma_start3A_342] : memref<4x128xi32, #tpu.memory_space<vmem>> -> memref<1x128xi32, #tpu.memory_space<vmem>>
        %dma_start3A_344 = tpu.memref_squeeze %dma_start3A_343 : memref<1x128xi32, #tpu.memory_space<vmem>> -> memref<128xi32, #tpu.memory_space<vmem>>
        %dma_start3A_345 = arith.constant 0 : i32
        %dma_start3A_346 = arith.constant 0 : i32
        %dma_start3A_347 = tpu.memref_slice %arg15[%dma_start3A_345, %dma_start3A_346] : memref<10240x64xf32, #tpu.memory_space<vmem_shared>> -> memref<10240x64xf32, #tpu.memory_space<vmem_shared>>
        tpu.enqueue_indirect_dma source(%dma_start3A_341 : memref<128x64xf32, #tpu.memory_space<vmem>>) target(%dma_start3A_347 : memref<10240x64xf32, #tpu.memory_space<vmem_shared>>) offsets(%dma_start3A_344 : memref<128xi32, #tpu.memory_space<vmem>>) semaphore(%run_scoped3A_338 : memref<!tpu.dma_semaphore, #tpu.memory_space<semaphore_mem>>) {add = true}
        %dma_wait3A_348 = arith.constant 256 : i32
        %dma_wait3A_349 = arith.constant 0 : i32
        %dma_wait3A_350 = tpu.memref_slice %arg12[%dma_wait3A_348, %dma_wait3A_349] : memref<512x64xf32, #tpu.memory_space<vmem>> -> memref<128x64xf32, #tpu.memory_space<vmem>>
        %dma_wait3A_351 = arith.constant 0 : i32
        %dma_wait3A_352 = tpu.memref_slice %arg10[%run_scoped3A_336, %dma_wait3A_351] : memref<4x128xi32, #tpu.memory_space<vmem>> -> memref<1x128xi32, #tpu.memory_space<vmem>>
        %dma_wait3A_353 = tpu.memref_squeeze %dma_wait3A_352 : memref<1x128xi32, #tpu.memory_space<vmem>> -> memref<128xi32, #tpu.memory_space<vmem>>
        %dma_wait3A_354 = arith.constant 0 : i32
        %dma_wait3A_355 = arith.constant 0 : i32
        %dma_wait3A_356 = tpu.memref_slice %arg15[%dma_wait3A_354, %dma_wait3A_355] : memref<10240x64xf32, #tpu.memory_space<vmem_shared>> -> memref<10240x64xf32, #tpu.memory_space<vmem_shared>>
        tpu.wait_indirect_dma semaphore(%run_scoped3A_338 : memref<!tpu.dma_semaphore, #tpu.memory_space<semaphore_mem>>) src(%dma_wait3A_350 : memref<128x64xf32, #tpu.memory_space<vmem>>) dst(%dma_wait3A_356 : memref<10240x64xf32, #tpu.memory_space<vmem_shared>>)
        tpu.yield
      }) : () -> ()
      %run_scoped3A_337 = arith.constant 3 : i32
      "tpu.region"() ({
        %run_scoped3A_338 = tpu.sem_alloc : memref<!tpu.dma_semaphore, #tpu.memory_space<semaphore_mem>>
        %dma_start3A_339 = arith.constant 384 : i32
        %dma_start3A_340 = arith.constant 0 : i32
        %dma_start3A_341 = tpu.memref_slice %arg12[%dma_start3A_339, %dma_start3A_340] : memref<512x64xf32, #tpu.memory_space<vmem>> -> memref<128x64xf32, #tpu.memory_space<vmem>>
        %dma_start3A_342 = arith.constant 0 : i32
        %dma_start3A_343 = tpu.memref_slice %arg10[%run_scoped3A_337, %dma_start3A_342] : memref<4x128xi32, #tpu.memory_space<vmem>> -> memref<1x128xi32, #tpu.memory_space<vmem>>
        %dma_start3A_344 = tpu.memref_squeeze %dma_start3A_343 : memref<1x128xi32, #tpu.memory_space<vmem>> -> memref<128xi32, #tpu.memory_space<vmem>>
        %dma_start3A_345 = arith.constant 0 : i32
        %dma_start3A_346 = arith.constant 0 : i32
        %dma_start3A_347 = tpu.memref_slice %arg15[%dma_start3A_345, %dma_start3A_346] : memref<10240x64xf32, #tpu.memory_space<vmem_shared>> -> memref<10240x64xf32, #tpu.memory_space<vmem_shared>>
        tpu.enqueue_indirect_dma source(%dma_start3A_341 : memref<128x64xf32, #tpu.memory_space<vmem>>) target(%dma_start3A_347 : memref<10240x64xf32, #tpu.memory_space<vmem_shared>>) offsets(%dma_start3A_344 : memref<128xi32, #tpu.memory_space<vmem>>) semaphore(%run_scoped3A_338 : memref<!tpu.dma_semaphore, #tpu.memory_space<semaphore_mem>>) {add = true}
        %dma_wait3A_348 = arith.constant 384 : i32
        %dma_wait3A_349 = arith.constant 0 : i32
        %dma_wait3A_350 = tpu.memref_slice %arg12[%dma_wait3A_348, %dma_wait3A_349] : memref<512x64xf32, #tpu.memory_space<vmem>> -> memref<128x64xf32, #tpu.memory_space<vmem>>
        %dma_wait3A_351 = arith.constant 0 : i32
        %dma_wait3A_352 = tpu.memref_slice %arg10[%run_scoped3A_337, %dma_wait3A_351] : memref<4x128xi32, #tpu.memory_space<vmem>> -> memref<1x128xi32, #tpu.memory_space<vmem>>
        %dma_wait3A_353 = tpu.memref_squeeze %dma_wait3A_352 : memref<1x128xi32, #tpu.memory_space<vmem>> -> memref<128xi32, #tpu.memory_space<vmem>>
        %dma_wait3A_354 = arith.constant 0 : i32
        %dma_wait3A_355 = arith.constant 0 : i32
        %dma_wait3A_356 = tpu.memref_slice %arg15[%dma_wait3A_354, %dma_wait3A_355] : memref<10240x64xf32, #tpu.memory_space<vmem_shared>> -> memref<10240x64xf32, #tpu.memory_space<vmem_shared>>
        tpu.wait_indirect_dma semaphore(%run_scoped3A_338 : memref<!tpu.dma_semaphore, #tpu.memory_space<semaphore_mem>>) src(%dma_wait3A_350 : memref<128x64xf32, #tpu.memory_space<vmem>>) dst(%dma_wait3A_356 : memref<10240x64xf32, #tpu.memory_space<vmem_shared>>)
        tpu.yield
      }) : () -> ()
    }
    %barrier3A_154 = arith.constant 0 : index
    tpu.barrier barrier_id(%barrier3A_154)
    %mul3A_155 = arith.constant 640 : i32
    %mul3A_156 = arith.muli %arg1, %mul3A_155 : i32
    "tpu.region"() ({
      %run_scoped3A = tpu.sem_alloc : memref<!tpu.dma_semaphore, #tpu.memory_space<semaphore_mem>>
      %dma_start3A_167 = arith.constant 0 : i32
      %dma_start3A_168 = tpu.memref_slice %arg15[%mul3A_156, %dma_start3A_167] : memref<10240x64xf32, #tpu.memory_space<vmem_shared>> -> memref<512x64xf32, #tpu.memory_space<vmem_shared>>
      %dma_start3A_169 = arith.constant 0 : i32
      %dma_start3A_170 = tpu.memref_slice %arg15[%mul3A_156, %dma_start3A_169] : memref<10240x64xf32, #tpu.memory_space<vmem_shared>> -> memref<512x64xf32, #tpu.memory_space<vmem_shared>>
      tpu.enqueue_dma source(%dma_start3A_170 : memref<512x64xf32, #tpu.memory_space<vmem_shared>>) target(%arg11 : memref<512x64xf32, #tpu.memory_space<vmem>>) target_semaphore(%run_scoped3A : memref<!tpu.dma_semaphore, #tpu.memory_space<semaphore_mem>>)
      %dma_wait3A = arith.constant 0 : i32
      %dma_wait3A_171 = tpu.memref_slice %arg15[%mul3A_156, %dma_wait3A] : memref<10240x64xf32, #tpu.memory_space<vmem_shared>> -> memref<512x64xf32, #tpu.memory_space<vmem_shared>>
      %dma_wait3A_172 = arith.constant 0 : i32
      %dma_wait3A_173 = tpu.memref_slice %arg15[%mul3A_156, %dma_wait3A_172] : memref<10240x64xf32, #tpu.memory_space<vmem_shared>> -> memref<512x64xf32, #tpu.memory_space<vmem_shared>>
      tpu.wait_dma2 semaphore(%run_scoped3A : memref<!tpu.dma_semaphore, #tpu.memory_space<semaphore_mem>>) src(%dma_wait3A_173 : memref<512x64xf32, #tpu.memory_space<vmem_shared>>) dst(%arg11 : memref<512x64xf32, #tpu.memory_space<vmem>>)
      tpu.yield
    }) : () -> ()
    %mul3A_157 = arith.constant 640 : i32
    %mul3A_158 = arith.muli %arg1, %mul3A_157 : i32
    %add3A_159 = arith.constant 512 : i32
    %add3A_160 = arith.addi %mul3A_158, %add3A_159 : i32
    "tpu.region"() ({
      %run_scoped3A = tpu.sem_alloc : memref<!tpu.dma_semaphore, #tpu.memory_space<semaphore_mem>>
      %dma_start3A_167 = arith.constant 0 : i32
      %dma_start3A_168 = arith.constant 0 : i32
      %dma_start3A_169 = tpu.memref_slice %arg12[%dma_start3A_167, %dma_start3A_168] : memref<512x64xf32, #tpu.memory_space<vmem>> -> memref<128x64xf32, #tpu.memory_space<vmem>>
      %dma_start3A_170 = arith.constant 0 : i32
      %dma_start3A_171 = tpu.memref_slice %arg15[%add3A_160, %dma_start3A_170] : memref<10240x64xf32, #tpu.memory_space<vmem_shared>> -> memref<128x64xf32, #tpu.memory_space<vmem_shared>>
      %dma_start3A_172 = arith.constant 0 : i32
      %dma_start3A_173 = arith.constant 0 : i32
      %dma_start3A_174 = tpu.memref_slice %arg12[%dma_start3A_172, %dma_start3A_173] : memref<512x64xf32, #tpu.memory_space<vmem>> -> memref<128x64xf32, #tpu.memory_space<vmem>>
      %dma_start3A_175 = arith.constant 0 : i32
      %dma_start3A_176 = tpu.memref_slice %arg15[%add3A_160, %dma_start3A_175] : memref<10240x64xf32, #tpu.memory_space<vmem_shared>> -> memref<128x64xf32, #tpu.memory_space<vmem_shared>>
      tpu.enqueue_dma source(%dma_start3A_176 : memref<128x64xf32, #tpu.memory_space<vmem_shared>>) target(%dma_start3A_174 : memref<128x64xf32, #tpu.memory_space<vmem>>) target_semaphore(%run_scoped3A : memref<!tpu.dma_semaphore, #tpu.memory_space<semaphore_mem>>)
      %dma_wait3A = arith.constant 0 : i32
      %dma_wait3A_177 = arith.constant 0 : i32
      %dma_wait3A_178 = tpu.memref_slice %arg12[%dma_wait3A, %dma_wait3A_177] : memref<512x64xf32, #tpu.memory_space<vmem>> -> memref<128x64xf32, #tpu.memory_space<vmem>>
      %dma_wait3A_179 = arith.constant 0 : i32
      %dma_wait3A_180 = tpu.memref_slice %arg15[%add3A_160, %dma_wait3A_179] : memref<10240x64xf32, #tpu.memory_space<vmem_shared>> -> memref<128x64xf32, #tpu.memory_space<vmem_shared>>
      %dma_wait3A_181 = arith.constant 0 : i32
      %dma_wait3A_182 = arith.constant 0 : i32
      %dma_wait3A_183 = tpu.memref_slice %arg12[%dma_wait3A_181, %dma_wait3A_182] : memref<512x64xf32, #tpu.memory_space<vmem>> -> memref<128x64xf32, #tpu.memory_space<vmem>>
      %dma_wait3A_184 = arith.constant 0 : i32
      %dma_wait3A_185 = tpu.memref_slice %arg15[%add3A_160, %dma_wait3A_184] : memref<10240x64xf32, #tpu.memory_space<vmem_shared>> -> memref<128x64xf32, #tpu.memory_space<vmem_shared>>
      tpu.wait_dma2 semaphore(%run_scoped3A : memref<!tpu.dma_semaphore, #tpu.memory_space<semaphore_mem>>) src(%dma_wait3A_185 : memref<128x64xf32, #tpu.memory_space<vmem_shared>>) dst(%dma_wait3A_183 : memref<128x64xf32, #tpu.memory_space<vmem>>)
      tpu.yield
    }) : () -> ()
    %mul3A_161 = arith.constant 640 : i32
    %mul3A_162 = arith.muli %arg1, %mul3A_161 : i32
    "tpu.region"() ({
      %run_scoped3A = tpu.sem_alloc : memref<!tpu.dma_semaphore, #tpu.memory_space<semaphore_mem>>
      %dma_start3A_167 = arith.constant 0 : i32
      %dma_start3A_168 = tpu.memref_slice %arg6[%arg0, %mul3A_162, %dma_start3A_167] : memref<2x10240x64xf32, #tpu.memory_space<hbm>> -> memref<1x512x64xf32, #tpu.memory_space<hbm>>
      %dma_start3A_169 = tpu.memref_squeeze %dma_start3A_168 : memref<1x512x64xf32, #tpu.memory_space<hbm>> -> memref<512x64xf32, #tpu.memory_space<hbm>>
      %dma_start3A_170 = arith.constant 0 : i32
      %dma_start3A_171 = tpu.memref_slice %arg6[%arg0, %mul3A_162, %dma_start3A_170] : memref<2x10240x64xf32, #tpu.memory_space<hbm>> -> memref<1x512x64xf32, #tpu.memory_space<hbm>>
      %dma_start3A_172 = tpu.memref_squeeze %dma_start3A_171 : memref<1x512x64xf32, #tpu.memory_space<hbm>> -> memref<512x64xf32, #tpu.memory_space<hbm>>
      tpu.enqueue_dma source(%arg11 : memref<512x64xf32, #tpu.memory_space<vmem>>) target(%dma_start3A_172 : memref<512x64xf32, #tpu.memory_space<hbm>>) target_semaphore(%run_scoped3A : memref<!tpu.dma_semaphore, #tpu.memory_space<semaphore_mem>>)
      %dma_wait3A = arith.constant 0 : i32
      %dma_wait3A_173 = tpu.memref_slice %arg6[%arg0, %mul3A_162, %dma_wait3A] : memref<2x10240x64xf32, #tpu.memory_space<hbm>> -> memref<1x512x64xf32, #tpu.memory_space<hbm>>
      %dma_wait3A_174 = tpu.memref_squeeze %dma_wait3A_173 : memref<1x512x64xf32, #tpu.memory_space<hbm>> -> memref<512x64xf32, #tpu.memory_space<hbm>>
      %dma_wait3A_175 = arith.constant 0 : i32
      %dma_wait3A_176 = tpu.memref_slice %arg6[%arg0, %mul3A_162, %dma_wait3A_175] : memref<2x10240x64xf32, #tpu.memory_space<hbm>> -> memref<1x512x64xf32, #tpu.memory_space<hbm>>
      %dma_wait3A_177 = tpu.memref_squeeze %dma_wait3A_176 : memref<1x512x64xf32, #tpu.memory_space<hbm>> -> memref<512x64xf32, #tpu.memory_space<hbm>>
      tpu.wait_dma2 semaphore(%run_scoped3A : memref<!tpu.dma_semaphore, #tpu.memory_space<semaphore_mem>>) src(%arg11 : memref<512x64xf32, #tpu.memory_space<vmem>>) dst(%dma_wait3A_177 : memref<512x64xf32, #tpu.memory_space<hbm>>)
      tpu.yield
    }) : () -> ()
    %mul3A_163 = arith.constant 640 : i32
    %mul3A_164 = arith.muli %arg1, %mul3A_163 : i32
    %add3A_165 = arith.constant 512 : i32
    %add3A_166 = arith.addi %mul3A_164, %add3A_165 : i32
    "tpu.region"() ({
      %run_scoped3A = tpu.sem_alloc : memref<!tpu.dma_semaphore, #tpu.memory_space<semaphore_mem>>
      %dma_start3A_167 = arith.constant 0 : i32
      %dma_start3A_168 = arith.constant 0 : i32
      %dma_start3A_169 = tpu.memref_slice %arg12[%dma_start3A_167, %dma_start3A_168] : memref<512x64xf32, #tpu.memory_space<vmem>> -> memref<128x64xf32, #tpu.memory_space<vmem>>
      %dma_start3A_170 = arith.constant 0 : i32
      %dma_start3A_171 = tpu.memref_slice %arg6[%arg0, %add3A_166, %dma_start3A_170] : memref<2x10240x64xf32, #tpu.memory_space<hbm>> -> memref<1x128x64xf32, #tpu.memory_space<hbm>>
      %dma_start3A_172 = tpu.memref_squeeze %dma_start3A_171 : memref<1x128x64xf32, #tpu.memory_space<hbm>> -> memref<128x64xf32, #tpu.memory_space<hbm>>
      %dma_start3A_173 = arith.constant 0 : i32
      %dma_start3A_174 = tpu.memref_slice %arg6[%arg0, %add3A_166, %dma_start3A_173] : memref<2x10240x64xf32, #tpu.memory_space<hbm>> -> memref<1x128x64xf32, #tpu.memory_space<hbm>>
      %dma_start3A_175 = tpu.memref_squeeze %dma_start3A_174 : memref<1x128x64xf32, #tpu.memory_space<hbm>> -> memref<128x64xf32, #tpu.memory_space<hbm>>
      %dma_start3A_176 = arith.constant 0 : i32
      %dma_start3A_177 = arith.constant 0 : i32
      %dma_start3A_178 = tpu.memref_slice %arg12[%dma_start3A_176, %dma_start3A_177] : memref<512x64xf32, #tpu.memory_space<vmem>> -> memref<128x64xf32, #tpu.memory_space<vmem>>
      tpu.enqueue_dma source(%dma_start3A_178 : memref<128x64xf32, #tpu.memory_space<vmem>>) target(%dma_start3A_175 : memref<128x64xf32, #tpu.memory_space<hbm>>) target_semaphore(%run_scoped3A : memref<!tpu.dma_semaphore, #tpu.memory_space<semaphore_mem>>)
      %dma_wait3A = arith.constant 0 : i32
      %dma_wait3A_179 = arith.constant 0 : i32
      %dma_wait3A_180 = tpu.memref_slice %arg12[%dma_wait3A, %dma_wait3A_179] : memref<512x64xf32, #tpu.memory_space<vmem>> -> memref<128x64xf32, #tpu.memory_space<vmem>>
      %dma_wait3A_181 = arith.constant 0 : i32
      %dma_wait3A_182 = tpu.memref_slice %arg6[%arg0, %add3A_166, %dma_wait3A_181] : memref<2x10240x64xf32, #tpu.memory_space<hbm>> -> memref<1x128x64xf32, #tpu.memory_space<hbm>>
      %dma_wait3A_183 = tpu.memref_squeeze %dma_wait3A_182 : memref<1x128x64xf32, #tpu.memory_space<hbm>> -> memref<128x64xf32, #tpu.memory_space<hbm>>
      %dma_wait3A_184 = arith.constant 0 : i32
      %dma_wait3A_185 = tpu.memref_slice %arg6[%arg0, %add3A_166, %dma_wait3A_184] : memref<2x10240x64xf32, #tpu.memory_space<hbm>> -> memref<1x128x64xf32, #tpu.memory_space<hbm>>
      %dma_wait3A_186 = tpu.memref_squeeze %dma_wait3A_185 : memref<1x128x64xf32, #tpu.memory_space<hbm>> -> memref<128x64xf32, #tpu.memory_space<hbm>>
      %dma_wait3A_187 = arith.constant 0 : i32
      %dma_wait3A_188 = arith.constant 0 : i32
      %dma_wait3A_189 = tpu.memref_slice %arg12[%dma_wait3A_187, %dma_wait3A_188] : memref<512x64xf32, #tpu.memory_space<vmem>> -> memref<128x64xf32, #tpu.memory_space<vmem>>
      tpu.wait_dma2 semaphore(%run_scoped3A : memref<!tpu.dma_semaphore, #tpu.memory_space<semaphore_mem>>) src(%dma_wait3A_189 : memref<128x64xf32, #tpu.memory_space<vmem>>) dst(%dma_wait3A_186 : memref<128x64xf32, #tpu.memory_space<hbm>>)
      tpu.yield
    }) : () -> ()
    return
  }
}

#map = affine_map<(d0, d1) -> (0, 0)>
module attributes {stable_mosaic.version = 14 : i64} {
  func.func @_edge_gather_kernel(%arg0: i32, %arg1: i32, %arg2: memref<10240x64xf32, #tpu.memory_space<hbm>>, %arg3: memref<10240x64xf32, #tpu.memory_space<hbm>>, %arg4: memref<2560x128xi32, #tpu.memory_space<hbm>>, %arg5: memref<2560x128xi32, #tpu.memory_space<hbm>>, %arg6: memref<327680x128xf32, #tpu.memory_space<hbm>>, %arg7: memref<2x128xi32, #tpu.memory_space<vmem>>, %arg8: memref<2x128xi32, #tpu.memory_space<vmem>>, %arg9: memref<2x128xi32, #tpu.memory_space<vmem>>, %arg10: memref<2x128xi32, #tpu.memory_space<vmem>>, %arg11: memref<256x64xf32, #tpu.memory_space<vmem>>, %arg12: memref<256x64xf32, #tpu.memory_space<vmem>>, %arg13: memref<256x64xf32, #tpu.memory_space<vmem>>, %arg14: memref<256x64xf32, #tpu.memory_space<vmem>>, %arg15: memref<!tpu.dma_semaphore, #tpu.memory_space<semaphore_mem>>, %arg16: memref<!tpu.dma_semaphore, #tpu.memory_space<semaphore_mem>>) attributes {dimension_semantics = [#tpu.dimension_semantics<core_parallel>, #tpu.dimension_semantics<subcore_parallel>], iteration_bounds = array<i64: 2, 16>, scalar_prefetch = 0 : i64, scratch_operands = 10 : i64, tpu.core_type = #tpu.core_type<sc_vector_subcore>, window_params = [{transform_indices = #map}, {transform_indices = #map}, {transform_indices = #map}, {transform_indices = #map}, {transform_indices = #map}]} {
    %mul3A = arith.constant 2 : i32
    %mul3A_0 = arith.muli %arg1, %mul3A : i32
    %add3A = arith.addi %mul3A_0, %arg0 : i32
    %eq3A = arith.constant 0 : i32
    %eq3A_1 = arith.cmpi eq, %arg0, %eq3A : i32
    %jit3A = arith.constant 120 : i32
    %jit3A_2 = arith.constant 40 : i32
    %select_n3A = arith.select %eq3A_1, %jit3A, %jit3A_2 : i32
    %eq3A_3 = arith.constant 0 : i32
    %eq3A_4 = arith.cmpi eq, %arg0, %eq3A_3 : i32
    %mul3A_5 = arith.constant 120 : i32
    %mul3A_6 = arith.muli %arg1, %mul3A_5 : i32
    %mul3A_7 = arith.constant 40 : i32
    %mul3A_8 = arith.muli %arg1, %mul3A_7 : i32
    %add3A_9 = arith.constant 1920 : i32
    %add3A_10 = arith.addi %add3A_9, %mul3A_8 : i32
    %select_n3A_11 = arith.select %eq3A_4, %mul3A_6, %add3A_10 : i32
    %add3A_12 = arith.constant 0 : i32
    %add3A_13 = arith.addi %select_n3A_11, %add3A_12 : i32
    %jit3A_14 = arith.constant 2 : i32
    %div3A = arith.divsi %select_n3A, %jit3A_14 : i32
    %sign3A = arith.constant 0 : i32
    %sign3A_15 = arith.cmpi sgt, %select_n3A, %sign3A : i32
    %sign3A_16 = arith.extui %sign3A_15 : i1 to i32
    %sign3A_17 = arith.constant 0 : i32
    %sign3A_18 = arith.cmpi slt, %select_n3A, %sign3A_17 : i32
    %sign3A_19 = arith.extui %sign3A_18 : i1 to i32
    %sign3A_20 = arith.subi %sign3A_16, %sign3A_19 : i32
    %sign3A_21 = arith.constant 0 : i32
    %sign3A_22 = arith.cmpi sgt, %jit3A_14, %sign3A_21 : i32
    %sign3A_23 = arith.extui %sign3A_22 : i1 to i32
    %sign3A_24 = arith.constant 0 : i32
    %sign3A_25 = arith.cmpi slt, %jit3A_14, %sign3A_24 : i32
    %sign3A_26 = arith.extui %sign3A_25 : i1 to i32
    %sign3A_27 = arith.subi %sign3A_23, %sign3A_26 : i32
    %ne3A = arith.cmpi ne, %sign3A_20, %sign3A_27 : i32
    %rem3A = arith.remsi %select_n3A, %jit3A_14 : i32
    %ne3A_28 = arith.constant 0 : i32
    %ne3A_29 = arith.cmpi ne, %rem3A, %ne3A_28 : i32
    %and3A = arith.andi %ne3A, %ne3A_29 : i1
    %sub3A = arith.constant 1 : i32
    %sub3A_30 = arith.subi %div3A, %sub3A : i32
    %select_n3A_31 = arith.select %and3A, %sub3A_30, %div3A : i32
    %eq3A_32 = arith.constant 0 : i32
    %eq3A_33 = arith.cmpi eq, %arg0, %eq3A_32 : i32
    %jit3A_34 = arith.constant 120 : i32
    %jit3A_35 = arith.constant 40 : i32
    %select_n3A_36 = arith.select %eq3A_33, %jit3A_34, %jit3A_35 : i32
    %eq3A_37 = arith.constant 0 : i32
    %eq3A_38 = arith.cmpi eq, %arg0, %eq3A_37 : i32
    %mul3A_39 = arith.constant 120 : i32
    %mul3A_40 = arith.muli %arg1, %mul3A_39 : i32
    %mul3A_41 = arith.constant 40 : i32
    %mul3A_42 = arith.muli %arg1, %mul3A_41 : i32
    %add3A_43 = arith.constant 1920 : i32
    %add3A_44 = arith.addi %add3A_43, %mul3A_42 : i32
    %select_n3A_45 = arith.select %eq3A_38, %mul3A_40, %add3A_44 : i32
    %add3A_46 = arith.constant 0 : i32
    %add3A_47 = arith.addi %select_n3A_45, %add3A_46 : i32
    %jit3A_48 = arith.constant 2 : i32
    %div3A_49 = arith.divsi %select_n3A_36, %jit3A_48 : i32
    %sign3A_50 = arith.constant 0 : i32
    %sign3A_51 = arith.cmpi sgt, %select_n3A_36, %sign3A_50 : i32
    %sign3A_52 = arith.extui %sign3A_51 : i1 to i32
    %sign3A_53 = arith.constant 0 : i32
    %sign3A_54 = arith.cmpi slt, %select_n3A_36, %sign3A_53 : i32
    %sign3A_55 = arith.extui %sign3A_54 : i1 to i32
    %sign3A_56 = arith.subi %sign3A_52, %sign3A_55 : i32
    %sign3A_57 = arith.constant 0 : i32
    %sign3A_58 = arith.cmpi sgt, %jit3A_48, %sign3A_57 : i32
    %sign3A_59 = arith.extui %sign3A_58 : i1 to i32
    %sign3A_60 = arith.constant 0 : i32
    %sign3A_61 = arith.cmpi slt, %jit3A_48, %sign3A_60 : i32
    %sign3A_62 = arith.extui %sign3A_61 : i1 to i32
    %sign3A_63 = arith.subi %sign3A_59, %sign3A_62 : i32
    %ne3A_64 = arith.cmpi ne, %sign3A_56, %sign3A_63 : i32
    %rem3A_65 = arith.remsi %select_n3A_36, %jit3A_48 : i32
    %ne3A_66 = arith.constant 0 : i32
    %ne3A_67 = arith.cmpi ne, %rem3A_65, %ne3A_66 : i32
    %and3A_68 = arith.andi %ne3A_64, %ne3A_67 : i1
    %sub3A_69 = arith.constant 1 : i32
    %sub3A_70 = arith.subi %div3A_49, %sub3A_69 : i32
    %select_n3A_71 = arith.select %and3A_68, %sub3A_70, %div3A_49 : i32
    "tpu.region"() ({
      %run_scoped3A = tpu.sem_alloc : memref<!tpu.dma_semaphore, #tpu.memory_space<semaphore_mem>>
      %dma_start3A_148 = arith.constant 0 : i32
      %dma_start3A_149 = tpu.memref_slice %arg4[%add3A_47, %dma_start3A_148] : memref<2560x128xi32, #tpu.memory_space<hbm>> -> memref<2x128xi32, #tpu.memory_space<hbm>>
      %dma_start3A_150 = arith.constant 0 : i32
      %dma_start3A_151 = tpu.memref_slice %arg4[%add3A_47, %dma_start3A_150] : memref<2560x128xi32, #tpu.memory_space<hbm>> -> memref<2x128xi32, #tpu.memory_space<hbm>>
      tpu.enqueue_dma source(%dma_start3A_151 : memref<2x128xi32, #tpu.memory_space<hbm>>) target(%arg7 : memref<2x128xi32, #tpu.memory_space<vmem>>) target_semaphore(%run_scoped3A : memref<!tpu.dma_semaphore, #tpu.memory_space<semaphore_mem>>)
      %dma_wait3A = arith.constant 0 : i32
      %dma_wait3A_152 = tpu.memref_slice %arg4[%add3A_47, %dma_wait3A] : memref<2560x128xi32, #tpu.memory_space<hbm>> -> memref<2x128xi32, #tpu.memory_space<hbm>>
      %dma_wait3A_153 = arith.constant 0 : i32
      %dma_wait3A_154 = tpu.memref_slice %arg4[%add3A_47, %dma_wait3A_153] : memref<2560x128xi32, #tpu.memory_space<hbm>> -> memref<2x128xi32, #tpu.memory_space<hbm>>
      tpu.wait_dma2 semaphore(%run_scoped3A : memref<!tpu.dma_semaphore, #tpu.memory_space<semaphore_mem>>) src(%dma_wait3A_154 : memref<2x128xi32, #tpu.memory_space<hbm>>) dst(%arg7 : memref<2x128xi32, #tpu.memory_space<vmem>>)
      tpu.yield
    }) : () -> ()
    "tpu.region"() ({
      %run_scoped3A = tpu.sem_alloc : memref<!tpu.dma_semaphore, #tpu.memory_space<semaphore_mem>>
      %dma_start3A_148 = arith.constant 0 : i32
      %dma_start3A_149 = tpu.memref_slice %arg5[%add3A_47, %dma_start3A_148] : memref<2560x128xi32, #tpu.memory_space<hbm>> -> memref<2x128xi32, #tpu.memory_space<hbm>>
      %dma_start3A_150 = arith.constant 0 : i32
      %dma_start3A_151 = tpu.memref_slice %arg5[%add3A_47, %dma_start3A_150] : memref<2560x128xi32, #tpu.memory_space<hbm>> -> memref<2x128xi32, #tpu.memory_space<hbm>>
      tpu.enqueue_dma source(%dma_start3A_151 : memref<2x128xi32, #tpu.memory_space<hbm>>) target(%arg9 : memref<2x128xi32, #tpu.memory_space<vmem>>) target_semaphore(%run_scoped3A : memref<!tpu.dma_semaphore, #tpu.memory_space<semaphore_mem>>)
      %dma_wait3A = arith.constant 0 : i32
      %dma_wait3A_152 = tpu.memref_slice %arg5[%add3A_47, %dma_wait3A] : memref<2560x128xi32, #tpu.memory_space<hbm>> -> memref<2x128xi32, #tpu.memory_space<hbm>>
      %dma_wait3A_153 = arith.constant 0 : i32
      %dma_wait3A_154 = tpu.memref_slice %arg5[%add3A_47, %dma_wait3A_153] : memref<2560x128xi32, #tpu.memory_space<hbm>> -> memref<2x128xi32, #tpu.memory_space<hbm>>
      tpu.wait_dma2 semaphore(%run_scoped3A : memref<!tpu.dma_semaphore, #tpu.memory_space<semaphore_mem>>) src(%dma_wait3A_154 : memref<2x128xi32, #tpu.memory_space<hbm>>) dst(%arg9 : memref<2x128xi32, #tpu.memory_space<vmem>>)
      tpu.yield
    }) : () -> ()
    %dma_start3A = arith.constant 0 : i32
    %dma_start3A_72 = arith.constant 0 : i32
    %dma_start3A_73 = arith.constant 0 : i32
    %dma_start3A_74 = tpu.memref_slice %arg11[%dma_start3A_72, %dma_start3A_73] : memref<256x64xf32, #tpu.memory_space<vmem>> -> memref<128x64xf32, #tpu.memory_space<vmem>>
    %dma_start3A_75 = arith.constant 0 : i32
    %dma_start3A_76 = tpu.memref_slice %arg7[%dma_start3A, %dma_start3A_75] : memref<2x128xi32, #tpu.memory_space<vmem>> -> memref<1x128xi32, #tpu.memory_space<vmem>>
    %dma_start3A_77 = tpu.memref_squeeze %dma_start3A_76 : memref<1x128xi32, #tpu.memory_space<vmem>> -> memref<128xi32, #tpu.memory_space<vmem>>
    %dma_start3A_78 = arith.constant 0 : i32
    %dma_start3A_79 = arith.constant 0 : i32
    %dma_start3A_80 = tpu.memref_slice %arg2[%dma_start3A_78, %dma_start3A_79] : memref<10240x64xf32, #tpu.memory_space<hbm>> -> memref<10240x64xf32, #tpu.memory_space<hbm>>
    tpu.enqueue_indirect_dma source(%dma_start3A_80 : memref<10240x64xf32, #tpu.memory_space<hbm>>) target(%dma_start3A_74 : memref<128x64xf32, #tpu.memory_space<vmem>>) offsets(%dma_start3A_77 : memref<128xi32, #tpu.memory_space<vmem>>) semaphore(%arg15 : memref<!tpu.dma_semaphore, #tpu.memory_space<semaphore_mem>>)
    %dma_start3A_81 = arith.constant 1 : i32
    %dma_start3A_82 = arith.constant 128 : i32
    %dma_start3A_83 = arith.constant 0 : i32
    %dma_start3A_84 = tpu.memref_slice %arg11[%dma_start3A_82, %dma_start3A_83] : memref<256x64xf32, #tpu.memory_space<vmem>> -> memref<128x64xf32, #tpu.memory_space<vmem>>
    %dma_start3A_85 = arith.constant 0 : i32
    %dma_start3A_86 = tpu.memref_slice %arg7[%dma_start3A_81, %dma_start3A_85] : memref<2x128xi32, #tpu.memory_space<vmem>> -> memref<1x128xi32, #tpu.memory_space<vmem>>
    %dma_start3A_87 = tpu.memref_squeeze %dma_start3A_86 : memref<1x128xi32, #tpu.memory_space<vmem>> -> memref<128xi32, #tpu.memory_space<vmem>>
    %dma_start3A_88 = arith.constant 0 : i32
    %dma_start3A_89 = arith.constant 0 : i32
    %dma_start3A_90 = tpu.memref_slice %arg2[%dma_start3A_88, %dma_start3A_89] : memref<10240x64xf32, #tpu.memory_space<hbm>> -> memref<10240x64xf32, #tpu.memory_space<hbm>>
    tpu.enqueue_indirect_dma source(%dma_start3A_90 : memref<10240x64xf32, #tpu.memory_space<hbm>>) target(%dma_start3A_84 : memref<128x64xf32, #tpu.memory_space<vmem>>) offsets(%dma_start3A_87 : memref<128xi32, #tpu.memory_space<vmem>>) semaphore(%arg15 : memref<!tpu.dma_semaphore, #tpu.memory_space<semaphore_mem>>)
    %dma_start3A_91 = arith.constant 0 : i32
    %dma_start3A_92 = arith.constant 0 : i32
    %dma_start3A_93 = arith.constant 0 : i32
    %dma_start3A_94 = tpu.memref_slice %arg13[%dma_start3A_92, %dma_start3A_93] : memref<256x64xf32, #tpu.memory_space<vmem>> -> memref<128x64xf32, #tpu.memory_space<vmem>>
    %dma_start3A_95 = arith.constant 0 : i32
    %dma_start3A_96 = tpu.memref_slice %arg9[%dma_start3A_91, %dma_start3A_95] : memref<2x128xi32, #tpu.memory_space<vmem>> -> memref<1x128xi32, #tpu.memory_space<vmem>>
    %dma_start3A_97 = tpu.memref_squeeze %dma_start3A_96 : memref<1x128xi32, #tpu.memory_space<vmem>> -> memref<128xi32, #tpu.memory_space<vmem>>
    %dma_start3A_98 = arith.constant 0 : i32
    %dma_start3A_99 = arith.constant 0 : i32
    %dma_start3A_100 = tpu.memref_slice %arg3[%dma_start3A_98, %dma_start3A_99] : memref<10240x64xf32, #tpu.memory_space<hbm>> -> memref<10240x64xf32, #tpu.memory_space<hbm>>
    tpu.enqueue_indirect_dma source(%dma_start3A_100 : memref<10240x64xf32, #tpu.memory_space<hbm>>) target(%dma_start3A_94 : memref<128x64xf32, #tpu.memory_space<vmem>>) offsets(%dma_start3A_97 : memref<128xi32, #tpu.memory_space<vmem>>) semaphore(%arg15 : memref<!tpu.dma_semaphore, #tpu.memory_space<semaphore_mem>>)
    %dma_start3A_101 = arith.constant 1 : i32
    %dma_start3A_102 = arith.constant 128 : i32
    %dma_start3A_103 = arith.constant 0 : i32
    %dma_start3A_104 = tpu.memref_slice %arg13[%dma_start3A_102, %dma_start3A_103] : memref<256x64xf32, #tpu.memory_space<vmem>> -> memref<128x64xf32, #tpu.memory_space<vmem>>
    %dma_start3A_105 = arith.constant 0 : i32
    %dma_start3A_106 = tpu.memref_slice %arg9[%dma_start3A_101, %dma_start3A_105] : memref<2x128xi32, #tpu.memory_space<vmem>> -> memref<1x128xi32, #tpu.memory_space<vmem>>
    %dma_start3A_107 = tpu.memref_squeeze %dma_start3A_106 : memref<1x128xi32, #tpu.memory_space<vmem>> -> memref<128xi32, #tpu.memory_space<vmem>>
    %dma_start3A_108 = arith.constant 0 : i32
    %dma_start3A_109 = arith.constant 0 : i32
    %dma_start3A_110 = tpu.memref_slice %arg3[%dma_start3A_108, %dma_start3A_109] : memref<10240x64xf32, #tpu.memory_space<hbm>> -> memref<10240x64xf32, #tpu.memory_space<hbm>>
    tpu.enqueue_indirect_dma source(%dma_start3A_110 : memref<10240x64xf32, #tpu.memory_space<hbm>>) target(%dma_start3A_104 : memref<128x64xf32, #tpu.memory_space<vmem>>) offsets(%dma_start3A_107 : memref<128xi32, #tpu.memory_space<vmem>>) semaphore(%arg15 : memref<!tpu.dma_semaphore, #tpu.memory_space<semaphore_mem>>)
    %jit3A_111 = arith.constant 2 : i32
    %div3A_112 = arith.divsi %select_n3A_31, %jit3A_111 : i32
    %sign3A_113 = arith.constant 0 : i32
    %sign3A_114 = arith.cmpi sgt, %select_n3A_31, %sign3A_113 : i32
    %sign3A_115 = arith.extui %sign3A_114 : i1 to i32
    %sign3A_116 = arith.constant 0 : i32
    %sign3A_117 = arith.cmpi slt, %select_n3A_31, %sign3A_116 : i32
    %sign3A_118 = arith.extui %sign3A_117 : i1 to i32
    %sign3A_119 = arith.subi %sign3A_115, %sign3A_118 : i32
    %sign3A_120 = arith.constant 0 : i32
    %sign3A_121 = arith.cmpi sgt, %jit3A_111, %sign3A_120 : i32
    %sign3A_122 = arith.extui %sign3A_121 : i1 to i32
    %sign3A_123 = arith.constant 0 : i32
    %sign3A_124 = arith.cmpi slt, %jit3A_111, %sign3A_123 : i32
    %sign3A_125 = arith.extui %sign3A_124 : i1 to i32
    %sign3A_126 = arith.subi %sign3A_122, %sign3A_125 : i32
    %ne3A_127 = arith.cmpi ne, %sign3A_119, %sign3A_126 : i32
    %rem3A_128 = arith.remsi %select_n3A_31, %jit3A_111 : i32
    %ne3A_129 = arith.constant 0 : i32
    %ne3A_130 = arith.cmpi ne, %rem3A_128, %ne3A_129 : i32
    %and3A_131 = arith.andi %ne3A_127, %ne3A_130 : i1
    %sub3A_132 = arith.constant 1 : i32
    %sub3A_133 = arith.subi %div3A_112, %sub3A_132 : i32
    %select_n3A_134 = arith.select %and3A_131, %sub3A_133, %div3A_112 : i32
    %while3A = arith.constant 0 : i32
    %while3A_135 = arith.constant 0 : i32
    %while3A_136 = arith.constant 1 : i32
    %while3A_137 = arith.constant 0 : i32
    %while3A_138 = arith.constant 1 : i32
    %while3A_139 = arith.constant 0 : i32
    %while3A_140 = arith.subi %select_n3A_134, %while3A_139 : i32
    %while3A_141 = arith.addi %while3A_139, %while3A_140 : i32
    %while3A_142 = arith.constant 1 : i32
    %while3A_143 = arith.divsi %while3A_140, %while3A_142 : i32
    %while3A_144 = arith.muli %while3A_143, %while3A_142 : i32
    %while3A_145 = arith.addi %while3A_139, %while3A_144 : i32
    %while3A_146 = arith.constant 1 : i32
    scf.for %while3A_148 = %while3A_139 to %while3A_145 step %while3A_146  : i32 {
      %mul3A_149 = arith.constant 2 : i32
      %mul3A_150 = arith.muli %while3A_148, %mul3A_149 : i32
      %add3A_151 = arith.constant 1 : i32
      %add3A_152 = arith.addi %mul3A_150, %add3A_151 : i32
      %eq3A_153 = arith.constant 0 : i32
      %eq3A_154 = arith.cmpi eq, %arg0, %eq3A_153 : i32
      %jit3A_155 = arith.constant 120 : i32
      %jit3A_156 = arith.constant 40 : i32
      %select_n3A_157 = arith.select %eq3A_154, %jit3A_155, %jit3A_156 : i32
      %eq3A_158 = arith.constant 0 : i32
      %eq3A_159 = arith.cmpi eq, %arg0, %eq3A_158 : i32
      %mul3A_160 = arith.constant 120 : i32
      %mul3A_161 = arith.muli %arg1, %mul3A_160 : i32
      %mul3A_162 = arith.constant 40 : i32
      %mul3A_163 = arith.muli %arg1, %mul3A_162 : i32
      %add3A_164 = arith.constant 1920 : i32
      %add3A_165 = arith.addi %add3A_164, %mul3A_163 : i32
      %select_n3A_166 = arith.select %eq3A_159, %mul3A_161, %add3A_165 : i32
      %mul3A_167 = arith.constant 2 : i32
      %mul3A_168 = arith.muli %add3A_152, %mul3A_167 : i32
      %add3A_169 = arith.addi %select_n3A_166, %mul3A_168 : i32
      %jit3A_170 = arith.constant 2 : i32
      %div3A_171 = arith.divsi %select_n3A_157, %jit3A_170 : i32
      %sign3A_172 = arith.constant 0 : i32
      %sign3A_173 = arith.cmpi sgt, %select_n3A_157, %sign3A_172 : i32
      %sign3A_174 = arith.extui %sign3A_173 : i1 to i32
      %sign3A_175 = arith.constant 0 : i32
      %sign3A_176 = arith.cmpi slt, %select_n3A_157, %sign3A_175 : i32
      %sign3A_177 = arith.extui %sign3A_176 : i1 to i32
      %sign3A_178 = arith.subi %sign3A_174, %sign3A_177 : i32
      %sign3A_179 = arith.constant 0 : i32
      %sign3A_180 = arith.cmpi sgt, %jit3A_170, %sign3A_179 : i32
      %sign3A_181 = arith.extui %sign3A_180 : i1 to i32
      %sign3A_182 = arith.constant 0 : i32
      %sign3A_183 = arith.cmpi slt, %jit3A_170, %sign3A_182 : i32
      %sign3A_184 = arith.extui %sign3A_183 : i1 to i32
      %sign3A_185 = arith.subi %sign3A_181, %sign3A_184 : i32
      %ne3A_186 = arith.cmpi ne, %sign3A_178, %sign3A_185 : i32
      %rem3A_187 = arith.remsi %select_n3A_157, %jit3A_170 : i32
      %ne3A_188 = arith.constant 0 : i32
      %ne3A_189 = arith.cmpi ne, %rem3A_187, %ne3A_188 : i32
      %and3A_190 = arith.andi %ne3A_186, %ne3A_189 : i1
      %sub3A_191 = arith.constant 1 : i32
      %sub3A_192 = arith.subi %div3A_171, %sub3A_191 : i32
      %select_n3A_193 = arith.select %and3A_190, %sub3A_192, %div3A_171 : i32
      "tpu.region"() ({
        %run_scoped3A = tpu.sem_alloc : memref<!tpu.dma_semaphore, #tpu.memory_space<semaphore_mem>>
        %dma_start3A_400 = arith.constant 0 : i32
        %dma_start3A_401 = tpu.memref_slice %arg4[%add3A_169, %dma_start3A_400] : memref<2560x128xi32, #tpu.memory_space<hbm>> -> memref<2x128xi32, #tpu.memory_space<hbm>>
        %dma_start3A_402 = arith.constant 0 : i32
        %dma_start3A_403 = tpu.memref_slice %arg4[%add3A_169, %dma_start3A_402] : memref<2560x128xi32, #tpu.memory_space<hbm>> -> memref<2x128xi32, #tpu.memory_space<hbm>>
        tpu.enqueue_dma source(%dma_start3A_403 : memref<2x128xi32, #tpu.memory_space<hbm>>) target(%arg8 : memref<2x128xi32, #tpu.memory_space<vmem>>) target_semaphore(%run_scoped3A : memref<!tpu.dma_semaphore, #tpu.memory_space<semaphore_mem>>)
        %dma_wait3A_404 = arith.constant 0 : i32
        %dma_wait3A_405 = tpu.memref_slice %arg4[%add3A_169, %dma_wait3A_404] : memref<2560x128xi32, #tpu.memory_space<hbm>> -> memref<2x128xi32, #tpu.memory_space<hbm>>
        %dma_wait3A_406 = arith.constant 0 : i32
        %dma_wait3A_407 = tpu.memref_slice %arg4[%add3A_169, %dma_wait3A_406] : memref<2560x128xi32, #tpu.memory_space<hbm>> -> memref<2x128xi32, #tpu.memory_space<hbm>>
        tpu.wait_dma2 semaphore(%run_scoped3A : memref<!tpu.dma_semaphore, #tpu.memory_space<semaphore_mem>>) src(%dma_wait3A_407 : memref<2x128xi32, #tpu.memory_space<hbm>>) dst(%arg8 : memref<2x128xi32, #tpu.memory_space<vmem>>)
        tpu.yield
      }) : () -> ()
      "tpu.region"() ({
        %run_scoped3A = tpu.sem_alloc : memref<!tpu.dma_semaphore, #tpu.memory_space<semaphore_mem>>
        %dma_start3A_400 = arith.constant 0 : i32
        %dma_start3A_401 = tpu.memref_slice %arg5[%add3A_169, %dma_start3A_400] : memref<2560x128xi32, #tpu.memory_space<hbm>> -> memref<2x128xi32, #tpu.memory_space<hbm>>
        %dma_start3A_402 = arith.constant 0 : i32
        %dma_start3A_403 = tpu.memref_slice %arg5[%add3A_169, %dma_start3A_402] : memref<2560x128xi32, #tpu.memory_space<hbm>> -> memref<2x128xi32, #tpu.memory_space<hbm>>
        tpu.enqueue_dma source(%dma_start3A_403 : memref<2x128xi32, #tpu.memory_space<hbm>>) target(%arg10 : memref<2x128xi32, #tpu.memory_space<vmem>>) target_semaphore(%run_scoped3A : memref<!tpu.dma_semaphore, #tpu.memory_space<semaphore_mem>>)
        %dma_wait3A_404 = arith.constant 0 : i32
        %dma_wait3A_405 = tpu.memref_slice %arg5[%add3A_169, %dma_wait3A_404] : memref<2560x128xi32, #tpu.memory_space<hbm>> -> memref<2x128xi32, #tpu.memory_space<hbm>>
        %dma_wait3A_406 = arith.constant 0 : i32
        %dma_wait3A_407 = tpu.memref_slice %arg5[%add3A_169, %dma_wait3A_406] : memref<2560x128xi32, #tpu.memory_space<hbm>> -> memref<2x128xi32, #tpu.memory_space<hbm>>
        tpu.wait_dma2 semaphore(%run_scoped3A : memref<!tpu.dma_semaphore, #tpu.memory_space<semaphore_mem>>) src(%dma_wait3A_407 : memref<2x128xi32, #tpu.memory_space<hbm>>) dst(%arg10 : memref<2x128xi32, #tpu.memory_space<vmem>>)
        tpu.yield
      }) : () -> ()
      %dma_start3A_194 = arith.constant 0 : i32
      %dma_start3A_195 = arith.constant 0 : i32
      %dma_start3A_196 = arith.constant 0 : i32
      %dma_start3A_197 = tpu.memref_slice %arg12[%dma_start3A_195, %dma_start3A_196] : memref<256x64xf32, #tpu.memory_space<vmem>> -> memref<128x64xf32, #tpu.memory_space<vmem>>
      %dma_start3A_198 = arith.constant 0 : i32
      %dma_start3A_199 = tpu.memref_slice %arg8[%dma_start3A_194, %dma_start3A_198] : memref<2x128xi32, #tpu.memory_space<vmem>> -> memref<1x128xi32, #tpu.memory_space<vmem>>
      %dma_start3A_200 = tpu.memref_squeeze %dma_start3A_199 : memref<1x128xi32, #tpu.memory_space<vmem>> -> memref<128xi32, #tpu.memory_space<vmem>>
      %dma_start3A_201 = arith.constant 0 : i32
      %dma_start3A_202 = arith.constant 0 : i32
      %dma_start3A_203 = tpu.memref_slice %arg2[%dma_start3A_201, %dma_start3A_202] : memref<10240x64xf32, #tpu.memory_space<hbm>> -> memref<10240x64xf32, #tpu.memory_space<hbm>>
      tpu.enqueue_indirect_dma source(%dma_start3A_203 : memref<10240x64xf32, #tpu.memory_space<hbm>>) target(%dma_start3A_197 : memref<128x64xf32, #tpu.memory_space<vmem>>) offsets(%dma_start3A_200 : memref<128xi32, #tpu.memory_space<vmem>>) semaphore(%arg16 : memref<!tpu.dma_semaphore, #tpu.memory_space<semaphore_mem>>)
      %dma_start3A_204 = arith.constant 1 : i32
      %dma_start3A_205 = arith.constant 128 : i32
      %dma_start3A_206 = arith.constant 0 : i32
      %dma_start3A_207 = tpu.memref_slice %arg12[%dma_start3A_205, %dma_start3A_206] : memref<256x64xf32, #tpu.memory_space<vmem>> -> memref<128x64xf32, #tpu.memory_space<vmem>>
      %dma_start3A_208 = arith.constant 0 : i32
      %dma_start3A_209 = tpu.memref_slice %arg8[%dma_start3A_204, %dma_start3A_208] : memref<2x128xi32, #tpu.memory_space<vmem>> -> memref<1x128xi32, #tpu.memory_space<vmem>>
      %dma_start3A_210 = tpu.memref_squeeze %dma_start3A_209 : memref<1x128xi32, #tpu.memory_space<vmem>> -> memref<128xi32, #tpu.memory_space<vmem>>
      %dma_start3A_211 = arith.constant 0 : i32
      %dma_start3A_212 = arith.constant 0 : i32
      %dma_start3A_213 = tpu.memref_slice %arg2[%dma_start3A_211, %dma_start3A_212] : memref<10240x64xf32, #tpu.memory_space<hbm>> -> memref<10240x64xf32, #tpu.memory_space<hbm>>
      tpu.enqueue_indirect_dma source(%dma_start3A_213 : memref<10240x64xf32, #tpu.memory_space<hbm>>) target(%dma_start3A_207 : memref<128x64xf32, #tpu.memory_space<vmem>>) offsets(%dma_start3A_210 : memref<128xi32, #tpu.memory_space<vmem>>) semaphore(%arg16 : memref<!tpu.dma_semaphore, #tpu.memory_space<semaphore_mem>>)
      %dma_start3A_214 = arith.constant 0 : i32
      %dma_start3A_215 = arith.constant 0 : i32
      %dma_start3A_216 = arith.constant 0 : i32
      %dma_start3A_217 = tpu.memref_slice %arg14[%dma_start3A_215, %dma_start3A_216] : memref<256x64xf32, #tpu.memory_space<vmem>> -> memref<128x64xf32, #tpu.memory_space<vmem>>
      %dma_start3A_218 = arith.constant 0 : i32
      %dma_start3A_219 = tpu.memref_slice %arg10[%dma_start3A_214, %dma_start3A_218] : memref<2x128xi32, #tpu.memory_space<vmem>> -> memref<1x128xi32, #tpu.memory_space<vmem>>
      %dma_start3A_220 = tpu.memref_squeeze %dma_start3A_219 : memref<1x128xi32, #tpu.memory_space<vmem>> -> memref<128xi32, #tpu.memory_space<vmem>>
      %dma_start3A_221 = arith.constant 0 : i32
      %dma_start3A_222 = arith.constant 0 : i32
      %dma_start3A_223 = tpu.memref_slice %arg3[%dma_start3A_221, %dma_start3A_222] : memref<10240x64xf32, #tpu.memory_space<hbm>> -> memref<10240x64xf32, #tpu.memory_space<hbm>>
      tpu.enqueue_indirect_dma source(%dma_start3A_223 : memref<10240x64xf32, #tpu.memory_space<hbm>>) target(%dma_start3A_217 : memref<128x64xf32, #tpu.memory_space<vmem>>) offsets(%dma_start3A_220 : memref<128xi32, #tpu.memory_space<vmem>>) semaphore(%arg16 : memref<!tpu.dma_semaphore, #tpu.memory_space<semaphore_mem>>)
      %dma_start3A_224 = arith.constant 1 : i32
      %dma_start3A_225 = arith.constant 128 : i32
      %dma_start3A_226 = arith.constant 0 : i32
      %dma_start3A_227 = tpu.memref_slice %arg14[%dma_start3A_225, %dma_start3A_226] : memref<256x64xf32, #tpu.memory_space<vmem>> -> memref<128x64xf32, #tpu.memory_space<vmem>>
      %dma_start3A_228 = arith.constant 0 : i32
      %dma_start3A_229 = tpu.memref_slice %arg10[%dma_start3A_224, %dma_start3A_228] : memref<2x128xi32, #tpu.memory_space<vmem>> -> memref<1x128xi32, #tpu.memory_space<vmem>>
      %dma_start3A_230 = tpu.memref_squeeze %dma_start3A_229 : memref<1x128xi32, #tpu.memory_space<vmem>> -> memref<128xi32, #tpu.memory_space<vmem>>
      %dma_start3A_231 = arith.constant 0 : i32
      %dma_start3A_232 = arith.constant 0 : i32
      %dma_start3A_233 = tpu.memref_slice %arg3[%dma_start3A_231, %dma_start3A_232] : memref<10240x64xf32, #tpu.memory_space<hbm>> -> memref<10240x64xf32, #tpu.memory_space<hbm>>
      tpu.enqueue_indirect_dma source(%dma_start3A_233 : memref<10240x64xf32, #tpu.memory_space<hbm>>) target(%dma_start3A_227 : memref<128x64xf32, #tpu.memory_space<vmem>>) offsets(%dma_start3A_230 : memref<128xi32, #tpu.memory_space<vmem>>) semaphore(%arg16 : memref<!tpu.dma_semaphore, #tpu.memory_space<semaphore_mem>>)
      %eq3A_234 = arith.constant 0 : i32
      %eq3A_235 = arith.cmpi eq, %arg0, %eq3A_234 : i32
      %jit3A_236 = arith.constant 120 : i32
      %jit3A_237 = arith.constant 40 : i32
      %select_n3A_238 = arith.select %eq3A_235, %jit3A_236, %jit3A_237 : i32
      %eq3A_239 = arith.constant 0 : i32
      %eq3A_240 = arith.cmpi eq, %arg0, %eq3A_239 : i32
      %mul3A_241 = arith.constant 120 : i32
      %mul3A_242 = arith.muli %arg1, %mul3A_241 : i32
      %mul3A_243 = arith.constant 40 : i32
      %mul3A_244 = arith.muli %arg1, %mul3A_243 : i32
      %add3A_245 = arith.constant 1920 : i32
      %add3A_246 = arith.addi %add3A_245, %mul3A_244 : i32
      %select_n3A_247 = arith.select %eq3A_240, %mul3A_242, %add3A_246 : i32
      %mul3A_248 = arith.constant 2 : i32
      %mul3A_249 = arith.muli %mul3A_150, %mul3A_248 : i32
      %add3A_250 = arith.addi %select_n3A_247, %mul3A_249 : i32
      %jit3A_251 = arith.constant 2 : i32
      %div3A_252 = arith.divsi %select_n3A_238, %jit3A_251 : i32
      %sign3A_253 = arith.constant 0 : i32
      %sign3A_254 = arith.cmpi sgt, %select_n3A_238, %sign3A_253 : i32
      %sign3A_255 = arith.extui %sign3A_254 : i1 to i32
      %sign3A_256 = arith.constant 0 : i32
      %sign3A_257 = arith.cmpi slt, %select_n3A_238, %sign3A_256 : i32
      %sign3A_258 = arith.extui %sign3A_257 : i1 to i32
      %sign3A_259 = arith.subi %sign3A_255, %sign3A_258 : i32
      %sign3A_260 = arith.constant 0 : i32
      %sign3A_261 = arith.cmpi sgt, %jit3A_251, %sign3A_260 : i32
      %sign3A_262 = arith.extui %sign3A_261 : i1 to i32
      %sign3A_263 = arith.constant 0 : i32
      %sign3A_264 = arith.cmpi slt, %jit3A_251, %sign3A_263 : i32
      %sign3A_265 = arith.extui %sign3A_264 : i1 to i32
      %sign3A_266 = arith.subi %sign3A_262, %sign3A_265 : i32
      %ne3A_267 = arith.cmpi ne, %sign3A_259, %sign3A_266 : i32
      %rem3A_268 = arith.remsi %select_n3A_238, %jit3A_251 : i32
      %ne3A_269 = arith.constant 0 : i32
      %ne3A_270 = arith.cmpi ne, %rem3A_268, %ne3A_269 : i32
      %and3A_271 = arith.andi %ne3A_267, %ne3A_270 : i1
      %sub3A_272 = arith.constant 1 : i32
      %sub3A_273 = arith.subi %div3A_252, %sub3A_272 : i32
      %select_n3A_274 = arith.select %and3A_271, %sub3A_273, %div3A_252 : i32
      %mul3A_275 = arith.constant 128 : i32
      %mul3A_276 = arith.muli %add3A_250, %mul3A_275 : i32
      %dma_wait3A = arith.constant 0 : i32
      %dma_wait3A_277 = arith.constant 0 : i32
      %dma_wait3A_278 = tpu.memref_slice %arg11[%dma_wait3A, %dma_wait3A_277] : memref<256x64xf32, #tpu.memory_space<vmem>> -> memref<128x64xf32, #tpu.memory_space<vmem>>
      %dma_wait3A_279 = arith.constant 0 : i32
      %dma_wait3A_280 = tpu.memref_slice %arg7[%while3A_135, %dma_wait3A_279] : memref<2x128xi32, #tpu.memory_space<vmem>> -> memref<1x128xi32, #tpu.memory_space<vmem>>
      %dma_wait3A_281 = tpu.memref_squeeze %dma_wait3A_280 : memref<1x128xi32, #tpu.memory_space<vmem>> -> memref<128xi32, #tpu.memory_space<vmem>>
      %dma_wait3A_282 = arith.constant 0 : i32
      %dma_wait3A_283 = arith.constant 0 : i32
      %dma_wait3A_284 = tpu.memref_slice %arg2[%dma_wait3A_282, %dma_wait3A_283] : memref<10240x64xf32, #tpu.memory_space<hbm>> -> memref<10240x64xf32, #tpu.memory_space<hbm>>
      tpu.wait_indirect_dma semaphore(%arg15 : memref<!tpu.dma_semaphore, #tpu.memory_space<semaphore_mem>>) src(%dma_wait3A_284 : memref<10240x64xf32, #tpu.memory_space<hbm>>) dst(%dma_wait3A_278 : memref<128x64xf32, #tpu.memory_space<vmem>>)
      %dma_wait3A_285 = arith.constant 128 : i32
      %dma_wait3A_286 = arith.constant 0 : i32
      %dma_wait3A_287 = tpu.memref_slice %arg11[%dma_wait3A_285, %dma_wait3A_286] : memref<256x64xf32, #tpu.memory_space<vmem>> -> memref<128x64xf32, #tpu.memory_space<vmem>>
      %dma_wait3A_288 = arith.constant 0 : i32
      %dma_wait3A_289 = tpu.memref_slice %arg7[%while3A_136, %dma_wait3A_288] : memref<2x128xi32, #tpu.memory_space<vmem>> -> memref<1x128xi32, #tpu.memory_space<vmem>>
      %dma_wait3A_290 = tpu.memref_squeeze %dma_wait3A_289 : memref<1x128xi32, #tpu.memory_space<vmem>> -> memref<128xi32, #tpu.memory_space<vmem>>
      %dma_wait3A_291 = arith.constant 0 : i32
      %dma_wait3A_292 = arith.constant 0 : i32
      %dma_wait3A_293 = tpu.memref_slice %arg2[%dma_wait3A_291, %dma_wait3A_292] : memref<10240x64xf32, #tpu.memory_space<hbm>> -> memref<10240x64xf32, #tpu.memory_space<hbm>>
      tpu.wait_indirect_dma semaphore(%arg15 : memref<!tpu.dma_semaphore, #tpu.memory_space<semaphore_mem>>) src(%dma_wait3A_293 : memref<10240x64xf32, #tpu.memory_space<hbm>>) dst(%dma_wait3A_287 : memref<128x64xf32, #tpu.memory_space<vmem>>)
      %dma_wait3A_294 = arith.constant 0 : i32
      %dma_wait3A_295 = arith.constant 0 : i32
      %dma_wait3A_296 = tpu.memref_slice %arg13[%dma_wait3A_294, %dma_wait3A_295] : memref<256x64xf32, #tpu.memory_space<vmem>> -> memref<128x64xf32, #tpu.memory_space<vmem>>
      %dma_wait3A_297 = arith.constant 0 : i32
      %dma_wait3A_298 = tpu.memref_slice %arg9[%while3A_137, %dma_wait3A_297] : memref<2x128xi32, #tpu.memory_space<vmem>> -> memref<1x128xi32, #tpu.memory_space<vmem>>
      %dma_wait3A_299 = tpu.memref_squeeze %dma_wait3A_298 : memref<1x128xi32, #tpu.memory_space<vmem>> -> memref<128xi32, #tpu.memory_space<vmem>>
      %dma_wait3A_300 = arith.constant 0 : i32
      %dma_wait3A_301 = arith.constant 0 : i32
      %dma_wait3A_302 = tpu.memref_slice %arg3[%dma_wait3A_300, %dma_wait3A_301] : memref<10240x64xf32, #tpu.memory_space<hbm>> -> memref<10240x64xf32, #tpu.memory_space<hbm>>
      tpu.wait_indirect_dma semaphore(%arg15 : memref<!tpu.dma_semaphore, #tpu.memory_space<semaphore_mem>>) src(%dma_wait3A_302 : memref<10240x64xf32, #tpu.memory_space<hbm>>) dst(%dma_wait3A_296 : memref<128x64xf32, #tpu.memory_space<vmem>>)
      %dma_wait3A_303 = arith.constant 128 : i32
      %dma_wait3A_304 = arith.constant 0 : i32
      %dma_wait3A_305 = tpu.memref_slice %arg13[%dma_wait3A_303, %dma_wait3A_304] : memref<256x64xf32, #tpu.memory_space<vmem>> -> memref<128x64xf32, #tpu.memory_space<vmem>>
      %dma_wait3A_306 = arith.constant 0 : i32
      %dma_wait3A_307 = tpu.memref_slice %arg9[%while3A_138, %dma_wait3A_306] : memref<2x128xi32, #tpu.memory_space<vmem>> -> memref<1x128xi32, #tpu.memory_space<vmem>>
      %dma_wait3A_308 = tpu.memref_squeeze %dma_wait3A_307 : memref<1x128xi32, #tpu.memory_space<vmem>> -> memref<128xi32, #tpu.memory_space<vmem>>
      %dma_wait3A_309 = arith.constant 0 : i32
      %dma_wait3A_310 = arith.constant 0 : i32
      %dma_wait3A_311 = tpu.memref_slice %arg3[%dma_wait3A_309, %dma_wait3A_310] : memref<10240x64xf32, #tpu.memory_space<hbm>> -> memref<10240x64xf32, #tpu.memory_space<hbm>>
      tpu.wait_indirect_dma semaphore(%arg15 : memref<!tpu.dma_semaphore, #tpu.memory_space<semaphore_mem>>) src(%dma_wait3A_311 : memref<10240x64xf32, #tpu.memory_space<hbm>>) dst(%dma_wait3A_305 : memref<128x64xf32, #tpu.memory_space<vmem>>)
      "tpu.region"() ({
        %run_scoped3A = tpu.sem_alloc : memref<!tpu.dma_semaphore, #tpu.memory_space<semaphore_mem>>
        %dma_start3A_400 = arith.constant 0 : i32
        %dma_start3A_401 = tpu.memref_slice %arg6[%mul3A_276, %dma_start3A_400] : memref<327680x128xf32, #tpu.memory_space<hbm>> -> memref<256x64xf32, #tpu.memory_space<hbm>>
        %dma_start3A_402 = arith.constant 0 : i32
        %dma_start3A_403 = tpu.memref_slice %arg6[%mul3A_276, %dma_start3A_402] : memref<327680x128xf32, #tpu.memory_space<hbm>> -> memref<256x64xf32, #tpu.memory_space<hbm>>
        tpu.enqueue_dma source(%arg11 : memref<256x64xf32, #tpu.memory_space<vmem>>) target(%dma_start3A_403 : memref<256x64xf32, #tpu.memory_space<hbm>>) target_semaphore(%run_scoped3A : memref<!tpu.dma_semaphore, #tpu.memory_space<semaphore_mem>>)
        %dma_wait3A_404 = arith.constant 0 : i32
        %dma_wait3A_405 = tpu.memref_slice %arg6[%mul3A_276, %dma_wait3A_404] : memref<327680x128xf32, #tpu.memory_space<hbm>> -> memref<256x64xf32, #tpu.memory_space<hbm>>
        %dma_wait3A_406 = arith.constant 0 : i32
        %dma_wait3A_407 = tpu.memref_slice %arg6[%mul3A_276, %dma_wait3A_406] : memref<327680x128xf32, #tpu.memory_space<hbm>> -> memref<256x64xf32, #tpu.memory_space<hbm>>
        tpu.wait_dma2 semaphore(%run_scoped3A : memref<!tpu.dma_semaphore, #tpu.memory_space<semaphore_mem>>) src(%arg11 : memref<256x64xf32, #tpu.memory_space<vmem>>) dst(%dma_wait3A_407 : memref<256x64xf32, #tpu.memory_space<hbm>>)
        tpu.yield
      }) : () -> ()
      "tpu.region"() ({
        %run_scoped3A = tpu.sem_alloc : memref<!tpu.dma_semaphore, #tpu.memory_space<semaphore_mem>>
        %dma_start3A_400 = arith.constant 64 : i32
        %dma_start3A_401 = tpu.memref_slice %arg6[%mul3A_276, %dma_start3A_400] : memref<327680x128xf32, #tpu.memory_space<hbm>> -> memref<256x64xf32, #tpu.memory_space<hbm>>
        %dma_start3A_402 = arith.constant 64 : i32
        %dma_start3A_403 = tpu.memref_slice %arg6[%mul3A_276, %dma_start3A_402] : memref<327680x128xf32, #tpu.memory_space<hbm>> -> memref<256x64xf32, #tpu.memory_space<hbm>>
        tpu.enqueue_dma source(%arg13 : memref<256x64xf32, #tpu.memory_space<vmem>>) target(%dma_start3A_403 : memref<256x64xf32, #tpu.memory_space<hbm>>) target_semaphore(%run_scoped3A : memref<!tpu.dma_semaphore, #tpu.memory_space<semaphore_mem>>)
        %dma_wait3A_404 = arith.constant 64 : i32
        %dma_wait3A_405 = tpu.memref_slice %arg6[%mul3A_276, %dma_wait3A_404] : memref<327680x128xf32, #tpu.memory_space<hbm>> -> memref<256x64xf32, #tpu.memory_space<hbm>>
        %dma_wait3A_406 = arith.constant 64 : i32
        %dma_wait3A_407 = tpu.memref_slice %arg6[%mul3A_276, %dma_wait3A_406] : memref<327680x128xf32, #tpu.memory_space<hbm>> -> memref<256x64xf32, #tpu.memory_space<hbm>>
        tpu.wait_dma2 semaphore(%run_scoped3A : memref<!tpu.dma_semaphore, #tpu.memory_space<semaphore_mem>>) src(%arg13 : memref<256x64xf32, #tpu.memory_space<vmem>>) dst(%dma_wait3A_407 : memref<256x64xf32, #tpu.memory_space<hbm>>)
        tpu.yield
      }) : () -> ()
      %add3A_312 = arith.constant 2 : i32
      %add3A_313 = arith.addi %mul3A_150, %add3A_312 : i32
      %lt3A = arith.cmpi slt, %add3A_313, %select_n3A_31 : i32
      %convert_element_type3A = arith.extui %lt3A : i1 to i32
      %cond3A = arith.constant 0 : i32
      %cond3A_314 = arith.cmpi ne, %convert_element_type3A, %cond3A : i32
      scf.if %cond3A_314 {
        %add3A_400 = arith.constant 2 : i32
        %add3A_401 = arith.addi %mul3A_150, %add3A_400 : i32
        %eq3A_402 = arith.constant 0 : i32
        %eq3A_403 = arith.cmpi eq, %arg0, %eq3A_402 : i32
        %jit3A_404 = arith.constant 120 : i32
        %jit3A_405 = arith.constant 40 : i32
        %select_n3A_406 = arith.select %eq3A_403, %jit3A_404, %jit3A_405 : i32
        %eq3A_407 = arith.constant 0 : i32
        %eq3A_408 = arith.cmpi eq, %arg0, %eq3A_407 : i32
        %mul3A_409 = arith.constant 120 : i32
        %mul3A_410 = arith.muli %arg1, %mul3A_409 : i32
        %mul3A_411 = arith.constant 40 : i32
        %mul3A_412 = arith.muli %arg1, %mul3A_411 : i32
        %add3A_413 = arith.constant 1920 : i32
        %add3A_414 = arith.addi %add3A_413, %mul3A_412 : i32
        %select_n3A_415 = arith.select %eq3A_408, %mul3A_410, %add3A_414 : i32
        %mul3A_416 = arith.constant 2 : i32
        %mul3A_417 = arith.muli %add3A_401, %mul3A_416 : i32
        %add3A_418 = arith.addi %select_n3A_415, %mul3A_417 : i32
        %jit3A_419 = arith.constant 2 : i32
        %div3A_420 = arith.divsi %select_n3A_406, %jit3A_419 : i32
        %sign3A_421 = arith.constant 0 : i32
        %sign3A_422 = arith.cmpi sgt, %select_n3A_406, %sign3A_421 : i32
        %sign3A_423 = arith.extui %sign3A_422 : i1 to i32
        %sign3A_424 = arith.constant 0 : i32
        %sign3A_425 = arith.cmpi slt, %select_n3A_406, %sign3A_424 : i32
        %sign3A_426 = arith.extui %sign3A_425 : i1 to i32
        %sign3A_427 = arith.subi %sign3A_423, %sign3A_426 : i32
        %sign3A_428 = arith.constant 0 : i32
        %sign3A_429 = arith.cmpi sgt, %jit3A_419, %sign3A_428 : i32
        %sign3A_430 = arith.extui %sign3A_429 : i1 to i32
        %sign3A_431 = arith.constant 0 : i32
        %sign3A_432 = arith.cmpi slt, %jit3A_419, %sign3A_431 : i32
        %sign3A_433 = arith.extui %sign3A_432 : i1 to i32
        %sign3A_434 = arith.subi %sign3A_430, %sign3A_433 : i32
        %ne3A_435 = arith.cmpi ne, %sign3A_427, %sign3A_434 : i32
        %rem3A_436 = arith.remsi %select_n3A_406, %jit3A_419 : i32
        %ne3A_437 = arith.constant 0 : i32
        %ne3A_438 = arith.cmpi ne, %rem3A_436, %ne3A_437 : i32
        %and3A_439 = arith.andi %ne3A_435, %ne3A_438 : i1
        %sub3A_440 = arith.constant 1 : i32
        %sub3A_441 = arith.subi %div3A_420, %sub3A_440 : i32
        %select_n3A_442 = arith.select %and3A_439, %sub3A_441, %div3A_420 : i32
        "tpu.region"() ({
          %run_scoped3A = tpu.sem_alloc : memref<!tpu.dma_semaphore, #tpu.memory_space<semaphore_mem>>
          %dma_start3A_483 = arith.constant 0 : i32
          %dma_start3A_484 = tpu.memref_slice %arg4[%add3A_418, %dma_start3A_483] : memref<2560x128xi32, #tpu.memory_space<hbm>> -> memref<2x128xi32, #tpu.memory_space<hbm>>
          %dma_start3A_485 = arith.constant 0 : i32
          %dma_start3A_486 = tpu.memref_slice %arg4[%add3A_418, %dma_start3A_485] : memref<2560x128xi32, #tpu.memory_space<hbm>> -> memref<2x128xi32, #tpu.memory_space<hbm>>
          tpu.enqueue_dma source(%dma_start3A_486 : memref<2x128xi32, #tpu.memory_space<hbm>>) target(%arg7 : memref<2x128xi32, #tpu.memory_space<vmem>>) target_semaphore(%run_scoped3A : memref<!tpu.dma_semaphore, #tpu.memory_space<semaphore_mem>>)
          %dma_wait3A_487 = arith.constant 0 : i32
          %dma_wait3A_488 = tpu.memref_slice %arg4[%add3A_418, %dma_wait3A_487] : memref<2560x128xi32, #tpu.memory_space<hbm>> -> memref<2x128xi32, #tpu.memory_space<hbm>>
          %dma_wait3A_489 = arith.constant 0 : i32
          %dma_wait3A_490 = tpu.memref_slice %arg4[%add3A_418, %dma_wait3A_489] : memref<2560x128xi32, #tpu.memory_space<hbm>> -> memref<2x128xi32, #tpu.memory_space<hbm>>
          tpu.wait_dma2 semaphore(%run_scoped3A : memref<!tpu.dma_semaphore, #tpu.memory_space<semaphore_mem>>) src(%dma_wait3A_490 : memref<2x128xi32, #tpu.memory_space<hbm>>) dst(%arg7 : memref<2x128xi32, #tpu.memory_space<vmem>>)
          tpu.yield
        }) : () -> ()
        "tpu.region"() ({
          %run_scoped3A = tpu.sem_alloc : memref<!tpu.dma_semaphore, #tpu.memory_space<semaphore_mem>>
          %dma_start3A_483 = arith.constant 0 : i32
          %dma_start3A_484 = tpu.memref_slice %arg5[%add3A_418, %dma_start3A_483] : memref<2560x128xi32, #tpu.memory_space<hbm>> -> memref<2x128xi32, #tpu.memory_space<hbm>>
          %dma_start3A_485 = arith.constant 0 : i32
          %dma_start3A_486 = tpu.memref_slice %arg5[%add3A_418, %dma_start3A_485] : memref<2560x128xi32, #tpu.memory_space<hbm>> -> memref<2x128xi32, #tpu.memory_space<hbm>>
          tpu.enqueue_dma source(%dma_start3A_486 : memref<2x128xi32, #tpu.memory_space<hbm>>) target(%arg9 : memref<2x128xi32, #tpu.memory_space<vmem>>) target_semaphore(%run_scoped3A : memref<!tpu.dma_semaphore, #tpu.memory_space<semaphore_mem>>)
          %dma_wait3A_487 = arith.constant 0 : i32
          %dma_wait3A_488 = tpu.memref_slice %arg5[%add3A_418, %dma_wait3A_487] : memref<2560x128xi32, #tpu.memory_space<hbm>> -> memref<2x128xi32, #tpu.memory_space<hbm>>
          %dma_wait3A_489 = arith.constant 0 : i32
          %dma_wait3A_490 = tpu.memref_slice %arg5[%add3A_418, %dma_wait3A_489] : memref<2560x128xi32, #tpu.memory_space<hbm>> -> memref<2x128xi32, #tpu.memory_space<hbm>>
          tpu.wait_dma2 semaphore(%run_scoped3A : memref<!tpu.dma_semaphore, #tpu.memory_space<semaphore_mem>>) src(%dma_wait3A_490 : memref<2x128xi32, #tpu.memory_space<hbm>>) dst(%arg9 : memref<2x128xi32, #tpu.memory_space<vmem>>)
          tpu.yield
        }) : () -> ()
        %dma_start3A_443 = arith.constant 0 : i32
        %dma_start3A_444 = arith.constant 0 : i32
        %dma_start3A_445 = arith.constant 0 : i32
        %dma_start3A_446 = tpu.memref_slice %arg11[%dma_start3A_444, %dma_start3A_445] : memref<256x64xf32, #tpu.memory_space<vmem>> -> memref<128x64xf32, #tpu.memory_space<vmem>>
        %dma_start3A_447 = arith.constant 0 : i32
        %dma_start3A_448 = tpu.memref_slice %arg7[%dma_start3A_443, %dma_start3A_447] : memref<2x128xi32, #tpu.memory_space<vmem>> -> memref<1x128xi32, #tpu.memory_space<vmem>>
        %dma_start3A_449 = tpu.memref_squeeze %dma_start3A_448 : memref<1x128xi32, #tpu.memory_space<vmem>> -> memref<128xi32, #tpu.memory_space<vmem>>
        %dma_start3A_450 = arith.constant 0 : i32
        %dma_start3A_451 = arith.constant 0 : i32
        %dma_start3A_452 = tpu.memref_slice %arg2[%dma_start3A_450, %dma_start3A_451] : memref<10240x64xf32, #tpu.memory_space<hbm>> -> memref<10240x64xf32, #tpu.memory_space<hbm>>
        tpu.enqueue_indirect_dma source(%dma_start3A_452 : memref<10240x64xf32, #tpu.memory_space<hbm>>) target(%dma_start3A_446 : memref<128x64xf32, #tpu.memory_space<vmem>>) offsets(%dma_start3A_449 : memref<128xi32, #tpu.memory_space<vmem>>) semaphore(%arg15 : memref<!tpu.dma_semaphore, #tpu.memory_space<semaphore_mem>>)
        %dma_start3A_453 = arith.constant 1 : i32
        %dma_start3A_454 = arith.constant 128 : i32
        %dma_start3A_455 = arith.constant 0 : i32
        %dma_start3A_456 = tpu.memref_slice %arg11[%dma_start3A_454, %dma_start3A_455] : memref<256x64xf32, #tpu.memory_space<vmem>> -> memref<128x64xf32, #tpu.memory_space<vmem>>
        %dma_start3A_457 = arith.constant 0 : i32
        %dma_start3A_458 = tpu.memref_slice %arg7[%dma_start3A_453, %dma_start3A_457] : memref<2x128xi32, #tpu.memory_space<vmem>> -> memref<1x128xi32, #tpu.memory_space<vmem>>
        %dma_start3A_459 = tpu.memref_squeeze %dma_start3A_458 : memref<1x128xi32, #tpu.memory_space<vmem>> -> memref<128xi32, #tpu.memory_space<vmem>>
        %dma_start3A_460 = arith.constant 0 : i32
        %dma_start3A_461 = arith.constant 0 : i32
        %dma_start3A_462 = tpu.memref_slice %arg2[%dma_start3A_460, %dma_start3A_461] : memref<10240x64xf32, #tpu.memory_space<hbm>> -> memref<10240x64xf32, #tpu.memory_space<hbm>>
        tpu.enqueue_indirect_dma source(%dma_start3A_462 : memref<10240x64xf32, #tpu.memory_space<hbm>>) target(%dma_start3A_456 : memref<128x64xf32, #tpu.memory_space<vmem>>) offsets(%dma_start3A_459 : memref<128xi32, #tpu.memory_space<vmem>>) semaphore(%arg15 : memref<!tpu.dma_semaphore, #tpu.memory_space<semaphore_mem>>)
        %dma_start3A_463 = arith.constant 0 : i32
        %dma_start3A_464 = arith.constant 0 : i32
        %dma_start3A_465 = arith.constant 0 : i32
        %dma_start3A_466 = tpu.memref_slice %arg13[%dma_start3A_464, %dma_start3A_465] : memref<256x64xf32, #tpu.memory_space<vmem>> -> memref<128x64xf32, #tpu.memory_space<vmem>>
        %dma_start3A_467 = arith.constant 0 : i32
        %dma_start3A_468 = tpu.memref_slice %arg9[%dma_start3A_463, %dma_start3A_467] : memref<2x128xi32, #tpu.memory_space<vmem>> -> memref<1x128xi32, #tpu.memory_space<vmem>>
        %dma_start3A_469 = tpu.memref_squeeze %dma_start3A_468 : memref<1x128xi32, #tpu.memory_space<vmem>> -> memref<128xi32, #tpu.memory_space<vmem>>
        %dma_start3A_470 = arith.constant 0 : i32
        %dma_start3A_471 = arith.constant 0 : i32
        %dma_start3A_472 = tpu.memref_slice %arg3[%dma_start3A_470, %dma_start3A_471] : memref<10240x64xf32, #tpu.memory_space<hbm>> -> memref<10240x64xf32, #tpu.memory_space<hbm>>
        tpu.enqueue_indirect_dma source(%dma_start3A_472 : memref<10240x64xf32, #tpu.memory_space<hbm>>) target(%dma_start3A_466 : memref<128x64xf32, #tpu.memory_space<vmem>>) offsets(%dma_start3A_469 : memref<128xi32, #tpu.memory_space<vmem>>) semaphore(%arg15 : memref<!tpu.dma_semaphore, #tpu.memory_space<semaphore_mem>>)
        %dma_start3A_473 = arith.constant 1 : i32
        %dma_start3A_474 = arith.constant 128 : i32
        %dma_start3A_475 = arith.constant 0 : i32
        %dma_start3A_476 = tpu.memref_slice %arg13[%dma_start3A_474, %dma_start3A_475] : memref<256x64xf32, #tpu.memory_space<vmem>> -> memref<128x64xf32, #tpu.memory_space<vmem>>
        %dma_start3A_477 = arith.constant 0 : i32
        %dma_start3A_478 = tpu.memref_slice %arg9[%dma_start3A_473, %dma_start3A_477] : memref<2x128xi32, #tpu.memory_space<vmem>> -> memref<1x128xi32, #tpu.memory_space<vmem>>
        %dma_start3A_479 = tpu.memref_squeeze %dma_start3A_478 : memref<1x128xi32, #tpu.memory_space<vmem>> -> memref<128xi32, #tpu.memory_space<vmem>>
        %dma_start3A_480 = arith.constant 0 : i32
        %dma_start3A_481 = arith.constant 0 : i32
        %dma_start3A_482 = tpu.memref_slice %arg3[%dma_start3A_480, %dma_start3A_481] : memref<10240x64xf32, #tpu.memory_space<hbm>> -> memref<10240x64xf32, #tpu.memory_space<hbm>>
        tpu.enqueue_indirect_dma source(%dma_start3A_482 : memref<10240x64xf32, #tpu.memory_space<hbm>>) target(%dma_start3A_476 : memref<128x64xf32, #tpu.memory_space<vmem>>) offsets(%dma_start3A_479 : memref<128xi32, #tpu.memory_space<vmem>>) semaphore(%arg15 : memref<!tpu.dma_semaphore, #tpu.memory_space<semaphore_mem>>)
      } else {
      }
      %add3A_315 = arith.constant 1 : i32
      %add3A_316 = arith.addi %mul3A_150, %add3A_315 : i32
      %eq3A_317 = arith.constant 0 : i32
      %eq3A_318 = arith.cmpi eq, %arg0, %eq3A_317 : i32
      %jit3A_319 = arith.constant 120 : i32
      %jit3A_320 = arith.constant 40 : i32
      %select_n3A_321 = arith.select %eq3A_318, %jit3A_319, %jit3A_320 : i32
      %eq3A_322 = arith.constant 0 : i32
      %eq3A_323 = arith.cmpi eq, %arg0, %eq3A_322 : i32
      %mul3A_324 = arith.constant 120 : i32
      %mul3A_325 = arith.muli %arg1, %mul3A_324 : i32
      %mul3A_326 = arith.constant 40 : i32
      %mul3A_327 = arith.muli %arg1, %mul3A_326 : i32
      %add3A_328 = arith.constant 1920 : i32
      %add3A_329 = arith.addi %add3A_328, %mul3A_327 : i32
      %select_n3A_330 = arith.select %eq3A_323, %mul3A_325, %add3A_329 : i32
      %mul3A_331 = arith.constant 2 : i32
      %mul3A_332 = arith.muli %add3A_316, %mul3A_331 : i32
      %add3A_333 = arith.addi %select_n3A_330, %mul3A_332 : i32
      %jit3A_334 = arith.constant 2 : i32
      %div3A_335 = arith.divsi %select_n3A_321, %jit3A_334 : i32
      %sign3A_336 = arith.constant 0 : i32
      %sign3A_337 = arith.cmpi sgt, %select_n3A_321, %sign3A_336 : i32
      %sign3A_338 = arith.extui %sign3A_337 : i1 to i32
      %sign3A_339 = arith.constant 0 : i32
      %sign3A_340 = arith.cmpi slt, %select_n3A_321, %sign3A_339 : i32
      %sign3A_341 = arith.extui %sign3A_340 : i1 to i32
      %sign3A_342 = arith.subi %sign3A_338, %sign3A_341 : i32
      %sign3A_343 = arith.constant 0 : i32
      %sign3A_344 = arith.cmpi sgt, %jit3A_334, %sign3A_343 : i32
      %sign3A_345 = arith.extui %sign3A_344 : i1 to i32
      %sign3A_346 = arith.constant 0 : i32
      %sign3A_347 = arith.cmpi slt, %jit3A_334, %sign3A_346 : i32
      %sign3A_348 = arith.extui %sign3A_347 : i1 to i32
      %sign3A_349 = arith.subi %sign3A_345, %sign3A_348 : i32
      %ne3A_350 = arith.cmpi ne, %sign3A_342, %sign3A_349 : i32
      %rem3A_351 = arith.remsi %select_n3A_321, %jit3A_334 : i32
      %ne3A_352 = arith.constant 0 : i32
      %ne3A_353 = arith.cmpi ne, %rem3A_351, %ne3A_352 : i32
      %and3A_354 = arith.andi %ne3A_350, %ne3A_353 : i1
      %sub3A_355 = arith.constant 1 : i32
      %sub3A_356 = arith.subi %div3A_335, %sub3A_355 : i32
      %select_n3A_357 = arith.select %and3A_354, %sub3A_356, %div3A_335 : i32
      %mul3A_358 = arith.constant 128 : i32
      %mul3A_359 = arith.muli %add3A_333, %mul3A_358 : i32
      %dma_wait3A_360 = arith.constant 0 : i32
      %dma_wait3A_361 = arith.constant 0 : i32
      %dma_wait3A_362 = arith.constant 0 : i32
      %dma_wait3A_363 = tpu.memref_slice %arg12[%dma_wait3A_361, %dma_wait3A_362] : memref<256x64xf32, #tpu.memory_space<vmem>> -> memref<128x64xf32, #tpu.memory_space<vmem>>
      %dma_wait3A_364 = arith.constant 0 : i32
      %dma_wait3A_365 = tpu.memref_slice %arg8[%dma_wait3A_360, %dma_wait3A_364] : memref<2x128xi32, #tpu.memory_space<vmem>> -> memref<1x128xi32, #tpu.memory_space<vmem>>
      %dma_wait3A_366 = tpu.memref_squeeze %dma_wait3A_365 : memref<1x128xi32, #tpu.memory_space<vmem>> -> memref<128xi32, #tpu.memory_space<vmem>>
      %dma_wait3A_367 = arith.constant 0 : i32
      %dma_wait3A_368 = arith.constant 0 : i32
      %dma_wait3A_369 = tpu.memref_slice %arg2[%dma_wait3A_367, %dma_wait3A_368] : memref<10240x64xf32, #tpu.memory_space<hbm>> -> memref<10240x64xf32, #tpu.memory_space<hbm>>
      tpu.wait_indirect_dma semaphore(%arg16 : memref<!tpu.dma_semaphore, #tpu.memory_space<semaphore_mem>>) src(%dma_wait3A_369 : memref<10240x64xf32, #tpu.memory_space<hbm>>) dst(%dma_wait3A_363 : memref<128x64xf32, #tpu.memory_space<vmem>>)
      %dma_wait3A_370 = arith.constant 1 : i32
      %dma_wait3A_371 = arith.constant 128 : i32
      %dma_wait3A_372 = arith.constant 0 : i32
      %dma_wait3A_373 = tpu.memref_slice %arg12[%dma_wait3A_371, %dma_wait3A_372] : memref<256x64xf32, #tpu.memory_space<vmem>> -> memref<128x64xf32, #tpu.memory_space<vmem>>
      %dma_wait3A_374 = arith.constant 0 : i32
      %dma_wait3A_375 = tpu.memref_slice %arg8[%dma_wait3A_370, %dma_wait3A_374] : memref<2x128xi32, #tpu.memory_space<vmem>> -> memref<1x128xi32, #tpu.memory_space<vmem>>
      %dma_wait3A_376 = tpu.memref_squeeze %dma_wait3A_375 : memref<1x128xi32, #tpu.memory_space<vmem>> -> memref<128xi32, #tpu.memory_space<vmem>>
      %dma_wait3A_377 = arith.constant 0 : i32
      %dma_wait3A_378 = arith.constant 0 : i32
      %dma_wait3A_379 = tpu.memref_slice %arg2[%dma_wait3A_377, %dma_wait3A_378] : memref<10240x64xf32, #tpu.memory_space<hbm>> -> memref<10240x64xf32, #tpu.memory_space<hbm>>
      tpu.wait_indirect_dma semaphore(%arg16 : memref<!tpu.dma_semaphore, #tpu.memory_space<semaphore_mem>>) src(%dma_wait3A_379 : memref<10240x64xf32, #tpu.memory_space<hbm>>) dst(%dma_wait3A_373 : memref<128x64xf32, #tpu.memory_space<vmem>>)
      %dma_wait3A_380 = arith.constant 0 : i32
      %dma_wait3A_381 = arith.constant 0 : i32
      %dma_wait3A_382 = arith.constant 0 : i32
      %dma_wait3A_383 = tpu.memref_slice %arg14[%dma_wait3A_381, %dma_wait3A_382] : memref<256x64xf32, #tpu.memory_space<vmem>> -> memref<128x64xf32, #tpu.memory_space<vmem>>
      %dma_wait3A_384 = arith.constant 0 : i32
      %dma_wait3A_385 = tpu.memref_slice %arg10[%dma_wait3A_380, %dma_wait3A_384] : memref<2x128xi32, #tpu.memory_space<vmem>> -> memref<1x128xi32, #tpu.memory_space<vmem>>
      %dma_wait3A_386 = tpu.memref_squeeze %dma_wait3A_385 : memref<1x128xi32, #tpu.memory_space<vmem>> -> memref<128xi32, #tpu.memory_space<vmem>>
      %dma_wait3A_387 = arith.constant 0 : i32
      %dma_wait3A_388 = arith.constant 0 : i32
      %dma_wait3A_389 = tpu.memref_slice %arg3[%dma_wait3A_387, %dma_wait3A_388] : memref<10240x64xf32, #tpu.memory_space<hbm>> -> memref<10240x64xf32, #tpu.memory_space<hbm>>
      tpu.wait_indirect_dma semaphore(%arg16 : memref<!tpu.dma_semaphore, #tpu.memory_space<semaphore_mem>>) src(%dma_wait3A_389 : memref<10240x64xf32, #tpu.memory_space<hbm>>) dst(%dma_wait3A_383 : memref<128x64xf32, #tpu.memory_space<vmem>>)
      %dma_wait3A_390 = arith.constant 1 : i32
      %dma_wait3A_391 = arith.constant 128 : i32
      %dma_wait3A_392 = arith.constant 0 : i32
      %dma_wait3A_393 = tpu.memref_slice %arg14[%dma_wait3A_391, %dma_wait3A_392] : memref<256x64xf32, #tpu.memory_space<vmem>> -> memref<128x64xf32, #tpu.memory_space<vmem>>
      %dma_wait3A_394 = arith.constant 0 : i32
      %dma_wait3A_395 = tpu.memref_slice %arg10[%dma_wait3A_390, %dma_wait3A_394] : memref<2x128xi32, #tpu.memory_space<vmem>> -> memref<1x128xi32, #tpu.memory_space<vmem>>
      %dma_wait3A_396 = tpu.memref_squeeze %dma_wait3A_395 : memref<1x128xi32, #tpu.memory_space<vmem>> -> memref<128xi32, #tpu.memory_space<vmem>>
      %dma_wait3A_397 = arith.constant 0 : i32
      %dma_wait3A_398 = arith.constant 0 : i32
      %dma_wait3A_399 = tpu.memref_slice %arg3[%dma_wait3A_397, %dma_wait3A_398] : memref<10240x64xf32, #tpu.memory_space<hbm>> -> memref<10240x64xf32, #tpu.memory_space<hbm>>
      tpu.wait_indirect_dma semaphore(%arg16 : memref<!tpu.dma_semaphore, #tpu.memory_space<semaphore_mem>>) src(%dma_wait3A_399 : memref<10240x64xf32, #tpu.memory_space<hbm>>) dst(%dma_wait3A_393 : memref<128x64xf32, #tpu.memory_space<vmem>>)
      "tpu.region"() ({
        %run_scoped3A = tpu.sem_alloc : memref<!tpu.dma_semaphore, #tpu.memory_space<semaphore_mem>>
        %dma_start3A_400 = arith.constant 0 : i32
        %dma_start3A_401 = tpu.memref_slice %arg6[%mul3A_359, %dma_start3A_400] : memref<327680x128xf32, #tpu.memory_space<hbm>> -> memref<256x64xf32, #tpu.memory_space<hbm>>
        %dma_start3A_402 = arith.constant 0 : i32
        %dma_start3A_403 = tpu.memref_slice %arg6[%mul3A_359, %dma_start3A_402] : memref<327680x128xf32, #tpu.memory_space<hbm>> -> memref<256x64xf32, #tpu.memory_space<hbm>>
        tpu.enqueue_dma source(%arg12 : memref<256x64xf32, #tpu.memory_space<vmem>>) target(%dma_start3A_403 : memref<256x64xf32, #tpu.memory_space<hbm>>) target_semaphore(%run_scoped3A : memref<!tpu.dma_semaphore, #tpu.memory_space<semaphore_mem>>)
        %dma_wait3A_404 = arith.constant 0 : i32
        %dma_wait3A_405 = tpu.memref_slice %arg6[%mul3A_359, %dma_wait3A_404] : memref<327680x128xf32, #tpu.memory_space<hbm>> -> memref<256x64xf32, #tpu.memory_space<hbm>>
        %dma_wait3A_406 = arith.constant 0 : i32
        %dma_wait3A_407 = tpu.memref_slice %arg6[%mul3A_359, %dma_wait3A_406] : memref<327680x128xf32, #tpu.memory_space<hbm>> -> memref<256x64xf32, #tpu.memory_space<hbm>>
        tpu.wait_dma2 semaphore(%run_scoped3A : memref<!tpu.dma_semaphore, #tpu.memory_space<semaphore_mem>>) src(%arg12 : memref<256x64xf32, #tpu.memory_space<vmem>>) dst(%dma_wait3A_407 : memref<256x64xf32, #tpu.memory_space<hbm>>)
        tpu.yield
      }) : () -> ()
      "tpu.region"() ({
        %run_scoped3A = tpu.sem_alloc : memref<!tpu.dma_semaphore, #tpu.memory_space<semaphore_mem>>
        %dma_start3A_400 = arith.constant 64 : i32
        %dma_start3A_401 = tpu.memref_slice %arg6[%mul3A_359, %dma_start3A_400] : memref<327680x128xf32, #tpu.memory_space<hbm>> -> memref<256x64xf32, #tpu.memory_space<hbm>>
        %dma_start3A_402 = arith.constant 64 : i32
        %dma_start3A_403 = tpu.memref_slice %arg6[%mul3A_359, %dma_start3A_402] : memref<327680x128xf32, #tpu.memory_space<hbm>> -> memref<256x64xf32, #tpu.memory_space<hbm>>
        tpu.enqueue_dma source(%arg14 : memref<256x64xf32, #tpu.memory_space<vmem>>) target(%dma_start3A_403 : memref<256x64xf32, #tpu.memory_space<hbm>>) target_semaphore(%run_scoped3A : memref<!tpu.dma_semaphore, #tpu.memory_space<semaphore_mem>>)
        %dma_wait3A_404 = arith.constant 64 : i32
        %dma_wait3A_405 = tpu.memref_slice %arg6[%mul3A_359, %dma_wait3A_404] : memref<327680x128xf32, #tpu.memory_space<hbm>> -> memref<256x64xf32, #tpu.memory_space<hbm>>
        %dma_wait3A_406 = arith.constant 64 : i32
        %dma_wait3A_407 = tpu.memref_slice %arg6[%mul3A_359, %dma_wait3A_406] : memref<327680x128xf32, #tpu.memory_space<hbm>> -> memref<256x64xf32, #tpu.memory_space<hbm>>
        tpu.wait_dma2 semaphore(%run_scoped3A : memref<!tpu.dma_semaphore, #tpu.memory_space<semaphore_mem>>) src(%arg14 : memref<256x64xf32, #tpu.memory_space<vmem>>) dst(%dma_wait3A_407 : memref<256x64xf32, #tpu.memory_space<hbm>>)
        tpu.yield
      }) : () -> ()
    }
    %while3A_147 = arith.constant 1 : i32
    scf.for %while3A_148 = %while3A_145 to %while3A_141 step %while3A_147  : i32 {
      %mul3A_149 = arith.constant 2 : i32
      %mul3A_150 = arith.muli %while3A_148, %mul3A_149 : i32
      %add3A_151 = arith.constant 1 : i32
      %add3A_152 = arith.addi %mul3A_150, %add3A_151 : i32
      %eq3A_153 = arith.constant 0 : i32
      %eq3A_154 = arith.cmpi eq, %arg0, %eq3A_153 : i32
      %jit3A_155 = arith.constant 120 : i32
      %jit3A_156 = arith.constant 40 : i32
      %select_n3A_157 = arith.select %eq3A_154, %jit3A_155, %jit3A_156 : i32
      %eq3A_158 = arith.constant 0 : i32
      %eq3A_159 = arith.cmpi eq, %arg0, %eq3A_158 : i32
      %mul3A_160 = arith.constant 120 : i32
      %mul3A_161 = arith.muli %arg1, %mul3A_160 : i32
      %mul3A_162 = arith.constant 40 : i32
      %mul3A_163 = arith.muli %arg1, %mul3A_162 : i32
      %add3A_164 = arith.constant 1920 : i32
      %add3A_165 = arith.addi %add3A_164, %mul3A_163 : i32
      %select_n3A_166 = arith.select %eq3A_159, %mul3A_161, %add3A_165 : i32
      %mul3A_167 = arith.constant 2 : i32
      %mul3A_168 = arith.muli %add3A_152, %mul3A_167 : i32
      %add3A_169 = arith.addi %select_n3A_166, %mul3A_168 : i32
      %jit3A_170 = arith.constant 2 : i32
      %div3A_171 = arith.divsi %select_n3A_157, %jit3A_170 : i32
      %sign3A_172 = arith.constant 0 : i32
      %sign3A_173 = arith.cmpi sgt, %select_n3A_157, %sign3A_172 : i32
      %sign3A_174 = arith.extui %sign3A_173 : i1 to i32
      %sign3A_175 = arith.constant 0 : i32
      %sign3A_176 = arith.cmpi slt, %select_n3A_157, %sign3A_175 : i32
      %sign3A_177 = arith.extui %sign3A_176 : i1 to i32
      %sign3A_178 = arith.subi %sign3A_174, %sign3A_177 : i32
      %sign3A_179 = arith.constant 0 : i32
      %sign3A_180 = arith.cmpi sgt, %jit3A_170, %sign3A_179 : i32
      %sign3A_181 = arith.extui %sign3A_180 : i1 to i32
      %sign3A_182 = arith.constant 0 : i32
      %sign3A_183 = arith.cmpi slt, %jit3A_170, %sign3A_182 : i32
      %sign3A_184 = arith.extui %sign3A_183 : i1 to i32
      %sign3A_185 = arith.subi %sign3A_181, %sign3A_184 : i32
      %ne3A_186 = arith.cmpi ne, %sign3A_178, %sign3A_185 : i32
      %rem3A_187 = arith.remsi %select_n3A_157, %jit3A_170 : i32
      %ne3A_188 = arith.constant 0 : i32
      %ne3A_189 = arith.cmpi ne, %rem3A_187, %ne3A_188 : i32
      %and3A_190 = arith.andi %ne3A_186, %ne3A_189 : i1
      %sub3A_191 = arith.constant 1 : i32
      %sub3A_192 = arith.subi %div3A_171, %sub3A_191 : i32
      %select_n3A_193 = arith.select %and3A_190, %sub3A_192, %div3A_171 : i32
      "tpu.region"() ({
        %run_scoped3A = tpu.sem_alloc : memref<!tpu.dma_semaphore, #tpu.memory_space<semaphore_mem>>
        %dma_start3A_400 = arith.constant 0 : i32
        %dma_start3A_401 = tpu.memref_slice %arg4[%add3A_169, %dma_start3A_400] : memref<2560x128xi32, #tpu.memory_space<hbm>> -> memref<2x128xi32, #tpu.memory_space<hbm>>
        %dma_start3A_402 = arith.constant 0 : i32
        %dma_start3A_403 = tpu.memref_slice %arg4[%add3A_169, %dma_start3A_402] : memref<2560x128xi32, #tpu.memory_space<hbm>> -> memref<2x128xi32, #tpu.memory_space<hbm>>
        tpu.enqueue_dma source(%dma_start3A_403 : memref<2x128xi32, #tpu.memory_space<hbm>>) target(%arg8 : memref<2x128xi32, #tpu.memory_space<vmem>>) target_semaphore(%run_scoped3A : memref<!tpu.dma_semaphore, #tpu.memory_space<semaphore_mem>>)
        %dma_wait3A_404 = arith.constant 0 : i32
        %dma_wait3A_405 = tpu.memref_slice %arg4[%add3A_169, %dma_wait3A_404] : memref<2560x128xi32, #tpu.memory_space<hbm>> -> memref<2x128xi32, #tpu.memory_space<hbm>>
        %dma_wait3A_406 = arith.constant 0 : i32
        %dma_wait3A_407 = tpu.memref_slice %arg4[%add3A_169, %dma_wait3A_406] : memref<2560x128xi32, #tpu.memory_space<hbm>> -> memref<2x128xi32, #tpu.memory_space<hbm>>
        tpu.wait_dma2 semaphore(%run_scoped3A : memref<!tpu.dma_semaphore, #tpu.memory_space<semaphore_mem>>) src(%dma_wait3A_407 : memref<2x128xi32, #tpu.memory_space<hbm>>) dst(%arg8 : memref<2x128xi32, #tpu.memory_space<vmem>>)
        tpu.yield
      }) : () -> ()
      "tpu.region"() ({
        %run_scoped3A = tpu.sem_alloc : memref<!tpu.dma_semaphore, #tpu.memory_space<semaphore_mem>>
        %dma_start3A_400 = arith.constant 0 : i32
        %dma_start3A_401 = tpu.memref_slice %arg5[%add3A_169, %dma_start3A_400] : memref<2560x128xi32, #tpu.memory_space<hbm>> -> memref<2x128xi32, #tpu.memory_space<hbm>>
        %dma_start3A_402 = arith.constant 0 : i32
        %dma_start3A_403 = tpu.memref_slice %arg5[%add3A_169, %dma_start3A_402] : memref<2560x128xi32, #tpu.memory_space<hbm>> -> memref<2x128xi32, #tpu.memory_space<hbm>>
        tpu.enqueue_dma source(%dma_start3A_403 : memref<2x128xi32, #tpu.memory_space<hbm>>) target(%arg10 : memref<2x128xi32, #tpu.memory_space<vmem>>) target_semaphore(%run_scoped3A : memref<!tpu.dma_semaphore, #tpu.memory_space<semaphore_mem>>)
        %dma_wait3A_404 = arith.constant 0 : i32
        %dma_wait3A_405 = tpu.memref_slice %arg5[%add3A_169, %dma_wait3A_404] : memref<2560x128xi32, #tpu.memory_space<hbm>> -> memref<2x128xi32, #tpu.memory_space<hbm>>
        %dma_wait3A_406 = arith.constant 0 : i32
        %dma_wait3A_407 = tpu.memref_slice %arg5[%add3A_169, %dma_wait3A_406] : memref<2560x128xi32, #tpu.memory_space<hbm>> -> memref<2x128xi32, #tpu.memory_space<hbm>>
        tpu.wait_dma2 semaphore(%run_scoped3A : memref<!tpu.dma_semaphore, #tpu.memory_space<semaphore_mem>>) src(%dma_wait3A_407 : memref<2x128xi32, #tpu.memory_space<hbm>>) dst(%arg10 : memref<2x128xi32, #tpu.memory_space<vmem>>)
        tpu.yield
      }) : () -> ()
      %dma_start3A_194 = arith.constant 0 : i32
      %dma_start3A_195 = arith.constant 0 : i32
      %dma_start3A_196 = arith.constant 0 : i32
      %dma_start3A_197 = tpu.memref_slice %arg12[%dma_start3A_195, %dma_start3A_196] : memref<256x64xf32, #tpu.memory_space<vmem>> -> memref<128x64xf32, #tpu.memory_space<vmem>>
      %dma_start3A_198 = arith.constant 0 : i32
      %dma_start3A_199 = tpu.memref_slice %arg8[%dma_start3A_194, %dma_start3A_198] : memref<2x128xi32, #tpu.memory_space<vmem>> -> memref<1x128xi32, #tpu.memory_space<vmem>>
      %dma_start3A_200 = tpu.memref_squeeze %dma_start3A_199 : memref<1x128xi32, #tpu.memory_space<vmem>> -> memref<128xi32, #tpu.memory_space<vmem>>
      %dma_start3A_201 = arith.constant 0 : i32
      %dma_start3A_202 = arith.constant 0 : i32
      %dma_start3A_203 = tpu.memref_slice %arg2[%dma_start3A_201, %dma_start3A_202] : memref<10240x64xf32, #tpu.memory_space<hbm>> -> memref<10240x64xf32, #tpu.memory_space<hbm>>
      tpu.enqueue_indirect_dma source(%dma_start3A_203 : memref<10240x64xf32, #tpu.memory_space<hbm>>) target(%dma_start3A_197 : memref<128x64xf32, #tpu.memory_space<vmem>>) offsets(%dma_start3A_200 : memref<128xi32, #tpu.memory_space<vmem>>) semaphore(%arg16 : memref<!tpu.dma_semaphore, #tpu.memory_space<semaphore_mem>>)
      %dma_start3A_204 = arith.constant 1 : i32
      %dma_start3A_205 = arith.constant 128 : i32
      %dma_start3A_206 = arith.constant 0 : i32
      %dma_start3A_207 = tpu.memref_slice %arg12[%dma_start3A_205, %dma_start3A_206] : memref<256x64xf32, #tpu.memory_space<vmem>> -> memref<128x64xf32, #tpu.memory_space<vmem>>
      %dma_start3A_208 = arith.constant 0 : i32
      %dma_start3A_209 = tpu.memref_slice %arg8[%dma_start3A_204, %dma_start3A_208] : memref<2x128xi32, #tpu.memory_space<vmem>> -> memref<1x128xi32, #tpu.memory_space<vmem>>
      %dma_start3A_210 = tpu.memref_squeeze %dma_start3A_209 : memref<1x128xi32, #tpu.memory_space<vmem>> -> memref<128xi32, #tpu.memory_space<vmem>>
      %dma_start3A_211 = arith.constant 0 : i32
      %dma_start3A_212 = arith.constant 0 : i32
      %dma_start3A_213 = tpu.memref_slice %arg2[%dma_start3A_211, %dma_start3A_212] : memref<10240x64xf32, #tpu.memory_space<hbm>> -> memref<10240x64xf32, #tpu.memory_space<hbm>>
      tpu.enqueue_indirect_dma source(%dma_start3A_213 : memref<10240x64xf32, #tpu.memory_space<hbm>>) target(%dma_start3A_207 : memref<128x64xf32, #tpu.memory_space<vmem>>) offsets(%dma_start3A_210 : memref<128xi32, #tpu.memory_space<vmem>>) semaphore(%arg16 : memref<!tpu.dma_semaphore, #tpu.memory_space<semaphore_mem>>)
      %dma_start3A_214 = arith.constant 0 : i32
      %dma_start3A_215 = arith.constant 0 : i32
      %dma_start3A_216 = arith.constant 0 : i32
      %dma_start3A_217 = tpu.memref_slice %arg14[%dma_start3A_215, %dma_start3A_216] : memref<256x64xf32, #tpu.memory_space<vmem>> -> memref<128x64xf32, #tpu.memory_space<vmem>>
      %dma_start3A_218 = arith.constant 0 : i32
      %dma_start3A_219 = tpu.memref_slice %arg10[%dma_start3A_214, %dma_start3A_218] : memref<2x128xi32, #tpu.memory_space<vmem>> -> memref<1x128xi32, #tpu.memory_space<vmem>>
      %dma_start3A_220 = tpu.memref_squeeze %dma_start3A_219 : memref<1x128xi32, #tpu.memory_space<vmem>> -> memref<128xi32, #tpu.memory_space<vmem>>
      %dma_start3A_221 = arith.constant 0 : i32
      %dma_start3A_222 = arith.constant 0 : i32
      %dma_start3A_223 = tpu.memref_slice %arg3[%dma_start3A_221, %dma_start3A_222] : memref<10240x64xf32, #tpu.memory_space<hbm>> -> memref<10240x64xf32, #tpu.memory_space<hbm>>
      tpu.enqueue_indirect_dma source(%dma_start3A_223 : memref<10240x64xf32, #tpu.memory_space<hbm>>) target(%dma_start3A_217 : memref<128x64xf32, #tpu.memory_space<vmem>>) offsets(%dma_start3A_220 : memref<128xi32, #tpu.memory_space<vmem>>) semaphore(%arg16 : memref<!tpu.dma_semaphore, #tpu.memory_space<semaphore_mem>>)
      %dma_start3A_224 = arith.constant 1 : i32
      %dma_start3A_225 = arith.constant 128 : i32
      %dma_start3A_226 = arith.constant 0 : i32
      %dma_start3A_227 = tpu.memref_slice %arg14[%dma_start3A_225, %dma_start3A_226] : memref<256x64xf32, #tpu.memory_space<vmem>> -> memref<128x64xf32, #tpu.memory_space<vmem>>
      %dma_start3A_228 = arith.constant 0 : i32
      %dma_start3A_229 = tpu.memref_slice %arg10[%dma_start3A_224, %dma_start3A_228] : memref<2x128xi32, #tpu.memory_space<vmem>> -> memref<1x128xi32, #tpu.memory_space<vmem>>
      %dma_start3A_230 = tpu.memref_squeeze %dma_start3A_229 : memref<1x128xi32, #tpu.memory_space<vmem>> -> memref<128xi32, #tpu.memory_space<vmem>>
      %dma_start3A_231 = arith.constant 0 : i32
      %dma_start3A_232 = arith.constant 0 : i32
      %dma_start3A_233 = tpu.memref_slice %arg3[%dma_start3A_231, %dma_start3A_232] : memref<10240x64xf32, #tpu.memory_space<hbm>> -> memref<10240x64xf32, #tpu.memory_space<hbm>>
      tpu.enqueue_indirect_dma source(%dma_start3A_233 : memref<10240x64xf32, #tpu.memory_space<hbm>>) target(%dma_start3A_227 : memref<128x64xf32, #tpu.memory_space<vmem>>) offsets(%dma_start3A_230 : memref<128xi32, #tpu.memory_space<vmem>>) semaphore(%arg16 : memref<!tpu.dma_semaphore, #tpu.memory_space<semaphore_mem>>)
      %eq3A_234 = arith.constant 0 : i32
      %eq3A_235 = arith.cmpi eq, %arg0, %eq3A_234 : i32
      %jit3A_236 = arith.constant 120 : i32
      %jit3A_237 = arith.constant 40 : i32
      %select_n3A_238 = arith.select %eq3A_235, %jit3A_236, %jit3A_237 : i32
      %eq3A_239 = arith.constant 0 : i32
      %eq3A_240 = arith.cmpi eq, %arg0, %eq3A_239 : i32
      %mul3A_241 = arith.constant 120 : i32
      %mul3A_242 = arith.muli %arg1, %mul3A_241 : i32
      %mul3A_243 = arith.constant 40 : i32
      %mul3A_244 = arith.muli %arg1, %mul3A_243 : i32
      %add3A_245 = arith.constant 1920 : i32
      %add3A_246 = arith.addi %add3A_245, %mul3A_244 : i32
      %select_n3A_247 = arith.select %eq3A_240, %mul3A_242, %add3A_246 : i32
      %mul3A_248 = arith.constant 2 : i32
      %mul3A_249 = arith.muli %mul3A_150, %mul3A_248 : i32
      %add3A_250 = arith.addi %select_n3A_247, %mul3A_249 : i32
      %jit3A_251 = arith.constant 2 : i32
      %div3A_252 = arith.divsi %select_n3A_238, %jit3A_251 : i32
      %sign3A_253 = arith.constant 0 : i32
      %sign3A_254 = arith.cmpi sgt, %select_n3A_238, %sign3A_253 : i32
      %sign3A_255 = arith.extui %sign3A_254 : i1 to i32
      %sign3A_256 = arith.constant 0 : i32
      %sign3A_257 = arith.cmpi slt, %select_n3A_238, %sign3A_256 : i32
      %sign3A_258 = arith.extui %sign3A_257 : i1 to i32
      %sign3A_259 = arith.subi %sign3A_255, %sign3A_258 : i32
      %sign3A_260 = arith.constant 0 : i32
      %sign3A_261 = arith.cmpi sgt, %jit3A_251, %sign3A_260 : i32
      %sign3A_262 = arith.extui %sign3A_261 : i1 to i32
      %sign3A_263 = arith.constant 0 : i32
      %sign3A_264 = arith.cmpi slt, %jit3A_251, %sign3A_263 : i32
      %sign3A_265 = arith.extui %sign3A_264 : i1 to i32
      %sign3A_266 = arith.subi %sign3A_262, %sign3A_265 : i32
      %ne3A_267 = arith.cmpi ne, %sign3A_259, %sign3A_266 : i32
      %rem3A_268 = arith.remsi %select_n3A_238, %jit3A_251 : i32
      %ne3A_269 = arith.constant 0 : i32
      %ne3A_270 = arith.cmpi ne, %rem3A_268, %ne3A_269 : i32
      %and3A_271 = arith.andi %ne3A_267, %ne3A_270 : i1
      %sub3A_272 = arith.constant 1 : i32
      %sub3A_273 = arith.subi %div3A_252, %sub3A_272 : i32
      %select_n3A_274 = arith.select %and3A_271, %sub3A_273, %div3A_252 : i32
      %mul3A_275 = arith.constant 128 : i32
      %mul3A_276 = arith.muli %add3A_250, %mul3A_275 : i32
      %dma_wait3A = arith.constant 0 : i32
      %dma_wait3A_277 = arith.constant 0 : i32
      %dma_wait3A_278 = tpu.memref_slice %arg11[%dma_wait3A, %dma_wait3A_277] : memref<256x64xf32, #tpu.memory_space<vmem>> -> memref<128x64xf32, #tpu.memory_space<vmem>>
      %dma_wait3A_279 = arith.constant 0 : i32
      %dma_wait3A_280 = tpu.memref_slice %arg7[%while3A_135, %dma_wait3A_279] : memref<2x128xi32, #tpu.memory_space<vmem>> -> memref<1x128xi32, #tpu.memory_space<vmem>>
      %dma_wait3A_281 = tpu.memref_squeeze %dma_wait3A_280 : memref<1x128xi32, #tpu.memory_space<vmem>> -> memref<128xi32, #tpu.memory_space<vmem>>
      %dma_wait3A_282 = arith.constant 0 : i32
      %dma_wait3A_283 = arith.constant 0 : i32
      %dma_wait3A_284 = tpu.memref_slice %arg2[%dma_wait3A_282, %dma_wait3A_283] : memref<10240x64xf32, #tpu.memory_space<hbm>> -> memref<10240x64xf32, #tpu.memory_space<hbm>>
      tpu.wait_indirect_dma semaphore(%arg15 : memref<!tpu.dma_semaphore, #tpu.memory_space<semaphore_mem>>) src(%dma_wait3A_284 : memref<10240x64xf32, #tpu.memory_space<hbm>>) dst(%dma_wait3A_278 : memref<128x64xf32, #tpu.memory_space<vmem>>)
      %dma_wait3A_285 = arith.constant 128 : i32
      %dma_wait3A_286 = arith.constant 0 : i32
      %dma_wait3A_287 = tpu.memref_slice %arg11[%dma_wait3A_285, %dma_wait3A_286] : memref<256x64xf32, #tpu.memory_space<vmem>> -> memref<128x64xf32, #tpu.memory_space<vmem>>
      %dma_wait3A_288 = arith.constant 0 : i32
      %dma_wait3A_289 = tpu.memref_slice %arg7[%while3A_136, %dma_wait3A_288] : memref<2x128xi32, #tpu.memory_space<vmem>> -> memref<1x128xi32, #tpu.memory_space<vmem>>
      %dma_wait3A_290 = tpu.memref_squeeze %dma_wait3A_289 : memref<1x128xi32, #tpu.memory_space<vmem>> -> memref<128xi32, #tpu.memory_space<vmem>>
      %dma_wait3A_291 = arith.constant 0 : i32
      %dma_wait3A_292 = arith.constant 0 : i32
      %dma_wait3A_293 = tpu.memref_slice %arg2[%dma_wait3A_291, %dma_wait3A_292] : memref<10240x64xf32, #tpu.memory_space<hbm>> -> memref<10240x64xf32, #tpu.memory_space<hbm>>
      tpu.wait_indirect_dma semaphore(%arg15 : memref<!tpu.dma_semaphore, #tpu.memory_space<semaphore_mem>>) src(%dma_wait3A_293 : memref<10240x64xf32, #tpu.memory_space<hbm>>) dst(%dma_wait3A_287 : memref<128x64xf32, #tpu.memory_space<vmem>>)
      %dma_wait3A_294 = arith.constant 0 : i32
      %dma_wait3A_295 = arith.constant 0 : i32
      %dma_wait3A_296 = tpu.memref_slice %arg13[%dma_wait3A_294, %dma_wait3A_295] : memref<256x64xf32, #tpu.memory_space<vmem>> -> memref<128x64xf32, #tpu.memory_space<vmem>>
      %dma_wait3A_297 = arith.constant 0 : i32
      %dma_wait3A_298 = tpu.memref_slice %arg9[%while3A_137, %dma_wait3A_297] : memref<2x128xi32, #tpu.memory_space<vmem>> -> memref<1x128xi32, #tpu.memory_space<vmem>>
      %dma_wait3A_299 = tpu.memref_squeeze %dma_wait3A_298 : memref<1x128xi32, #tpu.memory_space<vmem>> -> memref<128xi32, #tpu.memory_space<vmem>>
      %dma_wait3A_300 = arith.constant 0 : i32
      %dma_wait3A_301 = arith.constant 0 : i32
      %dma_wait3A_302 = tpu.memref_slice %arg3[%dma_wait3A_300, %dma_wait3A_301] : memref<10240x64xf32, #tpu.memory_space<hbm>> -> memref<10240x64xf32, #tpu.memory_space<hbm>>
      tpu.wait_indirect_dma semaphore(%arg15 : memref<!tpu.dma_semaphore, #tpu.memory_space<semaphore_mem>>) src(%dma_wait3A_302 : memref<10240x64xf32, #tpu.memory_space<hbm>>) dst(%dma_wait3A_296 : memref<128x64xf32, #tpu.memory_space<vmem>>)
      %dma_wait3A_303 = arith.constant 128 : i32
      %dma_wait3A_304 = arith.constant 0 : i32
      %dma_wait3A_305 = tpu.memref_slice %arg13[%dma_wait3A_303, %dma_wait3A_304] : memref<256x64xf32, #tpu.memory_space<vmem>> -> memref<128x64xf32, #tpu.memory_space<vmem>>
      %dma_wait3A_306 = arith.constant 0 : i32
      %dma_wait3A_307 = tpu.memref_slice %arg9[%while3A_138, %dma_wait3A_306] : memref<2x128xi32, #tpu.memory_space<vmem>> -> memref<1x128xi32, #tpu.memory_space<vmem>>
      %dma_wait3A_308 = tpu.memref_squeeze %dma_wait3A_307 : memref<1x128xi32, #tpu.memory_space<vmem>> -> memref<128xi32, #tpu.memory_space<vmem>>
      %dma_wait3A_309 = arith.constant 0 : i32
      %dma_wait3A_310 = arith.constant 0 : i32
      %dma_wait3A_311 = tpu.memref_slice %arg3[%dma_wait3A_309, %dma_wait3A_310] : memref<10240x64xf32, #tpu.memory_space<hbm>> -> memref<10240x64xf32, #tpu.memory_space<hbm>>
      tpu.wait_indirect_dma semaphore(%arg15 : memref<!tpu.dma_semaphore, #tpu.memory_space<semaphore_mem>>) src(%dma_wait3A_311 : memref<10240x64xf32, #tpu.memory_space<hbm>>) dst(%dma_wait3A_305 : memref<128x64xf32, #tpu.memory_space<vmem>>)
      "tpu.region"() ({
        %run_scoped3A = tpu.sem_alloc : memref<!tpu.dma_semaphore, #tpu.memory_space<semaphore_mem>>
        %dma_start3A_400 = arith.constant 0 : i32
        %dma_start3A_401 = tpu.memref_slice %arg6[%mul3A_276, %dma_start3A_400] : memref<327680x128xf32, #tpu.memory_space<hbm>> -> memref<256x64xf32, #tpu.memory_space<hbm>>
        %dma_start3A_402 = arith.constant 0 : i32
        %dma_start3A_403 = tpu.memref_slice %arg6[%mul3A_276, %dma_start3A_402] : memref<327680x128xf32, #tpu.memory_space<hbm>> -> memref<256x64xf32, #tpu.memory_space<hbm>>
        tpu.enqueue_dma source(%arg11 : memref<256x64xf32, #tpu.memory_space<vmem>>) target(%dma_start3A_403 : memref<256x64xf32, #tpu.memory_space<hbm>>) target_semaphore(%run_scoped3A : memref<!tpu.dma_semaphore, #tpu.memory_space<semaphore_mem>>)
        %dma_wait3A_404 = arith.constant 0 : i32
        %dma_wait3A_405 = tpu.memref_slice %arg6[%mul3A_276, %dma_wait3A_404] : memref<327680x128xf32, #tpu.memory_space<hbm>> -> memref<256x64xf32, #tpu.memory_space<hbm>>
        %dma_wait3A_406 = arith.constant 0 : i32
        %dma_wait3A_407 = tpu.memref_slice %arg6[%mul3A_276, %dma_wait3A_406] : memref<327680x128xf32, #tpu.memory_space<hbm>> -> memref<256x64xf32, #tpu.memory_space<hbm>>
        tpu.wait_dma2 semaphore(%run_scoped3A : memref<!tpu.dma_semaphore, #tpu.memory_space<semaphore_mem>>) src(%arg11 : memref<256x64xf32, #tpu.memory_space<vmem>>) dst(%dma_wait3A_407 : memref<256x64xf32, #tpu.memory_space<hbm>>)
        tpu.yield
      }) : () -> ()
      "tpu.region"() ({
        %run_scoped3A = tpu.sem_alloc : memref<!tpu.dma_semaphore, #tpu.memory_space<semaphore_mem>>
        %dma_start3A_400 = arith.constant 64 : i32
        %dma_start3A_401 = tpu.memref_slice %arg6[%mul3A_276, %dma_start3A_400] : memref<327680x128xf32, #tpu.memory_space<hbm>> -> memref<256x64xf32, #tpu.memory_space<hbm>>
        %dma_start3A_402 = arith.constant 64 : i32
        %dma_start3A_403 = tpu.memref_slice %arg6[%mul3A_276, %dma_start3A_402] : memref<327680x128xf32, #tpu.memory_space<hbm>> -> memref<256x64xf32, #tpu.memory_space<hbm>>
        tpu.enqueue_dma source(%arg13 : memref<256x64xf32, #tpu.memory_space<vmem>>) target(%dma_start3A_403 : memref<256x64xf32, #tpu.memory_space<hbm>>) target_semaphore(%run_scoped3A : memref<!tpu.dma_semaphore, #tpu.memory_space<semaphore_mem>>)
        %dma_wait3A_404 = arith.constant 64 : i32
        %dma_wait3A_405 = tpu.memref_slice %arg6[%mul3A_276, %dma_wait3A_404] : memref<327680x128xf32, #tpu.memory_space<hbm>> -> memref<256x64xf32, #tpu.memory_space<hbm>>
        %dma_wait3A_406 = arith.constant 64 : i32
        %dma_wait3A_407 = tpu.memref_slice %arg6[%mul3A_276, %dma_wait3A_406] : memref<327680x128xf32, #tpu.memory_space<hbm>> -> memref<256x64xf32, #tpu.memory_space<hbm>>
        tpu.wait_dma2 semaphore(%run_scoped3A : memref<!tpu.dma_semaphore, #tpu.memory_space<semaphore_mem>>) src(%arg13 : memref<256x64xf32, #tpu.memory_space<vmem>>) dst(%dma_wait3A_407 : memref<256x64xf32, #tpu.memory_space<hbm>>)
        tpu.yield
      }) : () -> ()
      %add3A_312 = arith.constant 2 : i32
      %add3A_313 = arith.addi %mul3A_150, %add3A_312 : i32
      %lt3A = arith.cmpi slt, %add3A_313, %select_n3A_31 : i32
      %convert_element_type3A = arith.extui %lt3A : i1 to i32
      %cond3A = arith.constant 0 : i32
      %cond3A_314 = arith.cmpi ne, %convert_element_type3A, %cond3A : i32
      scf.if %cond3A_314 {
        %add3A_400 = arith.constant 2 : i32
        %add3A_401 = arith.addi %mul3A_150, %add3A_400 : i32
        %eq3A_402 = arith.constant 0 : i32
        %eq3A_403 = arith.cmpi eq, %arg0, %eq3A_402 : i32
        %jit3A_404 = arith.constant 120 : i32
        %jit3A_405 = arith.constant 40 : i32
        %select_n3A_406 = arith.select %eq3A_403, %jit3A_404, %jit3A_405 : i32
        %eq3A_407 = arith.constant 0 : i32
        %eq3A_408 = arith.cmpi eq, %arg0, %eq3A_407 : i32
        %mul3A_409 = arith.constant 120 : i32
        %mul3A_410 = arith.muli %arg1, %mul3A_409 : i32
        %mul3A_411 = arith.constant 40 : i32
        %mul3A_412 = arith.muli %arg1, %mul3A_411 : i32
        %add3A_413 = arith.constant 1920 : i32
        %add3A_414 = arith.addi %add3A_413, %mul3A_412 : i32
        %select_n3A_415 = arith.select %eq3A_408, %mul3A_410, %add3A_414 : i32
        %mul3A_416 = arith.constant 2 : i32
        %mul3A_417 = arith.muli %add3A_401, %mul3A_416 : i32
        %add3A_418 = arith.addi %select_n3A_415, %mul3A_417 : i32
        %jit3A_419 = arith.constant 2 : i32
        %div3A_420 = arith.divsi %select_n3A_406, %jit3A_419 : i32
        %sign3A_421 = arith.constant 0 : i32
        %sign3A_422 = arith.cmpi sgt, %select_n3A_406, %sign3A_421 : i32
        %sign3A_423 = arith.extui %sign3A_422 : i1 to i32
        %sign3A_424 = arith.constant 0 : i32
        %sign3A_425 = arith.cmpi slt, %select_n3A_406, %sign3A_424 : i32
        %sign3A_426 = arith.extui %sign3A_425 : i1 to i32
        %sign3A_427 = arith.subi %sign3A_423, %sign3A_426 : i32
        %sign3A_428 = arith.constant 0 : i32
        %sign3A_429 = arith.cmpi sgt, %jit3A_419, %sign3A_428 : i32
        %sign3A_430 = arith.extui %sign3A_429 : i1 to i32
        %sign3A_431 = arith.constant 0 : i32
        %sign3A_432 = arith.cmpi slt, %jit3A_419, %sign3A_431 : i32
        %sign3A_433 = arith.extui %sign3A_432 : i1 to i32
        %sign3A_434 = arith.subi %sign3A_430, %sign3A_433 : i32
        %ne3A_435 = arith.cmpi ne, %sign3A_427, %sign3A_434 : i32
        %rem3A_436 = arith.remsi %select_n3A_406, %jit3A_419 : i32
        %ne3A_437 = arith.constant 0 : i32
        %ne3A_438 = arith.cmpi ne, %rem3A_436, %ne3A_437 : i32
        %and3A_439 = arith.andi %ne3A_435, %ne3A_438 : i1
        %sub3A_440 = arith.constant 1 : i32
        %sub3A_441 = arith.subi %div3A_420, %sub3A_440 : i32
        %select_n3A_442 = arith.select %and3A_439, %sub3A_441, %div3A_420 : i32
        "tpu.region"() ({
          %run_scoped3A = tpu.sem_alloc : memref<!tpu.dma_semaphore, #tpu.memory_space<semaphore_mem>>
          %dma_start3A_483 = arith.constant 0 : i32
          %dma_start3A_484 = tpu.memref_slice %arg4[%add3A_418, %dma_start3A_483] : memref<2560x128xi32, #tpu.memory_space<hbm>> -> memref<2x128xi32, #tpu.memory_space<hbm>>
          %dma_start3A_485 = arith.constant 0 : i32
          %dma_start3A_486 = tpu.memref_slice %arg4[%add3A_418, %dma_start3A_485] : memref<2560x128xi32, #tpu.memory_space<hbm>> -> memref<2x128xi32, #tpu.memory_space<hbm>>
          tpu.enqueue_dma source(%dma_start3A_486 : memref<2x128xi32, #tpu.memory_space<hbm>>) target(%arg7 : memref<2x128xi32, #tpu.memory_space<vmem>>) target_semaphore(%run_scoped3A : memref<!tpu.dma_semaphore, #tpu.memory_space<semaphore_mem>>)
          %dma_wait3A_487 = arith.constant 0 : i32
          %dma_wait3A_488 = tpu.memref_slice %arg4[%add3A_418, %dma_wait3A_487] : memref<2560x128xi32, #tpu.memory_space<hbm>> -> memref<2x128xi32, #tpu.memory_space<hbm>>
          %dma_wait3A_489 = arith.constant 0 : i32
          %dma_wait3A_490 = tpu.memref_slice %arg4[%add3A_418, %dma_wait3A_489] : memref<2560x128xi32, #tpu.memory_space<hbm>> -> memref<2x128xi32, #tpu.memory_space<hbm>>
          tpu.wait_dma2 semaphore(%run_scoped3A : memref<!tpu.dma_semaphore, #tpu.memory_space<semaphore_mem>>) src(%dma_wait3A_490 : memref<2x128xi32, #tpu.memory_space<hbm>>) dst(%arg7 : memref<2x128xi32, #tpu.memory_space<vmem>>)
          tpu.yield
        }) : () -> ()
        "tpu.region"() ({
          %run_scoped3A = tpu.sem_alloc : memref<!tpu.dma_semaphore, #tpu.memory_space<semaphore_mem>>
          %dma_start3A_483 = arith.constant 0 : i32
          %dma_start3A_484 = tpu.memref_slice %arg5[%add3A_418, %dma_start3A_483] : memref<2560x128xi32, #tpu.memory_space<hbm>> -> memref<2x128xi32, #tpu.memory_space<hbm>>
          %dma_start3A_485 = arith.constant 0 : i32
          %dma_start3A_486 = tpu.memref_slice %arg5[%add3A_418, %dma_start3A_485] : memref<2560x128xi32, #tpu.memory_space<hbm>> -> memref<2x128xi32, #tpu.memory_space<hbm>>
          tpu.enqueue_dma source(%dma_start3A_486 : memref<2x128xi32, #tpu.memory_space<hbm>>) target(%arg9 : memref<2x128xi32, #tpu.memory_space<vmem>>) target_semaphore(%run_scoped3A : memref<!tpu.dma_semaphore, #tpu.memory_space<semaphore_mem>>)
          %dma_wait3A_487 = arith.constant 0 : i32
          %dma_wait3A_488 = tpu.memref_slice %arg5[%add3A_418, %dma_wait3A_487] : memref<2560x128xi32, #tpu.memory_space<hbm>> -> memref<2x128xi32, #tpu.memory_space<hbm>>
          %dma_wait3A_489 = arith.constant 0 : i32
          %dma_wait3A_490 = tpu.memref_slice %arg5[%add3A_418, %dma_wait3A_489] : memref<2560x128xi32, #tpu.memory_space<hbm>> -> memref<2x128xi32, #tpu.memory_space<hbm>>
          tpu.wait_dma2 semaphore(%run_scoped3A : memref<!tpu.dma_semaphore, #tpu.memory_space<semaphore_mem>>) src(%dma_wait3A_490 : memref<2x128xi32, #tpu.memory_space<hbm>>) dst(%arg9 : memref<2x128xi32, #tpu.memory_space<vmem>>)
          tpu.yield
        }) : () -> ()
        %dma_start3A_443 = arith.constant 0 : i32
        %dma_start3A_444 = arith.constant 0 : i32
        %dma_start3A_445 = arith.constant 0 : i32
        %dma_start3A_446 = tpu.memref_slice %arg11[%dma_start3A_444, %dma_start3A_445] : memref<256x64xf32, #tpu.memory_space<vmem>> -> memref<128x64xf32, #tpu.memory_space<vmem>>
        %dma_start3A_447 = arith.constant 0 : i32
        %dma_start3A_448 = tpu.memref_slice %arg7[%dma_start3A_443, %dma_start3A_447] : memref<2x128xi32, #tpu.memory_space<vmem>> -> memref<1x128xi32, #tpu.memory_space<vmem>>
        %dma_start3A_449 = tpu.memref_squeeze %dma_start3A_448 : memref<1x128xi32, #tpu.memory_space<vmem>> -> memref<128xi32, #tpu.memory_space<vmem>>
        %dma_start3A_450 = arith.constant 0 : i32
        %dma_start3A_451 = arith.constant 0 : i32
        %dma_start3A_452 = tpu.memref_slice %arg2[%dma_start3A_450, %dma_start3A_451] : memref<10240x64xf32, #tpu.memory_space<hbm>> -> memref<10240x64xf32, #tpu.memory_space<hbm>>
        tpu.enqueue_indirect_dma source(%dma_start3A_452 : memref<10240x64xf32, #tpu.memory_space<hbm>>) target(%dma_start3A_446 : memref<128x64xf32, #tpu.memory_space<vmem>>) offsets(%dma_start3A_449 : memref<128xi32, #tpu.memory_space<vmem>>) semaphore(%arg15 : memref<!tpu.dma_semaphore, #tpu.memory_space<semaphore_mem>>)
        %dma_start3A_453 = arith.constant 1 : i32
        %dma_start3A_454 = arith.constant 128 : i32
        %dma_start3A_455 = arith.constant 0 : i32
        %dma_start3A_456 = tpu.memref_slice %arg11[%dma_start3A_454, %dma_start3A_455] : memref<256x64xf32, #tpu.memory_space<vmem>> -> memref<128x64xf32, #tpu.memory_space<vmem>>
        %dma_start3A_457 = arith.constant 0 : i32
        %dma_start3A_458 = tpu.memref_slice %arg7[%dma_start3A_453, %dma_start3A_457] : memref<2x128xi32, #tpu.memory_space<vmem>> -> memref<1x128xi32, #tpu.memory_space<vmem>>
        %dma_start3A_459 = tpu.memref_squeeze %dma_start3A_458 : memref<1x128xi32, #tpu.memory_space<vmem>> -> memref<128xi32, #tpu.memory_space<vmem>>
        %dma_start3A_460 = arith.constant 0 : i32
        %dma_start3A_461 = arith.constant 0 : i32
        %dma_start3A_462 = tpu.memref_slice %arg2[%dma_start3A_460, %dma_start3A_461] : memref<10240x64xf32, #tpu.memory_space<hbm>> -> memref<10240x64xf32, #tpu.memory_space<hbm>>
        tpu.enqueue_indirect_dma source(%dma_start3A_462 : memref<10240x64xf32, #tpu.memory_space<hbm>>) target(%dma_start3A_456 : memref<128x64xf32, #tpu.memory_space<vmem>>) offsets(%dma_start3A_459 : memref<128xi32, #tpu.memory_space<vmem>>) semaphore(%arg15 : memref<!tpu.dma_semaphore, #tpu.memory_space<semaphore_mem>>)
        %dma_start3A_463 = arith.constant 0 : i32
        %dma_start3A_464 = arith.constant 0 : i32
        %dma_start3A_465 = arith.constant 0 : i32
        %dma_start3A_466 = tpu.memref_slice %arg13[%dma_start3A_464, %dma_start3A_465] : memref<256x64xf32, #tpu.memory_space<vmem>> -> memref<128x64xf32, #tpu.memory_space<vmem>>
        %dma_start3A_467 = arith.constant 0 : i32
        %dma_start3A_468 = tpu.memref_slice %arg9[%dma_start3A_463, %dma_start3A_467] : memref<2x128xi32, #tpu.memory_space<vmem>> -> memref<1x128xi32, #tpu.memory_space<vmem>>
        %dma_start3A_469 = tpu.memref_squeeze %dma_start3A_468 : memref<1x128xi32, #tpu.memory_space<vmem>> -> memref<128xi32, #tpu.memory_space<vmem>>
        %dma_start3A_470 = arith.constant 0 : i32
        %dma_start3A_471 = arith.constant 0 : i32
        %dma_start3A_472 = tpu.memref_slice %arg3[%dma_start3A_470, %dma_start3A_471] : memref<10240x64xf32, #tpu.memory_space<hbm>> -> memref<10240x64xf32, #tpu.memory_space<hbm>>
        tpu.enqueue_indirect_dma source(%dma_start3A_472 : memref<10240x64xf32, #tpu.memory_space<hbm>>) target(%dma_start3A_466 : memref<128x64xf32, #tpu.memory_space<vmem>>) offsets(%dma_start3A_469 : memref<128xi32, #tpu.memory_space<vmem>>) semaphore(%arg15 : memref<!tpu.dma_semaphore, #tpu.memory_space<semaphore_mem>>)
        %dma_start3A_473 = arith.constant 1 : i32
        %dma_start3A_474 = arith.constant 128 : i32
        %dma_start3A_475 = arith.constant 0 : i32
        %dma_start3A_476 = tpu.memref_slice %arg13[%dma_start3A_474, %dma_start3A_475] : memref<256x64xf32, #tpu.memory_space<vmem>> -> memref<128x64xf32, #tpu.memory_space<vmem>>
        %dma_start3A_477 = arith.constant 0 : i32
        %dma_start3A_478 = tpu.memref_slice %arg9[%dma_start3A_473, %dma_start3A_477] : memref<2x128xi32, #tpu.memory_space<vmem>> -> memref<1x128xi32, #tpu.memory_space<vmem>>
        %dma_start3A_479 = tpu.memref_squeeze %dma_start3A_478 : memref<1x128xi32, #tpu.memory_space<vmem>> -> memref<128xi32, #tpu.memory_space<vmem>>
        %dma_start3A_480 = arith.constant 0 : i32
        %dma_start3A_481 = arith.constant 0 : i32
        %dma_start3A_482 = tpu.memref_slice %arg3[%dma_start3A_480, %dma_start3A_481] : memref<10240x64xf32, #tpu.memory_space<hbm>> -> memref<10240x64xf32, #tpu.memory_space<hbm>>
        tpu.enqueue_indirect_dma source(%dma_start3A_482 : memref<10240x64xf32, #tpu.memory_space<hbm>>) target(%dma_start3A_476 : memref<128x64xf32, #tpu.memory_space<vmem>>) offsets(%dma_start3A_479 : memref<128xi32, #tpu.memory_space<vmem>>) semaphore(%arg15 : memref<!tpu.dma_semaphore, #tpu.memory_space<semaphore_mem>>)
      } else {
      }
      %add3A_315 = arith.constant 1 : i32
      %add3A_316 = arith.addi %mul3A_150, %add3A_315 : i32
      %eq3A_317 = arith.constant 0 : i32
      %eq3A_318 = arith.cmpi eq, %arg0, %eq3A_317 : i32
      %jit3A_319 = arith.constant 120 : i32
      %jit3A_320 = arith.constant 40 : i32
      %select_n3A_321 = arith.select %eq3A_318, %jit3A_319, %jit3A_320 : i32
      %eq3A_322 = arith.constant 0 : i32
      %eq3A_323 = arith.cmpi eq, %arg0, %eq3A_322 : i32
      %mul3A_324 = arith.constant 120 : i32
      %mul3A_325 = arith.muli %arg1, %mul3A_324 : i32
      %mul3A_326 = arith.constant 40 : i32
      %mul3A_327 = arith.muli %arg1, %mul3A_326 : i32
      %add3A_328 = arith.constant 1920 : i32
      %add3A_329 = arith.addi %add3A_328, %mul3A_327 : i32
      %select_n3A_330 = arith.select %eq3A_323, %mul3A_325, %add3A_329 : i32
      %mul3A_331 = arith.constant 2 : i32
      %mul3A_332 = arith.muli %add3A_316, %mul3A_331 : i32
      %add3A_333 = arith.addi %select_n3A_330, %mul3A_332 : i32
      %jit3A_334 = arith.constant 2 : i32
      %div3A_335 = arith.divsi %select_n3A_321, %jit3A_334 : i32
      %sign3A_336 = arith.constant 0 : i32
      %sign3A_337 = arith.cmpi sgt, %select_n3A_321, %sign3A_336 : i32
      %sign3A_338 = arith.extui %sign3A_337 : i1 to i32
      %sign3A_339 = arith.constant 0 : i32
      %sign3A_340 = arith.cmpi slt, %select_n3A_321, %sign3A_339 : i32
      %sign3A_341 = arith.extui %sign3A_340 : i1 to i32
      %sign3A_342 = arith.subi %sign3A_338, %sign3A_341 : i32
      %sign3A_343 = arith.constant 0 : i32
      %sign3A_344 = arith.cmpi sgt, %jit3A_334, %sign3A_343 : i32
      %sign3A_345 = arith.extui %sign3A_344 : i1 to i32
      %sign3A_346 = arith.constant 0 : i32
      %sign3A_347 = arith.cmpi slt, %jit3A_334, %sign3A_346 : i32
      %sign3A_348 = arith.extui %sign3A_347 : i1 to i32
      %sign3A_349 = arith.subi %sign3A_345, %sign3A_348 : i32
      %ne3A_350 = arith.cmpi ne, %sign3A_342, %sign3A_349 : i32
      %rem3A_351 = arith.remsi %select_n3A_321, %jit3A_334 : i32
      %ne3A_352 = arith.constant 0 : i32
      %ne3A_353 = arith.cmpi ne, %rem3A_351, %ne3A_352 : i32
      %and3A_354 = arith.andi %ne3A_350, %ne3A_353 : i1
      %sub3A_355 = arith.constant 1 : i32
      %sub3A_356 = arith.subi %div3A_335, %sub3A_355 : i32
      %select_n3A_357 = arith.select %and3A_354, %sub3A_356, %div3A_335 : i32
      %mul3A_358 = arith.constant 128 : i32
      %mul3A_359 = arith.muli %add3A_333, %mul3A_358 : i32
      %dma_wait3A_360 = arith.constant 0 : i32
      %dma_wait3A_361 = arith.constant 0 : i32
      %dma_wait3A_362 = arith.constant 0 : i32
      %dma_wait3A_363 = tpu.memref_slice %arg12[%dma_wait3A_361, %dma_wait3A_362] : memref<256x64xf32, #tpu.memory_space<vmem>> -> memref<128x64xf32, #tpu.memory_space<vmem>>
      %dma_wait3A_364 = arith.constant 0 : i32
      %dma_wait3A_365 = tpu.memref_slice %arg8[%dma_wait3A_360, %dma_wait3A_364] : memref<2x128xi32, #tpu.memory_space<vmem>> -> memref<1x128xi32, #tpu.memory_space<vmem>>
      %dma_wait3A_366 = tpu.memref_squeeze %dma_wait3A_365 : memref<1x128xi32, #tpu.memory_space<vmem>> -> memref<128xi32, #tpu.memory_space<vmem>>
      %dma_wait3A_367 = arith.constant 0 : i32
      %dma_wait3A_368 = arith.constant 0 : i32
      %dma_wait3A_369 = tpu.memref_slice %arg2[%dma_wait3A_367, %dma_wait3A_368] : memref<10240x64xf32, #tpu.memory_space<hbm>> -> memref<10240x64xf32, #tpu.memory_space<hbm>>
      tpu.wait_indirect_dma semaphore(%arg16 : memref<!tpu.dma_semaphore, #tpu.memory_space<semaphore_mem>>) src(%dma_wait3A_369 : memref<10240x64xf32, #tpu.memory_space<hbm>>) dst(%dma_wait3A_363 : memref<128x64xf32, #tpu.memory_space<vmem>>)
      %dma_wait3A_370 = arith.constant 1 : i32
      %dma_wait3A_371 = arith.constant 128 : i32
      %dma_wait3A_372 = arith.constant 0 : i32
      %dma_wait3A_373 = tpu.memref_slice %arg12[%dma_wait3A_371, %dma_wait3A_372] : memref<256x64xf32, #tpu.memory_space<vmem>> -> memref<128x64xf32, #tpu.memory_space<vmem>>
      %dma_wait3A_374 = arith.constant 0 : i32
      %dma_wait3A_375 = tpu.memref_slice %arg8[%dma_wait3A_370, %dma_wait3A_374] : memref<2x128xi32, #tpu.memory_space<vmem>> -> memref<1x128xi32, #tpu.memory_space<vmem>>
      %dma_wait3A_376 = tpu.memref_squeeze %dma_wait3A_375 : memref<1x128xi32, #tpu.memory_space<vmem>> -> memref<128xi32, #tpu.memory_space<vmem>>
      %dma_wait3A_377 = arith.constant 0 : i32
      %dma_wait3A_378 = arith.constant 0 : i32
      %dma_wait3A_379 = tpu.memref_slice %arg2[%dma_wait3A_377, %dma_wait3A_378] : memref<10240x64xf32, #tpu.memory_space<hbm>> -> memref<10240x64xf32, #tpu.memory_space<hbm>>
      tpu.wait_indirect_dma semaphore(%arg16 : memref<!tpu.dma_semaphore, #tpu.memory_space<semaphore_mem>>) src(%dma_wait3A_379 : memref<10240x64xf32, #tpu.memory_space<hbm>>) dst(%dma_wait3A_373 : memref<128x64xf32, #tpu.memory_space<vmem>>)
      %dma_wait3A_380 = arith.constant 0 : i32
      %dma_wait3A_381 = arith.constant 0 : i32
      %dma_wait3A_382 = arith.constant 0 : i32
      %dma_wait3A_383 = tpu.memref_slice %arg14[%dma_wait3A_381, %dma_wait3A_382] : memref<256x64xf32, #tpu.memory_space<vmem>> -> memref<128x64xf32, #tpu.memory_space<vmem>>
      %dma_wait3A_384 = arith.constant 0 : i32
      %dma_wait3A_385 = tpu.memref_slice %arg10[%dma_wait3A_380, %dma_wait3A_384] : memref<2x128xi32, #tpu.memory_space<vmem>> -> memref<1x128xi32, #tpu.memory_space<vmem>>
      %dma_wait3A_386 = tpu.memref_squeeze %dma_wait3A_385 : memref<1x128xi32, #tpu.memory_space<vmem>> -> memref<128xi32, #tpu.memory_space<vmem>>
      %dma_wait3A_387 = arith.constant 0 : i32
      %dma_wait3A_388 = arith.constant 0 : i32
      %dma_wait3A_389 = tpu.memref_slice %arg3[%dma_wait3A_387, %dma_wait3A_388] : memref<10240x64xf32, #tpu.memory_space<hbm>> -> memref<10240x64xf32, #tpu.memory_space<hbm>>
      tpu.wait_indirect_dma semaphore(%arg16 : memref<!tpu.dma_semaphore, #tpu.memory_space<semaphore_mem>>) src(%dma_wait3A_389 : memref<10240x64xf32, #tpu.memory_space<hbm>>) dst(%dma_wait3A_383 : memref<128x64xf32, #tpu.memory_space<vmem>>)
      %dma_wait3A_390 = arith.constant 1 : i32
      %dma_wait3A_391 = arith.constant 128 : i32
      %dma_wait3A_392 = arith.constant 0 : i32
      %dma_wait3A_393 = tpu.memref_slice %arg14[%dma_wait3A_391, %dma_wait3A_392] : memref<256x64xf32, #tpu.memory_space<vmem>> -> memref<128x64xf32, #tpu.memory_space<vmem>>
      %dma_wait3A_394 = arith.constant 0 : i32
      %dma_wait3A_395 = tpu.memref_slice %arg10[%dma_wait3A_390, %dma_wait3A_394] : memref<2x128xi32, #tpu.memory_space<vmem>> -> memref<1x128xi32, #tpu.memory_space<vmem>>
      %dma_wait3A_396 = tpu.memref_squeeze %dma_wait3A_395 : memref<1x128xi32, #tpu.memory_space<vmem>> -> memref<128xi32, #tpu.memory_space<vmem>>
      %dma_wait3A_397 = arith.constant 0 : i32
      %dma_wait3A_398 = arith.constant 0 : i32
      %dma_wait3A_399 = tpu.memref_slice %arg3[%dma_wait3A_397, %dma_wait3A_398] : memref<10240x64xf32, #tpu.memory_space<hbm>> -> memref<10240x64xf32, #tpu.memory_space<hbm>>
      tpu.wait_indirect_dma semaphore(%arg16 : memref<!tpu.dma_semaphore, #tpu.memory_space<semaphore_mem>>) src(%dma_wait3A_399 : memref<10240x64xf32, #tpu.memory_space<hbm>>) dst(%dma_wait3A_393 : memref<128x64xf32, #tpu.memory_space<vmem>>)
      "tpu.region"() ({
        %run_scoped3A = tpu.sem_alloc : memref<!tpu.dma_semaphore, #tpu.memory_space<semaphore_mem>>
        %dma_start3A_400 = arith.constant 0 : i32
        %dma_start3A_401 = tpu.memref_slice %arg6[%mul3A_359, %dma_start3A_400] : memref<327680x128xf32, #tpu.memory_space<hbm>> -> memref<256x64xf32, #tpu.memory_space<hbm>>
        %dma_start3A_402 = arith.constant 0 : i32
        %dma_start3A_403 = tpu.memref_slice %arg6[%mul3A_359, %dma_start3A_402] : memref<327680x128xf32, #tpu.memory_space<hbm>> -> memref<256x64xf32, #tpu.memory_space<hbm>>
        tpu.enqueue_dma source(%arg12 : memref<256x64xf32, #tpu.memory_space<vmem>>) target(%dma_start3A_403 : memref<256x64xf32, #tpu.memory_space<hbm>>) target_semaphore(%run_scoped3A : memref<!tpu.dma_semaphore, #tpu.memory_space<semaphore_mem>>)
        %dma_wait3A_404 = arith.constant 0 : i32
        %dma_wait3A_405 = tpu.memref_slice %arg6[%mul3A_359, %dma_wait3A_404] : memref<327680x128xf32, #tpu.memory_space<hbm>> -> memref<256x64xf32, #tpu.memory_space<hbm>>
        %dma_wait3A_406 = arith.constant 0 : i32
        %dma_wait3A_407 = tpu.memref_slice %arg6[%mul3A_359, %dma_wait3A_406] : memref<327680x128xf32, #tpu.memory_space<hbm>> -> memref<256x64xf32, #tpu.memory_space<hbm>>
        tpu.wait_dma2 semaphore(%run_scoped3A : memref<!tpu.dma_semaphore, #tpu.memory_space<semaphore_mem>>) src(%arg12 : memref<256x64xf32, #tpu.memory_space<vmem>>) dst(%dma_wait3A_407 : memref<256x64xf32, #tpu.memory_space<hbm>>)
        tpu.yield
      }) : () -> ()
      "tpu.region"() ({
        %run_scoped3A = tpu.sem_alloc : memref<!tpu.dma_semaphore, #tpu.memory_space<semaphore_mem>>
        %dma_start3A_400 = arith.constant 64 : i32
        %dma_start3A_401 = tpu.memref_slice %arg6[%mul3A_359, %dma_start3A_400] : memref<327680x128xf32, #tpu.memory_space<hbm>> -> memref<256x64xf32, #tpu.memory_space<hbm>>
        %dma_start3A_402 = arith.constant 64 : i32
        %dma_start3A_403 = tpu.memref_slice %arg6[%mul3A_359, %dma_start3A_402] : memref<327680x128xf32, #tpu.memory_space<hbm>> -> memref<256x64xf32, #tpu.memory_space<hbm>>
        tpu.enqueue_dma source(%arg14 : memref<256x64xf32, #tpu.memory_space<vmem>>) target(%dma_start3A_403 : memref<256x64xf32, #tpu.memory_space<hbm>>) target_semaphore(%run_scoped3A : memref<!tpu.dma_semaphore, #tpu.memory_space<semaphore_mem>>)
        %dma_wait3A_404 = arith.constant 64 : i32
        %dma_wait3A_405 = tpu.memref_slice %arg6[%mul3A_359, %dma_wait3A_404] : memref<327680x128xf32, #tpu.memory_space<hbm>> -> memref<256x64xf32, #tpu.memory_space<hbm>>
        %dma_wait3A_406 = arith.constant 64 : i32
        %dma_wait3A_407 = tpu.memref_slice %arg6[%mul3A_359, %dma_wait3A_406] : memref<327680x128xf32, #tpu.memory_space<hbm>> -> memref<256x64xf32, #tpu.memory_space<hbm>>
        tpu.wait_dma2 semaphore(%run_scoped3A : memref<!tpu.dma_semaphore, #tpu.memory_space<semaphore_mem>>) src(%arg14 : memref<256x64xf32, #tpu.memory_space<vmem>>) dst(%dma_wait3A_407 : memref<256x64xf32, #tpu.memory_space<hbm>>)
        tpu.yield
      }) : () -> ()
    }
    return
  }
}

module attributes {stable_mosaic.version = 14 : i64} {
  func.func @_tc1_body(%arg0: memref<10240x1xf32, #tpu.memory_space<vmem>>, %arg1: memref<10240x1xf32, #tpu.memory_space<vmem>>, %arg2: memref<10240x128xf32, #tpu.memory_space<vmem>>, %arg3: memref<128x64xf32, #tpu.memory_space<vmem>>, %arg4: memref<10240x1xf32, #tpu.memory_space<vmem>>, %arg5: memref<10240x64xf32, #tpu.memory_space<vmem>>) attributes {dimension_semantics = [], scalar_prefetch = 0 : i64, scratch_operands = 0 : i64, tpu.core_type = #tpu.core_type<tc>} {
    %get3A = arith.constant 0 : index
    %get3A_0 = arith.constant 0 : index
    %get3A_1 = vector.load %arg0[%get3A, %get3A_0] : memref<10240x1xf32, #tpu.memory_space<vmem>>, vector<10240x1xf32>
    %get3A_2 = arith.constant 0 : index
    %get3A_3 = arith.constant 0 : index
    %get3A_4 = vector.load %arg1[%get3A_2, %get3A_3] : memref<10240x1xf32, #tpu.memory_space<vmem>>, vector<10240x1xf32>
    %add3A = arith.addf %get3A_1, %get3A_4 : vector<10240x1xf32>
    %add3A_5 = arith.constant 1.000000e+00 : f32
    %add3A_6 = vector.broadcast %add3A_5 : f32 to vector<10240x1xf32>
    %add3A_7 = arith.addf %add3A, %add3A_6 : vector<10240x1xf32>
    %rsqrt3A = math.rsqrt %add3A_7 : vector<10240x1xf32>
    %swap3A = arith.constant 0 : index
    %swap3A_8 = arith.constant 0 : index
    %swap3A_9 = vector.load %arg4[%swap3A, %swap3A_8] : memref<10240x1xf32, #tpu.memory_space<vmem>>, vector<10240x1xf32>
    tpu.vector_store %arg4[%swap3A, %swap3A_8], %rsqrt3A {strides = array<i32>} : memref<10240x1xf32, #tpu.memory_space<vmem>>, vector<10240x1xf32>,
    %get3A_10 = arith.constant 0 : index
    %get3A_11 = arith.constant 0 : index
    %get3A_12 = vector.load %arg2[%get3A_10, %get3A_11] : memref<10240x128xf32, #tpu.memory_space<vmem>>, vector<10240x128xf32>
    %get3A_13 = arith.constant 0 : index
    %get3A_14 = arith.constant 0 : index
    %get3A_15 = vector.load %arg3[%get3A_13, %get3A_14] : memref<128x64xf32, #tpu.memory_space<vmem>>, vector<128x64xf32>
    %dot_general3A = arith.constant dense<0.000000e+00> : vector<10240x64xf32>
    %dot_general3A_16 = tpu.matmul %get3A_12, %get3A_15, %dot_general3A {dimension_numbers = #tpu.dot_dimension_numbers<[1], [0], [0], [1], [0, 0, 1, 1], [], []>, transpose_lhs_hint = false} : vector<10240x128xf32>, vector<128x64xf32>, vector<10240x64xf32> -> vector<10240x64xf32>
    %mul3A = vector.broadcast %rsqrt3A : vector<10240x1xf32> to vector<10240x64xf32>
    %mul3A_17 = arith.mulf %dot_general3A_16, %mul3A : vector<10240x64xf32>
    %swap3A_18 = arith.constant 0 : index
    %swap3A_19 = arith.constant 0 : index
    %swap3A_20 = vector.load %arg5[%swap3A_18, %swap3A_19] : memref<10240x64xf32, #tpu.memory_space<vmem>>, vector<10240x64xf32>
    tpu.vector_store %arg5[%swap3A_18, %swap3A_19], %mul3A_17 {strides = array<i32>} : memref<10240x64xf32, #tpu.memory_space<vmem>>, vector<10240x64xf32>,
    return
  }
}

module attributes {stable_mosaic.version = 14 : i64} {
  func.func @_tc2_body(%arg0: memref<10240x64xf32, #tpu.memory_space<vmem>>, %arg1: memref<10240x64xf32, #tpu.memory_space<vmem>>, %arg2: memref<10240x64xf32, #tpu.memory_space<vmem>>, %arg3: memref<10240x1xf32, #tpu.memory_space<vmem>>, %arg4: memref<64x64xf32, #tpu.memory_space<vmem>>, %arg5: memref<1x64xf32, #tpu.memory_space<vmem>>, %arg6: memref<10240x64xf32, #tpu.memory_space<vmem>>) attributes {dimension_semantics = [], scalar_prefetch = 0 : i64, scratch_operands = 0 : i64, tpu.core_type = #tpu.core_type<tc>} {
    %get3A = arith.constant 0 : index
    %get3A_0 = arith.constant 0 : index
    %get3A_1 = vector.load %arg3[%get3A, %get3A_0] : memref<10240x1xf32, #tpu.memory_space<vmem>>, vector<10240x1xf32>
    %get3A_2 = arith.constant 0 : index
    %get3A_3 = arith.constant 0 : index
    %get3A_4 = vector.load %arg0[%get3A_2, %get3A_3] : memref<10240x64xf32, #tpu.memory_space<vmem>>, vector<10240x64xf32>
    %get3A_5 = arith.constant 0 : index
    %get3A_6 = arith.constant 0 : index
    %get3A_7 = vector.load %arg1[%get3A_5, %get3A_6] : memref<10240x64xf32, #tpu.memory_space<vmem>>, vector<10240x64xf32>
    %add3A = arith.addf %get3A_4, %get3A_7 : vector<10240x64xf32>
    %get3A_8 = arith.constant 0 : index
    %get3A_9 = arith.constant 0 : index
    %get3A_10 = vector.load %arg2[%get3A_8, %get3A_9] : memref<10240x64xf32, #tpu.memory_space<vmem>>, vector<10240x64xf32>
    %add3A_11 = arith.addf %add3A, %get3A_10 : vector<10240x64xf32>
    %mul3A = vector.broadcast %get3A_1 : vector<10240x1xf32> to vector<10240x64xf32>
    %mul3A_12 = arith.mulf %mul3A, %add3A_11 : vector<10240x64xf32>
    %get3A_13 = arith.constant 0 : index
    %get3A_14 = arith.constant 0 : index
    %get3A_15 = vector.load %arg5[%get3A_13, %get3A_14] : memref<1x64xf32, #tpu.memory_space<vmem>>, vector<1x64xf32>
    %add3A_16 = vector.broadcast %get3A_15 : vector<1x64xf32> to vector<10240x64xf32>
    %add3A_17 = arith.addf %mul3A_12, %add3A_16 : vector<10240x64xf32>
    %max3A = arith.constant 0.000000e+00 : f32
    %max3A_18 = vector.broadcast %max3A : f32 to vector<10240x64xf32>
    %max3A_19 = arith.maximumf %add3A_17, %max3A_18 : vector<10240x64xf32>
    %get3A_20 = arith.constant 0 : index
    %get3A_21 = arith.constant 0 : index
    %get3A_22 = vector.load %arg4[%get3A_20, %get3A_21] : memref<64x64xf32, #tpu.memory_space<vmem>>, vector<64x64xf32>
    %dot_general3A = arith.constant dense<0.000000e+00> : vector<10240x64xf32>
    %dot_general3A_23 = tpu.matmul %max3A_19, %get3A_22, %dot_general3A {dimension_numbers = #tpu.dot_dimension_numbers<[1], [0], [0], [1], [0, 0, 1, 1], [], []>, transpose_lhs_hint = false} : vector<10240x64xf32>, vector<64x64xf32>, vector<10240x64xf32> -> vector<10240x64xf32>
    %mul3A_24 = vector.broadcast %get3A_1 : vector<10240x1xf32> to vector<10240x64xf32>
    %mul3A_25 = arith.mulf %dot_general3A_23, %mul3A_24 : vector<10240x64xf32>
    %swap3A = arith.constant 0 : index
    %swap3A_26 = arith.constant 0 : index
    %swap3A_27 = vector.load %arg6[%swap3A, %swap3A_26] : memref<10240x64xf32, #tpu.memory_space<vmem>>, vector<10240x64xf32>
    tpu.vector_store %arg6[%swap3A, %swap3A_26], %mul3A_25 {strides = array<i32>} : memref<10240x64xf32, #tpu.memory_space<vmem>>, vector<10240x64xf32>,
    return
  }
}

module attributes {stable_mosaic.version = 14 : i64} {
  func.func @_tc3_body(%arg0: memref<10240x64xf32, #tpu.memory_space<vmem>>, %arg1: memref<10240x64xf32, #tpu.memory_space<vmem>>, %arg2: memref<10240x64xf32, #tpu.memory_space<vmem>>, %arg3: memref<10240x1xf32, #tpu.memory_space<vmem>>, %arg4: memref<128x64xf32, #tpu.memory_space<vmem>>, %arg5: memref<1x64xf32, #tpu.memory_space<vmem>>, %arg6: memref<1x64xf32, #tpu.memory_space<vmem>>, %arg7: memref<10240x64xf32, #tpu.memory_space<vmem>>, %arg8: memref<10240x64xf32, #tpu.memory_space<vmem>>) attributes {dimension_semantics = [], scalar_prefetch = 0 : i64, scratch_operands = 0 : i64, tpu.core_type = #tpu.core_type<tc>} {
    %get3A = arith.constant 0 : index
    %get3A_0 = arith.constant 0 : index
    %get3A_1 = vector.load %arg3[%get3A, %get3A_0] : memref<10240x1xf32, #tpu.memory_space<vmem>>, vector<10240x1xf32>
    %get3A_2 = arith.constant 0 : index
    %get3A_3 = arith.constant 0 : index
    %get3A_4 = vector.load %arg0[%get3A_2, %get3A_3] : memref<10240x64xf32, #tpu.memory_space<vmem>>, vector<10240x64xf32>
    %get3A_5 = arith.constant 0 : index
    %get3A_6 = arith.constant 0 : index
    %get3A_7 = vector.load %arg1[%get3A_5, %get3A_6] : memref<10240x64xf32, #tpu.memory_space<vmem>>, vector<10240x64xf32>
    %add3A = arith.addf %get3A_4, %get3A_7 : vector<10240x64xf32>
    %get3A_8 = arith.constant 0 : index
    %get3A_9 = arith.constant 0 : index
    %get3A_10 = vector.load %arg2[%get3A_8, %get3A_9] : memref<10240x64xf32, #tpu.memory_space<vmem>>, vector<10240x64xf32>
    %add3A_11 = arith.addf %add3A, %get3A_10 : vector<10240x64xf32>
    %mul3A = vector.broadcast %get3A_1 : vector<10240x1xf32> to vector<10240x64xf32>
    %mul3A_12 = arith.mulf %mul3A, %add3A_11 : vector<10240x64xf32>
    %get3A_13 = arith.constant 0 : index
    %get3A_14 = arith.constant 0 : index
    %get3A_15 = vector.load %arg5[%get3A_13, %get3A_14] : memref<1x64xf32, #tpu.memory_space<vmem>>, vector<1x64xf32>
    %add3A_16 = vector.broadcast %get3A_15 : vector<1x64xf32> to vector<10240x64xf32>
    %add3A_17 = arith.addf %mul3A_12, %add3A_16 : vector<10240x64xf32>
    %get3A_18 = arith.constant 0 : index
    %get3A_19 = arith.constant 0 : index
    %get3A_20 = vector.load %arg4[%get3A_18, %get3A_19] : memref<128x64xf32, #tpu.memory_space<vmem>>, vector<128x64xf32>
    %slice3A = vector.extract_strided_slice %get3A_20 {offsets = [0, 0], sizes = [64, 64], strides = [1, 1]} : vector<128x64xf32> to vector<64x64xf32>
    %dot_general3A = arith.constant dense<0.000000e+00> : vector<10240x64xf32>
    %dot_general3A_21 = tpu.matmul %add3A_17, %slice3A, %dot_general3A {dimension_numbers = #tpu.dot_dimension_numbers<[1], [0], [0], [1], [0, 0, 1, 1], [], []>, transpose_lhs_hint = false} : vector<10240x64xf32>, vector<64x64xf32>, vector<10240x64xf32> -> vector<10240x64xf32>
    %get3A_22 = arith.constant 0 : index
    %get3A_23 = arith.constant 0 : index
    %get3A_24 = vector.load %arg6[%get3A_22, %get3A_23] : memref<1x64xf32, #tpu.memory_space<vmem>>, vector<1x64xf32>
    %add3A_25 = vector.broadcast %get3A_24 : vector<1x64xf32> to vector<10240x64xf32>
    %add3A_26 = arith.addf %dot_general3A_21, %add3A_25 : vector<10240x64xf32>
    %swap3A = arith.constant 0 : index
    %swap3A_27 = arith.constant 0 : index
    %swap3A_28 = vector.load %arg7[%swap3A, %swap3A_27] : memref<10240x64xf32, #tpu.memory_space<vmem>>, vector<10240x64xf32>
    tpu.vector_store %arg7[%swap3A, %swap3A_27], %add3A_26 {strides = array<i32>} : memref<10240x64xf32, #tpu.memory_space<vmem>>, vector<10240x64xf32>,
    %slice3A_29 = vector.extract_strided_slice %get3A_20 {offsets = [64, 0], sizes = [64, 64], strides = [1, 1]} : vector<128x64xf32> to vector<64x64xf32>
    %dot_general3A_30 = arith.constant dense<0.000000e+00> : vector<10240x64xf32>
    %dot_general3A_31 = tpu.matmul %add3A_17, %slice3A_29, %dot_general3A_30 {dimension_numbers = #tpu.dot_dimension_numbers<[1], [0], [0], [1], [0, 0, 1, 1], [], []>, transpose_lhs_hint = false} : vector<10240x64xf32>, vector<64x64xf32>, vector<10240x64xf32> -> vector<10240x64xf32>
    %swap3A_32 = arith.constant 0 : index
    %swap3A_33 = arith.constant 0 : index
    %swap3A_34 = vector.load %arg8[%swap3A_32, %swap3A_33] : memref<10240x64xf32, #tpu.memory_space<vmem>>, vector<10240x64xf32>
    tpu.vector_store %arg8[%swap3A_32, %swap3A_33], %dot_general3A_31 {strides = array<i32>} : memref<10240x64xf32, #tpu.memory_space<vmem>>, vector<10240x64xf32>,
    return
  }
}

module attributes {stable_mosaic.version = 14 : i64} {
  func.func @_tc4_body(%arg0: i32, %arg1: memref<5120x128xf32, #tpu.memory_space<vmem>>, %arg2: memref<64x2xf32, #tpu.memory_space<vmem>>, %arg3: memref<2x1xf32, #tpu.memory_space<vmem>>, %arg4: memref<2x5120xf32, #tpu.memory_space<vmem>>) attributes {dimension_semantics = [#tpu.dimension_semantics<arbitrary>], iteration_bounds = array<i64: 64>, scalar_prefetch = 0 : i64, scratch_operands = 0 : i64, tpu.core_type = #tpu.core_type<tc>, window_params = [{transform_indices = @transform_0, window_bounds = array<i64: 5120, 128>}, {pipeline_mode = #tpu.pipeline_mode<synchronous>, transform_indices = @transform_1, window_bounds = array<i64: 64, 2>}, {pipeline_mode = #tpu.pipeline_mode<synchronous>, transform_indices = @transform_2, window_bounds = array<i64: 2, 1>}, {transform_indices = @transform_3, window_bounds = array<i64: 2, 5120>}]} {
    %get3A = arith.constant 0 : index
    %get3A_0 = arith.constant 0 : index
    %get3A_1 = vector.load %arg1[%get3A, %get3A_0] : memref<5120x128xf32, #tpu.memory_space<vmem>>, vector<5120x128xf32>
    %slice3A = vector.extract_strided_slice %get3A_1 {offsets = [0, 0], sizes = [5120, 64], strides = [1, 1]} : vector<5120x128xf32> to vector<5120x64xf32>
    %slice3A_2 = vector.extract_strided_slice %get3A_1 {offsets = [0, 64], sizes = [5120, 64], strides = [1, 1]} : vector<5120x128xf32> to vector<5120x64xf32>
    %add3A = arith.addf %slice3A, %slice3A_2 : vector<5120x64xf32>
    %max3A = arith.constant 0.000000e+00 : f32
    %max3A_3 = vector.broadcast %max3A : f32 to vector<5120x64xf32>
    %max3A_4 = arith.maximumf %add3A, %max3A_3 : vector<5120x64xf32>
    %get3A_5 = arith.constant 0 : index
    %get3A_6 = arith.constant 0 : index
    %get3A_7 = vector.load %arg2[%get3A_5, %get3A_6] : memref<64x2xf32, #tpu.memory_space<vmem>>, vector<64x2xf32>
    %dot_general3A = arith.constant dense<0.000000e+00> : vector<2x5120xf32>
    %dot_general3A_8 = tpu.matmul %get3A_7, %max3A_4, %dot_general3A {dimension_numbers = #tpu.dot_dimension_numbers<[0], [1], [1], [0], [0, 1, 1, 0], [], []>, transpose_lhs_hint = false} : vector<64x2xf32>, vector<5120x64xf32>, vector<2x5120xf32> -> vector<2x5120xf32>
    %get3A_9 = arith.constant 0 : index
    %get3A_10 = arith.constant 0 : index
    %get3A_11 = vector.load %arg3[%get3A_9, %get3A_10] : memref<2x1xf32, #tpu.memory_space<vmem>>, vector<2x1xf32>
    %add3A_12 = vector.broadcast %get3A_11 : vector<2x1xf32> to vector<2x5120xf32>
    %add3A_13 = arith.addf %dot_general3A_8, %add3A_12 : vector<2x5120xf32>
    %swap3A = arith.constant 0 : index
    %swap3A_14 = arith.constant 0 : index
    %swap3A_15 = vector.load %arg4[%swap3A, %swap3A_14] : memref<2x5120xf32, #tpu.memory_space<vmem>>, vector<2x5120xf32>
    tpu.vector_store %arg4[%swap3A, %swap3A_14], %add3A_13 {strides = array<i32>} : memref<2x5120xf32, #tpu.memory_space<vmem>>, vector<2x5120xf32>,
    return
  }
  func.func @transform_0(%arg0: i32) -> (i32, i32) {
    %c0_i32 = arith.constant 0 : i32
    %c0_i32_0 = arith.constant 0 : i32
    return %arg0, %c0_i32 : i32, i32
  }
  func.func @transform_1(%arg0: i32) -> (i32, i32) {
    %c0_i32 = arith.constant 0 : i32
    %c0_i32_0 = arith.constant 0 : i32
    %c0_i32_1 = arith.constant 0 : i32
    return %c0_i32, %c0_i32_0 : i32, i32
  }
  func.func @transform_2(%arg0: i32) -> (i32, i32) {
    %c0_i32 = arith.constant 0 : i32
    %c0_i32_0 = arith.constant 0 : i32
    %c0_i32_1 = arith.constant 0 : i32
    return %c0_i32, %c0_i32_0 : i32, i32
  }
  func.func @transform_3(%arg0: i32) -> (i32, i32) {
    %c0_i32 = arith.constant 0 : i32
    %c0_i32_0 = arith.constant 0 : i32
    return %c0_i32, %arg0 : i32, i32
  }
}

</mosaic_0001>

<sc_bundles>
// kernel: kernel.10.cloned.1.call-start
scs
__scs_entry_jumppad:
0x0: {  	(pc) =	sbr.rel $0x88, $3  }
0x1: {  	(tag) =	ssettag $0x0;
	lr =	simm.s32 $0x1  }
0x2: {  	[smem:$0x3F97] =	sst lr;
	_ =	strace $0xD0000000  }
0x3: {  	_ = 	snop  }
0x4: {  	_ = 	snop  }
0x5: {  	_ = 	snop  }
0x6: {  	_ = 	snop  }
0x7: {  	_ = 	snop  }
__scs_overlays_trampoline_lowered:
0x8: {  	[smem:$0x3FA6] =	sst s0  }
0x9: {  	[smem:$0x3FA7] =	sst s1  }
0xa: {  	[smem:$0x3FA8] =	sst s2  }
0xb: {  	[smem:$0x3FA9] =	sst s3  }
0xc: {  	[smem:$0x3FAA] =	sst s4  }
0xd: {  	[smem:$0x3FAB] =	sst s5  }
0xe: {  	[smem:$0x3FAC] =	sst s6  }
0xf: {  	[smem:$0x3FAD] =	sst s7  }
0x10: {  	[smem:$0x3FAE] =	sst s8  }
0x11: {  	[smem:$0x3FAF] =	sst s9;
	s0 =	simm.s32 @!p0 $0x0  }
0x12: {  	s1 =	sld [smem:$0x3F95];
	s0 =	simm.s32 @p0 $0x1  }
0x13: {  	[smem:$0x3FB0] =	sst s0;
	s0 =	simm.s32 @!p1 $0x0  }
0x14: {  	s2 =	sld [smem:$0x3F94];
	s0 =	simm.s32 @p1 $0x1  }
0x15: {  	[smem:$0x3FB1] =	sst s0;
	s0 =	simm.s32 @!p2 $0x0  }
0x16: {  	s3 =	sld [smem:$0x3FDB];
	s0 =	simm.s32 @p2 $0x1  }
0x17: {  	s4 =	simm.s32 $0x1BF5;
	[smem:$0x3FB3] =	sst s0  }
0x18: {  	s0 =	sld [smem:$0x3F96];
	_ =	swait.ge [sflag:s4], $0x0  }
0x19: {  	s7 =	sld [smem:$0x3F97]  }
0x1a: {  	s8 =	sadd.s32 $0xFFFFE003, lr  }
0x1b: {  	s9 =	sadd.s32 $0xFFFFFEF7, lr;
	s5 =	simm.s32 $0xFFFFFFFF;
	p2 =	slt.u32 s8, $0xFFFFF086  }
0x1c: {  	p1 =	slt.u32 s9, $0xF7A;
	s5 =	simm.s32 @!p2 $0x0  }
0x1d: {  	s5 =	simm.s32 @p1 $0x1;
	p0 =	seq.s32 s7, s2  }
0x1e: {  	s7 =	smul.u32 @!p0 $0xF7A, s2;
	p2 =	seq.s32 @!p0 s5, $0x0  }
0x1f: {  	s9 =	smul.u32 $0xF7A, s1;
	s8 =	simm.s32 @!p0 $0x1BF5;
	p2 =	por !p2, p0  }
0x20: {  	[sflag:s8] =	ssyncset.s32 @!p0 $0xFFFFF086;
	s6 =	sadd.s32 @!p0 s3, s7;
	s7 =	simm.s32 @!p0 $0x108  }
0x21: {  	s3 =	sadd.s32 s3, s9;
	s6 =	sadd.s32 @!p0 $0x88, s6;
	s7 =	simm.s32 @p2 $0x1082  }
0x22: {  	[simem:s7], [sflag:s8] =	dma.local @!p0 [hbm:s6], $0xF7A  }
0x23: {  	s9 =	sor.u32 $0xD0000000, s2;
	s6 =	simm.s32 $0x108;
	_ =	swait.ge @!p0 [sflag:s8], $0x0  }
0x24: {  	s3 =	sadd.s32 $0x88, s3;
	s6 =	simm.s32 @!p1 $0x1082;
	[sflag:s4] =	ssyncset.s32 $0xFFFFF086  }
0x25: {  	[simem:s6], [sflag:s4] =	dma.local [hbm:s3], $0xF7A  }
0x26: {  	[smem:$0x3F97] =	sst s1;
	(tag) =	ssettag s2;
	_ =	strace s9  }
0x27: {  	s1 =	sld [smem:$0x3FA7]  }
0x28: {  	s2 =	sld [smem:$0x3FA8]  }
0x29: {  	s4 =	sld [smem:$0x3FAA]  }
0x2a: {  	p0 =	seq.s32 s5, $0x0;
	s5 =	sld [smem:$0x3FAB]  }
0x2b: {  	s6 =	sld [smem:$0x3FAC]  }
0x2c: {  	s7 =	sld [smem:$0x3FAD]  }
0x2d: {  	s3 =	simm.s32 $0x108;
	s8 =	sld [smem:$0x3FAE]  }
0x2e: {  	s3 =	simm.s32 @!p0 $0x1082;
	s9 =	sld [smem:$0x3FAF]  }
0x2f: {  	lr =	sadd.s32 s0, s3;
	s0 =	sld [smem:$0x3FA6]  }
0x30: {  	s3 =	sld [smem:$0x3FA9]  }
0x31: {  	[smem:$0x3FB2] =	sst s10  }
0x32: {  	s10 =	sld [smem:$0x3FB0];
	_ =	sdelay $0x3  }
0x33: {  	p0 =	seq.s32 s10, $0x1;
	s10 =	sld [smem:$0x3FB2];
	_ =	sdelay $0x3  }
0x34: {  	[smem:$0x3FB2] =	sst s10  }
0x35: {  	s10 =	sld [smem:$0x3FB1];
	_ =	sdelay $0x3  }
0x36: {  	p1 =	seq.s32 s10, $0x1;
	s10 =	sld [smem:$0x3FB2];
	_ =	sdelay $0x3  }
0x37: {  	[smem:$0x3FB2] =	sst s10  }
0x38: {  	s10 =	sld [smem:$0x3FB3]  }
0x39: {  	_ = 	snop;
	(pc) =	sbr.ind lr, $3  }
0x3a: {  	_ = 	snop  }
0x3b: {  	_ = 	snop  }
0x3c: {  	p2 =	seq.s32 s10, $0x1;
	s10 =	sld [smem:$0x3FB2]  }
0x3d: {  	_ =	shalt  }
0x3e: {  	_ =	shalt  }
0x3f: {  	_ =	shalt  }
0x40: {  	_ =	shalt  }
0x41: {  	_ =	shalt  }
0x42: {  	_ =	shalt  }
0x43: {  	_ =	shalt  }
0x44: {  	_ =	shalt  }
0x45: {  	_ =	shalt  }
0x46: {  	_ =	shalt  }
0x47: {  	_ =	shalt  }
0x48: {  	_ =	shalt  }
0x49: {  	_ =	shalt  }
0x4a: {  	_ =	shalt  }
0x4b: {  	_ =	shalt  }
0x4c: {  	_ =	shalt  }
0x4d: {  	_ =	shalt  }
0x4e: {  	_ =	shalt  }
0x4f: {  	_ =	shalt  }
0x50: {  	_ =	shalt  }
0x51: {  	_ =	shalt  }
0x52: {  	_ =	shalt  }
0x53: {  	_ =	shalt  }
0x54: {  	_ =	shalt  }
0x55: {  	_ =	shalt  }
0x56: {  	_ =	shalt  }
0x57: {  	_ =	shalt  }
0x58: {  	_ =	shalt  }
0x59: {  	_ =	shalt  }
0x5a: {  	_ =	shalt  }
0x5b: {  	_ =	shalt  }
0x5c: {  	_ =	shalt  }
0x5d: {  	_ =	shalt  }
0x5e: {  	_ =	shalt  }
0x5f: {  	_ =	shalt  }
0x60: {  	_ =	shalt  }
0x61: {  	_ =	shalt  }
0x62: {  	_ =	shalt  }
0x63: {  	_ =	shalt  }
0x64: {  	_ =	shalt  }
0x65: {  	_ =	shalt  }
0x66: {  	_ =	shalt  }
0x67: {  	_ =	shalt  }
0x68: {  	_ =	shalt  }
0x69: {  	_ =	shalt  }
0x6a: {  	_ =	shalt  }
0x6b: {  	_ =	shalt  }
0x6c: {  	_ =	shalt  }
0x6d: {  	_ =	shalt  }
0x6e: {  	_ =	shalt  }
0x6f: {  	_ =	shalt  }
0x70: {  	_ =	shalt  }
0x71: {  	_ =	shalt  }
0x72: {  	_ =	shalt  }
0x73: {  	_ =	shalt  }
0x74: {  	_ =	shalt  }
0x75: {  	_ =	shalt  }
0x76: {  	_ =	shalt  }
0x77: {  	_ =	shalt  }
0x78: {  	_ =	shalt  }
0x79: {  	_ =	shalt  }
0x7a: {  	_ =	shalt  }
0x7b: {  	_ =	shalt  }
0x7c: {  	_ =	shalt  }
0x7d: {  	_ =	shalt  }
0x7e: {  	_ =	shalt  }
0x7f: {  	_ =	shalt  }
0x80: {  	_ =	shalt  }
0x81: {  	_ =	shalt  }
0x82: {  	_ =	shalt  }
0x83: {  	_ =	shalt  }
0x84: {  	_ =	shalt  }
0x85: {  	_ =	shalt  }
0x86: {  	_ =	shalt  }
0x87: {  	_ =	shalt  }
.Lfunc_end0:
.L_simem_size_0:
called_computation_lowered:
.L_overlay_start_0:
0x88: {  	s2 =	sld [smem:$0x3FD9]  }
0x89: {  	s3 =	sld [smem:$0x3FFE];
	_ =	sdelay $0x1  }
0x8a: {  	s1 =	srdreg.scid  }
0x8b: {  	s0 =	sand.u32 $0x1, s1  }
0x8c: {  	s17 =	sshll.u32 s0, $0xA;
	s2 =	sadd.s32 s3, s2  }
0x8d: {  	s2 =	sadd.s32 s2, s17  }
0x8e: {  	[smem:$0x3FBE] =	sst s2  }
0x8f: {  	_ = 	snop  }
0x90: {  	s2 =	sld [smem:$0x3FD0];
	(tm) =	ssettm $0x1  }
0x91: {  	s18 =	sld [smem:$0x3FFB];
	_ =	sdelay $0x3  }
0x92: {  	_ =	strace s18  }
0x93: {  	s3 =	sld [smem:$0x3FFC];
	_ =	sdelay $0x3  }
0x94: {  	_ =	strace s3  }
0x95: {  	s3 =	sld [smem:$0x3FFD];
	_ =	sdelay $0x3  }
0x96: {  	_ =	strace s3  }
0x97: {  	_ =	strace $0x8FFFFFFF  }
0x98: {  	s19 =	sld [smem:$0x3FDB];
	_ =	sdelay $0x1  }
0x99: {  	s4 =	simm.s32 $_scs_section_size  }
0x9a: {  	s5 =	simm.s32 $_size__tile_overlayer_lowered;
	s6 =	simm.s32 $_tile_overlayer_lowered  }
0x9b: {  	s22 =	simm.s32 $0x1BFF;
	s21 =	sshll.u32 s6, $0x1;
	s3 =	sadd.s32 s4, s19  }
0x9c: {  	s7 =	simm.s32 $0x0;
	s20 =	sshll.u32 s5, $0x1;
	s5 =	sadd.s32 s21, s3  }
0x9d: {  	[timem:s7], [sflag:s22] =	dma.local [hbm:s5], s20  }
0x9e: {  	_ =	swait.ge [sflag:s22], s20  }
0x9f: {  	s4 =	ssub.s32 $0x0, s20;
	[sflag:s22] =	ssyncset.done $0x0  }
0xa0: {  	[sflag:s22] =	ssyncadd.s32 s4;
	_ =	sdelay $0x1  }
0xa1: {  	s23 =	simm.s32 $0x1B8B  }
0xa2: {  	_ =	swait.ge [sflag:s23], $0x1  }
0xa3: {  	[sflag:s23] =	ssyncset.done $0x0  }
0xa4: {  	s25 =	simm.s32 $0x1B8E;
	s24 =	sld [smem:$0x3FFE];
	[sflag:s23] =	ssyncadd.s32 $0xFFFFFFFF  }
0xa5: {  	s26 =	simm.s32 $execute0_lowered;
	[smem:$0x3FD2] =	sst s25  }
0xa6: {  	s5 =	sshll.u32 s26, $0x1;
	_ =	strace $0x80000046;
	[dreg:$0x1] =	wrdreg $0xFFFFFFFF  }
0xa7: {  	s28 =	simm.s32 $_size_execute0_lowered;
	s3 =	sadd.s32 s3, s5;
	[dreg:$0x0] =	wrdreg $0x0  }
0xa8: {  	s5 =	sshll.u32 s28, $0x1;
	[dreg:$0x2] =	wrdreg s3  }
0xa9: {  	[dreg:$0x3] =	wrdreg s5  }
0xaa: {  	[dreg:$0x4] =	wrdreg $0xC0  }
0xab: {  	_ =	task [dreg:s7], $0x5FFFF  }
0xac: {  	[dreg:$0x1] =	wrdreg $0xFFFFFFFF  }
0xad: {  	[dreg:$0x0] =	wrdreg $0x60  }
0xae: {  	[dreg:$0x2] =	wrdreg s2  }
0xaf: {  	[dreg:$0x3] =	wrdreg s24  }
0xb0: {  	[dreg:$0x4] =	wrdreg $0x32000  }
0xb1: {  	[dreg:$0x5] =	wrdreg $0x9  }
0xb2: {  	_ =	task.clear_ibuf [dreg:s7], $0x6FFFF;
	_ =	strace $0x90000046  }
0xb3: {  	s29 =	simm.s32 $0x9;
	_ =	strace $0x80000048  }
0xb4: {  	_ =	swait.ge [sflag:s29], $0x1  }
0xb5: {  	[sflag:s29] =	ssyncadd.s32 $0xFFFFFFFF  }
0xb6: {  	_ =	strace $0x90000048  }
0xb7: {  	_ =	sfence  }
0xb8: {  	s30 =	sld [smem:$0x0];
	_ =	sdelay $0x2  }
0xb9: {  	s31 =	sshll.u32 s1, $0xD;
	s1 =	sshrl.u32 s1, $0x2  }
0xba: {  	s3 =	sand.u32 $0x4000, s31;
	s1 =	sadd.s32 s1, s30  }
0xbb: {  	s0 =	sor.u32 s3, s0;
	s1 =	sshll.u32 s1, $0x11  }
0xbc: {  	s0 =	sor.u32 s1, s0  }
0xbd: {  	s0 =	sadd.s32 $0x8F2B, s0  }
0xbe: {  	[sflag:s0] =	ssyncadd.remote.s32 $0x1  }
0xbf: {  	_ =	sfence.sel $0xFFFF  }
0xc0: {  	[dreg:$0x0] =	wrdreg $0xFFFFFFFF;
	(pc) =	sbr.abs _section_cstart, $3  }
0xc1: {  	[dreg:$0x1] =	wrdreg $0xFFFFFFFF  }
0xc2: {  	_ =	task.clear_ibuf [dreg:s7], $0x2FFFF;
	_ =	strace $0x9FFFFFFF  }
0xc3: {  	(tm) =	ssettm $0x7FFFFFFF  }
tec
execute0_lowered:
.L_overlay_start_1:
0x0: {  	(tag) =	ssettag $0x1  }
0x1: {  	s9 =	rddreg [dreg:$0x0]  }
0x2: {  	s6 =	rddreg [dreg:$0x1]  }
0x3: {  	s2 =	rddreg [dreg:$0x2]  }
0x4: {  	s0 =	rddreg [dreg:$0x3];
	s4 =	srdreg.scid  }
0x5: {  	s1 =	stileid.u32;
	s3 =	simm.s32 $0x0;
	s14 =	simm.s32 $0x100  }
0x6: {  	s15 =	simm.s32 $0x180;
	s16 =	simm.s32 $0x0;
	s7 =	smul.u32 $0x2800, s1  }
0x7: {  	s5 =	sand.u32 $0x1, s4;
	[smem:$0x7FF] =	sst s3;
	s10 =	smul.u32 $0x5000, s1  }
0x8: {  	s4 =	sadd.s32 $0x3400, s6;
	s8 =	smul.u32 $0x28000, s5;
	s11 =	ssub.s32 $0x2, s5  }
0x9: {  	_ =	strace $0x80000047;
	s12 =	smul.u32 $0x2800, s5;
	s13 =	sshrl.u32 s11, $0x1  }
0xa: {  	s5 =	sadd.s32 $0x2E00, s6;
	s8 =	sadd.s32 s7, s8;
	s11 =	ssub.s32 s11, s13  }
0xb: {  	s10 =	sadd.s32 s12, s10;
	s12 =	simm.s32 $0x200;
	s8 =	sshrl.u32 s8, $0x3  }
0xc: {  	s13 =	simm.s32 $0x80;
	s10 =	sshrl.u32 s10, $0x3;
	s8 =	sadd.s32 s8, s6  }
0xd: {  	s6 =	sadd.s32 s7, s2;
	s9 =	sadd.s32 s10, s9;
	s10 =	simm.s32 $0xA00  }
0xe: {  	s7 =	sadd.s32 $0x3600, s8;
	s8 =	smax.u32 s11, $0x1;
	s11 =	simm.s32 $0x1  }
.LBB2_1:
0xf: {  	[tilespmem:s10], [sflag:$0x1] =	stream.linear.gather [hbm4b:s5+s3], $0x2800, $0x38;
	[tilespmem:$0x5A00] =	vst v63  }
0x10: {  	_ =	swait.ge [sflag:s11], $0x2800  }
0x11: {  	[sflag:s11] =	ssyncset.done $0x0  }
0x12: {  	[sflag:s11] =	ssyncadd.s32 $0xFFFFD800  }
0x13: {  	[spmem:s6] =	stream.linear.scatter [tilespmem:s10], [sflag:$0x1], $0x2800, $0x38;
	[tilespmem:$0x5A00] =	vst v63  }
0x14: {  	_ =	swait.ge [sflag:s11], $0x2800  }
0x15: {  	[sflag:s11] =	ssyncset.done $0x0  }
0x16: {  	[sflag:s11] =	ssyncadd.s32 $0xFFFFD800  }
0x17: {  	[tilespmem:s12], [sflag:$0x1] =	stream.linear.gather [hbm4b:s4+s3], $0x800, $0x38;
	[tilespmem:$0x5A00] =	vst v63  }
0x18: {  	_ =	swait.ge [sflag:s11], $0x800  }
0x19: {  	[sflag:s11] =	ssyncset.done $0x0  }
0x1a: {  	[sflag:s11] =	ssyncadd.s32 $0xFFFFF800  }
0x1b: {  	s17 =	sadd.s32 $0x0, s9;
	[bflag:$0x0] =	sbarrier.arrive $0xFFFF  }
0x1c: {  	[tilespmem:s3], [sflag:$0x1] =	stream.linear.gather [hbm4b:s17+s3], $0x200, $0x38;
	[tilespmem:$0x5A00] =	vst v63  }
0x1d: {  	_ =	swait.ge [sflag:s11], $0x200  }
0x1e: {  	[sflag:s11] =	ssyncset.done $0x0  }
0x1f: {  	[sflag:s11] =	ssyncadd.s32 $0xFFFFFE00  }
0x20: {  	[spmem:s2] =	stream.indirect.scatter.add.f32 [tilespmem:s12], [sflag:$0x1], $0x10, s3, s13, $0xb8;
	[tilespmem:$0x5A00] =	vst v63  }
0x21: {  	_ =	swait.ge [sflag:s11], $0x800  }
0x22: {  	[sflag:s11] =	ssyncset.done $0x0  }
0x23: {  	[sflag:s11] =	ssyncadd.s32 $0xFFFFF800  }
0x24: {  	[spmem:s2] =	stream.indirect.scatter.add.f32 [tilespmem:s12], [sflag:$0x1], $0x10, s13, s13, $0xb8;
	[tilespmem:$0x5A00] =	vst v63  }
0x25: {  	_ =	swait.ge [sflag:s11], $0x800  }
0x26: {  	[sflag:s11] =	ssyncset.done $0x0  }
0x27: {  	[sflag:s11] =	ssyncadd.s32 $0xFFFFF800  }
0x28: {  	[spmem:s2] =	stream.indirect.scatter.add.f32 [tilespmem:s12], [sflag:$0x1], $0x10, s14, s13, $0xb8;
	[tilespmem:$0x5A00] =	vst v63  }
0x29: {  	_ =	swait.ge [sflag:s11], $0x800  }
0x2a: {  	[sflag:s11] =	ssyncset.done $0x0  }
0x2b: {  	[sflag:s11] =	ssyncadd.s32 $0xFFFFF800  }
0x2c: {  	[spmem:s2] =	stream.indirect.scatter.add.f32 [tilespmem:s12], [sflag:$0x1], $0x10, s15, s13, $0xb8;
	[tilespmem:$0x5A00] =	vst v63  }
0x2d: {  	_ =	swait.ge [sflag:s11], $0x800  }
0x2e: {  	s18 =	simm.s32 $0x80;
	s17 =	simm.s32 $0x40;
	[sflag:s11] =	ssyncset.done $0x0  }
.LBB2_2:
0x2f: {  	s19 =	sadd.s32 s17, s9  }
0x30: {  	[sflag:s11] =	ssyncadd.s32 $0xFFFFF800;
	s17 =	smov.u32 s18;
	s20 =	sadd.s32 $0x40, s18  }
0x31: {  	[tilespmem:s3], [sflag:$0x1] =	stream.linear.gather [hbm4b:s19+s3], $0x200, $0x38;
	[tilespmem:$0x5A00] =	vst v63  }
0x32: {  	p0 =	sne.s32 s18, $0x4C0;
	_ =	swait.ge [sflag:s11], $0x200  }
0x33: {  	[sflag:s11] =	ssyncset.done $0x0  }
0x34: {  	[sflag:s11] =	ssyncadd.s32 $0xFFFFFE00  }
0x35: {  	[spmem:s2] =	stream.indirect.scatter.add.f32 [tilespmem:s12], [sflag:$0x1], $0x10, s3, s13, $0xb8;
	[tilespmem:$0x5A00] =	vst v63  }
0x36: {  	_ =	swait.ge [sflag:s11], $0x800  }
0x37: {  	[sflag:s11] =	ssyncset.done $0x0  }
0x38: {  	[sflag:s11] =	ssyncadd.s32 $0xFFFFF800  }
0x39: {  	[spmem:s2] =	stream.indirect.scatter.add.f32 [tilespmem:s12], [sflag:$0x1], $0x10, s13, s13, $0xb8;
	[tilespmem:$0x5A00] =	vst v63  }
0x3a: {  	_ =	swait.ge [sflag:s11], $0x800  }
0x3b: {  	[sflag:s11] =	ssyncset.done $0x0  }
0x3c: {  	[sflag:s11] =	ssyncadd.s32 $0xFFFFF800  }
0x3d: {  	[spmem:s2] =	stream.indirect.scatter.add.f32 [tilespmem:s12], [sflag:$0x1], $0x10, s14, s13, $0xb8;
	[tilespmem:$0x5A00] =	vst v63  }
0x3e: {  	_ =	swait.ge [sflag:s11], $0x800  }
.Ltmp0:
0x3f: {  	[sflag:s11] =	ssyncset.done $0x0;
	(pc) =	sbr.rel @p0 .LBB2_2-.Ltmp0, $4  }
0x40: {  	[sflag:s11] =	ssyncadd.s32 $0xFFFFF800  }
0x41: {  	[spmem:s2] =	stream.indirect.scatter.add.f32 [tilespmem:s12], [sflag:$0x1], $0x10, s15, s13, $0xb8;
	[tilespmem:$0x5A00] =	vst v63  }
0x42: {  	_ =	swait.ge [sflag:s11], $0x800  }
0x43: {  	s18 =	smov.u32 s20;
	[sflag:s11] =	ssyncset.done $0x0  }
0x44: {  	s17 =	sadd.s32 s17, s9;
	[sflag:s11] =	ssyncadd.s32 $0xFFFFF800  }
0x45: {  	[tilespmem:s3], [sflag:$0x1] =	stream.linear.gather [hbm4b:s17+s3], $0x200, $0x38;
	[tilespmem:$0x5A00] =	vst v63  }
0x46: {  	_ =	swait.ge [sflag:s11], $0x200  }
0x47: {  	[sflag:s11] =	ssyncset.done $0x0  }
0x48: {  	[sflag:s11] =	ssyncadd.s32 $0xFFFFFE00  }
0x49: {  	[spmem:s2] =	stream.indirect.scatter.add.f32 [tilespmem:s12], [sflag:$0x1], $0x10, s3, s13, $0xb8;
	[tilespmem:$0x5A00] =	vst v63  }
0x4a: {  	_ =	swait.ge [sflag:s11], $0x800  }
0x4b: {  	[sflag:s11] =	ssyncset.done $0x0  }
0x4c: {  	[sflag:s11] =	ssyncadd.s32 $0xFFFFF800  }
0x4d: {  	[spmem:s2] =	stream.indirect.scatter.add.f32 [tilespmem:s12], [sflag:$0x1], $0x10, s13, s13, $0xb8;
	[tilespmem:$0x5A00] =	vst v63  }
0x4e: {  	_ =	swait.ge [sflag:s11], $0x800  }
0x4f: {  	[sflag:s11] =	ssyncset.done $0x0  }
0x50: {  	[sflag:s11] =	ssyncadd.s32 $0xFFFFF800  }
0x51: {  	[spmem:s2] =	stream.indirect.scatter.add.f32 [tilespmem:s12], [sflag:$0x1], $0x10, s14, s13, $0xb8;
	[tilespmem:$0x5A00] =	vst v63  }
0x52: {  	_ =	swait.ge [sflag:s11], $0x800  }
0x53: {  	[sflag:s11] =	ssyncset.done $0x0  }
0x54: {  	[sflag:s11] =	ssyncadd.s32 $0xFFFFF800  }
0x55: {  	[spmem:s2] =	stream.indirect.scatter.add.f32 [tilespmem:s12], [sflag:$0x1], $0x10, s15, s13, $0xb8;
	[tilespmem:$0x5A00] =	vst v63  }
0x56: {  	_ =	swait.ge [sflag:s11], $0x800  }
0x57: {  	[sflag:s11] =	ssyncset.done $0x0  }
0x58: {  	[sflag:s11] =	ssyncadd.s32 $0xFFFFF800  }
0x59: {  	[bflag:$0x0] =	sbarrier.arrive $0xFFFF  }
0x5a: {  	[tilespmem:s10], [sflag:$0x1] =	stream.linear.gather [spmem:s6], $0x2800, $0x38;
	[tilespmem:$0x5A00] =	vst v63  }
0x5b: {  	s16 =	sadd.s32 $0x1, s16;
	_ =	swait.ge [sflag:s11], $0x2800  }
0x5c: {  	p0 =	sne.s32 s16, s8;
	[sflag:s11] =	ssyncset.done $0x0  }
.Ltmp1:
0x5d: {  	[sflag:s11] =	ssyncadd.s32 $0xFFFFD800;
	(pc) =	sbr.rel @p0 .LBB2_1-.Ltmp1, $4  }
0x5e: {  	[hbm4b:s7+s3] =	stream.linear.scatter [tilespmem:s10], [sflag:$0x1], $0x2800, $0x38;
	[tilespmem:$0x5A00] =	vst v63  }
0x5f: {  	_ =	swait.ge [sflag:s11], $0x2800  }
0x60: {  	[sflag:s11] =	ssyncset.done $0x0  }
0x61: {  	[sflag:s11] =	ssyncadd.s32 $0xFFFFD800  }
0x62: {  	_ =	sfence.sel $0x180000  }
0x63: {  	[bflag:$0x0] =	sbarrier.arrive $0xFFFF  }
0x64: {  	p0 =	sne.s32 s1, $0x0;
	_ =	strace $0x90000047  }
0x65: {  	s0 =	sadd.s32 @!p0 $0x100000, s0;
	[bflag:$0x2] =	sbarrier.arrive $0xFFFF  }
0x66: {  	[sflag:s0] =	ssyncadd.tile.s32 @!p0 $0x1;
	_ =	shalt  }
.Lfunc_end2:
_tile_overlayer_lowered:
.L_overlay_start_2:
0x67: {  	(tag) =	ssettag $0x2  }
0x68: {  	s0 =	rddreg [dreg:$0x0];
	s2 =	stileid.u32  }
0x69: {  	s1 =	rddreg [dreg:$0x1];
	p0 =	sne.s32 s2, $0x0  }
0x6a: {  	s3 =	rddreg [dreg:$0x2];
	[bflag:$0x3] =	sbarrier.arrive $0xFFFF;
	s2 =	simm.s32 @!p0 $0x1C01  }
0x6b: {  	[timem:s3], [sflag:s2] =	dma.local @!p0 [hbm:s0], s1  }
0x6c: {  	s0 =	simm.s32 @!p0 $0x1  }
0x6d: {  	_ =	swait.ge @!p0 [sflag:s0], s1  }
0x6e: {  	s1 =	ssub.s32 @!p0 $0x0, s1;
	[sflag:s0] =	ssyncset.done @!p0 $0x0  }
0x6f: {  	[sflag:s0] =	ssyncadd.s32 @!p0 s1  }
0x70: {  	[bflag:$0x3] =	sbarrier.arrive $0xFFFF  }
0x71: {  	_ =	shalt  }

// kernel: kernel.13.cloned.1.call-start
scs
__scs_entry_jumppad:
0x0: {  	(pc) =	sbr.rel $0x88, $3  }
0x1: {  	(tag) =	ssettag $0x0;
	lr =	simm.s32 $0x1  }
0x2: {  	[smem:$0x3F97] =	sst lr;
	_ =	strace $0xD0000000  }
0x3: {  	_ = 	snop  }
0x4: {  	_ = 	snop  }
0x5: {  	_ = 	snop  }
0x6: {  	_ = 	snop  }
0x7: {  	_ = 	snop  }
__scs_overlays_trampoline_lowered:
0x8: {  	[smem:$0x3FA6] =	sst s0  }
0x9: {  	[smem:$0x3FA7] =	sst s1  }
0xa: {  	[smem:$0x3FA8] =	sst s2  }
0xb: {  	[smem:$0x3FA9] =	sst s3  }
0xc: {  	[smem:$0x3FAA] =	sst s4  }
0xd: {  	[smem:$0x3FAB] =	sst s5  }
0xe: {  	[smem:$0x3FAC] =	sst s6  }
0xf: {  	[smem:$0x3FAD] =	sst s7  }
0x10: {  	[smem:$0x3FAE] =	sst s8  }
0x11: {  	[smem:$0x3FAF] =	sst s9;
	s0 =	simm.s32 @!p0 $0x0  }
0x12: {  	s1 =	sld [smem:$0x3F95];
	s0 =	simm.s32 @p0 $0x1  }
0x13: {  	[smem:$0x3FB0] =	sst s0;
	s0 =	simm.s32 @!p1 $0x0  }
0x14: {  	s2 =	sld [smem:$0x3F94];
	s0 =	simm.s32 @p1 $0x1  }
0x15: {  	[smem:$0x3FB1] =	sst s0;
	s0 =	simm.s32 @!p2 $0x0  }
0x16: {  	s3 =	sld [smem:$0x3FDB];
	s0 =	simm.s32 @p2 $0x1  }
0x17: {  	s4 =	simm.s32 $0x1BF5;
	[smem:$0x3FB3] =	sst s0  }
0x18: {  	s0 =	sld [smem:$0x3F96];
	_ =	swait.ge [sflag:s4], $0x0  }
0x19: {  	s7 =	sld [smem:$0x3F97]  }
0x1a: {  	s8 =	sadd.s32 $0xFFFFE003, lr  }
0x1b: {  	s9 =	sadd.s32 $0xFFFFFEF7, lr;
	s5 =	simm.s32 $0xFFFFFFFF;
	p2 =	slt.u32 s8, $0xFFFFF086  }
0x1c: {  	p1 =	slt.u32 s9, $0xF7A;
	s5 =	simm.s32 @!p2 $0x0  }
0x1d: {  	s5 =	simm.s32 @p1 $0x1;
	p0 =	seq.s32 s7, s2  }
0x1e: {  	s7 =	smul.u32 @!p0 $0xF7A, s2;
	p2 =	seq.s32 @!p0 s5, $0x0  }
0x1f: {  	s9 =	smul.u32 $0xF7A, s1;
	s8 =	simm.s32 @!p0 $0x1BF5;
	p2 =	por !p2, p0  }
0x20: {  	[sflag:s8] =	ssyncset.s32 @!p0 $0xFFFFF086;
	s6 =	sadd.s32 @!p0 s3, s7;
	s7 =	simm.s32 @!p0 $0x108  }
0x21: {  	s3 =	sadd.s32 s3, s9;
	s6 =	sadd.s32 @!p0 $0x88, s6;
	s7 =	simm.s32 @p2 $0x1082  }
0x22: {  	[simem:s7], [sflag:s8] =	dma.local @!p0 [hbm:s6], $0xF7A  }
0x23: {  	s9 =	sor.u32 $0xD0000000, s2;
	s6 =	simm.s32 $0x108;
	_ =	swait.ge @!p0 [sflag:s8], $0x0  }
0x24: {  	s3 =	sadd.s32 $0x88, s3;
	s6 =	simm.s32 @!p1 $0x1082;
	[sflag:s4] =	ssyncset.s32 $0xFFFFF086  }
0x25: {  	[simem:s6], [sflag:s4] =	dma.local [hbm:s3], $0xF7A  }
0x26: {  	[smem:$0x3F97] =	sst s1;
	(tag) =	ssettag s2;
	_ =	strace s9  }
0x27: {  	s1 =	sld [smem:$0x3FA7]  }
0x28: {  	s2 =	sld [smem:$0x3FA8]  }
0x29: {  	s4 =	sld [smem:$0x3FAA]  }
0x2a: {  	p0 =	seq.s32 s5, $0x0;
	s5 =	sld [smem:$0x3FAB]  }
0x2b: {  	s6 =	sld [smem:$0x3FAC]  }
0x2c: {  	s7 =	sld [smem:$0x3FAD]  }
0x2d: {  	s3 =	simm.s32 $0x108;
	s8 =	sld [smem:$0x3FAE]  }
0x2e: {  	s3 =	simm.s32 @!p0 $0x1082;
	s9 =	sld [smem:$0x3FAF]  }
0x2f: {  	lr =	sadd.s32 s0, s3;
	s0 =	sld [smem:$0x3FA6]  }
0x30: {  	s3 =	sld [smem:$0x3FA9]  }
0x31: {  	[smem:$0x3FB2] =	sst s10  }
0x32: {  	s10 =	sld [smem:$0x3FB0];
	_ =	sdelay $0x3  }
0x33: {  	p0 =	seq.s32 s10, $0x1;
	s10 =	sld [smem:$0x3FB2];
	_ =	sdelay $0x3  }
0x34: {  	[smem:$0x3FB2] =	sst s10  }
0x35: {  	s10 =	sld [smem:$0x3FB1];
	_ =	sdelay $0x3  }
0x36: {  	p1 =	seq.s32 s10, $0x1;
	s10 =	sld [smem:$0x3FB2];
	_ =	sdelay $0x3  }
0x37: {  	[smem:$0x3FB2] =	sst s10  }
0x38: {  	s10 =	sld [smem:$0x3FB3]  }
0x39: {  	_ = 	snop;
	(pc) =	sbr.ind lr, $3  }
0x3a: {  	_ = 	snop  }
0x3b: {  	_ = 	snop  }
0x3c: {  	p2 =	seq.s32 s10, $0x1;
	s10 =	sld [smem:$0x3FB2]  }
0x3d: {  	_ =	shalt  }
0x3e: {  	_ =	shalt  }
0x3f: {  	_ =	shalt  }
0x40: {  	_ =	shalt  }
0x41: {  	_ =	shalt  }
0x42: {  	_ =	shalt  }
0x43: {  	_ =	shalt  }
0x44: {  	_ =	shalt  }
0x45: {  	_ =	shalt  }
0x46: {  	_ =	shalt  }
0x47: {  	_ =	shalt  }
0x48: {  	_ =	shalt  }
0x49: {  	_ =	shalt  }
0x4a: {  	_ =	shalt  }
0x4b: {  	_ =	shalt  }
0x4c: {  	_ =	shalt  }
0x4d: {  	_ =	shalt  }
0x4e: {  	_ =	shalt  }
0x4f: {  	_ =	shalt  }
0x50: {  	_ =	shalt  }
0x51: {  	_ =	shalt  }
0x52: {  	_ =	shalt  }
0x53: {  	_ =	shalt  }
0x54: {  	_ =	shalt  }
0x55: {  	_ =	shalt  }
0x56: {  	_ =	shalt  }
0x57: {  	_ =	shalt  }
0x58: {  	_ =	shalt  }
0x59: {  	_ =	shalt  }
0x5a: {  	_ =	shalt  }
0x5b: {  	_ =	shalt  }
0x5c: {  	_ =	shalt  }
0x5d: {  	_ =	shalt  }
0x5e: {  	_ =	shalt  }
0x5f: {  	_ =	shalt  }
0x60: {  	_ =	shalt  }
0x61: {  	_ =	shalt  }
0x62: {  	_ =	shalt  }
0x63: {  	_ =	shalt  }
0x64: {  	_ =	shalt  }
0x65: {  	_ =	shalt  }
0x66: {  	_ =	shalt  }
0x67: {  	_ =	shalt  }
0x68: {  	_ =	shalt  }
0x69: {  	_ =	shalt  }
0x6a: {  	_ =	shalt  }
0x6b: {  	_ =	shalt  }
0x6c: {  	_ =	shalt  }
0x6d: {  	_ =	shalt  }
0x6e: {  	_ =	shalt  }
0x6f: {  	_ =	shalt  }
0x70: {  	_ =	shalt  }
0x71: {  	_ =	shalt  }
0x72: {  	_ =	shalt  }
0x73: {  	_ =	shalt  }
0x74: {  	_ =	shalt  }
0x75: {  	_ =	shalt  }
0x76: {  	_ =	shalt  }
0x77: {  	_ =	shalt  }
0x78: {  	_ =	shalt  }
0x79: {  	_ =	shalt  }
0x7a: {  	_ =	shalt  }
0x7b: {  	_ =	shalt  }
0x7c: {  	_ =	shalt  }
0x7d: {  	_ =	shalt  }
0x7e: {  	_ =	shalt  }
0x7f: {  	_ =	shalt  }
0x80: {  	_ =	shalt  }
0x81: {  	_ =	shalt  }
0x82: {  	_ =	shalt  }
0x83: {  	_ =	shalt  }
0x84: {  	_ =	shalt  }
0x85: {  	_ =	shalt  }
0x86: {  	_ =	shalt  }
0x87: {  	_ =	shalt  }
.Lfunc_end0:
.L_simem_size_0:
called_computation.1_lowered:
.L_overlay_start_0:
0x88: {  	s2 =	sld [smem:$0x3FD9]  }
0x89: {  	s3 =	sld [smem:$0x3FFE];
	_ =	sdelay $0x1  }
0x8a: {  	s1 =	srdreg.scid  }
0x8b: {  	s0 =	sand.u32 $0x1, s1  }
0x8c: {  	s17 =	sshll.u32 s0, $0xA;
	s2 =	sadd.s32 s3, s2  }
0x8d: {  	s2 =	sadd.s32 s2, s17  }
0x8e: {  	[smem:$0x3FBE] =	sst s2  }
0x8f: {  	_ = 	snop  }
0x90: {  	s2 =	sld [smem:$0x3FD0];
	(tm) =	ssettm $0x1  }
0x91: {  	s18 =	sld [smem:$0x3FFB];
	_ =	sdelay $0x3  }
0x92: {  	_ =	strace s18  }
0x93: {  	s3 =	sld [smem:$0x3FFC];
	_ =	sdelay $0x3  }
0x94: {  	_ =	strace s3  }
0x95: {  	s3 =	sld [smem:$0x3FFD];
	_ =	sdelay $0x3  }
0x96: {  	_ =	strace s3  }
0x97: {  	_ =	strace $0x8FFFFFFF  }
0x98: {  	s19 =	sld [smem:$0x3FDB];
	_ =	sdelay $0x1  }
0x99: {  	s4 =	simm.s32 $_scs_section_size  }
0x9a: {  	s5 =	simm.s32 $_size__tile_overlayer_lowered;
	s6 =	simm.s32 $_tile_overlayer_lowered  }
0x9b: {  	s22 =	simm.s32 $0x1BFF;
	s21 =	sshll.u32 s6, $0x1;
	s3 =	sadd.s32 s4, s19  }
0x9c: {  	s7 =	simm.s32 $0x0;
	s20 =	sshll.u32 s5, $0x1;
	s5 =	sadd.s32 s21, s3  }
0x9d: {  	[timem:s7], [sflag:s22] =	dma.local [hbm:s5], s20  }
0x9e: {  	_ =	swait.ge [sflag:s22], s20  }
0x9f: {  	s4 =	ssub.s32 $0x0, s20;
	[sflag:s22] =	ssyncset.done $0x0  }
0xa0: {  	[sflag:s22] =	ssyncadd.s32 s4;
	_ =	sdelay $0x1  }
0xa1: {  	s23 =	simm.s32 $0x1B8B  }
0xa2: {  	_ =	swait.ge [sflag:s23], $0x1  }
0xa3: {  	[sflag:s23] =	ssyncset.done $0x0  }
0xa4: {  	s25 =	simm.s32 $0x1B8E;
	s24 =	sld [smem:$0x3FFE];
	[sflag:s23] =	ssyncadd.s32 $0xFFFFFFFF  }
0xa5: {  	s26 =	simm.s32 $execute0_lowered;
	[smem:$0x3FD2] =	sst s25  }
0xa6: {  	s5 =	sshll.u32 s26, $0x1;
	_ =	strace $0x80000049;
	[dreg:$0x1] =	wrdreg $0xFFFFFFFF  }
0xa7: {  	s28 =	simm.s32 $_size_execute0_lowered;
	s3 =	sadd.s32 s3, s5;
	[dreg:$0x0] =	wrdreg $0x0  }
0xa8: {  	s5 =	sshll.u32 s28, $0x1;
	[dreg:$0x2] =	wrdreg s3  }
0xa9: {  	[dreg:$0x3] =	wrdreg s5  }
0xaa: {  	[dreg:$0x4] =	wrdreg $0xC0  }
0xab: {  	_ =	task [dreg:s7], $0x5FFFF  }
0xac: {  	[dreg:$0x1] =	wrdreg $0xFFFFFFFF  }
0xad: {  	[dreg:$0x0] =	wrdreg $0x60  }
0xae: {  	[dreg:$0x2] =	wrdreg s24  }
0xaf: {  	[dreg:$0x3] =	wrdreg s2  }
0xb0: {  	[dreg:$0x4] =	wrdreg $0x108000  }
0xb1: {  	[dreg:$0x5] =	wrdreg $0x9  }
0xb2: {  	_ =	task.clear_ibuf [dreg:s7], $0x6FFFF;
	_ =	strace $0x90000049  }
0xb3: {  	s29 =	simm.s32 $0x9;
	_ =	strace $0x8000004B  }
0xb4: {  	_ =	swait.ge [sflag:s29], $0x1  }
0xb5: {  	[sflag:s29] =	ssyncadd.s32 $0xFFFFFFFF  }
0xb6: {  	_ =	strace $0x9000004B  }
0xb7: {  	_ =	sfence  }
0xb8: {  	s30 =	sld [smem:$0x0];
	_ =	sdelay $0x2  }
0xb9: {  	s31 =	sshll.u32 s1, $0xD;
	s1 =	sshrl.u32 s1, $0x2  }
0xba: {  	s3 =	sand.u32 $0x4000, s31;
	s1 =	sadd.s32 s1, s30  }
0xbb: {  	s0 =	sor.u32 s3, s0;
	s1 =	sshll.u32 s1, $0x11  }
0xbc: {  	s0 =	sor.u32 s1, s0  }
0xbd: {  	s0 =	sadd.s32 $0x8F2B, s0  }
0xbe: {  	[sflag:s0] =	ssyncadd.remote.s32 $0x1  }
0xbf: {  	_ =	sfence.sel $0xFFFF  }
0xc0: {  	[dreg:$0x0] =	wrdreg $0xFFFFFFFF;
	(pc) =	sbr.abs _section_cstart, $3  }
0xc1: {  	[dreg:$0x1] =	wrdreg $0xFFFFFFFF  }
0xc2: {  	_ =	task.clear_ibuf [dreg:s7], $0x2FFFF;
	_ =	strace $0x9FFFFFFF  }
0xc3: {  	(tm) =	ssettm $0x7FFFFFFF  }
tec
execute0_lowered:
.L_overlay_start_1:
0x0: {  	(tag) =	ssettag $0x1  }
0x1: {  	s0 =	rddreg [dreg:$0x0]  }
0x2: {  	s1 =	rddreg [dreg:$0x1]  }
0x3: {  	s2 =	rddreg [dreg:$0x2]  }
0x4: {  	s9 =	stileid.u32;
	s3 =	srdreg.scid  }
0x5: {  	s18 =	simm.s32 $0x280;
	s19 =	simm.s32 $0x300;
	s20 =	simm.s32 $0x380  }
0x6: {  	s21 =	simm.s32 $0x480;
	s22 =	simm.s32 $0x500;
	s23 =	simm.s32 $0x580  }
0x7: {  	s28 =	simm.s32 $0x6800;
	s29 =	simm.s32 $0x200;
	s30 =	simm.s32 $0x600  }
0x8: {  	s31 =	simm.s32 $0xA800;
	s4 =	smul.u32 $0x28, s9;
	s5 =	sand.u32 $0x1, s3  }
0x9: {  	s6 =	smul.u32 $0x78, s9;
	s3 =	simm.s32 $0x0;
	s8 =	sadd.s32 $0x2AE00, s0  }
0xa: {  	s11 =	smul.u32 $0xA000, s9;
	s12 =	sadd.s32 $0x53600, s0;
	[smem:$0x7FF] =	sst s3  }
0xb: {  	p0 =	seq.s32 s5, $0x0;
	_ =	strace $0x8000004A;
	[dreg:$0xd] =	wrdreg s8  }
0xc: {  	s7 =	ssub.s32 $0x2, s5;
	s5 =	smul.u32 $0xA0000, s5;
	[dreg:$0x4] =	wrdreg s18  }
0xd: {  	s4 =	sadd.s32 $0x780, s4;
	s24 =	sshrl.u32 s7, $0x1;
	[dreg:$0x5] =	wrdreg s19  }
0xe: {  	s25 =	sadd.s32 $0x8000, s11;
	s8 =	sadd.s32 s11, s2;
	[dreg:$0x6] =	wrdreg s20  }
0xf: {  	s18 =	simm.s32 $0x800;
	s19 =	simm.s32 $0x3;
	[dreg:$0x7] =	wrdreg s21  }
0x10: {  	s20 =	simm.s32 $0x8800;
	s21 =	simm.s32 $0x400;
	[dreg:$0x8] =	wrdreg s22  }
0x11: {  	s22 =	simm.s32 $0x80;
	[dreg:$0x9] =	wrdreg s23;
	s4 =	smov.u32 @p0 s6  }
0x12: {  	s13 =	ssub.s32 s7, s24;
	s7 =	simm.s32 $0x1E;
	s9 =	sadd.s32 s25, s2  }
0x13: {  	s26 =	sadd.s32 s11, s5;
	s24 =	simm.s32 $0x680;
	[dreg:$0xf] =	wrdreg s8  }
0x14: {  	s6 =	sshll.u32 s4, $0x4;
	s4 =	sadd.s32 $0x3F600, s0;
	[dreg:$0xa] =	wrdreg s24  }
0x15: {  	s7 =	simm.s32 @!p0 $0xA;
	s17 =	smax.u32 s13, $0x1;
	[dreg:$0x10] =	wrdreg s9  }
0x16: {  	s15 =	sshrl.u32 s26, $0x3;
	s26 =	simm.s32 $0x780;
	[dreg:$0x16] =	wrdreg s17  }
0x17: {  	s10 =	sadd.s32 s6, s0;
	s0 =	sadd.s32 $0x2BE00, s0;
	[dreg:$0xc] =	wrdreg s26  }
0x18: {  	s23 =	simm.s32 $0x2800;
	s16 =	sshrl.u32 s7, $0x1;
	[dreg:$0xe] =	wrdreg s0  }
0x19: {  	s11 =	sadd.s32 s1, s6;
	s1 =	sadd.s32 s12, s15;
	[dreg:$0x13] =	wrdreg s16  }
0x1a: {  	s24 =	simm.s32 $0x1;
	s26 =	simm.s32 $0x2;
	[dreg:$0x14] =	wrdreg s1  }
0x1b: {  	s14 =	sadd.s32 $0x35600, s10;
	s0 =	sadd.s32 s5, s25;
	[dreg:$0x12] =	wrdreg s11  }
0x1c: {  	s13 =	sadd.s32 $0x40, s11;
	s17 =	sadd.s32 $0x35640, s10;
	s25 =	simm.s32 $0x700  }
0x1d: {  	s1 =	simm.s32 $0xC800;
	[dreg:$0x11] =	wrdreg s14;
	s0 =	sshrl.u32 s0, $0x3  }
0x1e: {  	s5 =	simm.s32 $0x0;
	[dreg:$0xb] =	wrdreg s25;
	s0 =	sadd.s32 s12, s0  }
0x1f: {  	s25 =	simm.s32 $0x4800;
	[dreg:$0x15] =	wrdreg s0;
	s0 =	simm.s32 $0xE800  }
.LBB2_1:
0x20: {  	s6 =	rddreg [dreg:$0xd]  }
0x21: {  	[tilespmem:s18], [sflag:$0x3] =	stream.linear.gather [hbm4b:s6+s3], $0x8000, $0x38;
	[tilespmem:$0x1A800] =	vst v63  }
0x22: {  	_ =	swait.ge [sflag:s19], $0x8000  }
0x23: {  	[sflag:s19] =	ssyncset.done $0x0  }
0x24: {  	s10 =	rddreg [dreg:$0xe];
	[sflag:s19] =	ssyncadd.s32 $0xFFFF8000  }
0x25: {  	[tilespmem:s20], [sflag:$0x3] =	stream.linear.gather [hbm4b:s10+s3], $0x2000, $0x38;
	[tilespmem:$0x1A800] =	vst v63  }
0x26: {  	_ =	swait.ge [sflag:s19], $0x2000  }
0x27: {  	[sflag:s19] =	ssyncset.done $0x0  }
0x28: {  	[sflag:s19] =	ssyncadd.s32 $0xFFFFE000  }
0x29: {  	[spmem:s8] =	stream.linear.scatter [tilespmem:s18], [sflag:$0x3], $0x8000, $0x38;
	[tilespmem:$0x1A800] =	vst v63  }
0x2a: {  	_ =	swait.ge [sflag:s19], $0x8000  }
0x2b: {  	[sflag:s19] =	ssyncset.done $0x0  }
0x2c: {  	[sflag:s19] =	ssyncadd.s32 $0xFFFF8000  }
0x2d: {  	[spmem:s9] =	stream.linear.scatter [tilespmem:s20], [sflag:$0x3], $0x2000, $0x38;
	[tilespmem:$0x1A800] =	vst v63  }
0x2e: {  	_ =	swait.ge [sflag:s19], $0x2000  }
0x2f: {  	[sflag:s19] =	ssyncset.done $0x0  }
0x30: {  	[sflag:s19] =	ssyncadd.s32 $0xFFFFE000  }
0x31: {  	[bflag:$0x0] =	sbarrier.arrive $0xFFFF  }
0x32: {  	s11 =	rddreg [dreg:$0x11]  }
0x33: {  	[tilespmem:s3], [sflag:$0x3] =	stream.linear.gather [hbm4b:s11+s3], $0x200, $0x38;
	[tilespmem:$0x1A800] =	vst v63  }
0x34: {  	_ =	swait.ge [sflag:s19], $0x200  }
0x35: {  	[sflag:s19] =	ssyncset.done $0x0  }
0x36: {  	s12 =	rddreg [dreg:$0x12];
	[sflag:s19] =	ssyncadd.s32 $0xFFFFFE00  }
0x37: {  	[tilespmem:s21], [sflag:$0x3] =	stream.linear.gather [hbm4b:s12+s3], $0x200, $0x38;
	[tilespmem:$0x1A800] =	vst v63  }
0x38: {  	_ =	swait.ge [sflag:s19], $0x200  }
0x39: {  	[sflag:s19] =	ssyncset.done $0x0  }
0x3a: {  	[sflag:s19] =	ssyncadd.s32 $0xFFFFFE00  }
0x3b: {  	[tilespmem:s18], [sflag:$0x1] =	stream.indirect.gather [hbm4b:s4+s22], $0x40, s3, s22, $0xb8;
	[tilespmem:$0x1A800] =	vst v63  }
0x3c: {  	_ = 	snop  }
0x3d: {  	[tilespmem:s23], [sflag:$0x1] =	stream.indirect.gather [hbm4b:s4+s22], $0x40, s22, s22, $0xb8;
	[tilespmem:$0x1A800] =	vst v63  }
0x3e: {  	s14 =	simm.s32 $0x100  }
0x3f: {  	[tilespmem:s25], [sflag:$0x1] =	stream.indirect.gather [hbm4b:s4+s22], $0x40, s14, s22, $0xb8;
	[tilespmem:$0x1A800] =	vst v63  }
0x40: {  	s15 =	simm.s32 $0x180  }
0x41: {  	[tilespmem:s28], [sflag:$0x1] =	stream.indirect.gather [hbm4b:s4+s22], $0x40, s15, s22, $0xb8;
	[tilespmem:$0x1A800] =	vst v63  }
0x42: {  	_ = 	snop  }
0x43: {  	[tilespmem:s29], [sflag:$0x3] =	stream.linear.gather [hbm4b:s17+s3], $0x200, $0x38;
	[tilespmem:$0x1A800] =	vst v63  }
0x44: {  	_ =	swait.ge [sflag:s19], $0x200  }
0x45: {  	[sflag:s19] =	ssyncset.done $0x0  }
0x46: {  	[sflag:s19] =	ssyncadd.s32 $0xFFFFFE00  }
0x47: {  	[tilespmem:s30], [sflag:$0x3] =	stream.linear.gather [hbm4b:s13+s3], $0x200, $0x38;
	[tilespmem:$0x1A800] =	vst v63  }
0x48: {  	_ =	swait.ge [sflag:s19], $0x200  }
0x49: {  	[sflag:s19] =	ssyncset.done $0x0  }
0x4a: {  	[sflag:s19] =	ssyncadd.s32 $0xFFFFFE00  }
0x4b: {  	[tilespmem:s20], [sflag:$0x2] =	stream.indirect.gather [hbm4b:s4+s22], $0x40, s29, s22, $0xb8;
	[tilespmem:$0x1A800] =	vst v63  }
0x4c: {  	s16 =	rddreg [dreg:$0x4]  }
0x4d: {  	[tilespmem:s31], [sflag:$0x2] =	stream.indirect.gather [hbm4b:s4+s22], $0x40, s16, s22, $0xb8;
	[tilespmem:$0x1A800] =	vst v63  }
0x4e: {  	s10 =	rddreg [dreg:$0x5]  }
0x4f: {  	[tilespmem:s1], [sflag:$0x2] =	stream.indirect.gather [hbm4b:s4+s22], $0x40, s10, s22, $0xb8;
	[tilespmem:$0x1A800] =	vst v63  }
0x50: {  	s8 =	rddreg [dreg:$0x6]  }
0x51: {  	[tilespmem:s0], [sflag:$0x2] =	stream.indirect.gather [hbm4b:s4+s22], $0x40, s8, s22, $0xb8;
	[tilespmem:$0x1A800] =	vst v63  }
0x52: {  	_ =	swait.ge [sflag:s24], $0x2000  }
0x53: {  	[sflag:s24] =	ssyncset.done $0x0  }
0x54: {  	[sflag:s24] =	ssyncadd.s32 $0xFFFFE000  }
0x55: {  	_ =	swait.ge [sflag:s24], $0x2000  }
0x56: {  	[sflag:s24] =	ssyncset.done $0x0  }
0x57: {  	[sflag:s24] =	ssyncadd.s32 $0xFFFFE000  }
0x58: {  	_ =	swait.ge [sflag:s24], $0x2000  }
0x59: {  	[sflag:s24] =	ssyncset.done $0x0  }
0x5a: {  	[sflag:s24] =	ssyncadd.s32 $0xFFFFE000  }
0x5b: {  	_ =	swait.ge [sflag:s24], $0x2000  }
0x5c: {  	[sflag:s24] =	ssyncset.done $0x0  }
0x5d: {  	[sflag:s24] =	ssyncadd.s32 $0xFFFFE000  }
0x5e: {  	[spmem:s2] =	stream.indirect.scatter.add.f32 [tilespmem:s18], [sflag:$0x3], $0x40, s21, s22, $0xb8;
	[tilespmem:$0x1A800] =	vst v63  }
0x5f: {  	_ =	swait.ge [sflag:s19], $0x2000  }
0x60: {  	[sflag:s19] =	ssyncset.done $0x0  }
0x61: {  	s9 =	rddreg [dreg:$0x7];
	[sflag:s19] =	ssyncadd.s32 $0xFFFFE000  }
0x62: {  	[spmem:s2] =	stream.indirect.scatter.add.f32 [tilespmem:s23], [sflag:$0x3], $0x40, s9, s22, $0xb8;
	[tilespmem:$0x1A800] =	vst v63  }
0x63: {  	_ =	swait.ge [sflag:s19], $0x2000  }
0x64: {  	[sflag:s19] =	ssyncset.done $0x0  }
0x65: {  	s10 =	rddreg [dreg:$0x8];
	[sflag:s19] =	ssyncadd.s32 $0xFFFFE000  }
0x66: {  	[spmem:s2] =	stream.indirect.scatter.add.f32 [tilespmem:s25], [sflag:$0x3], $0x40, s10, s22, $0xb8;
	[tilespmem:$0x1A800] =	vst v63  }
0x67: {  	_ =	swait.ge [sflag:s19], $0x2000  }
0x68: {  	[sflag:s19] =	ssyncset.done $0x0  }
0x69: {  	s11 =	rddreg [dreg:$0x9];
	[sflag:s19] =	ssyncadd.s32 $0xFFFFE000  }
0x6a: {  	[spmem:s2] =	stream.indirect.scatter.add.f32 [tilespmem:s28], [sflag:$0x3], $0x40, s11, s22, $0xb8;
	[tilespmem:$0x1A800] =	vst v63  }
0x6b: {  	p0 =	sle.u32 s7, $0x2;
	_ =	swait.ge [sflag:s19], $0x2000  }
0x6c: {  	s6 =	sadd.s32 @!p0 $0x40, s17;
	[sflag:s19] =	ssyncset.done $0x0  }
0x6d: {  	s12 =	simm.s32 @!p0 $0x3;
	s10 =	simm.s32 @!p0 $0x0;
	[sflag:s19] =	ssyncadd.s32 $0xFFFFE000  }
0x6e: {  	[tilespmem:s10], [sflag:$0x3] =	stream.linear.gather @!p0 [hbm4b:s6+s10], $0x200, $0x38;
	[tilespmem:$0x1A800] =	vst v63  }
0x6f: {  	_ =	swait.ge @!p0 [sflag:s12], $0x200  }
0x70: {  	[sflag:s12] =	ssyncset.done @!p0 $0x0  }
0x71: {  	s16 =	simm.s32 @!p0 $0x400;
	s6 =	sadd.s32 @!p0 $0x40, s13;
	[sflag:s12] =	ssyncadd.s32 @!p0 $0xFFFFFE00  }
0x72: {  	[tilespmem:s16], [sflag:$0x3] =	stream.linear.gather @!p0 [hbm4b:s6+s10], $0x200, $0x38;
	[tilespmem:$0x1A800] =	vst v63  }
0x73: {  	_ =	swait.ge @!p0 [sflag:s12], $0x200  }
0x74: {  	[sflag:s12] =	ssyncset.done @!p0 $0x0  }
0x75: {  	s6 =	simm.s32 @!p0 $0x80;
	s16 =	simm.s32 @!p0 $0x800;
	[sflag:s12] =	ssyncadd.s32 @!p0 $0xFFFFFE00  }
0x76: {  	[tilespmem:s16], [sflag:$0x1] =	stream.indirect.gather @!p0 [hbm4b:s4+s6], $0x40, s10, s6, $0xb8;
	[tilespmem:$0x1A800] =	vst v63  }
0x77: {  	s10 =	simm.s32 @!p0 $0x2800  }
0x78: {  	[tilespmem:s10], [sflag:$0x1] =	stream.indirect.gather @!p0 [hbm4b:s4+s6], $0x40, s6, s6, $0xb8;
	[tilespmem:$0x1A800] =	vst v63  }
0x79: {  	s12 =	simm.s32 @!p0 $0x4800;
	s10 =	simm.s32 @!p0 $0x100  }
0x7a: {  	[tilespmem:s12], [sflag:$0x1] =	stream.indirect.gather @!p0 [hbm4b:s4+s6], $0x40, s10, s6, $0xb8;
	[tilespmem:$0x1A800] =	vst v63  }
0x7b: {  	s10 =	simm.s32 @!p0 $0x180;
	s12 =	simm.s32 @!p0 $0x6800  }
0x7c: {  	[tilespmem:s12], [sflag:$0x1] =	stream.indirect.gather @!p0 [hbm4b:s4+s6], $0x40, s10, s6, $0xb8;
	[tilespmem:$0x1A800] =	vst v63  }
0x7d: {  	_ =	swait.ge [sflag:s26], $0x2000  }
0x7e: {  	[sflag:s26] =	ssyncset.done $0x0  }
0x7f: {  	[sflag:s26] =	ssyncadd.s32 $0xFFFFE000  }
0x80: {  	_ =	swait.ge [sflag:s26], $0x2000  }
0x81: {  	[sflag:s26] =	ssyncset.done $0x0  }
0x82: {  	[sflag:s26] =	ssyncadd.s32 $0xFFFFE000  }
0x83: {  	_ =	swait.ge [sflag:s26], $0x2000  }
0x84: {  	[sflag:s26] =	ssyncset.done $0x0  }
0x85: {  	[sflag:s26] =	ssyncadd.s32 $0xFFFFE000  }
0x86: {  	_ =	swait.ge [sflag:s26], $0x2000  }
0x87: {  	[sflag:s26] =	ssyncset.done $0x0  }
0x88: {  	[sflag:s26] =	ssyncadd.s32 $0xFFFFE000  }
0x89: {  	[spmem:s2] =	stream.indirect.scatter.add.f32 [tilespmem:s20], [sflag:$0x3], $0x40, s30, s22, $0xb8;
	[tilespmem:$0x1A800] =	vst v63  }
0x8a: {  	_ =	swait.ge [sflag:s19], $0x2000  }
0x8b: {  	[sflag:s19] =	ssyncset.done $0x0  }
0x8c: {  	s12 =	rddreg [dreg:$0xa];
	[sflag:s19] =	ssyncadd.s32 $0xFFFFE000  }
0x8d: {  	[spmem:s2] =	stream.indirect.scatter.add.f32 [tilespmem:s31], [sflag:$0x3], $0x40, s12, s22, $0xb8;
	[tilespmem:$0x1A800] =	vst v63  }
0x8e: {  	_ =	swait.ge [sflag:s19], $0x2000  }
0x8f: {  	[sflag:s19] =	ssyncset.done $0x0  }
0x90: {  	s14 =	rddreg [dreg:$0xb];
	[sflag:s19] =	ssyncadd.s32 $0xFFFFE000  }
0x91: {  	[spmem:s2] =	stream.indirect.scatter.add.f32 [tilespmem:s1], [sflag:$0x3], $0x40, s14, s22, $0xb8;
	[tilespmem:$0x1A800] =	vst v63  }
0x92: {  	_ =	swait.ge [sflag:s19], $0x2000  }
0x93: {  	s16 =	rddreg [dreg:$0x13]  }
0x94: {  	s6 =	sadd.s32 $0xFFFFFFFF, s16  }
0x95: {  	p0 =	sne.s32 s6, $0x0  }
.Ltmp0:
0x96: {  	_ = 	snop;
	(pc) =	sbr.rel @!p0 .LBB2_3-.Ltmp0, $4  }
0x97: {  	[sflag:s19] =	ssyncset.done $0x0  }
0x98: {  	s10 =	sadd.s32 $0x80, s17;
	s15 =	rddreg [dreg:$0xc];
	[sflag:s19] =	ssyncadd.s32 $0xFFFFE000  }
0x99: {  	[spmem:s2] =	stream.indirect.scatter.add.f32 [tilespmem:s0], [sflag:$0x3], $0x40, s15, s22, $0xb8;
	[tilespmem:$0x1A800] =	vst v63  }
0x9a: {  	s12 =	simm.s32 $0x4;
	s16 =	smov.u32 s13;
	_ =	swait.ge [sflag:s19], $0x2000  }
.LBB2_2:
0x9b: {  	[sflag:s19] =	ssyncset.done $0x0  }
0x9c: {  	[sflag:s19] =	ssyncadd.s32 $0xFFFFE000  }
0x9d: {  	[tilespmem:s29], [sflag:$0x3] =	stream.linear.gather [hbm4b:s10+s3], $0x200, $0x38;
	[tilespmem:$0x1A800] =	vst v63  }
0x9e: {  	_ =	swait.ge [sflag:s19], $0x200  }
0x9f: {  	[sflag:s19] =	ssyncset.done $0x0  }
0xa0: {  	s16 =	sadd.s32 $0x80, s16;
	[sflag:s19] =	ssyncadd.s32 $0xFFFFFE00  }
0xa1: {  	[tilespmem:s30], [sflag:$0x3] =	stream.linear.gather [hbm4b:s16+s3], $0x200, $0x38;
	[tilespmem:$0x1A800] =	vst v63  }
0xa2: {  	_ =	swait.ge [sflag:s19], $0x200  }
0xa3: {  	[sflag:s19] =	ssyncset.done $0x0  }
0xa4: {  	[sflag:s19] =	ssyncadd.s32 $0xFFFFFE00  }
0xa5: {  	[tilespmem:s20], [sflag:$0x2] =	stream.indirect.gather [hbm4b:s4+s22], $0x40, s29, s22, $0xb8;
	[tilespmem:$0x1A800] =	vst v63  }
0xa6: {  	s14 =	rddreg [dreg:$0x4]  }
0xa7: {  	[tilespmem:s31], [sflag:$0x2] =	stream.indirect.gather [hbm4b:s4+s22], $0x40, s14, s22, $0xb8;
	[tilespmem:$0x1A800] =	vst v63  }
0xa8: {  	s15 =	rddreg [dreg:$0x5]  }
0xa9: {  	[tilespmem:s1], [sflag:$0x2] =	stream.indirect.gather [hbm4b:s4+s22], $0x40, s15, s22, $0xb8;
	[tilespmem:$0x1A800] =	vst v63  }
0xaa: {  	s11 =	rddreg [dreg:$0x6]  }
0xab: {  	[tilespmem:s0], [sflag:$0x2] =	stream.indirect.gather [hbm4b:s4+s22], $0x40, s11, s22, $0xb8;
	[tilespmem:$0x1A800] =	vst v63  }
0xac: {  	_ =	swait.ge [sflag:s24], $0x2000  }
0xad: {  	[sflag:s24] =	ssyncset.done $0x0  }
0xae: {  	[sflag:s24] =	ssyncadd.s32 $0xFFFFE000  }
0xaf: {  	_ =	swait.ge [sflag:s24], $0x2000  }
0xb0: {  	[sflag:s24] =	ssyncset.done $0x0  }
0xb1: {  	[sflag:s24] =	ssyncadd.s32 $0xFFFFE000  }
0xb2: {  	_ =	swait.ge [sflag:s24], $0x2000  }
0xb3: {  	[sflag:s24] =	ssyncset.done $0x0  }
0xb4: {  	[sflag:s24] =	ssyncadd.s32 $0xFFFFE000  }
0xb5: {  	_ =	swait.ge [sflag:s24], $0x2000  }
0xb6: {  	[sflag:s24] =	ssyncset.done $0x0  }
0xb7: {  	[sflag:s24] =	ssyncadd.s32 $0xFFFFE000  }
0xb8: {  	[spmem:s2] =	stream.indirect.scatter.add.f32 [tilespmem:s18], [sflag:$0x3], $0x40, s21, s22, $0xb8;
	[tilespmem:$0x1A800] =	vst v63  }
0xb9: {  	_ =	swait.ge [sflag:s19], $0x2000  }
0xba: {  	[sflag:s19] =	ssyncset.done $0x0  }
0xbb: {  	s15 =	rddreg [dreg:$0x7];
	[sflag:s19] =	ssyncadd.s32 $0xFFFFE000  }
0xbc: {  	[spmem:s2] =	stream.indirect.scatter.add.f32 [tilespmem:s23], [sflag:$0x3], $0x40, s15, s22, $0xb8;
	[tilespmem:$0x1A800] =	vst v63  }
0xbd: {  	_ =	swait.ge [sflag:s19], $0x2000  }
0xbe: {  	[sflag:s19] =	ssyncset.done $0x0  }
0xbf: {  	s8 =	rddreg [dreg:$0x8];
	[sflag:s19] =	ssyncadd.s32 $0xFFFFE000  }
0xc0: {  	[spmem:s2] =	stream.indirect.scatter.add.f32 [tilespmem:s25], [sflag:$0x3], $0x40, s8, s22, $0xb8;
	[tilespmem:$0x1A800] =	vst v63  }
0xc1: {  	_ =	swait.ge [sflag:s19], $0x2000  }
0xc2: {  	[sflag:s19] =	ssyncset.done $0x0  }
0xc3: {  	s9 =	rddreg [dreg:$0x9];
	[sflag:s19] =	ssyncadd.s32 $0xFFFFE000  }
0xc4: {  	[spmem:s2] =	stream.indirect.scatter.add.f32 [tilespmem:s28], [sflag:$0x3], $0x40, s9, s22, $0xb8;
	[tilespmem:$0x1A800] =	vst v63  }
0xc5: {  	p1 =	sge.u32 s12, s7;
	_ =	swait.ge [sflag:s19], $0x2000  }
0xc6: {  	s14 =	sadd.s32 @!p1 $0x40, s10;
	[sflag:s19] =	ssyncset.done $0x0  }
0xc7: {  	s11 =	simm.s32 @!p1 $0x3;
	s15 =	simm.s32 @!p1 $0x0;
	[sflag:s19] =	ssyncadd.s32 $0xFFFFE000  }
0xc8: {  	[tilespmem:s15], [sflag:$0x3] =	stream.linear.gather @!p1 [hbm4b:s14+s15], $0x200, $0x38;
	[tilespmem:$0x1A800] =	vst v63  }
0xc9: {  	_ =	swait.ge @!p1 [sflag:s11], $0x200  }
0xca: {  	[sflag:s11] =	ssyncset.done @!p1 $0x0  }
0xcb: {  	s8 =	simm.s32 @!p1 $0x400;
	s14 =	sadd.s32 @!p1 $0x40, s16;
	[sflag:s11] =	ssyncadd.s32 @!p1 $0xFFFFFE00  }
0xcc: {  	[tilespmem:s8], [sflag:$0x3] =	stream.linear.gather @!p1 [hbm4b:s14+s15], $0x200, $0x38;
	[tilespmem:$0x1A800] =	vst v63  }
0xcd: {  	_ =	swait.ge @!p1 [sflag:s11], $0x200  }
0xce: {  	[sflag:s11] =	ssyncset.done @!p1 $0x0  }
0xcf: {  	s8 =	simm.s32 @!p1 $0x80;
	s14 =	simm.s32 @!p1 $0x800;
	[sflag:s11] =	ssyncadd.s32 @!p1 $0xFFFFFE00  }
0xd0: {  	[tilespmem:s14], [sflag:$0x1] =	stream.indirect.gather @!p1 [hbm4b:s4+s8], $0x40, s15, s8, $0xb8;
	[tilespmem:$0x1A800] =	vst v63  }
0xd1: {  	s11 =	simm.s32 @!p1 $0x2800  }
0xd2: {  	[tilespmem:s11], [sflag:$0x1] =	stream.indirect.gather @!p1 [hbm4b:s4+s8], $0x40, s8, s8, $0xb8;
	[tilespmem:$0x1A800] =	vst v63  }
0xd3: {  	s14 =	simm.s32 @!p1 $0x100;
	s15 =	simm.s32 @!p1 $0x4800  }
0xd4: {  	[tilespmem:s15], [sflag:$0x1] =	stream.indirect.gather @!p1 [hbm4b:s4+s8], $0x40, s14, s8, $0xb8;
	[tilespmem:$0x1A800] =	vst v63  }
0xd5: {  	s9 =	simm.s32 @!p1 $0x6800;
	s11 =	simm.s32 @!p1 $0x180  }
0xd6: {  	[tilespmem:s9], [sflag:$0x1] =	stream.indirect.gather @!p1 [hbm4b:s4+s8], $0x40, s11, s8, $0xb8;
	[tilespmem:$0x1A800] =	vst v63  }
0xd7: {  	_ =	swait.ge [sflag:s26], $0x2000  }
0xd8: {  	[sflag:s26] =	ssyncset.done $0x0  }
0xd9: {  	[sflag:s26] =	ssyncadd.s32 $0xFFFFE000  }
0xda: {  	_ =	swait.ge [sflag:s26], $0x2000  }
0xdb: {  	[sflag:s26] =	ssyncset.done $0x0  }
0xdc: {  	[sflag:s26] =	ssyncadd.s32 $0xFFFFE000  }
0xdd: {  	_ =	swait.ge [sflag:s26], $0x2000  }
0xde: {  	[sflag:s26] =	ssyncset.done $0x0  }
0xdf: {  	[sflag:s26] =	ssyncadd.s32 $0xFFFFE000  }
0xe0: {  	_ =	swait.ge [sflag:s26], $0x2000  }
0xe1: {  	[sflag:s26] =	ssyncset.done $0x0  }
0xe2: {  	[sflag:s26] =	ssyncadd.s32 $0xFFFFE000  }
0xe3: {  	[spmem:s2] =	stream.indirect.scatter.add.f32 [tilespmem:s20], [sflag:$0x3], $0x40, s30, s22, $0xb8;
	[tilespmem:$0x1A800] =	vst v63  }
0xe4: {  	_ =	swait.ge [sflag:s19], $0x2000  }
0xe5: {  	[sflag:s19] =	ssyncset.done $0x0  }
0xe6: {  	s11 =	rddreg [dreg:$0xa];
	[sflag:s19] =	ssyncadd.s32 $0xFFFFE000  }
0xe7: {  	[spmem:s2] =	stream.indirect.scatter.add.f32 [tilespmem:s31], [sflag:$0x3], $0x40, s11, s22, $0xb8;
	[tilespmem:$0x1A800] =	vst v63  }
0xe8: {  	_ =	swait.ge [sflag:s19], $0x2000  }
0xe9: {  	s6 =	sadd.s32 $0xFFFFFFFF, s6;
	[sflag:s19] =	ssyncset.done $0x0  }
0xea: {  	p0 =	sne.s32 s6, $0x0;
	s14 =	rddreg [dreg:$0xb];
	[sflag:s19] =	ssyncadd.s32 $0xFFFFE000  }
0xeb: {  	[spmem:s2] =	stream.indirect.scatter.add.f32 [tilespmem:s1], [sflag:$0x3], $0x40, s14, s22, $0xb8;
	[tilespmem:$0x1A800] =	vst v63  }
.Ltmp1:
0xec: {  	_ =	swait.ge [sflag:s19], $0x2000;
	(pc) =	sbr.rel @p0 .LBB2_2-.Ltmp1, $4  }
0xed: {  	[sflag:s19] =	ssyncset.done $0x0  }
0xee: {  	s15 =	rddreg [dreg:$0xc];
	[sflag:s19] =	ssyncadd.s32 $0xFFFFE000  }
0xef: {  	[spmem:s2] =	stream.indirect.scatter.add.f32 [tilespmem:s0], [sflag:$0x3], $0x40, s15, s22, $0xb8;
	[tilespmem:$0x1A800] =	vst v63  }
0xf0: {  	s12 =	sadd.s32 $0x2, s12;
	s10 =	sadd.s32 $0x80, s10;
	_ =	swait.ge [sflag:s19], $0x2000  }
.LBB2_3:
0xf1: {  	[sflag:s19] =	ssyncset.done $0x0  }
0xf2: {  	[sflag:s19] =	ssyncadd.s32 $0xFFFFE000  }
0xf3: {  	[bflag:$0x0] =	sbarrier.arrive $0xFFFF  }
0xf4: {  	s8 =	rddreg [dreg:$0xf]  }
0xf5: {  	[tilespmem:s18], [sflag:$0x3] =	stream.linear.gather [spmem:s8], $0x8000, $0x38;
	[tilespmem:$0x1A800] =	vst v63  }
0xf6: {  	_ =	swait.ge [sflag:s19], $0x8000  }
0xf7: {  	[sflag:s19] =	ssyncset.done $0x0  }
0xf8: {  	s9 =	rddreg [dreg:$0x10];
	[sflag:s19] =	ssyncadd.s32 $0xFFFF8000  }
0xf9: {  	[tilespmem:s20], [sflag:$0x3] =	stream.linear.gather [spmem:s9], $0x2000, $0x38;
	[tilespmem:$0x1A800] =	vst v63  }
0xfa: {  	_ =	swait.ge [sflag:s19], $0x2000  }
0xfb: {  	[sflag:s19] =	ssyncset.done $0x0  }
0xfc: {  	s6 =	rddreg [dreg:$0x14];
	[sflag:s19] =	ssyncadd.s32 $0xFFFFE000  }
0xfd: {  	[hbm4b:s6+s3] =	stream.linear.scatter [tilespmem:s18], [sflag:$0x3], $0x8000, $0x38;
	[tilespmem:$0x1A800] =	vst v63  }
0xfe: {  	_ =	swait.ge [sflag:s19], $0x8000  }
0xff: {  	[sflag:s19] =	ssyncset.done $0x0  }
0x100: {  	s15 =	rddreg [dreg:$0x15];
	[sflag:s19] =	ssyncadd.s32 $0xFFFF8000  }
0x101: {  	[hbm4b:s15+s3] =	stream.linear.scatter [tilespmem:s20], [sflag:$0x3], $0x2000, $0x38;
	[tilespmem:$0x1A800] =	vst v63  }
0x102: {  	_ =	swait.ge [sflag:s19], $0x2000  }
0x103: {  	s5 =	sadd.s32 $0x1, s5;
	s16 =	rddreg [dreg:$0x16]  }
0x104: {  	p0 =	sne.s32 s5, s16  }
.Ltmp2:
0x105: {  	_ = 	snop;
	(pc) =	sbr.rel @p0 .LBB2_1-.Ltmp2, $3  }
0x106: {  	_ =	sdelay $0x1  }
0x107: {  	[sflag:s19] =	ssyncset.done $0x0  }
0x108: {  	[sflag:s19] =	ssyncadd.s32 $0xFFFFE000  }
0x109: {  	_ =	sfence.sel $0x180000  }
0x10a: {  	[bflag:$0x0] =	sbarrier.arrive $0xFFFF  }
0x10b: {  	_ =	strace $0x9000004A  }
0x10c: {  	s0 =	stileid.u32;
	[bflag:$0x2] =	sbarrier.arrive $0xFFFF  }
0x10d: {  	p0 =	sne.s32 s0, $0x0;
	s0 =	rddreg [dreg:$0x3]  }
0x10e: {  	s0 =	sadd.s32 @!p0 $0x100000, s0  }
0x10f: {  	[sflag:s0] =	ssyncadd.tile.s32 @!p0 $0x1;
	_ =	shalt  }
.Lfunc_end2:
_tile_overlayer_lowered:
.L_overlay_start_2:
0x110: {  	(tag) =	ssettag $0x2  }
0x111: {  	s0 =	rddreg [dreg:$0x0];
	s2 =	stileid.u32  }
0x112: {  	s1 =	rddreg [dreg:$0x1];
	p0 =	sne.s32 s2, $0x0  }
0x113: {  	s3 =	rddreg [dreg:$0x2];
	[bflag:$0x3] =	sbarrier.arrive $0xFFFF;
	s2 =	simm.s32 @!p0 $0x1C03  }
0x114: {  	[timem:s3], [sflag:s2] =	dma.local @!p0 [hbm:s0], s1  }
0x115: {  	s0 =	simm.s32 @!p0 $0x3  }
0x116: {  	_ =	swait.ge @!p0 [sflag:s0], s1  }
0x117: {  	s1 =	ssub.s32 @!p0 $0x0, s1;
	[sflag:s0] =	ssyncset.done @!p0 $0x0  }
0x118: {  	[sflag:s0] =	ssyncadd.s32 @!p0 s1  }
0x119: {  	[bflag:$0x3] =	sbarrier.arrive $0xFFFF  }
0x11a: {  	_ =	shalt  }

// kernel: kernel.16.cloned.1.call-start
scs
__scs_entry_jumppad:
0x0: {  	(pc) =	sbr.rel $0x88, $3  }
0x1: {  	(tag) =	ssettag $0x0;
	lr =	simm.s32 $0x1  }
0x2: {  	[smem:$0x3F97] =	sst lr;
	_ =	strace $0xD0000000  }
0x3: {  	_ = 	snop  }
0x4: {  	_ = 	snop  }
0x5: {  	_ = 	snop  }
0x6: {  	_ = 	snop  }
0x7: {  	_ = 	snop  }
__scs_overlays_trampoline_lowered:
0x8: {  	[smem:$0x3FA6] =	sst s0  }
0x9: {  	[smem:$0x3FA7] =	sst s1  }
0xa: {  	[smem:$0x3FA8] =	sst s2  }
0xb: {  	[smem:$0x3FA9] =	sst s3  }
0xc: {  	[smem:$0x3FAA] =	sst s4  }
0xd: {  	[smem:$0x3FAB] =	sst s5  }
0xe: {  	[smem:$0x3FAC] =	sst s6  }
0xf: {  	[smem:$0x3FAD] =	sst s7  }
0x10: {  	[smem:$0x3FAE] =	sst s8  }
0x11: {  	[smem:$0x3FAF] =	sst s9;
	s0 =	simm.s32 @!p0 $0x0  }
0x12: {  	s1 =	sld [smem:$0x3F95];
	s0 =	simm.s32 @p0 $0x1  }
0x13: {  	[smem:$0x3FB0] =	sst s0;
	s0 =	simm.s32 @!p1 $0x0  }
0x14: {  	s2 =	sld [smem:$0x3F94];
	s0 =	simm.s32 @p1 $0x1  }
0x15: {  	[smem:$0x3FB1] =	sst s0;
	s0 =	simm.s32 @!p2 $0x0  }
0x16: {  	s3 =	sld [smem:$0x3FDB];
	s0 =	simm.s32 @p2 $0x1  }
0x17: {  	s4 =	simm.s32 $0x1BF5;
	[smem:$0x3FB3] =	sst s0  }
0x18: {  	s0 =	sld [smem:$0x3F96];
	_ =	swait.ge [sflag:s4], $0x0  }
0x19: {  	s7 =	sld [smem:$0x3F97]  }
0x1a: {  	s8 =	sadd.s32 $0xFFFFE003, lr  }
0x1b: {  	s9 =	sadd.s32 $0xFFFFFEF7, lr;
	s5 =	simm.s32 $0xFFFFFFFF;
	p2 =	slt.u32 s8, $0xFFFFF086  }
0x1c: {  	p1 =	slt.u32 s9, $0xF7A;
	s5 =	simm.s32 @!p2 $0x0  }
0x1d: {  	s5 =	simm.s32 @p1 $0x1;
	p0 =	seq.s32 s7, s2  }
0x1e: {  	s7 =	smul.u32 @!p0 $0xF7A, s2;
	p2 =	seq.s32 @!p0 s5, $0x0  }
0x1f: {  	s9 =	smul.u32 $0xF7A, s1;
	s8 =	simm.s32 @!p0 $0x1BF5;
	p2 =	por !p2, p0  }
0x20: {  	[sflag:s8] =	ssyncset.s32 @!p0 $0xFFFFF086;
	s6 =	sadd.s32 @!p0 s3, s7;
	s7 =	simm.s32 @!p0 $0x108  }
0x21: {  	s3 =	sadd.s32 s3, s9;
	s6 =	sadd.s32 @!p0 $0x88, s6;
	s7 =	simm.s32 @p2 $0x1082  }
0x22: {  	[simem:s7], [sflag:s8] =	dma.local @!p0 [hbm:s6], $0xF7A  }
0x23: {  	s9 =	sor.u32 $0xD0000000, s2;
	s6 =	simm.s32 $0x108;
	_ =	swait.ge @!p0 [sflag:s8], $0x0  }
0x24: {  	s3 =	sadd.s32 $0x88, s3;
	s6 =	simm.s32 @!p1 $0x1082;
	[sflag:s4] =	ssyncset.s32 $0xFFFFF086  }
0x25: {  	[simem:s6], [sflag:s4] =	dma.local [hbm:s3], $0xF7A  }
0x26: {  	[smem:$0x3F97] =	sst s1;
	(tag) =	ssettag s2;
	_ =	strace s9  }
0x27: {  	s1 =	sld [smem:$0x3FA7]  }
0x28: {  	s2 =	sld [smem:$0x3FA8]  }
0x29: {  	s4 =	sld [smem:$0x3FAA]  }
0x2a: {  	p0 =	seq.s32 s5, $0x0;
	s5 =	sld [smem:$0x3FAB]  }
0x2b: {  	s6 =	sld [smem:$0x3FAC]  }
0x2c: {  	s7 =	sld [smem:$0x3FAD]  }
0x2d: {  	s3 =	simm.s32 $0x108;
	s8 =	sld [smem:$0x3FAE]  }
0x2e: {  	s3 =	simm.s32 @!p0 $0x1082;
	s9 =	sld [smem:$0x3FAF]  }
0x2f: {  	lr =	sadd.s32 s0, s3;
	s0 =	sld [smem:$0x3FA6]  }
0x30: {  	s3 =	sld [smem:$0x3FA9]  }
0x31: {  	[smem:$0x3FB2] =	sst s10  }
0x32: {  	s10 =	sld [smem:$0x3FB0];
	_ =	sdelay $0x3  }
0x33: {  	p0 =	seq.s32 s10, $0x1;
	s10 =	sld [smem:$0x3FB2];
	_ =	sdelay $0x3  }
0x34: {  	[smem:$0x3FB2] =	sst s10  }
0x35: {  	s10 =	sld [smem:$0x3FB1];
	_ =	sdelay $0x3  }
0x36: {  	p1 =	seq.s32 s10, $0x1;
	s10 =	sld [smem:$0x3FB2];
	_ =	sdelay $0x3  }
0x37: {  	[smem:$0x3FB2] =	sst s10  }
0x38: {  	s10 =	sld [smem:$0x3FB3]  }
0x39: {  	_ = 	snop;
	(pc) =	sbr.ind lr, $3  }
0x3a: {  	_ = 	snop  }
0x3b: {  	_ = 	snop  }
0x3c: {  	p2 =	seq.s32 s10, $0x1;
	s10 =	sld [smem:$0x3FB2]  }
0x3d: {  	_ =	shalt  }
0x3e: {  	_ =	shalt  }
0x3f: {  	_ =	shalt  }
0x40: {  	_ =	shalt  }
0x41: {  	_ =	shalt  }
0x42: {  	_ =	shalt  }
0x43: {  	_ =	shalt  }
0x44: {  	_ =	shalt  }
0x45: {  	_ =	shalt  }
0x46: {  	_ =	shalt  }
0x47: {  	_ =	shalt  }
0x48: {  	_ =	shalt  }
0x49: {  	_ =	shalt  }
0x4a: {  	_ =	shalt  }
0x4b: {  	_ =	shalt  }
0x4c: {  	_ =	shalt  }
0x4d: {  	_ =	shalt  }
0x4e: {  	_ =	shalt  }
0x4f: {  	_ =	shalt  }
0x50: {  	_ =	shalt  }
0x51: {  	_ =	shalt  }
0x52: {  	_ =	shalt  }
0x53: {  	_ =	shalt  }
0x54: {  	_ =	shalt  }
0x55: {  	_ =	shalt  }
0x56: {  	_ =	shalt  }
0x57: {  	_ =	shalt  }
0x58: {  	_ =	shalt  }
0x59: {  	_ =	shalt  }
0x5a: {  	_ =	shalt  }
0x5b: {  	_ =	shalt  }
0x5c: {  	_ =	shalt  }
0x5d: {  	_ =	shalt  }
0x5e: {  	_ =	shalt  }
0x5f: {  	_ =	shalt  }
0x60: {  	_ =	shalt  }
0x61: {  	_ =	shalt  }
0x62: {  	_ =	shalt  }
0x63: {  	_ =	shalt  }
0x64: {  	_ =	shalt  }
0x65: {  	_ =	shalt  }
0x66: {  	_ =	shalt  }
0x67: {  	_ =	shalt  }
0x68: {  	_ =	shalt  }
0x69: {  	_ =	shalt  }
0x6a: {  	_ =	shalt  }
0x6b: {  	_ =	shalt  }
0x6c: {  	_ =	shalt  }
0x6d: {  	_ =	shalt  }
0x6e: {  	_ =	shalt  }
0x6f: {  	_ =	shalt  }
0x70: {  	_ =	shalt  }
0x71: {  	_ =	shalt  }
0x72: {  	_ =	shalt  }
0x73: {  	_ =	shalt  }
0x74: {  	_ =	shalt  }
0x75: {  	_ =	shalt  }
0x76: {  	_ =	shalt  }
0x77: {  	_ =	shalt  }
0x78: {  	_ =	shalt  }
0x79: {  	_ =	shalt  }
0x7a: {  	_ =	shalt  }
0x7b: {  	_ =	shalt  }
0x7c: {  	_ =	shalt  }
0x7d: {  	_ =	shalt  }
0x7e: {  	_ =	shalt  }
0x7f: {  	_ =	shalt  }
0x80: {  	_ =	shalt  }
0x81: {  	_ =	shalt  }
0x82: {  	_ =	shalt  }
0x83: {  	_ =	shalt  }
0x84: {  	_ =	shalt  }
0x85: {  	_ =	shalt  }
0x86: {  	_ =	shalt  }
0x87: {  	_ =	shalt  }
.Lfunc_end0:
.L_simem_size_0:
called_computation.2_lowered:
.L_overlay_start_0:
0x88: {  	s2 =	sld [smem:$0x3FD9]  }
0x89: {  	s3 =	sld [smem:$0x3FFE];
	_ =	sdelay $0x1  }
0x8a: {  	s1 =	srdreg.scid  }
0x8b: {  	s0 =	sand.u32 $0x1, s1  }
0x8c: {  	s17 =	sshll.u32 s0, $0xA;
	s2 =	sadd.s32 s3, s2  }
0x8d: {  	s2 =	sadd.s32 s2, s17  }
0x8e: {  	[smem:$0x3FBE] =	sst s2  }
0x8f: {  	_ = 	snop  }
0x90: {  	s2 =	sld [smem:$0x3FD0];
	(tm) =	ssettm $0x1  }
0x91: {  	s18 =	sld [smem:$0x3FFB];
	_ =	sdelay $0x3  }
0x92: {  	_ =	strace s18  }
0x93: {  	s3 =	sld [smem:$0x3FFC];
	_ =	sdelay $0x3  }
0x94: {  	_ =	strace s3  }
0x95: {  	s3 =	sld [smem:$0x3FFD];
	_ =	sdelay $0x3  }
0x96: {  	_ =	strace s3  }
0x97: {  	_ =	strace $0x8FFFFFFF  }
0x98: {  	s19 =	sld [smem:$0x3FDB];
	_ =	sdelay $0x1  }
0x99: {  	s4 =	simm.s32 $_scs_section_size  }
0x9a: {  	s5 =	simm.s32 $_size__tile_overlayer_lowered;
	s6 =	simm.s32 $_tile_overlayer_lowered  }
0x9b: {  	s22 =	simm.s32 $0x1BFF;
	s21 =	sshll.u32 s6, $0x1;
	s3 =	sadd.s32 s4, s19  }
0x9c: {  	s7 =	simm.s32 $0x0;
	s20 =	sshll.u32 s5, $0x1;
	s5 =	sadd.s32 s21, s3  }
0x9d: {  	[timem:s7], [sflag:s22] =	dma.local [hbm:s5], s20  }
0x9e: {  	_ =	swait.ge [sflag:s22], s20  }
0x9f: {  	s4 =	ssub.s32 $0x0, s20;
	[sflag:s22] =	ssyncset.done $0x0  }
0xa0: {  	[sflag:s22] =	ssyncadd.s32 s4;
	_ =	sdelay $0x1  }
0xa1: {  	s23 =	simm.s32 $0x1B8B  }
0xa2: {  	_ =	swait.ge [sflag:s23], $0x1  }
0xa3: {  	[sflag:s23] =	ssyncset.done $0x0  }
0xa4: {  	s25 =	simm.s32 $0x1B8E;
	s24 =	sld [smem:$0x3FFE];
	[sflag:s23] =	ssyncadd.s32 $0xFFFFFFFF  }
0xa5: {  	s26 =	simm.s32 $execute0_lowered;
	[smem:$0x3FD2] =	sst s25  }
0xa6: {  	s5 =	sshll.u32 s26, $0x1;
	_ =	strace $0x8000004C;
	[dreg:$0x1] =	wrdreg $0xFFFFFFFF  }
0xa7: {  	s28 =	simm.s32 $_size_execute0_lowered;
	s3 =	sadd.s32 s3, s5;
	[dreg:$0x0] =	wrdreg $0x0  }
0xa8: {  	s5 =	sshll.u32 s28, $0x1;
	[dreg:$0x2] =	wrdreg s3  }
0xa9: {  	[dreg:$0x3] =	wrdreg s5  }
0xaa: {  	[dreg:$0x4] =	wrdreg $0xC0  }
0xab: {  	_ =	task [dreg:s7], $0x5FFFF  }
0xac: {  	[dreg:$0x1] =	wrdreg $0xFFFFFFFF  }
0xad: {  	[dreg:$0x0] =	wrdreg $0x60  }
0xae: {  	[dreg:$0x2] =	wrdreg s24  }
0xaf: {  	[dreg:$0x3] =	wrdreg s2  }
0xb0: {  	[dreg:$0x4] =	wrdreg $0x108000  }
0xb1: {  	[dreg:$0x5] =	wrdreg $0x9  }
0xb2: {  	_ =	task.clear_ibuf [dreg:s7], $0x6FFFF;
	_ =	strace $0x9000004C  }
0xb3: {  	s29 =	simm.s32 $0x9;
	_ =	strace $0x8000004E  }
0xb4: {  	_ =	swait.ge [sflag:s29], $0x1  }
0xb5: {  	[sflag:s29] =	ssyncadd.s32 $0xFFFFFFFF  }
0xb6: {  	_ =	strace $0x9000004E  }
0xb7: {  	_ =	sfence  }
0xb8: {  	s30 =	sld [smem:$0x0];
	_ =	sdelay $0x2  }
0xb9: {  	s31 =	sshll.u32 s1, $0xD;
	s1 =	sshrl.u32 s1, $0x2  }
0xba: {  	s3 =	sand.u32 $0x4000, s31;
	s1 =	sadd.s32 s1, s30  }
0xbb: {  	s0 =	sor.u32 s3, s0;
	s1 =	sshll.u32 s1, $0x11  }
0xbc: {  	s0 =	sor.u32 s1, s0  }
0xbd: {  	s0 =	sadd.s32 $0x8F2B, s0  }
0xbe: {  	[sflag:s0] =	ssyncadd.remote.s32 $0x1  }
0xbf: {  	_ =	sfence.sel $0xFFFF  }
0xc0: {  	[dreg:$0x0] =	wrdreg $0xFFFFFFFF;
	(pc) =	sbr.abs _section_cstart, $3  }
0xc1: {  	[dreg:$0x1] =	wrdreg $0xFFFFFFFF  }
0xc2: {  	_ =	task.clear_ibuf [dreg:s7], $0x2FFFF;
	_ =	strace $0x9FFFFFFF  }
0xc3: {  	(tm) =	ssettm $0x7FFFFFFF  }
tec
execute0_lowered:
.L_overlay_start_1:
0x0: {  	(tag) =	ssettag $0x1  }
0x1: {  	s0 =	rddreg [dreg:$0x0]  }
0x2: {  	s1 =	rddreg [dreg:$0x1]  }
0x3: {  	s2 =	rddreg [dreg:$0x2]  }
0x4: {  	s9 =	stileid.u32;
	s3 =	srdreg.scid  }
0x5: {  	s18 =	simm.s32 $0x280;
	s19 =	simm.s32 $0x300;
	s20 =	simm.s32 $0x380  }
0x6: {  	s21 =	simm.s32 $0x480;
	s22 =	simm.s32 $0x500;
	s23 =	simm.s32 $0x580  }
0x7: {  	s28 =	simm.s32 $0x6800;
	s29 =	simm.s32 $0x200;
	s30 =	simm.s32 $0x600  }
0x8: {  	s31 =	simm.s32 $0xA800;
	s4 =	smul.u32 $0x28, s9;
	s5 =	sand.u32 $0x1, s3  }
0x9: {  	s6 =	smul.u32 $0x78, s9;
	s3 =	simm.s32 $0x0;
	s8 =	sadd.s32 $0x2AE00, s0  }
0xa: {  	s11 =	smul.u32 $0xA000, s9;
	s12 =	sadd.s32 $0x7B600, s0;
	[smem:$0x7FF] =	sst s3  }
0xb: {  	p0 =	seq.s32 s5, $0x0;
	_ =	strace $0x8000004D;
	[dreg:$0xd] =	wrdreg s8  }
0xc: {  	s7 =	ssub.s32 $0x2, s5;
	s5 =	smul.u32 $0xA0000, s5;
	[dreg:$0x4] =	wrdreg s18  }
0xd: {  	s4 =	sadd.s32 $0x780, s4;
	s24 =	sshrl.u32 s7, $0x1;
	[dreg:$0x5] =	wrdreg s19  }
0xe: {  	s25 =	sadd.s32 $0x8000, s11;
	s8 =	sadd.s32 s11, s2;
	[dreg:$0x6] =	wrdreg s20  }
0xf: {  	s18 =	simm.s32 $0x800;
	s19 =	simm.s32 $0x3;
	[dreg:$0x7] =	wrdreg s21  }
0x10: {  	s20 =	simm.s32 $0x8800;
	s21 =	simm.s32 $0x400;
	[dreg:$0x8] =	wrdreg s22  }
0x11: {  	s22 =	simm.s32 $0x80;
	[dreg:$0x9] =	wrdreg s23;
	s4 =	smov.u32 @p0 s6  }
0x12: {  	s13 =	ssub.s32 s7, s24;
	s7 =	simm.s32 $0x1E;
	s9 =	sadd.s32 s25, s2  }
0x13: {  	s26 =	sadd.s32 s11, s5;
	s24 =	simm.s32 $0x680;
	[dreg:$0xf] =	wrdreg s8  }
0x14: {  	s6 =	sshll.u32 s4, $0x4;
	s4 =	sadd.s32 $0x67600, s0;
	[dreg:$0xa] =	wrdreg s24  }
0x15: {  	s7 =	simm.s32 @!p0 $0xA;
	s17 =	smax.u32 s13, $0x1;
	[dreg:$0x10] =	wrdreg s9  }
0x16: {  	s15 =	sshrl.u32 s26, $0x3;
	s26 =	simm.s32 $0x780;
	[dreg:$0x16] =	wrdreg s17  }
0x17: {  	s10 =	sadd.s32 s6, s0;
	s0 =	sadd.s32 $0x2BE00, s0;
	[dreg:$0xc] =	wrdreg s26  }
0x18: {  	s23 =	simm.s32 $0x2800;
	s16 =	sshrl.u32 s7, $0x1;
	[dreg:$0xe] =	wrdreg s0  }
0x19: {  	s11 =	sadd.s32 s1, s6;
	s1 =	sadd.s32 s12, s15;
	[dreg:$0x13] =	wrdreg s16  }
0x1a: {  	s24 =	simm.s32 $0x1;
	s26 =	simm.s32 $0x2;
	[dreg:$0x14] =	wrdreg s1  }
0x1b: {  	s14 =	sadd.s32 $0x35600, s10;
	s0 =	sadd.s32 s5, s25;
	[dreg:$0x12] =	wrdreg s11  }
0x1c: {  	s13 =	sadd.s32 $0x40, s11;
	s17 =	sadd.s32 $0x35640, s10;
	s25 =	simm.s32 $0x700  }
0x1d: {  	s1 =	simm.s32 $0xC800;
	[dreg:$0x11] =	wrdreg s14;
	s0 =	sshrl.u32 s0, $0x3  }
0x1e: {  	s5 =	simm.s32 $0x0;
	[dreg:$0xb] =	wrdreg s25;
	s0 =	sadd.s32 s12, s0  }
0x1f: {  	s25 =	simm.s32 $0x4800;
	[dreg:$0x15] =	wrdreg s0;
	s0 =	simm.s32 $0xE800  }
.LBB2_1:
0x20: {  	s6 =	rddreg [dreg:$0xd]  }
0x21: {  	[tilespmem:s18], [sflag:$0x3] =	stream.linear.gather [hbm4b:s6+s3], $0x8000, $0x38;
	[tilespmem:$0x1A800] =	vst v63  }
0x22: {  	_ =	swait.ge [sflag:s19], $0x8000  }
0x23: {  	[sflag:s19] =	ssyncset.done $0x0  }
0x24: {  	s10 =	rddreg [dreg:$0xe];
	[sflag:s19] =	ssyncadd.s32 $0xFFFF8000  }
0x25: {  	[tilespmem:s20], [sflag:$0x3] =	stream.linear.gather [hbm4b:s10+s3], $0x2000, $0x38;
	[tilespmem:$0x1A800] =	vst v63  }
0x26: {  	_ =	swait.ge [sflag:s19], $0x2000  }
0x27: {  	[sflag:s19] =	ssyncset.done $0x0  }
0x28: {  	[sflag:s19] =	ssyncadd.s32 $0xFFFFE000  }
0x29: {  	[spmem:s8] =	stream.linear.scatter [tilespmem:s18], [sflag:$0x3], $0x8000, $0x38;
	[tilespmem:$0x1A800] =	vst v63  }
0x2a: {  	_ =	swait.ge [sflag:s19], $0x8000  }
0x2b: {  	[sflag:s19] =	ssyncset.done $0x0  }
0x2c: {  	[sflag:s19] =	ssyncadd.s32 $0xFFFF8000  }
0x2d: {  	[spmem:s9] =	stream.linear.scatter [tilespmem:s20], [sflag:$0x3], $0x2000, $0x38;
	[tilespmem:$0x1A800] =	vst v63  }
0x2e: {  	_ =	swait.ge [sflag:s19], $0x2000  }
0x2f: {  	[sflag:s19] =	ssyncset.done $0x0  }
0x30: {  	[sflag:s19] =	ssyncadd.s32 $0xFFFFE000  }
0x31: {  	[bflag:$0x0] =	sbarrier.arrive $0xFFFF  }
0x32: {  	s11 =	rddreg [dreg:$0x11]  }
0x33: {  	[tilespmem:s3], [sflag:$0x3] =	stream.linear.gather [hbm4b:s11+s3], $0x200, $0x38;
	[tilespmem:$0x1A800] =	vst v63  }
0x34: {  	_ =	swait.ge [sflag:s19], $0x200  }
0x35: {  	[sflag:s19] =	ssyncset.done $0x0  }
0x36: {  	s12 =	rddreg [dreg:$0x12];
	[sflag:s19] =	ssyncadd.s32 $0xFFFFFE00  }
0x37: {  	[tilespmem:s21], [sflag:$0x3] =	stream.linear.gather [hbm4b:s12+s3], $0x200, $0x38;
	[tilespmem:$0x1A800] =	vst v63  }
0x38: {  	_ =	swait.ge [sflag:s19], $0x200  }
0x39: {  	[sflag:s19] =	ssyncset.done $0x0  }
0x3a: {  	[sflag:s19] =	ssyncadd.s32 $0xFFFFFE00  }
0x3b: {  	[tilespmem:s18], [sflag:$0x1] =	stream.indirect.gather [hbm4b:s4+s22], $0x40, s3, s22, $0xb8;
	[tilespmem:$0x1A800] =	vst v63  }
0x3c: {  	_ = 	snop  }
0x3d: {  	[tilespmem:s23], [sflag:$0x1] =	stream.indirect.gather [hbm4b:s4+s22], $0x40, s22, s22, $0xb8;
	[tilespmem:$0x1A800] =	vst v63  }
0x3e: {  	s14 =	simm.s32 $0x100  }
0x3f: {  	[tilespmem:s25], [sflag:$0x1] =	stream.indirect.gather [hbm4b:s4+s22], $0x40, s14, s22, $0xb8;
	[tilespmem:$0x1A800] =	vst v63  }
0x40: {  	s15 =	simm.s32 $0x180  }
0x41: {  	[tilespmem:s28], [sflag:$0x1] =	stream.indirect.gather [hbm4b:s4+s22], $0x40, s15, s22, $0xb8;
	[tilespmem:$0x1A800] =	vst v63  }
0x42: {  	_ = 	snop  }
0x43: {  	[tilespmem:s29], [sflag:$0x3] =	stream.linear.gather [hbm4b:s17+s3], $0x200, $0x38;
	[tilespmem:$0x1A800] =	vst v63  }
0x44: {  	_ =	swait.ge [sflag:s19], $0x200  }
0x45: {  	[sflag:s19] =	ssyncset.done $0x0  }
0x46: {  	[sflag:s19] =	ssyncadd.s32 $0xFFFFFE00  }
0x47: {  	[tilespmem:s30], [sflag:$0x3] =	stream.linear.gather [hbm4b:s13+s3], $0x200, $0x38;
	[tilespmem:$0x1A800] =	vst v63  }
0x48: {  	_ =	swait.ge [sflag:s19], $0x200  }
0x49: {  	[sflag:s19] =	ssyncset.done $0x0  }
0x4a: {  	[sflag:s19] =	ssyncadd.s32 $0xFFFFFE00  }
0x4b: {  	[tilespmem:s20], [sflag:$0x2] =	stream.indirect.gather [hbm4b:s4+s22], $0x40, s29, s22, $0xb8;
	[tilespmem:$0x1A800] =	vst v63  }
0x4c: {  	s16 =	rddreg [dreg:$0x4]  }
0x4d: {  	[tilespmem:s31], [sflag:$0x2] =	stream.indirect.gather [hbm4b:s4+s22], $0x40, s16, s22, $0xb8;
	[tilespmem:$0x1A800] =	vst v63  }
0x4e: {  	s10 =	rddreg [dreg:$0x5]  }
0x4f: {  	[tilespmem:s1], [sflag:$0x2] =	stream.indirect.gather [hbm4b:s4+s22], $0x40, s10, s22, $0xb8;
	[tilespmem:$0x1A800] =	vst v63  }
0x50: {  	s8 =	rddreg [dreg:$0x6]  }
0x51: {  	[tilespmem:s0], [sflag:$0x2] =	stream.indirect.gather [hbm4b:s4+s22], $0x40, s8, s22, $0xb8;
	[tilespmem:$0x1A800] =	vst v63  }
0x52: {  	_ =	swait.ge [sflag:s24], $0x2000  }
0x53: {  	[sflag:s24] =	ssyncset.done $0x0  }
0x54: {  	[sflag:s24] =	ssyncadd.s32 $0xFFFFE000  }
0x55: {  	_ =	swait.ge [sflag:s24], $0x2000  }
0x56: {  	[sflag:s24] =	ssyncset.done $0x0  }
0x57: {  	[sflag:s24] =	ssyncadd.s32 $0xFFFFE000  }
0x58: {  	_ =	swait.ge [sflag:s24], $0x2000  }
0x59: {  	[sflag:s24] =	ssyncset.done $0x0  }
0x5a: {  	[sflag:s24] =	ssyncadd.s32 $0xFFFFE000  }
0x5b: {  	_ =	swait.ge [sflag:s24], $0x2000  }
0x5c: {  	[sflag:s24] =	ssyncset.done $0x0  }
0x5d: {  	[sflag:s24] =	ssyncadd.s32 $0xFFFFE000  }
0x5e: {  	[spmem:s2] =	stream.indirect.scatter.add.f32 [tilespmem:s18], [sflag:$0x3], $0x40, s21, s22, $0xb8;
	[tilespmem:$0x1A800] =	vst v63  }
0x5f: {  	_ =	swait.ge [sflag:s19], $0x2000  }
0x60: {  	[sflag:s19] =	ssyncset.done $0x0  }
0x61: {  	s9 =	rddreg [dreg:$0x7];
	[sflag:s19] =	ssyncadd.s32 $0xFFFFE000  }
0x62: {  	[spmem:s2] =	stream.indirect.scatter.add.f32 [tilespmem:s23], [sflag:$0x3], $0x40, s9, s22, $0xb8;
	[tilespmem:$0x1A800] =	vst v63  }
0x63: {  	_ =	swait.ge [sflag:s19], $0x2000  }
0x64: {  	[sflag:s19] =	ssyncset.done $0x0  }
0x65: {  	s10 =	rddreg [dreg:$0x8];
	[sflag:s19] =	ssyncadd.s32 $0xFFFFE000  }
0x66: {  	[spmem:s2] =	stream.indirect.scatter.add.f32 [tilespmem:s25], [sflag:$0x3], $0x40, s10, s22, $0xb8;
	[tilespmem:$0x1A800] =	vst v63  }
0x67: {  	_ =	swait.ge [sflag:s19], $0x2000  }
0x68: {  	[sflag:s19] =	ssyncset.done $0x0  }
0x69: {  	s11 =	rddreg [dreg:$0x9];
	[sflag:s19] =	ssyncadd.s32 $0xFFFFE000  }
0x6a: {  	[spmem:s2] =	stream.indirect.scatter.add.f32 [tilespmem:s28], [sflag:$0x3], $0x40, s11, s22, $0xb8;
	[tilespmem:$0x1A800] =	vst v63  }
0x6b: {  	p0 =	sle.u32 s7, $0x2;
	_ =	swait.ge [sflag:s19], $0x2000  }
0x6c: {  	s6 =	sadd.s32 @!p0 $0x40, s17;
	[sflag:s19] =	ssyncset.done $0x0  }
0x6d: {  	s12 =	simm.s32 @!p0 $0x3;
	s10 =	simm.s32 @!p0 $0x0;
	[sflag:s19] =	ssyncadd.s32 $0xFFFFE000  }
0x6e: {  	[tilespmem:s10], [sflag:$0x3] =	stream.linear.gather @!p0 [hbm4b:s6+s10], $0x200, $0x38;
	[tilespmem:$0x1A800] =	vst v63  }
0x6f: {  	_ =	swait.ge @!p0 [sflag:s12], $0x200  }
0x70: {  	[sflag:s12] =	ssyncset.done @!p0 $0x0  }
0x71: {  	s16 =	simm.s32 @!p0 $0x400;
	s6 =	sadd.s32 @!p0 $0x40, s13;
	[sflag:s12] =	ssyncadd.s32 @!p0 $0xFFFFFE00  }
0x72: {  	[tilespmem:s16], [sflag:$0x3] =	stream.linear.gather @!p0 [hbm4b:s6+s10], $0x200, $0x38;
	[tilespmem:$0x1A800] =	vst v63  }
0x73: {  	_ =	swait.ge @!p0 [sflag:s12], $0x200  }
0x74: {  	[sflag:s12] =	ssyncset.done @!p0 $0x0  }
0x75: {  	s6 =	simm.s32 @!p0 $0x80;
	s16 =	simm.s32 @!p0 $0x800;
	[sflag:s12] =	ssyncadd.s32 @!p0 $0xFFFFFE00  }
0x76: {  	[tilespmem:s16], [sflag:$0x1] =	stream.indirect.gather @!p0 [hbm4b:s4+s6], $0x40, s10, s6, $0xb8;
	[tilespmem:$0x1A800] =	vst v63  }
0x77: {  	s10 =	simm.s32 @!p0 $0x2800  }
0x78: {  	[tilespmem:s10], [sflag:$0x1] =	stream.indirect.gather @!p0 [hbm4b:s4+s6], $0x40, s6, s6, $0xb8;
	[tilespmem:$0x1A800] =	vst v63  }
0x79: {  	s12 =	simm.s32 @!p0 $0x4800;
	s10 =	simm.s32 @!p0 $0x100  }
0x7a: {  	[tilespmem:s12], [sflag:$0x1] =	stream.indirect.gather @!p0 [hbm4b:s4+s6], $0x40, s10, s6, $0xb8;
	[tilespmem:$0x1A800] =	vst v63  }
0x7b: {  	s10 =	simm.s32 @!p0 $0x180;
	s12 =	simm.s32 @!p0 $0x6800  }
0x7c: {  	[tilespmem:s12], [sflag:$0x1] =	stream.indirect.gather @!p0 [hbm4b:s4+s6], $0x40, s10, s6, $0xb8;
	[tilespmem:$0x1A800] =	vst v63  }
0x7d: {  	_ =	swait.ge [sflag:s26], $0x2000  }
0x7e: {  	[sflag:s26] =	ssyncset.done $0x0  }
0x7f: {  	[sflag:s26] =	ssyncadd.s32 $0xFFFFE000  }
0x80: {  	_ =	swait.ge [sflag:s26], $0x2000  }
0x81: {  	[sflag:s26] =	ssyncset.done $0x0  }
0x82: {  	[sflag:s26] =	ssyncadd.s32 $0xFFFFE000  }
0x83: {  	_ =	swait.ge [sflag:s26], $0x2000  }
0x84: {  	[sflag:s26] =	ssyncset.done $0x0  }
0x85: {  	[sflag:s26] =	ssyncadd.s32 $0xFFFFE000  }
0x86: {  	_ =	swait.ge [sflag:s26], $0x2000  }
0x87: {  	[sflag:s26] =	ssyncset.done $0x0  }
0x88: {  	[sflag:s26] =	ssyncadd.s32 $0xFFFFE000  }
0x89: {  	[spmem:s2] =	stream.indirect.scatter.add.f32 [tilespmem:s20], [sflag:$0x3], $0x40, s30, s22, $0xb8;
	[tilespmem:$0x1A800] =	vst v63  }
0x8a: {  	_ =	swait.ge [sflag:s19], $0x2000  }
0x8b: {  	[sflag:s19] =	ssyncset.done $0x0  }
0x8c: {  	s12 =	rddreg [dreg:$0xa];
	[sflag:s19] =	ssyncadd.s32 $0xFFFFE000  }
0x8d: {  	[spmem:s2] =	stream.indirect.scatter.add.f32 [tilespmem:s31], [sflag:$0x3], $0x40, s12, s22, $0xb8;
	[tilespmem:$0x1A800] =	vst v63  }
0x8e: {  	_ =	swait.ge [sflag:s19], $0x2000  }
0x8f: {  	[sflag:s19] =	ssyncset.done $0x0  }
0x90: {  	s14 =	rddreg [dreg:$0xb];
	[sflag:s19] =	ssyncadd.s32 $0xFFFFE000  }
0x91: {  	[spmem:s2] =	stream.indirect.scatter.add.f32 [tilespmem:s1], [sflag:$0x3], $0x40, s14, s22, $0xb8;
	[tilespmem:$0x1A800] =	vst v63  }
0x92: {  	_ =	swait.ge [sflag:s19], $0x2000  }
0x93: {  	s16 =	rddreg [dreg:$0x13]  }
0x94: {  	s6 =	sadd.s32 $0xFFFFFFFF, s16  }
0x95: {  	p0 =	sne.s32 s6, $0x0  }
.Ltmp0:
0x96: {  	_ = 	snop;
	(pc) =	sbr.rel @!p0 .LBB2_3-.Ltmp0, $4  }
0x97: {  	[sflag:s19] =	ssyncset.done $0x0  }
0x98: {  	s10 =	sadd.s32 $0x80, s17;
	s15 =	rddreg [dreg:$0xc];
	[sflag:s19] =	ssyncadd.s32 $0xFFFFE000  }
0x99: {  	[spmem:s2] =	stream.indirect.scatter.add.f32 [tilespmem:s0], [sflag:$0x3], $0x40, s15, s22, $0xb8;
	[tilespmem:$0x1A800] =	vst v63  }
0x9a: {  	s12 =	simm.s32 $0x4;
	s16 =	smov.u32 s13;
	_ =	swait.ge [sflag:s19], $0x2000  }
.LBB2_2:
0x9b: {  	[sflag:s19] =	ssyncset.done $0x0  }
0x9c: {  	[sflag:s19] =	ssyncadd.s32 $0xFFFFE000  }
0x9d: {  	[tilespmem:s29], [sflag:$0x3] =	stream.linear.gather [hbm4b:s10+s3], $0x200, $0x38;
	[tilespmem:$0x1A800] =	vst v63  }
0x9e: {  	_ =	swait.ge [sflag:s19], $0x200  }
0x9f: {  	[sflag:s19] =	ssyncset.done $0x0  }
0xa0: {  	s16 =	sadd.s32 $0x80, s16;
	[sflag:s19] =	ssyncadd.s32 $0xFFFFFE00  }
0xa1: {  	[tilespmem:s30], [sflag:$0x3] =	stream.linear.gather [hbm4b:s16+s3], $0x200, $0x38;
	[tilespmem:$0x1A800] =	vst v63  }
0xa2: {  	_ =	swait.ge [sflag:s19], $0x200  }
0xa3: {  	[sflag:s19] =	ssyncset.done $0x0  }
0xa4: {  	[sflag:s19] =	ssyncadd.s32 $0xFFFFFE00  }
0xa5: {  	[tilespmem:s20], [sflag:$0x2] =	stream.indirect.gather [hbm4b:s4+s22], $0x40, s29, s22, $0xb8;
	[tilespmem:$0x1A800] =	vst v63  }
0xa6: {  	s14 =	rddreg [dreg:$0x4]  }
0xa7: {  	[tilespmem:s31], [sflag:$0x2] =	stream.indirect.gather [hbm4b:s4+s22], $0x40, s14, s22, $0xb8;
	[tilespmem:$0x1A800] =	vst v63  }
0xa8: {  	s15 =	rddreg [dreg:$0x5]  }
0xa9: {  	[tilespmem:s1], [sflag:$0x2] =	stream.indirect.gather [hbm4b:s4+s22], $0x40, s15, s22, $0xb8;
	[tilespmem:$0x1A800] =	vst v63  }
0xaa: {  	s11 =	rddreg [dreg:$0x6]  }
0xab: {  	[tilespmem:s0], [sflag:$0x2] =	stream.indirect.gather [hbm4b:s4+s22], $0x40, s11, s22, $0xb8;
	[tilespmem:$0x1A800] =	vst v63  }
0xac: {  	_ =	swait.ge [sflag:s24], $0x2000  }
0xad: {  	[sflag:s24] =	ssyncset.done $0x0  }
0xae: {  	[sflag:s24] =	ssyncadd.s32 $0xFFFFE000  }
0xaf: {  	_ =	swait.ge [sflag:s24], $0x2000  }
0xb0: {  	[sflag:s24] =	ssyncset.done $0x0  }
0xb1: {  	[sflag:s24] =	ssyncadd.s32 $0xFFFFE000  }
0xb2: {  	_ =	swait.ge [sflag:s24], $0x2000  }
0xb3: {  	[sflag:s24] =	ssyncset.done $0x0  }
0xb4: {  	[sflag:s24] =	ssyncadd.s32 $0xFFFFE000  }
0xb5: {  	_ =	swait.ge [sflag:s24], $0x2000  }
0xb6: {  	[sflag:s24] =	ssyncset.done $0x0  }
0xb7: {  	[sflag:s24] =	ssyncadd.s32 $0xFFFFE000  }
0xb8: {  	[spmem:s2] =	stream.indirect.scatter.add.f32 [tilespmem:s18], [sflag:$0x3], $0x40, s21, s22, $0xb8;
	[tilespmem:$0x1A800] =	vst v63  }
0xb9: {  	_ =	swait.ge [sflag:s19], $0x2000  }
0xba: {  	[sflag:s19] =	ssyncset.done $0x0  }
0xbb: {  	s15 =	rddreg [dreg:$0x7];
	[sflag:s19] =	ssyncadd.s32 $0xFFFFE000  }
0xbc: {  	[spmem:s2] =	stream.indirect.scatter.add.f32 [tilespmem:s23], [sflag:$0x3], $0x40, s15, s22, $0xb8;
	[tilespmem:$0x1A800] =	vst v63  }
0xbd: {  	_ =	swait.ge [sflag:s19], $0x2000  }
0xbe: {  	[sflag:s19] =	ssyncset.done $0x0  }
0xbf: {  	s8 =	rddreg [dreg:$0x8];
	[sflag:s19] =	ssyncadd.s32 $0xFFFFE000  }
0xc0: {  	[spmem:s2] =	stream.indirect.scatter.add.f32 [tilespmem:s25], [sflag:$0x3], $0x40, s8, s22, $0xb8;
	[tilespmem:$0x1A800] =	vst v63  }
0xc1: {  	_ =	swait.ge [sflag:s19], $0x2000  }
0xc2: {  	[sflag:s19] =	ssyncset.done $0x0  }
0xc3: {  	s9 =	rddreg [dreg:$0x9];
	[sflag:s19] =	ssyncadd.s32 $0xFFFFE000  }
0xc4: {  	[spmem:s2] =	stream.indirect.scatter.add.f32 [tilespmem:s28], [sflag:$0x3], $0x40, s9, s22, $0xb8;
	[tilespmem:$0x1A800] =	vst v63  }
0xc5: {  	p1 =	sge.u32 s12, s7;
	_ =	swait.ge [sflag:s19], $0x2000  }
0xc6: {  	s14 =	sadd.s32 @!p1 $0x40, s10;
	[sflag:s19] =	ssyncset.done $0x0  }
0xc7: {  	s11 =	simm.s32 @!p1 $0x3;
	s15 =	simm.s32 @!p1 $0x0;
	[sflag:s19] =	ssyncadd.s32 $0xFFFFE000  }
0xc8: {  	[tilespmem:s15], [sflag:$0x3] =	stream.linear.gather @!p1 [hbm4b:s14+s15], $0x200, $0x38;
	[tilespmem:$0x1A800] =	vst v63  }
0xc9: {  	_ =	swait.ge @!p1 [sflag:s11], $0x200  }
0xca: {  	[sflag:s11] =	ssyncset.done @!p1 $0x0  }
0xcb: {  	s8 =	simm.s32 @!p1 $0x400;
	s14 =	sadd.s32 @!p1 $0x40, s16;
	[sflag:s11] =	ssyncadd.s32 @!p1 $0xFFFFFE00  }
0xcc: {  	[tilespmem:s8], [sflag:$0x3] =	stream.linear.gather @!p1 [hbm4b:s14+s15], $0x200, $0x38;
	[tilespmem:$0x1A800] =	vst v63  }
0xcd: {  	_ =	swait.ge @!p1 [sflag:s11], $0x200  }
0xce: {  	[sflag:s11] =	ssyncset.done @!p1 $0x0  }
0xcf: {  	s8 =	simm.s32 @!p1 $0x80;
	s14 =	simm.s32 @!p1 $0x800;
	[sflag:s11] =	ssyncadd.s32 @!p1 $0xFFFFFE00  }
0xd0: {  	[tilespmem:s14], [sflag:$0x1] =	stream.indirect.gather @!p1 [hbm4b:s4+s8], $0x40, s15, s8, $0xb8;
	[tilespmem:$0x1A800] =	vst v63  }
0xd1: {  	s11 =	simm.s32 @!p1 $0x2800  }
0xd2: {  	[tilespmem:s11], [sflag:$0x1] =	stream.indirect.gather @!p1 [hbm4b:s4+s8], $0x40, s8, s8, $0xb8;
	[tilespmem:$0x1A800] =	vst v63  }
0xd3: {  	s14 =	simm.s32 @!p1 $0x100;
	s15 =	simm.s32 @!p1 $0x4800  }
0xd4: {  	[tilespmem:s15], [sflag:$0x1] =	stream.indirect.gather @!p1 [hbm4b:s4+s8], $0x40, s14, s8, $0xb8;
	[tilespmem:$0x1A800] =	vst v63  }
0xd5: {  	s9 =	simm.s32 @!p1 $0x6800;
	s11 =	simm.s32 @!p1 $0x180  }
0xd6: {  	[tilespmem:s9], [sflag:$0x1] =	stream.indirect.gather @!p1 [hbm4b:s4+s8], $0x40, s11, s8, $0xb8;
	[tilespmem:$0x1A800] =	vst v63  }
0xd7: {  	_ =	swait.ge [sflag:s26], $0x2000  }
0xd8: {  	[sflag:s26] =	ssyncset.done $0x0  }
0xd9: {  	[sflag:s26] =	ssyncadd.s32 $0xFFFFE000  }
0xda: {  	_ =	swait.ge [sflag:s26], $0x2000  }
0xdb: {  	[sflag:s26] =	ssyncset.done $0x0  }
0xdc: {  	[sflag:s26] =	ssyncadd.s32 $0xFFFFE000  }
0xdd: {  	_ =	swait.ge [sflag:s26], $0x2000  }
0xde: {  	[sflag:s26] =	ssyncset.done $0x0  }
0xdf: {  	[sflag:s26] =	ssyncadd.s32 $0xFFFFE000  }
0xe0: {  	_ =	swait.ge [sflag:s26], $0x2000  }
0xe1: {  	[sflag:s26] =	ssyncset.done $0x0  }
0xe2: {  	[sflag:s26] =	ssyncadd.s32 $0xFFFFE000  }
0xe3: {  	[spmem:s2] =	stream.indirect.scatter.add.f32 [tilespmem:s20], [sflag:$0x3], $0x40, s30, s22, $0xb8;
	[tilespmem:$0x1A800] =	vst v63  }
0xe4: {  	_ =	swait.ge [sflag:s19], $0x2000  }
0xe5: {  	[sflag:s19] =	ssyncset.done $0x0  }
0xe6: {  	s11 =	rddreg [dreg:$0xa];
	[sflag:s19] =	ssyncadd.s32 $0xFFFFE000  }
0xe7: {  	[spmem:s2] =	stream.indirect.scatter.add.f32 [tilespmem:s31], [sflag:$0x3], $0x40, s11, s22, $0xb8;
	[tilespmem:$0x1A800] =	vst v63  }
0xe8: {  	_ =	swait.ge [sflag:s19], $0x2000  }
0xe9: {  	s6 =	sadd.s32 $0xFFFFFFFF, s6;
	[sflag:s19] =	ssyncset.done $0x0  }
0xea: {  	p0 =	sne.s32 s6, $0x0;
	s14 =	rddreg [dreg:$0xb];
	[sflag:s19] =	ssyncadd.s32 $0xFFFFE000  }
0xeb: {  	[spmem:s2] =	stream.indirect.scatter.add.f32 [tilespmem:s1], [sflag:$0x3], $0x40, s14, s22, $0xb8;
	[tilespmem:$0x1A800] =	vst v63  }
.Ltmp1:
0xec: {  	_ =	swait.ge [sflag:s19], $0x2000;
	(pc) =	sbr.rel @p0 .LBB2_2-.Ltmp1, $4  }
0xed: {  	[sflag:s19] =	ssyncset.done $0x0  }
0xee: {  	s15 =	rddreg [dreg:$0xc];
	[sflag:s19] =	ssyncadd.s32 $0xFFFFE000  }
0xef: {  	[spmem:s2] =	stream.indirect.scatter.add.f32 [tilespmem:s0], [sflag:$0x3], $0x40, s15, s22, $0xb8;
	[tilespmem:$0x1A800] =	vst v63  }
0xf0: {  	s12 =	sadd.s32 $0x2, s12;
	s10 =	sadd.s32 $0x80, s10;
	_ =	swait.ge [sflag:s19], $0x2000  }
.LBB2_3:
0xf1: {  	[sflag:s19] =	ssyncset.done $0x0  }
0xf2: {  	[sflag:s19] =	ssyncadd.s32 $0xFFFFE000  }
0xf3: {  	[bflag:$0x0] =	sbarrier.arrive $0xFFFF  }
0xf4: {  	s8 =	rddreg [dreg:$0xf]  }
0xf5: {  	[tilespmem:s18], [sflag:$0x3] =	stream.linear.gather [spmem:s8], $0x8000, $0x38;
	[tilespmem:$0x1A800] =	vst v63  }
0xf6: {  	_ =	swait.ge [sflag:s19], $0x8000  }
0xf7: {  	[sflag:s19] =	ssyncset.done $0x0  }
0xf8: {  	s9 =	rddreg [dreg:$0x10];
	[sflag:s19] =	ssyncadd.s32 $0xFFFF8000  }
0xf9: {  	[tilespmem:s20], [sflag:$0x3] =	stream.linear.gather [spmem:s9], $0x2000, $0x38;
	[tilespmem:$0x1A800] =	vst v63  }
0xfa: {  	_ =	swait.ge [sflag:s19], $0x2000  }
0xfb: {  	[sflag:s19] =	ssyncset.done $0x0  }
0xfc: {  	s6 =	rddreg [dreg:$0x14];
	[sflag:s19] =	ssyncadd.s32 $0xFFFFE000  }
0xfd: {  	[hbm4b:s6+s3] =	stream.linear.scatter [tilespmem:s18], [sflag:$0x3], $0x8000, $0x38;
	[tilespmem:$0x1A800] =	vst v63  }
0xfe: {  	_ =	swait.ge [sflag:s19], $0x8000  }
0xff: {  	[sflag:s19] =	ssyncset.done $0x0  }
0x100: {  	s15 =	rddreg [dreg:$0x15];
	[sflag:s19] =	ssyncadd.s32 $0xFFFF8000  }
0x101: {  	[hbm4b:s15+s3] =	stream.linear.scatter [tilespmem:s20], [sflag:$0x3], $0x2000, $0x38;
	[tilespmem:$0x1A800] =	vst v63  }
0x102: {  	_ =	swait.ge [sflag:s19], $0x2000  }
0x103: {  	s5 =	sadd.s32 $0x1, s5;
	s16 =	rddreg [dreg:$0x16]  }
0x104: {  	p0 =	sne.s32 s5, s16  }
.Ltmp2:
0x105: {  	_ = 	snop;
	(pc) =	sbr.rel @p0 .LBB2_1-.Ltmp2, $3  }
0x106: {  	_ =	sdelay $0x1  }
0x107: {  	[sflag:s19] =	ssyncset.done $0x0  }
0x108: {  	[sflag:s19] =	ssyncadd.s32 $0xFFFFE000  }
0x109: {  	_ =	sfence.sel $0x180000  }
0x10a: {  	[bflag:$0x0] =	sbarrier.arrive $0xFFFF  }
0x10b: {  	_ =	strace $0x9000004D  }
0x10c: {  	s0 =	stileid.u32;
	[bflag:$0x2] =	sbarrier.arrive $0xFFFF  }
0x10d: {  	p0 =	sne.s32 s0, $0x0;
	s0 =	rddreg [dreg:$0x3]  }
0x10e: {  	s0 =	sadd.s32 @!p0 $0x100000, s0  }
0x10f: {  	[sflag:s0] =	ssyncadd.tile.s32 @!p0 $0x1;
	_ =	shalt  }
.Lfunc_end2:
_tile_overlayer_lowered:
.L_overlay_start_2:
0x110: {  	(tag) =	ssettag $0x2  }
0x111: {  	s0 =	rddreg [dreg:$0x0];
	s2 =	stileid.u32  }
0x112: {  	s1 =	rddreg [dreg:$0x1];
	p0 =	sne.s32 s2, $0x0  }
0x113: {  	s3 =	rddreg [dreg:$0x2];
	[bflag:$0x3] =	sbarrier.arrive $0xFFFF;
	s2 =	simm.s32 @!p0 $0x1C03  }
0x114: {  	[timem:s3], [sflag:s2] =	dma.local @!p0 [hbm:s0], s1  }
0x115: {  	s0 =	simm.s32 @!p0 $0x3  }
0x116: {  	_ =	swait.ge @!p0 [sflag:s0], s1  }
0x117: {  	s1 =	ssub.s32 @!p0 $0x0, s1;
	[sflag:s0] =	ssyncset.done @!p0 $0x0  }
0x118: {  	[sflag:s0] =	ssyncadd.s32 @!p0 s1  }
0x119: {  	[bflag:$0x3] =	sbarrier.arrive $0xFFFF  }
0x11a: {  	_ =	shalt  }

// kernel: kernel.19.cloned.1.call-start
scs
__scs_entry_jumppad:
0x0: {  	(pc) =	sbr.rel $0x88, $3  }
0x1: {  	(tag) =	ssettag $0x0;
	lr =	simm.s32 $0x1  }
0x2: {  	[smem:$0x3F97] =	sst lr;
	_ =	strace $0xD0000000  }
0x3: {  	_ = 	snop  }
0x4: {  	_ = 	snop  }
0x5: {  	_ = 	snop  }
0x6: {  	_ = 	snop  }
0x7: {  	_ = 	snop  }
__scs_overlays_trampoline_lowered:
0x8: {  	[smem:$0x3FA6] =	sst s0  }
0x9: {  	[smem:$0x3FA7] =	sst s1  }
0xa: {  	[smem:$0x3FA8] =	sst s2  }
0xb: {  	[smem:$0x3FA9] =	sst s3  }
0xc: {  	[smem:$0x3FAA] =	sst s4  }
0xd: {  	[smem:$0x3FAB] =	sst s5  }
0xe: {  	[smem:$0x3FAC] =	sst s6  }
0xf: {  	[smem:$0x3FAD] =	sst s7  }
0x10: {  	[smem:$0x3FAE] =	sst s8  }
0x11: {  	[smem:$0x3FAF] =	sst s9;
	s0 =	simm.s32 @!p0 $0x0  }
0x12: {  	s1 =	sld [smem:$0x3F95];
	s0 =	simm.s32 @p0 $0x1  }
0x13: {  	[smem:$0x3FB0] =	sst s0;
	s0 =	simm.s32 @!p1 $0x0  }
0x14: {  	s2 =	sld [smem:$0x3F94];
	s0 =	simm.s32 @p1 $0x1  }
0x15: {  	[smem:$0x3FB1] =	sst s0;
	s0 =	simm.s32 @!p2 $0x0  }
0x16: {  	s3 =	sld [smem:$0x3FDB];
	s0 =	simm.s32 @p2 $0x1  }
0x17: {  	s4 =	simm.s32 $0x1BF5;
	[smem:$0x3FB3] =	sst s0  }
0x18: {  	s0 =	sld [smem:$0x3F96];
	_ =	swait.ge [sflag:s4], $0x0  }
0x19: {  	s7 =	sld [smem:$0x3F97]  }
0x1a: {  	s8 =	sadd.s32 $0xFFFFE003, lr  }
0x1b: {  	s9 =	sadd.s32 $0xFFFFFEF7, lr;
	s5 =	simm.s32 $0xFFFFFFFF;
	p2 =	slt.u32 s8, $0xFFFFF086  }
0x1c: {  	p1 =	slt.u32 s9, $0xF7A;
	s5 =	simm.s32 @!p2 $0x0  }
0x1d: {  	s5 =	simm.s32 @p1 $0x1;
	p0 =	seq.s32 s7, s2  }
0x1e: {  	s7 =	smul.u32 @!p0 $0xF7A, s2;
	p2 =	seq.s32 @!p0 s5, $0x0  }
0x1f: {  	s9 =	smul.u32 $0xF7A, s1;
	s8 =	simm.s32 @!p0 $0x1BF5;
	p2 =	por !p2, p0  }
0x20: {  	[sflag:s8] =	ssyncset.s32 @!p0 $0xFFFFF086;
	s6 =	sadd.s32 @!p0 s3, s7;
	s7 =	simm.s32 @!p0 $0x108  }
0x21: {  	s3 =	sadd.s32 s3, s9;
	s6 =	sadd.s32 @!p0 $0x88, s6;
	s7 =	simm.s32 @p2 $0x1082  }
0x22: {  	[simem:s7], [sflag:s8] =	dma.local @!p0 [hbm:s6], $0xF7A  }
0x23: {  	s9 =	sor.u32 $0xD0000000, s2;
	s6 =	simm.s32 $0x108;
	_ =	swait.ge @!p0 [sflag:s8], $0x0  }
0x24: {  	s3 =	sadd.s32 $0x88, s3;
	s6 =	simm.s32 @!p1 $0x1082;
	[sflag:s4] =	ssyncset.s32 $0xFFFFF086  }
0x25: {  	[simem:s6], [sflag:s4] =	dma.local [hbm:s3], $0xF7A  }
0x26: {  	[smem:$0x3F97] =	sst s1;
	(tag) =	ssettag s2;
	_ =	strace s9  }
0x27: {  	s1 =	sld [smem:$0x3FA7]  }
0x28: {  	s2 =	sld [smem:$0x3FA8]  }
0x29: {  	s4 =	sld [smem:$0x3FAA]  }
0x2a: {  	p0 =	seq.s32 s5, $0x0;
	s5 =	sld [smem:$0x3FAB]  }
0x2b: {  	s6 =	sld [smem:$0x3FAC]  }
0x2c: {  	s7 =	sld [smem:$0x3FAD]  }
0x2d: {  	s3 =	simm.s32 $0x108;
	s8 =	sld [smem:$0x3FAE]  }
0x2e: {  	s3 =	simm.s32 @!p0 $0x1082;
	s9 =	sld [smem:$0x3FAF]  }
0x2f: {  	lr =	sadd.s32 s0, s3;
	s0 =	sld [smem:$0x3FA6]  }
0x30: {  	s3 =	sld [smem:$0x3FA9]  }
0x31: {  	[smem:$0x3FB2] =	sst s10  }
0x32: {  	s10 =	sld [smem:$0x3FB0];
	_ =	sdelay $0x3  }
0x33: {  	p0 =	seq.s32 s10, $0x1;
	s10 =	sld [smem:$0x3FB2];
	_ =	sdelay $0x3  }
0x34: {  	[smem:$0x3FB2] =	sst s10  }
0x35: {  	s10 =	sld [smem:$0x3FB1];
	_ =	sdelay $0x3  }
0x36: {  	p1 =	seq.s32 s10, $0x1;
	s10 =	sld [smem:$0x3FB2];
	_ =	sdelay $0x3  }
0x37: {  	[smem:$0x3FB2] =	sst s10  }
0x38: {  	s10 =	sld [smem:$0x3FB3]  }
0x39: {  	_ = 	snop;
	(pc) =	sbr.ind lr, $3  }
0x3a: {  	_ = 	snop  }
0x3b: {  	_ = 	snop  }
0x3c: {  	p2 =	seq.s32 s10, $0x1;
	s10 =	sld [smem:$0x3FB2]  }
0x3d: {  	_ =	shalt  }
0x3e: {  	_ =	shalt  }
0x3f: {  	_ =	shalt  }
0x40: {  	_ =	shalt  }
0x41: {  	_ =	shalt  }
0x42: {  	_ =	shalt  }
0x43: {  	_ =	shalt  }
0x44: {  	_ =	shalt  }
0x45: {  	_ =	shalt  }
0x46: {  	_ =	shalt  }
0x47: {  	_ =	shalt  }
0x48: {  	_ =	shalt  }
0x49: {  	_ =	shalt  }
0x4a: {  	_ =	shalt  }
0x4b: {  	_ =	shalt  }
0x4c: {  	_ =	shalt  }
0x4d: {  	_ =	shalt  }
0x4e: {  	_ =	shalt  }
0x4f: {  	_ =	shalt  }
0x50: {  	_ =	shalt  }
0x51: {  	_ =	shalt  }
0x52: {  	_ =	shalt  }
0x53: {  	_ =	shalt  }
0x54: {  	_ =	shalt  }
0x55: {  	_ =	shalt  }
0x56: {  	_ =	shalt  }
0x57: {  	_ =	shalt  }
0x58: {  	_ =	shalt  }
0x59: {  	_ =	shalt  }
0x5a: {  	_ =	shalt  }
0x5b: {  	_ =	shalt  }
0x5c: {  	_ =	shalt  }
0x5d: {  	_ =	shalt  }
0x5e: {  	_ =	shalt  }
0x5f: {  	_ =	shalt  }
0x60: {  	_ =	shalt  }
0x61: {  	_ =	shalt  }
0x62: {  	_ =	shalt  }
0x63: {  	_ =	shalt  }
0x64: {  	_ =	shalt  }
0x65: {  	_ =	shalt  }
0x66: {  	_ =	shalt  }
0x67: {  	_ =	shalt  }
0x68: {  	_ =	shalt  }
0x69: {  	_ =	shalt  }
0x6a: {  	_ =	shalt  }
0x6b: {  	_ =	shalt  }
0x6c: {  	_ =	shalt  }
0x6d: {  	_ =	shalt  }
0x6e: {  	_ =	shalt  }
0x6f: {  	_ =	shalt  }
0x70: {  	_ =	shalt  }
0x71: {  	_ =	shalt  }
0x72: {  	_ =	shalt  }
0x73: {  	_ =	shalt  }
0x74: {  	_ =	shalt  }
0x75: {  	_ =	shalt  }
0x76: {  	_ =	shalt  }
0x77: {  	_ =	shalt  }
0x78: {  	_ =	shalt  }
0x79: {  	_ =	shalt  }
0x7a: {  	_ =	shalt  }
0x7b: {  	_ =	shalt  }
0x7c: {  	_ =	shalt  }
0x7d: {  	_ =	shalt  }
0x7e: {  	_ =	shalt  }
0x7f: {  	_ =	shalt  }
0x80: {  	_ =	shalt  }
0x81: {  	_ =	shalt  }
0x82: {  	_ =	shalt  }
0x83: {  	_ =	shalt  }
0x84: {  	_ =	shalt  }
0x85: {  	_ =	shalt  }
0x86: {  	_ =	shalt  }
0x87: {  	_ =	shalt  }
.Lfunc_end0:
.L_simem_size_0:
called_computation.3_lowered:
.L_overlay_start_0:
0x88: {  	s2 =	sld [smem:$0x3FD9]  }
0x89: {  	s3 =	sld [smem:$0x3FFE];
	_ =	sdelay $0x1  }
0x8a: {  	s1 =	srdreg.scid  }
0x8b: {  	s0 =	sand.u32 $0x1, s1  }
0x8c: {  	s17 =	sshll.u32 s0, $0xA;
	s2 =	sadd.s32 s3, s2  }
0x8d: {  	s2 =	sadd.s32 s2, s17  }
0x8e: {  	[smem:$0x3FBE] =	sst s2  }
0x8f: {  	_ = 	snop  }
0x90: {  	s2 =	sld [smem:$0x3FD0];
	(tm) =	ssettm $0x1  }
0x91: {  	s18 =	sld [smem:$0x3FFB];
	_ =	sdelay $0x3  }
0x92: {  	_ =	strace s18  }
0x93: {  	s3 =	sld [smem:$0x3FFC];
	_ =	sdelay $0x3  }
0x94: {  	_ =	strace s3  }
0x95: {  	s3 =	sld [smem:$0x3FFD];
	_ =	sdelay $0x3  }
0x96: {  	_ =	strace s3  }
0x97: {  	_ =	strace $0x8FFFFFFF  }
0x98: {  	s19 =	sld [smem:$0x3FDB];
	_ =	sdelay $0x1  }
0x99: {  	s4 =	simm.s32 $_scs_section_size  }
0x9a: {  	s5 =	simm.s32 $_size__tile_overlayer_lowered;
	s6 =	simm.s32 $_tile_overlayer_lowered  }
0x9b: {  	s22 =	simm.s32 $0x1BFF;
	s21 =	sshll.u32 s6, $0x1;
	s3 =	sadd.s32 s4, s19  }
0x9c: {  	s7 =	simm.s32 $0x0;
	s20 =	sshll.u32 s5, $0x1;
	s5 =	sadd.s32 s21, s3  }
0x9d: {  	[timem:s7], [sflag:s22] =	dma.local [hbm:s5], s20  }
0x9e: {  	_ =	swait.ge [sflag:s22], s20  }
0x9f: {  	s4 =	ssub.s32 $0x0, s20;
	[sflag:s22] =	ssyncset.done $0x0  }
0xa0: {  	[sflag:s22] =	ssyncadd.s32 s4;
	_ =	sdelay $0x1  }
0xa1: {  	s23 =	simm.s32 $0x1B8B  }
0xa2: {  	_ =	swait.ge [sflag:s23], $0x1  }
0xa3: {  	[sflag:s23] =	ssyncset.done $0x0  }
0xa4: {  	s25 =	simm.s32 $0x1B8E;
	s24 =	sld [smem:$0x3FFE];
	[sflag:s23] =	ssyncadd.s32 $0xFFFFFFFF  }
0xa5: {  	s26 =	simm.s32 $execute0_lowered;
	[smem:$0x3FD2] =	sst s25  }
0xa6: {  	s5 =	sshll.u32 s26, $0x1;
	_ =	strace $0x8000004F;
	[dreg:$0x1] =	wrdreg $0xFFFFFFFF  }
0xa7: {  	s28 =	simm.s32 $_size_execute0_lowered;
	s3 =	sadd.s32 s3, s5;
	[dreg:$0x0] =	wrdreg $0x0  }
0xa8: {  	s5 =	sshll.u32 s28, $0x1;
	[dreg:$0x2] =	wrdreg s3  }
0xa9: {  	[dreg:$0x3] =	wrdreg s5  }
0xaa: {  	[dreg:$0x4] =	wrdreg $0xC0  }
0xab: {  	_ =	task [dreg:s7], $0x5FFFF  }
0xac: {  	[dreg:$0x1] =	wrdreg $0xFFFFFFFF  }
0xad: {  	[dreg:$0x0] =	wrdreg $0x60  }
0xae: {  	[dreg:$0x2] =	wrdreg s24  }
0xaf: {  	[dreg:$0x3] =	wrdreg s2  }
0xb0: {  	[dreg:$0x4] =	wrdreg $0x9  }
0xb1: {  	_ =	task.clear_ibuf [dreg:s7], $0x5FFFF;
	_ =	strace $0x9000004F  }
0xb2: {  	s29 =	simm.s32 $0x9;
	_ =	strace $0x80000051  }
0xb3: {  	_ =	swait.ge [sflag:s29], $0x1  }
0xb4: {  	[sflag:s29] =	ssyncadd.s32 $0xFFFFFFFF  }
0xb5: {  	_ =	strace $0x90000051  }
0xb6: {  	_ =	sfence  }
0xb7: {  	s30 =	sld [smem:$0x0];
	_ =	sdelay $0x2  }
0xb8: {  	s31 =	sshll.u32 s1, $0xD;
	s1 =	sshrl.u32 s1, $0x2  }
0xb9: {  	s3 =	sand.u32 $0x4000, s31;
	s1 =	sadd.s32 s1, s30  }
0xba: {  	s0 =	sor.u32 s3, s0;
	s1 =	sshll.u32 s1, $0x11  }
0xbb: {  	s0 =	sor.u32 s1, s0  }
0xbc: {  	s0 =	sadd.s32 $0x8F2B, s0  }
0xbd: {  	[sflag:s0] =	ssyncadd.remote.s32 $0x1  }
0xbe: {  	_ =	sfence.sel $0xFFFF  }
0xbf: {  	[dreg:$0x0] =	wrdreg $0xFFFFFFFF;
	(pc) =	sbr.abs _section_cstart, $3  }
0xc0: {  	[dreg:$0x1] =	wrdreg $0xFFFFFFFF  }
0xc1: {  	_ =	task.clear_ibuf [dreg:s7], $0x2FFFF;
	_ =	strace $0x9FFFFFFF  }
0xc2: {  	(tm) =	ssettm $0x7FFFFFFF  }
0xc3: {  	_ =	shalt  }
tec
execute0_lowered:
.L_overlay_start_1:
0x0: {  	(tag) =	ssettag $0x1  }
0x1: {  	s6 =	rddreg [dreg:$0x0]  }
0x2: {  	s7 =	rddreg [dreg:$0x1];
	s0 =	stileid.u32  }
0x3: {  	s2 =	srdreg.scid;
	s13 =	simm.s32 $0x80;
	s14 =	simm.s32 $0x400  }
0x4: {  	s16 =	simm.s32 $0x8400;
	s20 =	simm.s32 $0x180;
	s19 =	simm.s32 $0x100  }
0x5: {  	s21 =	simm.s32 $0x6400;
	s22 =	simm.s32 $0x380;
	s23 =	simm.s32 $0xE400  }
0x6: {  	s24 =	simm.s32 $0x40;
	s25 =	simm.s32 $0x2;
	s26 =	simm.s32 $0x0  }
0x7: {  	s3 =	smul.u32 $0x28, s0;
	s5 =	sand.u32 $0x1, s2;
	s2 =	simm.s32 $0x0  }
0x8: {  	s4 =	smul.u32 $0x78, s0;
	p0 =	seq.s32 s5, $0x0;
	[smem:$0x7FF] =	sst s2  }
0x9: {  	s11 =	ssub.s32 $0x2, s5;
	s5 =	simm.s32 $0x3C;
	s8 =	sadd.s32 $0x780, s3  }
0xa: {  	_ =	strace $0x80000050;
	s3 =	sadd.s32 $0x16E00, s6;
	[dreg:$0x5] =	wrdreg s20  }
0xb: {  	s12 =	sshrl.u32 s11, $0x1;
	s5 =	simm.s32 @!p0 $0x14;
	[dreg:$0x6] =	wrdreg s21  }
0xc: {  	s20 =	simm.s32 $0x300;
	s21 =	simm.s32 $0x4400;
	[dreg:$0x7] =	wrdreg s22  }
0xd: {  	s22 =	simm.s32 $0xC400;
	[dreg:$0x8] =	wrdreg s23;
	s23 =	simm.s32 $0x1  }
0xe: {  	s8 =	smov.u32 @p0 s4;
	s4 =	sadd.s32 $0x2E00, s6;
	s11 =	ssub.s32 s11, s12  }
0xf: {  	s31 =	sshll.u32 s5, $0xC;
	s12 =	simm.s32 $0x200;
	s9 =	sshll.u32 s8, $0x4  }
0x10: {  	s8 =	sshll.u32 s8, $0xB;
	[dreg:$0x4] =	wrdreg s31;
	s10 =	sadd.s32 s9, s6  }
0x11: {  	s8 =	sadd.s32 s8, s6;
	s7 =	sadd.s32 s7, s9;
	s6 =	sadd.s32 $0x35600, s10  }
0x12: {  	s30 =	sadd.s32 $0x3F600, s8;
	s8 =	smax.u32 s11, $0x1;
	s9 =	sadd.s32 $0x20, s7  }
0x13: {  	s10 =	sadd.s32 $0x35620, s10;
	s11 =	simm.s32 $0x3;
	[dreg:$0x3] =	wrdreg s30  }
.LBB2_1:
0x14: {  	[tilespmem:s2], [sflag:$0x3] =	stream.linear.gather [hbm4b:s6+s2], $0x100, $0x38;
	[tilespmem:$0x10400] =	vst v63  }
0x15: {  	_ =	swait.ge [sflag:s11], $0x100  }
0x16: {  	[sflag:s11] =	ssyncset.done $0x0  }
0x17: {  	[sflag:s11] =	ssyncadd.s32 $0xFFFFFF00  }
0x18: {  	[tilespmem:s12], [sflag:$0x3] =	stream.linear.gather [hbm4b:s7+s2], $0x100, $0x38;
	[tilespmem:$0x10400] =	vst v63  }
0x19: {  	_ =	swait.ge [sflag:s11], $0x100  }
0x1a: {  	[sflag:s11] =	ssyncset.done $0x0  }
0x1b: {  	[sflag:s11] =	ssyncadd.s32 $0xFFFFFF00  }
0x1c: {  	[tilespmem:s14], [sflag:$0x1] =	stream.indirect.gather [hbm4b:s3+s13], $0x40, s2, s13, $0xb8;
	[tilespmem:$0x10400] =	vst v63  }
0x1d: {  	s0 =	simm.s32 $0x2400  }
0x1e: {  	[tilespmem:s0], [sflag:$0x1] =	stream.indirect.gather [hbm4b:s3+s13], $0x40, s13, s13, $0xb8;
	[tilespmem:$0x10400] =	vst v63  }
0x1f: {  	s18 =	simm.s32 $0x280;
	s1 =	simm.s32 $0xA400;
	s28 =	simm.s32 $0x2  }
0x20: {  	[tilespmem:s16], [sflag:$0x1] =	stream.indirect.gather [hbm4b:s4+s13], $0x40, s12, s13, $0xb8;
	[tilespmem:$0x10400] =	vst v63  }
0x21: {  	s29 =	smov.u32 s10;
	s30 =	smov.u32 s9;
	s31 =	simm.s32 $0x0  }
0x22: {  	[tilespmem:s1], [sflag:$0x1] =	stream.indirect.gather [hbm4b:s4+s13], $0x40, s18, s13, $0xb8;
	[tilespmem:$0x10400] =	vst v63  }
.LBB2_2:
0x23: {  	[tilespmem:s19], [sflag:$0x3] =	stream.linear.gather [hbm4b:s29+s2], $0x100, $0x38;
	[tilespmem:$0x10400] =	vst v63  }
0x24: {  	_ =	swait.ge [sflag:s11], $0x100  }
0x25: {  	[sflag:s11] =	ssyncset.done $0x0  }
0x26: {  	[sflag:s11] =	ssyncadd.s32 $0xFFFFFF00  }
0x27: {  	[tilespmem:s20], [sflag:$0x3] =	stream.linear.gather [hbm4b:s30+s2], $0x100, $0x38;
	[tilespmem:$0x10400] =	vst v63  }
0x28: {  	_ =	swait.ge [sflag:s11], $0x100  }
0x29: {  	[sflag:s11] =	ssyncset.done $0x0  }
0x2a: {  	s1 =	rddreg [dreg:$0x5];
	[sflag:s11] =	ssyncadd.s32 $0xFFFFFF00  }
0x2b: {  	[tilespmem:s21], [sflag:$0x2] =	stream.indirect.gather [hbm4b:s3+s13], $0x40, s19, s13, $0xb8;
	[tilespmem:$0x10400] =	vst v63  }
0x2c: {  	s0 =	rddreg [dreg:$0x6]  }
0x2d: {  	[tilespmem:s0], [sflag:$0x2] =	stream.indirect.gather [hbm4b:s3+s13], $0x40, s1, s13, $0xb8;
	[tilespmem:$0x10400] =	vst v63  }
0x2e: {  	s17 =	rddreg [dreg:$0x7]  }
0x2f: {  	[tilespmem:s22], [sflag:$0x2] =	stream.indirect.gather [hbm4b:s4+s13], $0x40, s20, s13, $0xb8;
	[tilespmem:$0x10400] =	vst v63  }
0x30: {  	s18 =	rddreg [dreg:$0x8]  }
0x31: {  	[tilespmem:s18], [sflag:$0x2] =	stream.indirect.gather [hbm4b:s4+s13], $0x40, s17, s13, $0xb8;
	[tilespmem:$0x10400] =	vst v63  }
0x32: {  	_ =	swait.ge [sflag:s23], $0x2000  }
0x33: {  	[sflag:s23] =	ssyncset.done $0x0  }
0x34: {  	[sflag:s23] =	ssyncadd.s32 $0xFFFFE000  }
0x35: {  	_ =	swait.ge [sflag:s23], $0x2000  }
0x36: {  	[sflag:s23] =	ssyncset.done $0x0  }
0x37: {  	[sflag:s23] =	ssyncadd.s32 $0xFFFFE000  }
0x38: {  	_ =	swait.ge [sflag:s23], $0x2000  }
0x39: {  	[sflag:s23] =	ssyncset.done $0x0  }
0x3a: {  	[sflag:s23] =	ssyncadd.s32 $0xFFFFE000  }
0x3b: {  	_ =	swait.ge [sflag:s23], $0x2000  }
0x3c: {  	s1 =	rddreg [dreg:$0x3];
	[sflag:s23] =	ssyncset.done $0x0  }
0x3d: {  	[sflag:s23] =	ssyncadd.s32 $0xFFFFE000;
	s0 =	sadd.s32 s31, s1  }
0x3e: {  	[hbm4b:s0+s24] =	stream.strided.scatter [tilespmem:s14], [sflag:$0x3], $0x4000, s13, s24, $0x38;
	[tilespmem:$0x10400] =	vst v63  }
0x3f: {  	_ =	swait.ge [sflag:s11], $0x4000  }
0x40: {  	[sflag:s11] =	ssyncset.done $0x0  }
0x41: {  	s15 =	sadd.s32 $0x8, s0;
	[sflag:s11] =	ssyncadd.s32 $0xFFFFC000  }
0x42: {  	[hbm4b:s15+s24] =	stream.strided.scatter [tilespmem:s16], [sflag:$0x3], $0x4000, s13, s24, $0x38;
	[tilespmem:$0x10400] =	vst v63  }
0x43: {  	_ =	swait.ge [sflag:s11], $0x4000  }
0x44: {  	p0 =	sge.u32 s28, s5;
	[sflag:s11] =	ssyncset.done $0x0  }
0x45: {  	s1 =	sadd.s32 @!p0 $0x20, s29;
	s15 =	simm.s32 @!p0 $0x0;
	[sflag:s11] =	ssyncadd.s32 $0xFFFFC000  }
0x46: {  	[tilespmem:s15], [sflag:$0x3] =	stream.linear.gather @!p0 [hbm4b:s1+s15], $0x100, $0x38;
	[tilespmem:$0x10400] =	vst v63  }
0x47: {  	s1 =	simm.s32 @!p0 $0x3  }
0x48: {  	_ =	swait.ge @!p0 [sflag:s1], $0x100  }
0x49: {  	[sflag:s1] =	ssyncset.done @!p0 $0x0  }
0x4a: {  	s17 =	sadd.s32 @!p0 $0x20, s30;
	s18 =	simm.s32 @!p0 $0x200;
	[sflag:s1] =	ssyncadd.s32 @!p0 $0xFFFFFF00  }
0x4b: {  	[tilespmem:s18], [sflag:$0x3] =	stream.linear.gather @!p0 [hbm4b:s17+s15], $0x100, $0x38;
	[tilespmem:$0x10400] =	vst v63  }
0x4c: {  	_ =	swait.ge @!p0 [sflag:s1], $0x100  }
0x4d: {  	[sflag:s1] =	ssyncset.done @!p0 $0x0  }
0x4e: {  	s17 =	simm.s32 @!p0 $0x400;
	[sflag:s1] =	ssyncadd.s32 @!p0 $0xFFFFFF00;
	s1 =	simm.s32 @!p0 $0x80  }
0x4f: {  	[tilespmem:s17], [sflag:$0x1] =	stream.indirect.gather @!p0 [hbm4b:s3+s1], $0x40, s15, s1, $0xb8;
	[tilespmem:$0x10400] =	vst v63  }
0x50: {  	s15 =	simm.s32 @!p0 $0x2400  }
0x51: {  	[tilespmem:s15], [sflag:$0x1] =	stream.indirect.gather @!p0 [hbm4b:s3+s1], $0x40, s1, s1, $0xb8;
	[tilespmem:$0x10400] =	vst v63  }
0x52: {  	s15 =	simm.s32 @!p0 $0x8400  }
0x53: {  	[tilespmem:s15], [sflag:$0x1] =	stream.indirect.gather @!p0 [hbm4b:s4+s1], $0x40, s18, s1, $0xb8;
	[tilespmem:$0x10400] =	vst v63  }
0x54: {  	s17 =	simm.s32 @!p0 $0xA400;
	s15 =	simm.s32 @!p0 $0x280  }
0x55: {  	[tilespmem:s17], [sflag:$0x1] =	stream.indirect.gather @!p0 [hbm4b:s4+s1], $0x40, s15, s1, $0xb8;
	[tilespmem:$0x10400] =	vst v63  }
0x56: {  	_ =	swait.ge [sflag:s25], $0x2000  }
0x57: {  	[sflag:s25] =	ssyncset.done $0x0  }
0x58: {  	[sflag:s25] =	ssyncadd.s32 $0xFFFFE000  }
0x59: {  	_ =	swait.ge [sflag:s25], $0x2000  }
0x5a: {  	[sflag:s25] =	ssyncset.done $0x0  }
0x5b: {  	[sflag:s25] =	ssyncadd.s32 $0xFFFFE000  }
0x5c: {  	_ =	swait.ge [sflag:s25], $0x2000  }
0x5d: {  	[sflag:s25] =	ssyncset.done $0x0  }
0x5e: {  	[sflag:s25] =	ssyncadd.s32 $0xFFFFE000  }
0x5f: {  	_ =	swait.ge [sflag:s25], $0x2000  }
0x60: {  	[sflag:s25] =	ssyncset.done $0x0  }
0x61: {  	s17 =	sadd.s32 $0x1000, s0;
	[sflag:s25] =	ssyncadd.s32 $0xFFFFE000  }
0x62: {  	[hbm4b:s17+s24] =	stream.strided.scatter [tilespmem:s21], [sflag:$0x3], $0x4000, s13, s24, $0x38;
	[tilespmem:$0x10400] =	vst v63  }
0x63: {  	_ =	swait.ge [sflag:s11], $0x4000  }
0x64: {  	[sflag:s11] =	ssyncset.done $0x0  }
0x65: {  	s0 =	sadd.s32 $0x1008, s0;
	[sflag:s11] =	ssyncadd.s32 $0xFFFFC000  }
0x66: {  	[hbm4b:s0+s24] =	stream.strided.scatter [tilespmem:s22], [sflag:$0x3], $0x4000, s13, s24, $0x38;
	[tilespmem:$0x10400] =	vst v63  }
0x67: {  	_ =	swait.ge [sflag:s11], $0x4000  }
0x68: {  	s31 =	sadd.s32 $0x2000, s31;
	s18 =	rddreg [dreg:$0x4]  }
0x69: {  	p0 =	sne.s32 s18, s31  }
.Ltmp0:
0x6a: {  	_ = 	snop;
	(pc) =	sbr.rel @p0 .LBB2_2-.Ltmp0, $3  }
0x6b: {  	_ =	sdelay $0x1  }
0x6c: {  	s28 =	sadd.s32 $0x2, s28;
	[sflag:s11] =	ssyncset.done $0x0  }
0x6d: {  	s30 =	sadd.s32 $0x40, s30;
	s29 =	sadd.s32 $0x40, s29;
	[sflag:s11] =	ssyncadd.s32 $0xFFFFC000  }
0x6e: {  	s26 =	sadd.s32 $0x1, s26  }
0x6f: {  	p0 =	sne.s32 s26, s8  }
.Ltmp1:
0x70: {  	_ = 	snop;
	(pc) =	sbr.rel @p0 .LBB2_1-.Ltmp1, $1  }
0x71: {  	_ =	sdelay $0x3  }
0x72: {  	_ =	sfence.sel $0x180000  }
0x73: {  	[bflag:$0x0] =	sbarrier.arrive $0xFFFF  }
0x74: {  	_ =	strace $0x90000050  }
0x75: {  	s0 =	stileid.u32;
	[bflag:$0x2] =	sbarrier.arrive $0xFFFF  }
0x76: {  	p0 =	sne.s32 s0, $0x0;
	s0 =	rddreg [dreg:$0x2]  }
0x77: {  	s0 =	sadd.s32 @!p0 $0x100000, s0  }
0x78: {  	[sflag:s0] =	ssyncadd.tile.s32 @!p0 $0x1;
	_ =	shalt  }
.Lfunc_end2:
_tile_overlayer_lowered:
.L_overlay_start_2:
0x79: {  	(tag) =	ssettag $0x2  }
0x7a: {  	s0 =	rddreg [dreg:$0x0];
	s2 =	stileid.u32  }
0x7b: {  	s1 =	rddreg [dreg:$0x1];
	p0 =	sne.s32 s2, $0x0  }
0x7c: {  	s3 =	rddreg [dreg:$0x2];
	[bflag:$0x3] =	sbarrier.arrive $0xFFFF;
	s2 =	simm.s32 @!p0 $0x1C03  }
0x7d: {  	[timem:s3], [sflag:s2] =	dma.local @!p0 [hbm:s0], s1  }
0x7e: {  	s0 =	simm.s32 @!p0 $0x3  }
0x7f: {  	_ =	swait.ge @!p0 [sflag:s0], s1  }
0x80: {  	s1 =	ssub.s32 @!p0 $0x0, s1;
	[sflag:s0] =	ssyncset.done @!p0 $0x0  }
0x81: {  	[sflag:s0] =	ssyncadd.s32 @!p0 s1  }
0x82: {  	[bflag:$0x3] =	sbarrier.arrive $0xFFFF  }
0x83: {  	_ =	shalt  }

</sc_bundles>
